<compile_context>
chip_gen: v7x
topology: tpu7x:2x2x1
jax: 0.10.2.dev20260603
libtpu: 0.0.44.dev20260713+nightly
codegen_flags: <defaults>
</compile_context>

<pallas_src>
import functools

import jax
import jax.numpy as jnp
from jax import lax
from jax.experimental import pallas as pl
from jax.experimental.pallas import tpu as pltpu
from jax.experimental.pallas import tpu_sc as plsc

N = 10000
E = 320000
F_IN = 128
H = 64
C = 10
NG = 64
CP = 16

NC = 2
NS = 16
NW = NC * NS
K = 128
G = 4
CH = 80
EPAD = NW * CH * K
R = CH // G
NP = 10240
TRASH = N
RPS = NP // NS
NZ = RPS // K



@functools.partial(
    pl.kernel,
    out_type=jax.ShapeDtypeStruct((NC * NP, 2 * H), jnp.float32),
    mesh=plsc.VectorSubcoreMesh(core_axis_name="c", subcore_axis_name="s"),
    compiler_params=pltpu.CompilerParams(use_tc_tiling_on_sc=False),
    scratch_types=[
        pltpu.VMEM((CH, K), jnp.int32),
        pltpu.VMEM((CH, K), jnp.int32),
        pltpu.VMEM((2 * G, K, H), jnp.float32),
        pltpu.VMEM_SHARED((NP, H), jnp.float32),
        pltpu.SemaphoreType.DMA,
        pltpu.SemaphoreType.DMA,
        pltpu.SemaphoreType.DMA,
        pltpu.SemaphoreType.DMA,
        pltpu.SemaphoreType.DMA,
    ],
)
def _sc_segsum(tab_hbm, src_hbm, idx_hbm, zblk_hbm, out_hbm,
               srcbuf, idxbuf, rows, acc,
               semG0, semG1, semS0, semS1, semZ):
    c = lax.axis_index("c")
    s = lax.axis_index("s")
    wid = s * NC + c
    S0, S1 = (0, 1, 2, 3), (4, 5, 6, 7)

    hs = pltpu.async_copy(src_hbm.at[pl.ds(wid * CH, CH)], srcbuf, semZ)
    hi = pltpu.async_copy(idx_hbm.at[pl.ds(wid * CH, CH)], idxbuf, semZ)
    pltpu.sync_copy(zblk_hbm, rows.at[0])

    def zbody(k, _):
        pltpu.sync_copy(rows.at[0], acc.at[pl.ds(s * RPS + k * K, K)])
        return 0
    lax.fori_loop(0, NZ, zbody, 0)
    hs.wait()
    hi.wait()
    plsc.subcore_barrier()

    def fire_g(h, slots, sem):
        for b in range(G):
            pltpu.async_copy(tab_hbm.at[srcbuf.at[h * G + b]],
                             rows.at[slots[b]], sem)

    def drain_g(h, slots, sem):
        for b in range(G):
            pltpu.make_async_copy(tab_hbm.at[srcbuf.at[h * G + b]],
                                  rows.at[slots[b]], sem).wait()

    def fire_s(h, slots, sem):
        for b in range(G):
            pltpu.async_copy(rows.at[slots[b]], acc.at[idxbuf.at[h * G + b]],
                             sem, add=True)

    def drain_s(h, slots, sem):
        for b in range(G):
            pltpu.make_async_copy(rows.at[slots[b]],
                                  acc.at[idxbuf.at[h * G + b]], sem).wait()

    NHB = CH // (2 * G)
    fire_g(0, S0, semG0)
    fire_g(1, S1, semG1)

    def body(u, fire_next):
        drain_g(2 * u, S0, semG0)
        fire_s(2 * u, S0, semS0)
        drain_g(2 * u + 1, S1, semG1)
        fire_s(2 * u + 1, S1, semS1)
        drain_s(2 * u, S0, semS0)
        if fire_next:
            fire_g(2 * u + 2, S0, semG0)
        drain_s(2 * u + 1, S1, semS1)
        if fire_next:
            fire_g(2 * u + 3, S1, semG1)
        return 0

    lax.fori_loop(0, NHB - 1, lambda u, _: body(u, True), 0)
    body(NHB - 1, False)
    plsc.subcore_barrier()

    for k in range(NZ):
        pltpu.async_copy(acc.at[pl.ds(s * RPS + k * K, K)], rows.at[k], semG0)
    for k in range(NZ):
        pltpu.make_async_copy(acc.at[pl.ds(s * RPS + k * K, K)], rows.at[k],
                              semG0).wait()
        pltpu.async_copy(rows.at[k],
                         out_hbm.at[pl.ds(c * NP + s * RPS + k * K, K),
                                    pl.ds(0, H)], semS0)
    for k in range(NZ):
        pltpu.make_async_copy(rows.at[k],
                              out_hbm.at[pl.ds(c * NP + s * RPS + k * K, K),
                                         pl.ds(0, H)], semS0).wait()



def _bn_relu(z, g, be):
    m = jnp.mean(z, axis=0, keepdims=True)
    v = jnp.mean((z - m) ** 2, axis=0, keepdims=True)
    return jnp.maximum(g * (z - m) * lax.rsqrt(v + 1e-5) + be, 0.0)


NB = N // 8


NS2 = 10
NB2 = NB // NS2


def _segmax(p, bat, bat_ref, pscr_ref, bm_ref, pool_ref):
    pscr_ref[...] = p
    bm = jnp.max(p.reshape(NB, 8, CP), axis=1)
    bm_ref[...] = bm
    bm2 = jnp.max(bm.reshape(NB2, NS2, CP), axis=1)
    lane = lax.broadcasted_iota(jnp.int32, (1, 2 * NG), 1)
    starts = jnp.sum((bat < lane).astype(jnp.float32), axis=0,
                     keepdims=True).astype(jnp.int32)
    biota2 = lax.broadcasted_iota(jnp.int32, (NB2, 1), 0) * NS2
    iota10 = lax.broadcasted_iota(jnp.int32, (NS2, 1), 0)

    def gbody(g, _):
        s_g = jnp.sum(jnp.where(lane == g, starts, 0))
        e_g = jnp.sum(jnp.where(lane == g + 1, starts, 0))
        b0 = jnp.clip(s_g // 8, 0, NB - 1)
        b1 = jnp.clip((e_g - 1) // 8, 0, NB - 1)
        inner = jnp.max(
            jnp.where((biota2 > b0) & (biota2 + (NS2 - 1) < b1), bm2, -jnp.inf),
            axis=0, keepdims=True)
        out = inner
        for sb in (jnp.clip((b0 + 1) // NS2, 0, NB2 - 1),
                   jnp.clip((b1 - 1) // NS2, 0, NB2 - 1)):
            rb = bm_ref[pl.ds(sb * NS2, NS2), :]
            bi = sb * NS2 + iota10
            vb = jnp.max(jnp.where((bi > b0) & (bi < b1), rb, -jnp.inf),
                         axis=0, keepdims=True)
            out = jnp.maximum(out, vb)
        for b in (b0, b1):
            r0 = pscr_ref[pl.ds(b * 8, 8), :]
            m0 = bat_ref[pl.ds(b * 8, 8), :] == g
            v0 = jnp.max(jnp.where(m0, r0, -jnp.inf), axis=0, keepdims=True)
            out = jnp.maximum(out, v0)
        pool_ref[pl.ds(g, 1), :] = out
        return 0
    lax.fori_loop(0, NG, gbody, 0)


def _stage0_body(x_ref, w_ref, b_ref, g_ref, be_ref, wl_ref, bl_ref, bat_ref,
                 th_ref, h_ref, tab_ref, pool_ref, pscr_ref, bm_ref):
    z = jnp.dot(x_ref[...], w_ref[...], preferred_element_type=jnp.float32)
    h = _bn_relu(z + b_ref[...], g_ref[...], be_ref[...])
    h_ref[...] = h
    tab_ref[...] = th_ref[0] * h
    p = jnp.dot(h, wl_ref[...], preferred_element_type=jnp.float32) + bl_ref[...]
    _segmax(p, bat_ref[...], bat_ref, pscr_ref, bm_ref, pool_ref)


def _stage1_body(h_ref, acc_ref, w_ref, b_ref, g_ref, be_ref, wl_ref, bl_ref,
                 bat_ref, pin_ref, th_ref, h1_ref, tab_ref, pool_ref, pscr_ref, bm_ref):
    agg = (acc_ref[pl.ds(0, N), pl.ds(0, H)] +
           acc_ref[pl.ds(NP, N), pl.ds(0, H)])
    z = jnp.dot(h_ref[...] + agg, w_ref[...], preferred_element_type=jnp.float32)
    h = _bn_relu(z + b_ref[...], g_ref[...], be_ref[...])
    h1_ref[...] = h
    tab_ref[pl.ds(0, N), :] = th_ref[0] * h
    tab_ref[pl.ds(N, N), :] = th_ref[1] * h
    p = jnp.dot(h, wl_ref[...], preferred_element_type=jnp.float32) + bl_ref[...]
    _segmax(p, bat_ref[...], bat_ref, pscr_ref, bm_ref, pool_ref)
    pool_ref[...] = pool_ref[...] + pin_ref[...]


def _stage2_body(h_ref, acc_ref, w_ref, b_ref, g_ref, be_ref, wl_ref, bl_ref,
                 bat_ref, pin_ref, pool_ref, pscr_ref, bm_ref):
    agg = (acc_ref[pl.ds(0, N), pl.ds(0, H)] +
           acc_ref[pl.ds(NP, N), pl.ds(0, H)])
    z = jnp.dot(h_ref[...] + agg, w_ref[...], preferred_element_type=jnp.float32)
    h = _bn_relu(z + b_ref[...], g_ref[...], be_ref[...])
    p = jnp.dot(h, wl_ref[...], preferred_element_type=jnp.float32) + bl_ref[...]
    _segmax(p, bat_ref[...], bat_ref, pscr_ref, bm_ref, pool_ref)
    pool_ref[...] = pool_ref[...] + pin_ref[...]


def _vspec(n):
    return [pl.BlockSpec(memory_space=pltpu.VMEM) for _ in range(n)]


_SMEM = pl.BlockSpec(memory_space=pltpu.SMEM)



def kernel(x, edge_index, edge_weights, batch,
           W0, b0, g0, be0, Wl0, bl0,
           theta1, W1, b1, g1, be1, Wl1, bl1,
           theta2, W2, b2, g2, be2, Wl2, bl2):
    src = edge_index[0]
    dst = edge_index[1]
    ew = edge_weights

    spread = (jnp.arange(EPAD - E, dtype=jnp.int32) * 37) % N
    trash = TRASH + (jnp.arange(E, dtype=jnp.int32) % (NP - N))
    tpad = TRASH + ((jnp.arange(EPAD - E, dtype=jnp.int32) * 7) % (NP - N))
    gsrc1 = jnp.concatenate([src, spread]).reshape(NW * CH, K)
    sidx1 = jnp.concatenate([jnp.where(ew <= 0, dst, trash), tpad]).reshape(NW * CH, K)
    gsrc2 = jnp.concatenate([jnp.where(ew <= 1, ew * N + src, src), spread]).reshape(NW * CH, K)
    sidx2 = jnp.concatenate([jnp.where(ew <= 1, dst, trash), tpad]).reshape(NW * CH, K)
    zblk = jnp.zeros((K, H), jnp.float32)

    def row(v):
        return v.reshape(1, -1)
    def padwl(wl):
        return jnp.pad(wl, ((0, 0), (0, CP - C)))
    def padbl(bl):
        return jnp.pad(bl, (0, CP - C)).reshape(1, CP)
    bat = batch.reshape(N, 1)

    h0, tab0, p0 = pl.pallas_call(
        _stage0_body,
        in_specs=_vspec(8) + [_SMEM],
        out_shape=(jax.ShapeDtypeStruct((N, H), jnp.float32),
                   jax.ShapeDtypeStruct((N, H), jnp.float32),
                   jax.ShapeDtypeStruct((NG, CP), jnp.float32)),
        scratch_shapes=[pltpu.VMEM((N, CP), jnp.float32),
                        pltpu.VMEM((NB, CP), jnp.float32)],
    )(x, W0, row(b0), row(g0), row(be0), padwl(Wl0), padbl(bl0), bat, theta1)

    acc1 = _sc_segsum(tab0, gsrc1, sidx1, zblk)

    h1, tab1, p1 = pl.pallas_call(
        _stage1_body,
        in_specs=_vspec(10) + [_SMEM],
        out_shape=(jax.ShapeDtypeStruct((N, H), jnp.float32),
                   jax.ShapeDtypeStruct((2 * N, H), jnp.float32),
                   jax.ShapeDtypeStruct((NG, CP), jnp.float32)),
        scratch_shapes=[pltpu.VMEM((N, CP), jnp.float32),
                        pltpu.VMEM((NB, CP), jnp.float32)],
    )(h0, acc1, W1, row(b1), row(g1), row(be1), padwl(Wl1), padbl(bl1),
      bat, p0, theta2)

    acc2 = _sc_segsum(tab1, gsrc2, sidx2, zblk)

    p2, = pl.pallas_call(
        _stage2_body,
        in_specs=_vspec(10),
        out_shape=(jax.ShapeDtypeStruct((NG, CP), jnp.float32),),
        scratch_shapes=[pltpu.VMEM((N, CP), jnp.float32),
                        pltpu.VMEM((NB, CP), jnp.float32)],
    )(h1, acc2, W2, row(b2), row(g2), row(be2), padwl(Wl2), padbl(bl2),
      bat, p1)

    return p2[:, :C]

# --- scband reference (transcript-rebuilt; emitter-appended) ---
"""Pipeline reference for scband-net-drew-gin-53609781789205 (READ-ONLY COPY).

The authoritative reference and input builder live on the scoring server;
editing this copy changes nothing except your own understanding.
"""

import jax, jax.numpy as jnp
import numpy as np

N = 10000
E = 320000
F_IN = 128
H = 64
C = 10
MAXD = 5
NG = 64
EPS = 0.0

def _bn(x, g, b):
    m = jnp.mean(x, axis=0, keepdims=True)
    v = jnp.var(x, axis=0, keepdims=True)
    return g * (x - m) * jax.lax.rsqrt(v + 1e-5) + b

def setup_inputs(seed: int = 0):
    key = jax.random.key(seed)
    ks = jax.random.split(key, 24)
    inp = {}
    inp["x"] = jax.random.normal(ks[0], (N, F_IN), dtype=jnp.float32)
    inp["edge_index"] = jax.random.randint(ks[1], (2, E), 0, N, dtype=jnp.int32)
    inp["edge_weights"] = jax.random.randint(ks[2], (E,), 0, MAXD, dtype=jnp.int32)
    inp["batch"] = jnp.sort(jax.random.randint(ks[3], (N,), 0, NG, dtype=jnp.int32))
    s0 = 1.0 / np.sqrt(F_IN)
    sh = 1.0 / np.sqrt(H)
    inp["W0"] = jax.random.uniform(ks[4], (F_IN, H), jnp.float32, -s0, s0)
    inp["b0"] = jnp.zeros((H,), jnp.float32)
    inp["g0"] = jnp.ones((H,), jnp.float32)
    inp["be0"] = jnp.zeros((H,), jnp.float32)
    inp["Wl0"] = jax.random.uniform(ks[5], (H, C), jnp.float32, -sh, sh)
    inp["bl0"] = jnp.zeros((C,), jnp.float32)
    for t in range(2):
        inp["theta%d" % (t + 1)] = jnp.ones((MAXD,), jnp.float32)
        inp["W%d" % (t + 1)] = jax.random.uniform(ks[6 + 2 * t], (H, H), jnp.float32, -sh, sh)
        inp["b%d" % (t + 1)] = jnp.zeros((H,), jnp.float32)
        inp["g%d" % (t + 1)] = jnp.ones((H,), jnp.float32)
        inp["be%d" % (t + 1)] = jnp.zeros((H,), jnp.float32)
        inp["Wl%d" % (t + 1)] = jax.random.uniform(ks[7 + 2 * t], (H, C), jnp.float32, -sh, sh)
        inp["bl%d" % (t + 1)] = jnp.zeros((C,), jnp.float32)
    return inp

def reference(x, edge_index, edge_weights, batch, W0, b0, g0, be0, Wl0, bl0, theta1, W1, b1, g1, be1, Wl1, bl1, theta2, W2, b2, g2, be2, Wl2, bl2):
    src = edge_index[0]
    dst = edge_index[1]
    # initial MLP encoder: Linear -> BN -> ReLU
    h = jax.nn.relu(_bn(x @ W0 + b0, g0, be0))
    # initial readout head (dropout omitted: eval mode)
    out = jax.ops.segment_max(h @ Wl0 + bl0, batch, num_segments=NG)
    layer_params = [(theta1, W1, b1, g1, be1, Wl1, bl1), (theta2, W2, b2, g2, be2, Wl2, bl2)]
    for t, (theta, W, b, g, be, Wl, bl) in enumerate(layer_params):
        # DRew: layer t may use hop distances d <= t (nu=1); outside_aggr='weight' -> learnable per-distance scalar
        valid = (edge_weights <= t).astype(jnp.float32)
        w = theta[edge_weights] * valid
        msg = h[src] * w[:, None]
        agg = jax.ops.segment_sum(msg, dst, num_segments=N)
        h = jax.nn.relu(_bn(((1.0 + EPS) * h + agg) @ W + b, g, be))
        out = out + jax.ops.segment_max(h @ Wl + bl, batch, num_segments=NG)
    return out

if __name__ == "__main__":
    import jax
    _d = setup_inputs()
    print(jax.jit(kernel)(*tuple(_d.values())))

</pallas_src>

<mosaic_0001>
#map = affine_map<(d0, d1) -> (0, 0)>
module attributes {stable_mosaic.version = 14 : i64} {
  func.func @_sc_segsum(%arg0: i32, %arg1: i32, %arg2: memref<20000x64xf32, #tpu.memory_space<hbm>>, %arg3: memref<2560x128xi32, #tpu.memory_space<hbm>>, %arg4: memref<2560x128xi32, #tpu.memory_space<hbm>>, %arg5: memref<128x64xf32, #tpu.memory_space<hbm>>, %arg6: memref<20480x128xf32, #tpu.memory_space<hbm>>, %arg7: memref<80x128xi32, #tpu.memory_space<vmem>>, %arg8: memref<80x128xi32, #tpu.memory_space<vmem>>, %arg9: memref<8x128x64xf32, #tpu.memory_space<vmem>>, %arg10: memref<10240x64xf32, #tpu.memory_space<vmem_shared>>, %arg11: memref<!tpu.dma_semaphore, #tpu.memory_space<semaphore_mem>>, %arg12: memref<!tpu.dma_semaphore, #tpu.memory_space<semaphore_mem>>, %arg13: memref<!tpu.dma_semaphore, #tpu.memory_space<semaphore_mem>>, %arg14: memref<!tpu.dma_semaphore, #tpu.memory_space<semaphore_mem>>, %arg15: memref<!tpu.dma_semaphore, #tpu.memory_space<semaphore_mem>>) attributes {dimension_semantics = [#tpu.dimension_semantics<core_parallel>, #tpu.dimension_semantics<subcore_parallel>], iteration_bounds = array<i64: 2, 16>, scalar_prefetch = 0 : i64, scratch_operands = 9 : i64, tpu.core_type = #tpu.core_type<sc_vector_subcore>, window_params = [{transform_indices = #map}, {transform_indices = #map}, {transform_indices = #map}, {transform_indices = #map}, {transform_indices = #map}]} {
    %mul3A = arith.constant 2 : i32
    %mul3A_0 = arith.muli %arg1, %mul3A : i32
    %add3A = arith.addi %mul3A_0, %arg0 : i32
    %mul3A_1 = arith.constant 80 : i32
    %mul3A_2 = arith.muli %add3A, %mul3A_1 : i32
    %dma_start3A = arith.constant 0 : i32
    %dma_start3A_3 = tpu.memref_slice %arg3[%mul3A_2, %dma_start3A] : memref<2560x128xi32, #tpu.memory_space<hbm>> -> memref<80x128xi32, #tpu.memory_space<hbm>>
    %dma_start3A_4 = arith.constant 0 : i32
    %dma_start3A_5 = tpu.memref_slice %arg3[%mul3A_2, %dma_start3A_4] : memref<2560x128xi32, #tpu.memory_space<hbm>> -> memref<80x128xi32, #tpu.memory_space<hbm>>
    tpu.enqueue_dma source(%dma_start3A_5 : memref<80x128xi32, #tpu.memory_space<hbm>>) target(%arg7 : memref<80x128xi32, #tpu.memory_space<vmem>>) target_semaphore(%arg15 : memref<!tpu.dma_semaphore, #tpu.memory_space<semaphore_mem>>)
    %mul3A_6 = arith.constant 80 : i32
    %mul3A_7 = arith.muli %add3A, %mul3A_6 : i32
    %dma_start3A_8 = arith.constant 0 : i32
    %dma_start3A_9 = tpu.memref_slice %arg4[%mul3A_7, %dma_start3A_8] : memref<2560x128xi32, #tpu.memory_space<hbm>> -> memref<80x128xi32, #tpu.memory_space<hbm>>
    %dma_start3A_10 = arith.constant 0 : i32
    %dma_start3A_11 = tpu.memref_slice %arg4[%mul3A_7, %dma_start3A_10] : memref<2560x128xi32, #tpu.memory_space<hbm>> -> memref<80x128xi32, #tpu.memory_space<hbm>>
    tpu.enqueue_dma source(%dma_start3A_11 : memref<80x128xi32, #tpu.memory_space<hbm>>) target(%arg8 : memref<80x128xi32, #tpu.memory_space<vmem>>) target_semaphore(%arg15 : memref<!tpu.dma_semaphore, #tpu.memory_space<semaphore_mem>>)
    %run_scoped3A = arith.constant 0 : i32
    "tpu.region"() ({
      %run_scoped3A_787 = tpu.sem_alloc : memref<!tpu.dma_semaphore, #tpu.memory_space<semaphore_mem>>
      %dma_start3A_788 = arith.constant 0 : i32
      %dma_start3A_789 = arith.constant 0 : i32
      %dma_start3A_790 = tpu.memref_slice %arg9[%run_scoped3A, %dma_start3A_788, %dma_start3A_789] : memref<8x128x64xf32, #tpu.memory_space<vmem>> -> memref<1x128x64xf32, #tpu.memory_space<vmem>>
      %dma_start3A_791 = tpu.memref_squeeze %dma_start3A_790 : memref<1x128x64xf32, #tpu.memory_space<vmem>> -> memref<128x64xf32, #tpu.memory_space<vmem>>
      %dma_start3A_792 = arith.constant 0 : i32
      %dma_start3A_793 = arith.constant 0 : i32
      %dma_start3A_794 = tpu.memref_slice %arg9[%run_scoped3A, %dma_start3A_792, %dma_start3A_793] : memref<8x128x64xf32, #tpu.memory_space<vmem>> -> memref<1x128x64xf32, #tpu.memory_space<vmem>>
      %dma_start3A_795 = tpu.memref_squeeze %dma_start3A_794 : memref<1x128x64xf32, #tpu.memory_space<vmem>> -> memref<128x64xf32, #tpu.memory_space<vmem>>
      tpu.enqueue_dma source(%arg5 : memref<128x64xf32, #tpu.memory_space<hbm>>) target(%dma_start3A_795 : memref<128x64xf32, #tpu.memory_space<vmem>>) target_semaphore(%run_scoped3A_787 : memref<!tpu.dma_semaphore, #tpu.memory_space<semaphore_mem>>)
      %dma_wait3A_796 = arith.constant 0 : i32
      %dma_wait3A_797 = arith.constant 0 : i32
      %dma_wait3A_798 = tpu.memref_slice %arg9[%run_scoped3A, %dma_wait3A_796, %dma_wait3A_797] : memref<8x128x64xf32, #tpu.memory_space<vmem>> -> memref<1x128x64xf32, #tpu.memory_space<vmem>>
      %dma_wait3A_799 = tpu.memref_squeeze %dma_wait3A_798 : memref<1x128x64xf32, #tpu.memory_space<vmem>> -> memref<128x64xf32, #tpu.memory_space<vmem>>
      %dma_wait3A_800 = arith.constant 0 : i32
      %dma_wait3A_801 = arith.constant 0 : i32
      %dma_wait3A_802 = tpu.memref_slice %arg9[%run_scoped3A, %dma_wait3A_800, %dma_wait3A_801] : memref<8x128x64xf32, #tpu.memory_space<vmem>> -> memref<1x128x64xf32, #tpu.memory_space<vmem>>
      %dma_wait3A_803 = tpu.memref_squeeze %dma_wait3A_802 : memref<1x128x64xf32, #tpu.memory_space<vmem>> -> memref<128x64xf32, #tpu.memory_space<vmem>>
      tpu.wait_dma2 semaphore(%run_scoped3A_787 : memref<!tpu.dma_semaphore, #tpu.memory_space<semaphore_mem>>) src(%arg5 : memref<128x64xf32, #tpu.memory_space<hbm>>) dst(%dma_wait3A_803 : memref<128x64xf32, #tpu.memory_space<vmem>>)
      tpu.yield
    }) : () -> ()
    %scan3A = arith.constant 0 : i32
    %scan3A_12 = arith.constant 0 : i32
    %scan3A_13 = arith.constant 5 : i32
    %scan3A_14 = arith.addi %scan3A_12, %scan3A_13 : i32
    %scan3A_15 = arith.constant 1 : i32
    %scan3A_16 = scf.for %scan3A_787 = %scan3A_12 to %scan3A_14 step %scan3A_15 iter_args(%scan3A_788 = %scan3A) -> (i32)  : i32 {
      %mul3A_789 = arith.constant 640 : i32
      %mul3A_790 = arith.muli %arg1, %mul3A_789 : i32
      %mul3A_791 = arith.constant 128 : i32
      %mul3A_792 = arith.muli %scan3A_787, %mul3A_791 : i32
      %add3A_793 = arith.addi %mul3A_790, %mul3A_792 : i32
      %run_scoped3A_794 = arith.constant 0 : i32
      "tpu.region"() ({
        %run_scoped3A_796 = tpu.sem_alloc : memref<!tpu.dma_semaphore, #tpu.memory_space<semaphore_mem>>
        %dma_start3A_797 = arith.constant 0 : i32
        %dma_start3A_798 = arith.constant 0 : i32
        %dma_start3A_799 = tpu.memref_slice %arg9[%run_scoped3A_794, %dma_start3A_797, %dma_start3A_798] : memref<8x128x64xf32, #tpu.memory_space<vmem>> -> memref<1x128x64xf32, #tpu.memory_space<vmem>>
        %dma_start3A_800 = tpu.memref_squeeze %dma_start3A_799 : memref<1x128x64xf32, #tpu.memory_space<vmem>> -> memref<128x64xf32, #tpu.memory_space<vmem>>
        %dma_start3A_801 = arith.constant 0 : i32
        %dma_start3A_802 = tpu.memref_slice %arg10[%add3A_793, %dma_start3A_801] : memref<10240x64xf32, #tpu.memory_space<vmem_shared>> -> memref<128x64xf32, #tpu.memory_space<vmem_shared>>
        %dma_start3A_803 = arith.constant 0 : i32
        %dma_start3A_804 = tpu.memref_slice %arg10[%add3A_793, %dma_start3A_803] : memref<10240x64xf32, #tpu.memory_space<vmem_shared>> -> memref<128x64xf32, #tpu.memory_space<vmem_shared>>
        %dma_start3A_805 = arith.constant 0 : i32
        %dma_start3A_806 = arith.constant 0 : i32
        %dma_start3A_807 = tpu.memref_slice %arg9[%run_scoped3A_794, %dma_start3A_805, %dma_start3A_806] : memref<8x128x64xf32, #tpu.memory_space<vmem>> -> memref<1x128x64xf32, #tpu.memory_space<vmem>>
        %dma_start3A_808 = tpu.memref_squeeze %dma_start3A_807 : memref<1x128x64xf32, #tpu.memory_space<vmem>> -> memref<128x64xf32, #tpu.memory_space<vmem>>
        tpu.enqueue_dma source(%dma_start3A_808 : memref<128x64xf32, #tpu.memory_space<vmem>>) target(%dma_start3A_804 : memref<128x64xf32, #tpu.memory_space<vmem_shared>>) target_semaphore(%run_scoped3A_796 : memref<!tpu.dma_semaphore, #tpu.memory_space<semaphore_mem>>)
        %dma_wait3A_809 = arith.constant 0 : i32
        %dma_wait3A_810 = arith.constant 0 : i32
        %dma_wait3A_811 = tpu.memref_slice %arg9[%run_scoped3A_794, %dma_wait3A_809, %dma_wait3A_810] : memref<8x128x64xf32, #tpu.memory_space<vmem>> -> memref<1x128x64xf32, #tpu.memory_space<vmem>>
        %dma_wait3A_812 = tpu.memref_squeeze %dma_wait3A_811 : memref<1x128x64xf32, #tpu.memory_space<vmem>> -> memref<128x64xf32, #tpu.memory_space<vmem>>
        %dma_wait3A_813 = arith.constant 0 : i32
        %dma_wait3A_814 = tpu.memref_slice %arg10[%add3A_793, %dma_wait3A_813] : memref<10240x64xf32, #tpu.memory_space<vmem_shared>> -> memref<128x64xf32, #tpu.memory_space<vmem_shared>>
        %dma_wait3A_815 = arith.constant 0 : i32
        %dma_wait3A_816 = tpu.memref_slice %arg10[%add3A_793, %dma_wait3A_815] : memref<10240x64xf32, #tpu.memory_space<vmem_shared>> -> memref<128x64xf32, #tpu.memory_space<vmem_shared>>
        %dma_wait3A_817 = arith.constant 0 : i32
        %dma_wait3A_818 = arith.constant 0 : i32
        %dma_wait3A_819 = tpu.memref_slice %arg9[%run_scoped3A_794, %dma_wait3A_817, %dma_wait3A_818] : memref<8x128x64xf32, #tpu.memory_space<vmem>> -> memref<1x128x64xf32, #tpu.memory_space<vmem>>
        %dma_wait3A_820 = tpu.memref_squeeze %dma_wait3A_819 : memref<1x128x64xf32, #tpu.memory_space<vmem>> -> memref<128x64xf32, #tpu.memory_space<vmem>>
        tpu.wait_dma2 semaphore(%run_scoped3A_796 : memref<!tpu.dma_semaphore, #tpu.memory_space<semaphore_mem>>) src(%dma_wait3A_820 : memref<128x64xf32, #tpu.memory_space<vmem>>) dst(%dma_wait3A_816 : memref<128x64xf32, #tpu.memory_space<vmem_shared>>)
        tpu.yield
      }) : () -> ()
      %scan3A_795 = arith.constant 0 : i32
      scf.yield %scan3A_795 : i32
    }
    %scan3A_17 = arith.constant 5 : i32
    %dma_wait3A = arith.constant 0 : i32
    %dma_wait3A_18 = tpu.memref_slice %arg3[%mul3A_2, %dma_wait3A] : memref<2560x128xi32, #tpu.memory_space<hbm>> -> memref<80x128xi32, #tpu.memory_space<hbm>>
    %dma_wait3A_19 = arith.constant 0 : i32
    %dma_wait3A_20 = tpu.memref_slice %arg3[%mul3A_2, %dma_wait3A_19] : memref<2560x128xi32, #tpu.memory_space<hbm>> -> memref<80x128xi32, #tpu.memory_space<hbm>>
    tpu.wait_dma2 semaphore(%arg15 : memref<!tpu.dma_semaphore, #tpu.memory_space<semaphore_mem>>) src(%dma_wait3A_20 : memref<80x128xi32, #tpu.memory_space<hbm>>) dst(%arg7 : memref<80x128xi32, #tpu.memory_space<vmem>>)
    %dma_wait3A_21 = arith.constant 0 : i32
    %dma_wait3A_22 = tpu.memref_slice %arg4[%mul3A_7, %dma_wait3A_21] : memref<2560x128xi32, #tpu.memory_space<hbm>> -> memref<80x128xi32, #tpu.memory_space<hbm>>
    %dma_wait3A_23 = arith.constant 0 : i32
    %dma_wait3A_24 = tpu.memref_slice %arg4[%mul3A_7, %dma_wait3A_23] : memref<2560x128xi32, #tpu.memory_space<hbm>> -> memref<80x128xi32, #tpu.memory_space<hbm>>
    tpu.wait_dma2 semaphore(%arg15 : memref<!tpu.dma_semaphore, #tpu.memory_space<semaphore_mem>>) src(%dma_wait3A_24 : memref<80x128xi32, #tpu.memory_space<hbm>>) dst(%arg8 : memref<80x128xi32, #tpu.memory_space<vmem>>)
    %barrier3A = arith.constant 0 : index
    tpu.barrier barrier_id(%barrier3A)
    %dma_start3A_25 = arith.constant 0 : i32
    %dma_start3A_26 = arith.constant 0 : i32
    %dma_start3A_27 = arith.constant 0 : i32
    %dma_start3A_28 = arith.constant 0 : i32
    %dma_start3A_29 = tpu.memref_slice %arg9[%dma_start3A_26, %dma_start3A_27, %dma_start3A_28] : memref<8x128x64xf32, #tpu.memory_space<vmem>> -> memref<1x128x64xf32, #tpu.memory_space<vmem>>
    %dma_start3A_30 = tpu.memref_squeeze %dma_start3A_29 : memref<1x128x64xf32, #tpu.memory_space<vmem>> -> memref<128x64xf32, #tpu.memory_space<vmem>>
    %dma_start3A_31 = arith.constant 0 : i32
    %dma_start3A_32 = tpu.memref_slice %arg7[%dma_start3A_25, %dma_start3A_31] : memref<80x128xi32, #tpu.memory_space<vmem>> -> memref<1x128xi32, #tpu.memory_space<vmem>>
    %dma_start3A_33 = tpu.memref_squeeze %dma_start3A_32 : memref<1x128xi32, #tpu.memory_space<vmem>> -> memref<128xi32, #tpu.memory_space<vmem>>
    %dma_start3A_34 = arith.constant 0 : i32
    %dma_start3A_35 = arith.constant 0 : i32
    %dma_start3A_36 = tpu.memref_slice %arg2[%dma_start3A_34, %dma_start3A_35] : memref<20000x64xf32, #tpu.memory_space<hbm>> -> memref<20000x64xf32, #tpu.memory_space<hbm>>
    tpu.enqueue_indirect_dma source(%dma_start3A_36 : memref<20000x64xf32, #tpu.memory_space<hbm>>) target(%dma_start3A_30 : memref<128x64xf32, #tpu.memory_space<vmem>>) offsets(%dma_start3A_33 : memref<128xi32, #tpu.memory_space<vmem>>) semaphore(%arg11 : memref<!tpu.dma_semaphore, #tpu.memory_space<semaphore_mem>>)
    %dma_start3A_37 = arith.constant 1 : i32
    %dma_start3A_38 = arith.constant 1 : i32
    %dma_start3A_39 = arith.constant 0 : i32
    %dma_start3A_40 = arith.constant 0 : i32
    %dma_start3A_41 = tpu.memref_slice %arg9[%dma_start3A_38, %dma_start3A_39, %dma_start3A_40] : memref<8x128x64xf32, #tpu.memory_space<vmem>> -> memref<1x128x64xf32, #tpu.memory_space<vmem>>
    %dma_start3A_42 = tpu.memref_squeeze %dma_start3A_41 : memref<1x128x64xf32, #tpu.memory_space<vmem>> -> memref<128x64xf32, #tpu.memory_space<vmem>>
    %dma_start3A_43 = arith.constant 0 : i32
    %dma_start3A_44 = tpu.memref_slice %arg7[%dma_start3A_37, %dma_start3A_43] : memref<80x128xi32, #tpu.memory_space<vmem>> -> memref<1x128xi32, #tpu.memory_space<vmem>>
    %dma_start3A_45 = tpu.memref_squeeze %dma_start3A_44 : memref<1x128xi32, #tpu.memory_space<vmem>> -> memref<128xi32, #tpu.memory_space<vmem>>
    %dma_start3A_46 = arith.constant 0 : i32
    %dma_start3A_47 = arith.constant 0 : i32
    %dma_start3A_48 = tpu.memref_slice %arg2[%dma_start3A_46, %dma_start3A_47] : memref<20000x64xf32, #tpu.memory_space<hbm>> -> memref<20000x64xf32, #tpu.memory_space<hbm>>
    tpu.enqueue_indirect_dma source(%dma_start3A_48 : memref<20000x64xf32, #tpu.memory_space<hbm>>) target(%dma_start3A_42 : memref<128x64xf32, #tpu.memory_space<vmem>>) offsets(%dma_start3A_45 : memref<128xi32, #tpu.memory_space<vmem>>) semaphore(%arg11 : memref<!tpu.dma_semaphore, #tpu.memory_space<semaphore_mem>>)
    %dma_start3A_49 = arith.constant 2 : i32
    %dma_start3A_50 = arith.constant 2 : i32
    %dma_start3A_51 = arith.constant 0 : i32
    %dma_start3A_52 = arith.constant 0 : i32
    %dma_start3A_53 = tpu.memref_slice %arg9[%dma_start3A_50, %dma_start3A_51, %dma_start3A_52] : memref<8x128x64xf32, #tpu.memory_space<vmem>> -> memref<1x128x64xf32, #tpu.memory_space<vmem>>
    %dma_start3A_54 = tpu.memref_squeeze %dma_start3A_53 : memref<1x128x64xf32, #tpu.memory_space<vmem>> -> memref<128x64xf32, #tpu.memory_space<vmem>>
    %dma_start3A_55 = arith.constant 0 : i32
    %dma_start3A_56 = tpu.memref_slice %arg7[%dma_start3A_49, %dma_start3A_55] : memref<80x128xi32, #tpu.memory_space<vmem>> -> memref<1x128xi32, #tpu.memory_space<vmem>>
    %dma_start3A_57 = tpu.memref_squeeze %dma_start3A_56 : memref<1x128xi32, #tpu.memory_space<vmem>> -> memref<128xi32, #tpu.memory_space<vmem>>
    %dma_start3A_58 = arith.constant 0 : i32
    %dma_start3A_59 = arith.constant 0 : i32
    %dma_start3A_60 = tpu.memref_slice %arg2[%dma_start3A_58, %dma_start3A_59] : memref<20000x64xf32, #tpu.memory_space<hbm>> -> memref<20000x64xf32, #tpu.memory_space<hbm>>
    tpu.enqueue_indirect_dma source(%dma_start3A_60 : memref<20000x64xf32, #tpu.memory_space<hbm>>) target(%dma_start3A_54 : memref<128x64xf32, #tpu.memory_space<vmem>>) offsets(%dma_start3A_57 : memref<128xi32, #tpu.memory_space<vmem>>) semaphore(%arg11 : memref<!tpu.dma_semaphore, #tpu.memory_space<semaphore_mem>>)
    %dma_start3A_61 = arith.constant 3 : i32
    %dma_start3A_62 = arith.constant 3 : i32
    %dma_start3A_63 = arith.constant 0 : i32
    %dma_start3A_64 = arith.constant 0 : i32
    %dma_start3A_65 = tpu.memref_slice %arg9[%dma_start3A_62, %dma_start3A_63, %dma_start3A_64] : memref<8x128x64xf32, #tpu.memory_space<vmem>> -> memref<1x128x64xf32, #tpu.memory_space<vmem>>
    %dma_start3A_66 = tpu.memref_squeeze %dma_start3A_65 : memref<1x128x64xf32, #tpu.memory_space<vmem>> -> memref<128x64xf32, #tpu.memory_space<vmem>>
    %dma_start3A_67 = arith.constant 0 : i32
    %dma_start3A_68 = tpu.memref_slice %arg7[%dma_start3A_61, %dma_start3A_67] : memref<80x128xi32, #tpu.memory_space<vmem>> -> memref<1x128xi32, #tpu.memory_space<vmem>>
    %dma_start3A_69 = tpu.memref_squeeze %dma_start3A_68 : memref<1x128xi32, #tpu.memory_space<vmem>> -> memref<128xi32, #tpu.memory_space<vmem>>
    %dma_start3A_70 = arith.constant 0 : i32
    %dma_start3A_71 = arith.constant 0 : i32
    %dma_start3A_72 = tpu.memref_slice %arg2[%dma_start3A_70, %dma_start3A_71] : memref<20000x64xf32, #tpu.memory_space<hbm>> -> memref<20000x64xf32, #tpu.memory_space<hbm>>
    tpu.enqueue_indirect_dma source(%dma_start3A_72 : memref<20000x64xf32, #tpu.memory_space<hbm>>) target(%dma_start3A_66 : memref<128x64xf32, #tpu.memory_space<vmem>>) offsets(%dma_start3A_69 : memref<128xi32, #tpu.memory_space<vmem>>) semaphore(%arg11 : memref<!tpu.dma_semaphore, #tpu.memory_space<semaphore_mem>>)
    %dma_start3A_73 = arith.constant 4 : i32
    %dma_start3A_74 = arith.constant 4 : i32
    %dma_start3A_75 = arith.constant 0 : i32
    %dma_start3A_76 = arith.constant 0 : i32
    %dma_start3A_77 = tpu.memref_slice %arg9[%dma_start3A_74, %dma_start3A_75, %dma_start3A_76] : memref<8x128x64xf32, #tpu.memory_space<vmem>> -> memref<1x128x64xf32, #tpu.memory_space<vmem>>
    %dma_start3A_78 = tpu.memref_squeeze %dma_start3A_77 : memref<1x128x64xf32, #tpu.memory_space<vmem>> -> memref<128x64xf32, #tpu.memory_space<vmem>>
    %dma_start3A_79 = arith.constant 0 : i32
    %dma_start3A_80 = tpu.memref_slice %arg7[%dma_start3A_73, %dma_start3A_79] : memref<80x128xi32, #tpu.memory_space<vmem>> -> memref<1x128xi32, #tpu.memory_space<vmem>>
    %dma_start3A_81 = tpu.memref_squeeze %dma_start3A_80 : memref<1x128xi32, #tpu.memory_space<vmem>> -> memref<128xi32, #tpu.memory_space<vmem>>
    %dma_start3A_82 = arith.constant 0 : i32
    %dma_start3A_83 = arith.constant 0 : i32
    %dma_start3A_84 = tpu.memref_slice %arg2[%dma_start3A_82, %dma_start3A_83] : memref<20000x64xf32, #tpu.memory_space<hbm>> -> memref<20000x64xf32, #tpu.memory_space<hbm>>
    tpu.enqueue_indirect_dma source(%dma_start3A_84 : memref<20000x64xf32, #tpu.memory_space<hbm>>) target(%dma_start3A_78 : memref<128x64xf32, #tpu.memory_space<vmem>>) offsets(%dma_start3A_81 : memref<128xi32, #tpu.memory_space<vmem>>) semaphore(%arg12 : memref<!tpu.dma_semaphore, #tpu.memory_space<semaphore_mem>>)
    %dma_start3A_85 = arith.constant 5 : i32
    %dma_start3A_86 = arith.constant 5 : i32
    %dma_start3A_87 = arith.constant 0 : i32
    %dma_start3A_88 = arith.constant 0 : i32
    %dma_start3A_89 = tpu.memref_slice %arg9[%dma_start3A_86, %dma_start3A_87, %dma_start3A_88] : memref<8x128x64xf32, #tpu.memory_space<vmem>> -> memref<1x128x64xf32, #tpu.memory_space<vmem>>
    %dma_start3A_90 = tpu.memref_squeeze %dma_start3A_89 : memref<1x128x64xf32, #tpu.memory_space<vmem>> -> memref<128x64xf32, #tpu.memory_space<vmem>>
    %dma_start3A_91 = arith.constant 0 : i32
    %dma_start3A_92 = tpu.memref_slice %arg7[%dma_start3A_85, %dma_start3A_91] : memref<80x128xi32, #tpu.memory_space<vmem>> -> memref<1x128xi32, #tpu.memory_space<vmem>>
    %dma_start3A_93 = tpu.memref_squeeze %dma_start3A_92 : memref<1x128xi32, #tpu.memory_space<vmem>> -> memref<128xi32, #tpu.memory_space<vmem>>
    %dma_start3A_94 = arith.constant 0 : i32
    %dma_start3A_95 = arith.constant 0 : i32
    %dma_start3A_96 = tpu.memref_slice %arg2[%dma_start3A_94, %dma_start3A_95] : memref<20000x64xf32, #tpu.memory_space<hbm>> -> memref<20000x64xf32, #tpu.memory_space<hbm>>
    tpu.enqueue_indirect_dma source(%dma_start3A_96 : memref<20000x64xf32, #tpu.memory_space<hbm>>) target(%dma_start3A_90 : memref<128x64xf32, #tpu.memory_space<vmem>>) offsets(%dma_start3A_93 : memref<128xi32, #tpu.memory_space<vmem>>) semaphore(%arg12 : memref<!tpu.dma_semaphore, #tpu.memory_space<semaphore_mem>>)
    %dma_start3A_97 = arith.constant 6 : i32
    %dma_start3A_98 = arith.constant 6 : i32
    %dma_start3A_99 = arith.constant 0 : i32
    %dma_start3A_100 = arith.constant 0 : i32
    %dma_start3A_101 = tpu.memref_slice %arg9[%dma_start3A_98, %dma_start3A_99, %dma_start3A_100] : memref<8x128x64xf32, #tpu.memory_space<vmem>> -> memref<1x128x64xf32, #tpu.memory_space<vmem>>
    %dma_start3A_102 = tpu.memref_squeeze %dma_start3A_101 : memref<1x128x64xf32, #tpu.memory_space<vmem>> -> memref<128x64xf32, #tpu.memory_space<vmem>>
    %dma_start3A_103 = arith.constant 0 : i32
    %dma_start3A_104 = tpu.memref_slice %arg7[%dma_start3A_97, %dma_start3A_103] : memref<80x128xi32, #tpu.memory_space<vmem>> -> memref<1x128xi32, #tpu.memory_space<vmem>>
    %dma_start3A_105 = tpu.memref_squeeze %dma_start3A_104 : memref<1x128xi32, #tpu.memory_space<vmem>> -> memref<128xi32, #tpu.memory_space<vmem>>
    %dma_start3A_106 = arith.constant 0 : i32
    %dma_start3A_107 = arith.constant 0 : i32
    %dma_start3A_108 = tpu.memref_slice %arg2[%dma_start3A_106, %dma_start3A_107] : memref<20000x64xf32, #tpu.memory_space<hbm>> -> memref<20000x64xf32, #tpu.memory_space<hbm>>
    tpu.enqueue_indirect_dma source(%dma_start3A_108 : memref<20000x64xf32, #tpu.memory_space<hbm>>) target(%dma_start3A_102 : memref<128x64xf32, #tpu.memory_space<vmem>>) offsets(%dma_start3A_105 : memref<128xi32, #tpu.memory_space<vmem>>) semaphore(%arg12 : memref<!tpu.dma_semaphore, #tpu.memory_space<semaphore_mem>>)
    %dma_start3A_109 = arith.constant 7 : i32
    %dma_start3A_110 = arith.constant 7 : i32
    %dma_start3A_111 = arith.constant 0 : i32
    %dma_start3A_112 = arith.constant 0 : i32
    %dma_start3A_113 = tpu.memref_slice %arg9[%dma_start3A_110, %dma_start3A_111, %dma_start3A_112] : memref<8x128x64xf32, #tpu.memory_space<vmem>> -> memref<1x128x64xf32, #tpu.memory_space<vmem>>
    %dma_start3A_114 = tpu.memref_squeeze %dma_start3A_113 : memref<1x128x64xf32, #tpu.memory_space<vmem>> -> memref<128x64xf32, #tpu.memory_space<vmem>>
    %dma_start3A_115 = arith.constant 0 : i32
    %dma_start3A_116 = tpu.memref_slice %arg7[%dma_start3A_109, %dma_start3A_115] : memref<80x128xi32, #tpu.memory_space<vmem>> -> memref<1x128xi32, #tpu.memory_space<vmem>>
    %dma_start3A_117 = tpu.memref_squeeze %dma_start3A_116 : memref<1x128xi32, #tpu.memory_space<vmem>> -> memref<128xi32, #tpu.memory_space<vmem>>
    %dma_start3A_118 = arith.constant 0 : i32
    %dma_start3A_119 = arith.constant 0 : i32
    %dma_start3A_120 = tpu.memref_slice %arg2[%dma_start3A_118, %dma_start3A_119] : memref<20000x64xf32, #tpu.memory_space<hbm>> -> memref<20000x64xf32, #tpu.memory_space<hbm>>
    tpu.enqueue_indirect_dma source(%dma_start3A_120 : memref<20000x64xf32, #tpu.memory_space<hbm>>) target(%dma_start3A_114 : memref<128x64xf32, #tpu.memory_space<vmem>>) offsets(%dma_start3A_117 : memref<128xi32, #tpu.memory_space<vmem>>) semaphore(%arg12 : memref<!tpu.dma_semaphore, #tpu.memory_space<semaphore_mem>>)
    %scan3A_121 = arith.constant 0 : i32
    %scan3A_122 = arith.constant 0 : i32
    %scan3A_123 = arith.constant 9 : i32
    %scan3A_124 = arith.addi %scan3A_122, %scan3A_123 : i32
    %scan3A_125 = arith.constant 1 : i32
    %scan3A_126 = scf.for %scan3A_787 = %scan3A_122 to %scan3A_124 step %scan3A_125 iter_args(%scan3A_788 = %scan3A_121) -> (i32)  : i32 {
      %mul3A_789 = arith.constant 2 : i32
      %mul3A_790 = arith.muli %mul3A_789, %scan3A_787 : i32
      %mul3A_791 = arith.constant 4 : i32
      %mul3A_792 = arith.muli %mul3A_790, %mul3A_791 : i32
      %add3A_793 = arith.constant 0 : i32
      %add3A_794 = arith.addi %mul3A_792, %add3A_793 : i32
      %dma_wait3A_795 = arith.constant 0 : i32
      %dma_wait3A_796 = arith.constant 0 : i32
      %dma_wait3A_797 = arith.constant 0 : i32
      %dma_wait3A_798 = tpu.memref_slice %arg9[%dma_wait3A_795, %dma_wait3A_796, %dma_wait3A_797] : memref<8x128x64xf32, #tpu.memory_space<vmem>> -> memref<1x128x64xf32, #tpu.memory_space<vmem>>
      %dma_wait3A_799 = tpu.memref_squeeze %dma_wait3A_798 : memref<1x128x64xf32, #tpu.memory_space<vmem>> -> memref<128x64xf32, #tpu.memory_space<vmem>>
      %dma_wait3A_800 = arith.constant 0 : i32
      %dma_wait3A_801 = tpu.memref_slice %arg7[%add3A_794, %dma_wait3A_800] : memref<80x128xi32, #tpu.memory_space<vmem>> -> memref<1x128xi32, #tpu.memory_space<vmem>>
      %dma_wait3A_802 = tpu.memref_squeeze %dma_wait3A_801 : memref<1x128xi32, #tpu.memory_space<vmem>> -> memref<128xi32, #tpu.memory_space<vmem>>
      %dma_wait3A_803 = arith.constant 0 : i32
      %dma_wait3A_804 = arith.constant 0 : i32
      %dma_wait3A_805 = tpu.memref_slice %arg2[%dma_wait3A_803, %dma_wait3A_804] : memref<20000x64xf32, #tpu.memory_space<hbm>> -> memref<20000x64xf32, #tpu.memory_space<hbm>>
      tpu.wait_indirect_dma semaphore(%arg11 : memref<!tpu.dma_semaphore, #tpu.memory_space<semaphore_mem>>) src(%dma_wait3A_805 : memref<20000x64xf32, #tpu.memory_space<hbm>>) dst(%dma_wait3A_799 : memref<128x64xf32, #tpu.memory_space<vmem>>)
      %mul3A_806 = arith.constant 4 : i32
      %mul3A_807 = arith.muli %mul3A_790, %mul3A_806 : i32
      %add3A_808 = arith.constant 1 : i32
      %add3A_809 = arith.addi %mul3A_807, %add3A_808 : i32
      %dma_wait3A_810 = arith.constant 1 : i32
      %dma_wait3A_811 = arith.constant 0 : i32
      %dma_wait3A_812 = arith.constant 0 : i32
      %dma_wait3A_813 = tpu.memref_slice %arg9[%dma_wait3A_810, %dma_wait3A_811, %dma_wait3A_812] : memref<8x128x64xf32, #tpu.memory_space<vmem>> -> memref<1x128x64xf32, #tpu.memory_space<vmem>>
      %dma_wait3A_814 = tpu.memref_squeeze %dma_wait3A_813 : memref<1x128x64xf32, #tpu.memory_space<vmem>> -> memref<128x64xf32, #tpu.memory_space<vmem>>
      %dma_wait3A_815 = arith.constant 0 : i32
      %dma_wait3A_816 = tpu.memref_slice %arg7[%add3A_809, %dma_wait3A_815] : memref<80x128xi32, #tpu.memory_space<vmem>> -> memref<1x128xi32, #tpu.memory_space<vmem>>
      %dma_wait3A_817 = tpu.memref_squeeze %dma_wait3A_816 : memref<1x128xi32, #tpu.memory_space<vmem>> -> memref<128xi32, #tpu.memory_space<vmem>>
      %dma_wait3A_818 = arith.constant 0 : i32
      %dma_wait3A_819 = arith.constant 0 : i32
      %dma_wait3A_820 = tpu.memref_slice %arg2[%dma_wait3A_818, %dma_wait3A_819] : memref<20000x64xf32, #tpu.memory_space<hbm>> -> memref<20000x64xf32, #tpu.memory_space<hbm>>
      tpu.wait_indirect_dma semaphore(%arg11 : memref<!tpu.dma_semaphore, #tpu.memory_space<semaphore_mem>>) src(%dma_wait3A_820 : memref<20000x64xf32, #tpu.memory_space<hbm>>) dst(%dma_wait3A_814 : memref<128x64xf32, #tpu.memory_space<vmem>>)
      %mul3A_821 = arith.constant 4 : i32
      %mul3A_822 = arith.muli %mul3A_790, %mul3A_821 : i32
      %add3A_823 = arith.constant 2 : i32
      %add3A_824 = arith.addi %mul3A_822, %add3A_823 : i32
      %dma_wait3A_825 = arith.constant 2 : i32
      %dma_wait3A_826 = arith.constant 0 : i32
      %dma_wait3A_827 = arith.constant 0 : i32
      %dma_wait3A_828 = tpu.memref_slice %arg9[%dma_wait3A_825, %dma_wait3A_826, %dma_wait3A_827] : memref<8x128x64xf32, #tpu.memory_space<vmem>> -> memref<1x128x64xf32, #tpu.memory_space<vmem>>
      %dma_wait3A_829 = tpu.memref_squeeze %dma_wait3A_828 : memref<1x128x64xf32, #tpu.memory_space<vmem>> -> memref<128x64xf32, #tpu.memory_space<vmem>>
      %dma_wait3A_830 = arith.constant 0 : i32
      %dma_wait3A_831 = tpu.memref_slice %arg7[%add3A_824, %dma_wait3A_830] : memref<80x128xi32, #tpu.memory_space<vmem>> -> memref<1x128xi32, #tpu.memory_space<vmem>>
      %dma_wait3A_832 = tpu.memref_squeeze %dma_wait3A_831 : memref<1x128xi32, #tpu.memory_space<vmem>> -> memref<128xi32, #tpu.memory_space<vmem>>
      %dma_wait3A_833 = arith.constant 0 : i32
      %dma_wait3A_834 = arith.constant 0 : i32
      %dma_wait3A_835 = tpu.memref_slice %arg2[%dma_wait3A_833, %dma_wait3A_834] : memref<20000x64xf32, #tpu.memory_space<hbm>> -> memref<20000x64xf32, #tpu.memory_space<hbm>>
      tpu.wait_indirect_dma semaphore(%arg11 : memref<!tpu.dma_semaphore, #tpu.memory_space<semaphore_mem>>) src(%dma_wait3A_835 : memref<20000x64xf32, #tpu.memory_space<hbm>>) dst(%dma_wait3A_829 : memref<128x64xf32, #tpu.memory_space<vmem>>)
      %mul3A_836 = arith.constant 4 : i32
      %mul3A_837 = arith.muli %mul3A_790, %mul3A_836 : i32
      %add3A_838 = arith.constant 3 : i32
      %add3A_839 = arith.addi %mul3A_837, %add3A_838 : i32
      %dma_wait3A_840 = arith.constant 3 : i32
      %dma_wait3A_841 = arith.constant 0 : i32
      %dma_wait3A_842 = arith.constant 0 : i32
      %dma_wait3A_843 = tpu.memref_slice %arg9[%dma_wait3A_840, %dma_wait3A_841, %dma_wait3A_842] : memref<8x128x64xf32, #tpu.memory_space<vmem>> -> memref<1x128x64xf32, #tpu.memory_space<vmem>>
      %dma_wait3A_844 = tpu.memref_squeeze %dma_wait3A_843 : memref<1x128x64xf32, #tpu.memory_space<vmem>> -> memref<128x64xf32, #tpu.memory_space<vmem>>
      %dma_wait3A_845 = arith.constant 0 : i32
      %dma_wait3A_846 = tpu.memref_slice %arg7[%add3A_839, %dma_wait3A_845] : memref<80x128xi32, #tpu.memory_space<vmem>> -> memref<1x128xi32, #tpu.memory_space<vmem>>
      %dma_wait3A_847 = tpu.memref_squeeze %dma_wait3A_846 : memref<1x128xi32, #tpu.memory_space<vmem>> -> memref<128xi32, #tpu.memory_space<vmem>>
      %dma_wait3A_848 = arith.constant 0 : i32
      %dma_wait3A_849 = arith.constant 0 : i32
      %dma_wait3A_850 = tpu.memref_slice %arg2[%dma_wait3A_848, %dma_wait3A_849] : memref<20000x64xf32, #tpu.memory_space<hbm>> -> memref<20000x64xf32, #tpu.memory_space<hbm>>
      tpu.wait_indirect_dma semaphore(%arg11 : memref<!tpu.dma_semaphore, #tpu.memory_space<semaphore_mem>>) src(%dma_wait3A_850 : memref<20000x64xf32, #tpu.memory_space<hbm>>) dst(%dma_wait3A_844 : memref<128x64xf32, #tpu.memory_space<vmem>>)
      %mul3A_851 = arith.constant 2 : i32
      %mul3A_852 = arith.muli %mul3A_851, %scan3A_787 : i32
      %mul3A_853 = arith.constant 4 : i32
      %mul3A_854 = arith.muli %mul3A_852, %mul3A_853 : i32
      %add3A_855 = arith.constant 0 : i32
      %add3A_856 = arith.addi %mul3A_854, %add3A_855 : i32
      %dma_start3A_857 = arith.constant 0 : i32
      %dma_start3A_858 = arith.constant 0 : i32
      %dma_start3A_859 = arith.constant 0 : i32
      %dma_start3A_860 = tpu.memref_slice %arg9[%dma_start3A_857, %dma_start3A_858, %dma_start3A_859] : memref<8x128x64xf32, #tpu.memory_space<vmem>> -> memref<1x128x64xf32, #tpu.memory_space<vmem>>
      %dma_start3A_861 = tpu.memref_squeeze %dma_start3A_860 : memref<1x128x64xf32, #tpu.memory_space<vmem>> -> memref<128x64xf32, #tpu.memory_space<vmem>>
      %dma_start3A_862 = arith.constant 0 : i32
      %dma_start3A_863 = tpu.memref_slice %arg8[%add3A_856, %dma_start3A_862] : memref<80x128xi32, #tpu.memory_space<vmem>> -> memref<1x128xi32, #tpu.memory_space<vmem>>
      %dma_start3A_864 = tpu.memref_squeeze %dma_start3A_863 : memref<1x128xi32, #tpu.memory_space<vmem>> -> memref<128xi32, #tpu.memory_space<vmem>>
      %dma_start3A_865 = arith.constant 0 : i32
      %dma_start3A_866 = arith.constant 0 : i32
      %dma_start3A_867 = tpu.memref_slice %arg10[%dma_start3A_865, %dma_start3A_866] : memref<10240x64xf32, #tpu.memory_space<vmem_shared>> -> memref<10240x64xf32, #tpu.memory_space<vmem_shared>>
      tpu.enqueue_indirect_dma source(%dma_start3A_861 : memref<128x64xf32, #tpu.memory_space<vmem>>) target(%dma_start3A_867 : memref<10240x64xf32, #tpu.memory_space<vmem_shared>>) offsets(%dma_start3A_864 : memref<128xi32, #tpu.memory_space<vmem>>) semaphore(%arg13 : memref<!tpu.dma_semaphore, #tpu.memory_space<semaphore_mem>>) {add = true}
      %mul3A_868 = arith.constant 4 : i32
      %mul3A_869 = arith.muli %mul3A_852, %mul3A_868 : i32
      %add3A_870 = arith.constant 1 : i32
      %add3A_871 = arith.addi %mul3A_869, %add3A_870 : i32
      %dma_start3A_872 = arith.constant 1 : i32
      %dma_start3A_873 = arith.constant 0 : i32
      %dma_start3A_874 = arith.constant 0 : i32
      %dma_start3A_875 = tpu.memref_slice %arg9[%dma_start3A_872, %dma_start3A_873, %dma_start3A_874] : memref<8x128x64xf32, #tpu.memory_space<vmem>> -> memref<1x128x64xf32, #tpu.memory_space<vmem>>
      %dma_start3A_876 = tpu.memref_squeeze %dma_start3A_875 : memref<1x128x64xf32, #tpu.memory_space<vmem>> -> memref<128x64xf32, #tpu.memory_space<vmem>>
      %dma_start3A_877 = arith.constant 0 : i32
      %dma_start3A_878 = tpu.memref_slice %arg8[%add3A_871, %dma_start3A_877] : memref<80x128xi32, #tpu.memory_space<vmem>> -> memref<1x128xi32, #tpu.memory_space<vmem>>
      %dma_start3A_879 = tpu.memref_squeeze %dma_start3A_878 : memref<1x128xi32, #tpu.memory_space<vmem>> -> memref<128xi32, #tpu.memory_space<vmem>>
      %dma_start3A_880 = arith.constant 0 : i32
      %dma_start3A_881 = arith.constant 0 : i32
      %dma_start3A_882 = tpu.memref_slice %arg10[%dma_start3A_880, %dma_start3A_881] : memref<10240x64xf32, #tpu.memory_space<vmem_shared>> -> memref<10240x64xf32, #tpu.memory_space<vmem_shared>>
      tpu.enqueue_indirect_dma source(%dma_start3A_876 : memref<128x64xf32, #tpu.memory_space<vmem>>) target(%dma_start3A_882 : memref<10240x64xf32, #tpu.memory_space<vmem_shared>>) offsets(%dma_start3A_879 : memref<128xi32, #tpu.memory_space<vmem>>) semaphore(%arg13 : memref<!tpu.dma_semaphore, #tpu.memory_space<semaphore_mem>>) {add = true}
      %mul3A_883 = arith.constant 4 : i32
      %mul3A_884 = arith.muli %mul3A_852, %mul3A_883 : i32
      %add3A_885 = arith.constant 2 : i32
      %add3A_886 = arith.addi %mul3A_884, %add3A_885 : i32
      %dma_start3A_887 = arith.constant 2 : i32
      %dma_start3A_888 = arith.constant 0 : i32
      %dma_start3A_889 = arith.constant 0 : i32
      %dma_start3A_890 = tpu.memref_slice %arg9[%dma_start3A_887, %dma_start3A_888, %dma_start3A_889] : memref<8x128x64xf32, #tpu.memory_space<vmem>> -> memref<1x128x64xf32, #tpu.memory_space<vmem>>
      %dma_start3A_891 = tpu.memref_squeeze %dma_start3A_890 : memref<1x128x64xf32, #tpu.memory_space<vmem>> -> memref<128x64xf32, #tpu.memory_space<vmem>>
      %dma_start3A_892 = arith.constant 0 : i32
      %dma_start3A_893 = tpu.memref_slice %arg8[%add3A_886, %dma_start3A_892] : memref<80x128xi32, #tpu.memory_space<vmem>> -> memref<1x128xi32, #tpu.memory_space<vmem>>
      %dma_start3A_894 = tpu.memref_squeeze %dma_start3A_893 : memref<1x128xi32, #tpu.memory_space<vmem>> -> memref<128xi32, #tpu.memory_space<vmem>>
      %dma_start3A_895 = arith.constant 0 : i32
      %dma_start3A_896 = arith.constant 0 : i32
      %dma_start3A_897 = tpu.memref_slice %arg10[%dma_start3A_895, %dma_start3A_896] : memref<10240x64xf32, #tpu.memory_space<vmem_shared>> -> memref<10240x64xf32, #tpu.memory_space<vmem_shared>>
      tpu.enqueue_indirect_dma source(%dma_start3A_891 : memref<128x64xf32, #tpu.memory_space<vmem>>) target(%dma_start3A_897 : memref<10240x64xf32, #tpu.memory_space<vmem_shared>>) offsets(%dma_start3A_894 : memref<128xi32, #tpu.memory_space<vmem>>) semaphore(%arg13 : memref<!tpu.dma_semaphore, #tpu.memory_space<semaphore_mem>>) {add = true}
      %mul3A_898 = arith.constant 4 : i32
      %mul3A_899 = arith.muli %mul3A_852, %mul3A_898 : i32
      %add3A_900 = arith.constant 3 : i32
      %add3A_901 = arith.addi %mul3A_899, %add3A_900 : i32
      %dma_start3A_902 = arith.constant 3 : i32
      %dma_start3A_903 = arith.constant 0 : i32
      %dma_start3A_904 = arith.constant 0 : i32
      %dma_start3A_905 = tpu.memref_slice %arg9[%dma_start3A_902, %dma_start3A_903, %dma_start3A_904] : memref<8x128x64xf32, #tpu.memory_space<vmem>> -> memref<1x128x64xf32, #tpu.memory_space<vmem>>
      %dma_start3A_906 = tpu.memref_squeeze %dma_start3A_905 : memref<1x128x64xf32, #tpu.memory_space<vmem>> -> memref<128x64xf32, #tpu.memory_space<vmem>>
      %dma_start3A_907 = arith.constant 0 : i32
      %dma_start3A_908 = tpu.memref_slice %arg8[%add3A_901, %dma_start3A_907] : memref<80x128xi32, #tpu.memory_space<vmem>> -> memref<1x128xi32, #tpu.memory_space<vmem>>
      %dma_start3A_909 = tpu.memref_squeeze %dma_start3A_908 : memref<1x128xi32, #tpu.memory_space<vmem>> -> memref<128xi32, #tpu.memory_space<vmem>>
      %dma_start3A_910 = arith.constant 0 : i32
      %dma_start3A_911 = arith.constant 0 : i32
      %dma_start3A_912 = tpu.memref_slice %arg10[%dma_start3A_910, %dma_start3A_911] : memref<10240x64xf32, #tpu.memory_space<vmem_shared>> -> memref<10240x64xf32, #tpu.memory_space<vmem_shared>>
      tpu.enqueue_indirect_dma source(%dma_start3A_906 : memref<128x64xf32, #tpu.memory_space<vmem>>) target(%dma_start3A_912 : memref<10240x64xf32, #tpu.memory_space<vmem_shared>>) offsets(%dma_start3A_909 : memref<128xi32, #tpu.memory_space<vmem>>) semaphore(%arg13 : memref<!tpu.dma_semaphore, #tpu.memory_space<semaphore_mem>>) {add = true}
      %mul3A_913 = arith.constant 2 : i32
      %mul3A_914 = arith.muli %mul3A_913, %scan3A_787 : i32
      %add3A_915 = arith.constant 1 : i32
      %add3A_916 = arith.addi %mul3A_914, %add3A_915 : i32
      %mul3A_917 = arith.constant 4 : i32
      %mul3A_918 = arith.muli %add3A_916, %mul3A_917 : i32
      %add3A_919 = arith.constant 0 : i32
      %add3A_920 = arith.addi %mul3A_918, %add3A_919 : i32
      %dma_wait3A_921 = arith.constant 4 : i32
      %dma_wait3A_922 = arith.constant 0 : i32
      %dma_wait3A_923 = arith.constant 0 : i32
      %dma_wait3A_924 = tpu.memref_slice %arg9[%dma_wait3A_921, %dma_wait3A_922, %dma_wait3A_923] : memref<8x128x64xf32, #tpu.memory_space<vmem>> -> memref<1x128x64xf32, #tpu.memory_space<vmem>>
      %dma_wait3A_925 = tpu.memref_squeeze %dma_wait3A_924 : memref<1x128x64xf32, #tpu.memory_space<vmem>> -> memref<128x64xf32, #tpu.memory_space<vmem>>
      %dma_wait3A_926 = arith.constant 0 : i32
      %dma_wait3A_927 = tpu.memref_slice %arg7[%add3A_920, %dma_wait3A_926] : memref<80x128xi32, #tpu.memory_space<vmem>> -> memref<1x128xi32, #tpu.memory_space<vmem>>
      %dma_wait3A_928 = tpu.memref_squeeze %dma_wait3A_927 : memref<1x128xi32, #tpu.memory_space<vmem>> -> memref<128xi32, #tpu.memory_space<vmem>>
      %dma_wait3A_929 = arith.constant 0 : i32
      %dma_wait3A_930 = arith.constant 0 : i32
      %dma_wait3A_931 = tpu.memref_slice %arg2[%dma_wait3A_929, %dma_wait3A_930] : memref<20000x64xf32, #tpu.memory_space<hbm>> -> memref<20000x64xf32, #tpu.memory_space<hbm>>
      tpu.wait_indirect_dma semaphore(%arg12 : memref<!tpu.dma_semaphore, #tpu.memory_space<semaphore_mem>>) src(%dma_wait3A_931 : memref<20000x64xf32, #tpu.memory_space<hbm>>) dst(%dma_wait3A_925 : memref<128x64xf32, #tpu.memory_space<vmem>>)
      %mul3A_932 = arith.constant 4 : i32
      %mul3A_933 = arith.muli %add3A_916, %mul3A_932 : i32
      %add3A_934 = arith.constant 1 : i32
      %add3A_935 = arith.addi %mul3A_933, %add3A_934 : i32
      %dma_wait3A_936 = arith.constant 5 : i32
      %dma_wait3A_937 = arith.constant 0 : i32
      %dma_wait3A_938 = arith.constant 0 : i32
      %dma_wait3A_939 = tpu.memref_slice %arg9[%dma_wait3A_936, %dma_wait3A_937, %dma_wait3A_938] : memref<8x128x64xf32, #tpu.memory_space<vmem>> -> memref<1x128x64xf32, #tpu.memory_space<vmem>>
      %dma_wait3A_940 = tpu.memref_squeeze %dma_wait3A_939 : memref<1x128x64xf32, #tpu.memory_space<vmem>> -> memref<128x64xf32, #tpu.memory_space<vmem>>
      %dma_wait3A_941 = arith.constant 0 : i32
      %dma_wait3A_942 = tpu.memref_slice %arg7[%add3A_935, %dma_wait3A_941] : memref<80x128xi32, #tpu.memory_space<vmem>> -> memref<1x128xi32, #tpu.memory_space<vmem>>
      %dma_wait3A_943 = tpu.memref_squeeze %dma_wait3A_942 : memref<1x128xi32, #tpu.memory_space<vmem>> -> memref<128xi32, #tpu.memory_space<vmem>>
      %dma_wait3A_944 = arith.constant 0 : i32
      %dma_wait3A_945 = arith.constant 0 : i32
      %dma_wait3A_946 = tpu.memref_slice %arg2[%dma_wait3A_944, %dma_wait3A_945] : memref<20000x64xf32, #tpu.memory_space<hbm>> -> memref<20000x64xf32, #tpu.memory_space<hbm>>
      tpu.wait_indirect_dma semaphore(%arg12 : memref<!tpu.dma_semaphore, #tpu.memory_space<semaphore_mem>>) src(%dma_wait3A_946 : memref<20000x64xf32, #tpu.memory_space<hbm>>) dst(%dma_wait3A_940 : memref<128x64xf32, #tpu.memory_space<vmem>>)
      %mul3A_947 = arith.constant 4 : i32
      %mul3A_948 = arith.muli %add3A_916, %mul3A_947 : i32
      %add3A_949 = arith.constant 2 : i32
      %add3A_950 = arith.addi %mul3A_948, %add3A_949 : i32
      %dma_wait3A_951 = arith.constant 6 : i32
      %dma_wait3A_952 = arith.constant 0 : i32
      %dma_wait3A_953 = arith.constant 0 : i32
      %dma_wait3A_954 = tpu.memref_slice %arg9[%dma_wait3A_951, %dma_wait3A_952, %dma_wait3A_953] : memref<8x128x64xf32, #tpu.memory_space<vmem>> -> memref<1x128x64xf32, #tpu.memory_space<vmem>>
      %dma_wait3A_955 = tpu.memref_squeeze %dma_wait3A_954 : memref<1x128x64xf32, #tpu.memory_space<vmem>> -> memref<128x64xf32, #tpu.memory_space<vmem>>
      %dma_wait3A_956 = arith.constant 0 : i32
      %dma_wait3A_957 = tpu.memref_slice %arg7[%add3A_950, %dma_wait3A_956] : memref<80x128xi32, #tpu.memory_space<vmem>> -> memref<1x128xi32, #tpu.memory_space<vmem>>
      %dma_wait3A_958 = tpu.memref_squeeze %dma_wait3A_957 : memref<1x128xi32, #tpu.memory_space<vmem>> -> memref<128xi32, #tpu.memory_space<vmem>>
      %dma_wait3A_959 = arith.constant 0 : i32
      %dma_wait3A_960 = arith.constant 0 : i32
      %dma_wait3A_961 = tpu.memref_slice %arg2[%dma_wait3A_959, %dma_wait3A_960] : memref<20000x64xf32, #tpu.memory_space<hbm>> -> memref<20000x64xf32, #tpu.memory_space<hbm>>
      tpu.wait_indirect_dma semaphore(%arg12 : memref<!tpu.dma_semaphore, #tpu.memory_space<semaphore_mem>>) src(%dma_wait3A_961 : memref<20000x64xf32, #tpu.memory_space<hbm>>) dst(%dma_wait3A_955 : memref<128x64xf32, #tpu.memory_space<vmem>>)
      %mul3A_962 = arith.constant 4 : i32
      %mul3A_963 = arith.muli %add3A_916, %mul3A_962 : i32
      %add3A_964 = arith.constant 3 : i32
      %add3A_965 = arith.addi %mul3A_963, %add3A_964 : i32
      %dma_wait3A_966 = arith.constant 7 : i32
      %dma_wait3A_967 = arith.constant 0 : i32
      %dma_wait3A_968 = arith.constant 0 : i32
      %dma_wait3A_969 = tpu.memref_slice %arg9[%dma_wait3A_966, %dma_wait3A_967, %dma_wait3A_968] : memref<8x128x64xf32, #tpu.memory_space<vmem>> -> memref<1x128x64xf32, #tpu.memory_space<vmem>>
      %dma_wait3A_970 = tpu.memref_squeeze %dma_wait3A_969 : memref<1x128x64xf32, #tpu.memory_space<vmem>> -> memref<128x64xf32, #tpu.memory_space<vmem>>
      %dma_wait3A_971 = arith.constant 0 : i32
      %dma_wait3A_972 = tpu.memref_slice %arg7[%add3A_965, %dma_wait3A_971] : memref<80x128xi32, #tpu.memory_space<vmem>> -> memref<1x128xi32, #tpu.memory_space<vmem>>
      %dma_wait3A_973 = tpu.memref_squeeze %dma_wait3A_972 : memref<1x128xi32, #tpu.memory_space<vmem>> -> memref<128xi32, #tpu.memory_space<vmem>>
      %dma_wait3A_974 = arith.constant 0 : i32
      %dma_wait3A_975 = arith.constant 0 : i32
      %dma_wait3A_976 = tpu.memref_slice %arg2[%dma_wait3A_974, %dma_wait3A_975] : memref<20000x64xf32, #tpu.memory_space<hbm>> -> memref<20000x64xf32, #tpu.memory_space<hbm>>
      tpu.wait_indirect_dma semaphore(%arg12 : memref<!tpu.dma_semaphore, #tpu.memory_space<semaphore_mem>>) src(%dma_wait3A_976 : memref<20000x64xf32, #tpu.memory_space<hbm>>) dst(%dma_wait3A_970 : memref<128x64xf32, #tpu.memory_space<vmem>>)
      %mul3A_977 = arith.constant 2 : i32
      %mul3A_978 = arith.muli %mul3A_977, %scan3A_787 : i32
      %add3A_979 = arith.constant 1 : i32
      %add3A_980 = arith.addi %mul3A_978, %add3A_979 : i32
      %mul3A_981 = arith.constant 4 : i32
      %mul3A_982 = arith.muli %add3A_980, %mul3A_981 : i32
      %add3A_983 = arith.constant 0 : i32
      %add3A_984 = arith.addi %mul3A_982, %add3A_983 : i32
      %dma_start3A_985 = arith.constant 4 : i32
      %dma_start3A_986 = arith.constant 0 : i32
      %dma_start3A_987 = arith.constant 0 : i32
      %dma_start3A_988 = tpu.memref_slice %arg9[%dma_start3A_985, %dma_start3A_986, %dma_start3A_987] : memref<8x128x64xf32, #tpu.memory_space<vmem>> -> memref<1x128x64xf32, #tpu.memory_space<vmem>>
      %dma_start3A_989 = tpu.memref_squeeze %dma_start3A_988 : memref<1x128x64xf32, #tpu.memory_space<vmem>> -> memref<128x64xf32, #tpu.memory_space<vmem>>
      %dma_start3A_990 = arith.constant 0 : i32
      %dma_start3A_991 = tpu.memref_slice %arg8[%add3A_984, %dma_start3A_990] : memref<80x128xi32, #tpu.memory_space<vmem>> -> memref<1x128xi32, #tpu.memory_space<vmem>>
      %dma_start3A_992 = tpu.memref_squeeze %dma_start3A_991 : memref<1x128xi32, #tpu.memory_space<vmem>> -> memref<128xi32, #tpu.memory_space<vmem>>
      %dma_start3A_993 = arith.constant 0 : i32
      %dma_start3A_994 = arith.constant 0 : i32
      %dma_start3A_995 = tpu.memref_slice %arg10[%dma_start3A_993, %dma_start3A_994] : memref<10240x64xf32, #tpu.memory_space<vmem_shared>> -> memref<10240x64xf32, #tpu.memory_space<vmem_shared>>
      tpu.enqueue_indirect_dma source(%dma_start3A_989 : memref<128x64xf32, #tpu.memory_space<vmem>>) target(%dma_start3A_995 : memref<10240x64xf32, #tpu.memory_space<vmem_shared>>) offsets(%dma_start3A_992 : memref<128xi32, #tpu.memory_space<vmem>>) semaphore(%arg14 : memref<!tpu.dma_semaphore, #tpu.memory_space<semaphore_mem>>) {add = true}
      %mul3A_996 = arith.constant 4 : i32
      %mul3A_997 = arith.muli %add3A_980, %mul3A_996 : i32
      %add3A_998 = arith.constant 1 : i32
      %add3A_999 = arith.addi %mul3A_997, %add3A_998 : i32
      %dma_start3A_1000 = arith.constant 5 : i32
      %dma_start3A_1001 = arith.constant 0 : i32
      %dma_start3A_1002 = arith.constant 0 : i32
      %dma_start3A_1003 = tpu.memref_slice %arg9[%dma_start3A_1000, %dma_start3A_1001, %dma_start3A_1002] : memref<8x128x64xf32, #tpu.memory_space<vmem>> -> memref<1x128x64xf32, #tpu.memory_space<vmem>>
      %dma_start3A_1004 = tpu.memref_squeeze %dma_start3A_1003 : memref<1x128x64xf32, #tpu.memory_space<vmem>> -> memref<128x64xf32, #tpu.memory_space<vmem>>
      %dma_start3A_1005 = arith.constant 0 : i32
      %dma_start3A_1006 = tpu.memref_slice %arg8[%add3A_999, %dma_start3A_1005] : memref<80x128xi32, #tpu.memory_space<vmem>> -> memref<1x128xi32, #tpu.memory_space<vmem>>
      %dma_start3A_1007 = tpu.memref_squeeze %dma_start3A_1006 : memref<1x128xi32, #tpu.memory_space<vmem>> -> memref<128xi32, #tpu.memory_space<vmem>>
      %dma_start3A_1008 = arith.constant 0 : i32
      %dma_start3A_1009 = arith.constant 0 : i32
      %dma_start3A_1010 = tpu.memref_slice %arg10[%dma_start3A_1008, %dma_start3A_1009] : memref<10240x64xf32, #tpu.memory_space<vmem_shared>> -> memref<10240x64xf32, #tpu.memory_space<vmem_shared>>
      tpu.enqueue_indirect_dma source(%dma_start3A_1004 : memref<128x64xf32, #tpu.memory_space<vmem>>) target(%dma_start3A_1010 : memref<10240x64xf32, #tpu.memory_space<vmem_shared>>) offsets(%dma_start3A_1007 : memref<128xi32, #tpu.memory_space<vmem>>) semaphore(%arg14 : memref<!tpu.dma_semaphore, #tpu.memory_space<semaphore_mem>>) {add = true}
      %mul3A_1011 = arith.constant 4 : i32
      %mul3A_1012 = arith.muli %add3A_980, %mul3A_1011 : i32
      %add3A_1013 = arith.constant 2 : i32
      %add3A_1014 = arith.addi %mul3A_1012, %add3A_1013 : i32
      %dma_start3A_1015 = arith.constant 6 : i32
      %dma_start3A_1016 = arith.constant 0 : i32
      %dma_start3A_1017 = arith.constant 0 : i32
      %dma_start3A_1018 = tpu.memref_slice %arg9[%dma_start3A_1015, %dma_start3A_1016, %dma_start3A_1017] : memref<8x128x64xf32, #tpu.memory_space<vmem>> -> memref<1x128x64xf32, #tpu.memory_space<vmem>>
      %dma_start3A_1019 = tpu.memref_squeeze %dma_start3A_1018 : memref<1x128x64xf32, #tpu.memory_space<vmem>> -> memref<128x64xf32, #tpu.memory_space<vmem>>
      %dma_start3A_1020 = arith.constant 0 : i32
      %dma_start3A_1021 = tpu.memref_slice %arg8[%add3A_1014, %dma_start3A_1020] : memref<80x128xi32, #tpu.memory_space<vmem>> -> memref<1x128xi32, #tpu.memory_space<vmem>>
      %dma_start3A_1022 = tpu.memref_squeeze %dma_start3A_1021 : memref<1x128xi32, #tpu.memory_space<vmem>> -> memref<128xi32, #tpu.memory_space<vmem>>
      %dma_start3A_1023 = arith.constant 0 : i32
      %dma_start3A_1024 = arith.constant 0 : i32
      %dma_start3A_1025 = tpu.memref_slice %arg10[%dma_start3A_1023, %dma_start3A_1024] : memref<10240x64xf32, #tpu.memory_space<vmem_shared>> -> memref<10240x64xf32, #tpu.memory_space<vmem_shared>>
      tpu.enqueue_indirect_dma source(%dma_start3A_1019 : memref<128x64xf32, #tpu.memory_space<vmem>>) target(%dma_start3A_1025 : memref<10240x64xf32, #tpu.memory_space<vmem_shared>>) offsets(%dma_start3A_1022 : memref<128xi32, #tpu.memory_space<vmem>>) semaphore(%arg14 : memref<!tpu.dma_semaphore, #tpu.memory_space<semaphore_mem>>) {add = true}
      %mul3A_1026 = arith.constant 4 : i32
      %mul3A_1027 = arith.muli %add3A_980, %mul3A_1026 : i32
      %add3A_1028 = arith.constant 3 : i32
      %add3A_1029 = arith.addi %mul3A_1027, %add3A_1028 : i32
      %dma_start3A_1030 = arith.constant 7 : i32
      %dma_start3A_1031 = arith.constant 0 : i32
      %dma_start3A_1032 = arith.constant 0 : i32
      %dma_start3A_1033 = tpu.memref_slice %arg9[%dma_start3A_1030, %dma_start3A_1031, %dma_start3A_1032] : memref<8x128x64xf32, #tpu.memory_space<vmem>> -> memref<1x128x64xf32, #tpu.memory_space<vmem>>
      %dma_start3A_1034 = tpu.memref_squeeze %dma_start3A_1033 : memref<1x128x64xf32, #tpu.memory_space<vmem>> -> memref<128x64xf32, #tpu.memory_space<vmem>>
      %dma_start3A_1035 = arith.constant 0 : i32
      %dma_start3A_1036 = tpu.memref_slice %arg8[%add3A_1029, %dma_start3A_1035] : memref<80x128xi32, #tpu.memory_space<vmem>> -> memref<1x128xi32, #tpu.memory_space<vmem>>
      %dma_start3A_1037 = tpu.memref_squeeze %dma_start3A_1036 : memref<1x128xi32, #tpu.memory_space<vmem>> -> memref<128xi32, #tpu.memory_space<vmem>>
      %dma_start3A_1038 = arith.constant 0 : i32
      %dma_start3A_1039 = arith.constant 0 : i32
      %dma_start3A_1040 = tpu.memref_slice %arg10[%dma_start3A_1038, %dma_start3A_1039] : memref<10240x64xf32, #tpu.memory_space<vmem_shared>> -> memref<10240x64xf32, #tpu.memory_space<vmem_shared>>
      tpu.enqueue_indirect_dma source(%dma_start3A_1034 : memref<128x64xf32, #tpu.memory_space<vmem>>) target(%dma_start3A_1040 : memref<10240x64xf32, #tpu.memory_space<vmem_shared>>) offsets(%dma_start3A_1037 : memref<128xi32, #tpu.memory_space<vmem>>) semaphore(%arg14 : memref<!tpu.dma_semaphore, #tpu.memory_space<semaphore_mem>>) {add = true}
      %mul3A_1041 = arith.constant 2 : i32
      %mul3A_1042 = arith.muli %mul3A_1041, %scan3A_787 : i32
      %mul3A_1043 = arith.constant 4 : i32
      %mul3A_1044 = arith.muli %mul3A_1042, %mul3A_1043 : i32
      %add3A_1045 = arith.constant 0 : i32
      %add3A_1046 = arith.addi %mul3A_1044, %add3A_1045 : i32
      %dma_wait3A_1047 = arith.constant 0 : i32
      %dma_wait3A_1048 = arith.constant 0 : i32
      %dma_wait3A_1049 = arith.constant 0 : i32
      %dma_wait3A_1050 = tpu.memref_slice %arg9[%dma_wait3A_1047, %dma_wait3A_1048, %dma_wait3A_1049] : memref<8x128x64xf32, #tpu.memory_space<vmem>> -> memref<1x128x64xf32, #tpu.memory_space<vmem>>
      %dma_wait3A_1051 = tpu.memref_squeeze %dma_wait3A_1050 : memref<1x128x64xf32, #tpu.memory_space<vmem>> -> memref<128x64xf32, #tpu.memory_space<vmem>>
      %dma_wait3A_1052 = arith.constant 0 : i32
      %dma_wait3A_1053 = tpu.memref_slice %arg8[%add3A_1046, %dma_wait3A_1052] : memref<80x128xi32, #tpu.memory_space<vmem>> -> memref<1x128xi32, #tpu.memory_space<vmem>>
      %dma_wait3A_1054 = tpu.memref_squeeze %dma_wait3A_1053 : memref<1x128xi32, #tpu.memory_space<vmem>> -> memref<128xi32, #tpu.memory_space<vmem>>
      %dma_wait3A_1055 = arith.constant 0 : i32
      %dma_wait3A_1056 = arith.constant 0 : i32
      %dma_wait3A_1057 = tpu.memref_slice %arg10[%dma_wait3A_1055, %dma_wait3A_1056] : memref<10240x64xf32, #tpu.memory_space<vmem_shared>> -> memref<10240x64xf32, #tpu.memory_space<vmem_shared>>
      tpu.wait_indirect_dma semaphore(%arg13 : memref<!tpu.dma_semaphore, #tpu.memory_space<semaphore_mem>>) src(%dma_wait3A_1051 : memref<128x64xf32, #tpu.memory_space<vmem>>) dst(%dma_wait3A_1057 : memref<10240x64xf32, #tpu.memory_space<vmem_shared>>)
      %mul3A_1058 = arith.constant 4 : i32
      %mul3A_1059 = arith.muli %mul3A_1042, %mul3A_1058 : i32
      %add3A_1060 = arith.constant 1 : i32
      %add3A_1061 = arith.addi %mul3A_1059, %add3A_1060 : i32
      %dma_wait3A_1062 = arith.constant 1 : i32
      %dma_wait3A_1063 = arith.constant 0 : i32
      %dma_wait3A_1064 = arith.constant 0 : i32
      %dma_wait3A_1065 = tpu.memref_slice %arg9[%dma_wait3A_1062, %dma_wait3A_1063, %dma_wait3A_1064] : memref<8x128x64xf32, #tpu.memory_space<vmem>> -> memref<1x128x64xf32, #tpu.memory_space<vmem>>
      %dma_wait3A_1066 = tpu.memref_squeeze %dma_wait3A_1065 : memref<1x128x64xf32, #tpu.memory_space<vmem>> -> memref<128x64xf32, #tpu.memory_space<vmem>>
      %dma_wait3A_1067 = arith.constant 0 : i32
      %dma_wait3A_1068 = tpu.memref_slice %arg8[%add3A_1061, %dma_wait3A_1067] : memref<80x128xi32, #tpu.memory_space<vmem>> -> memref<1x128xi32, #tpu.memory_space<vmem>>
      %dma_wait3A_1069 = tpu.memref_squeeze %dma_wait3A_1068 : memref<1x128xi32, #tpu.memory_space<vmem>> -> memref<128xi32, #tpu.memory_space<vmem>>
      %dma_wait3A_1070 = arith.constant 0 : i32
      %dma_wait3A_1071 = arith.constant 0 : i32
      %dma_wait3A_1072 = tpu.memref_slice %arg10[%dma_wait3A_1070, %dma_wait3A_1071] : memref<10240x64xf32, #tpu.memory_space<vmem_shared>> -> memref<10240x64xf32, #tpu.memory_space<vmem_shared>>
      tpu.wait_indirect_dma semaphore(%arg13 : memref<!tpu.dma_semaphore, #tpu.memory_space<semaphore_mem>>) src(%dma_wait3A_1066 : memref<128x64xf32, #tpu.memory_space<vmem>>) dst(%dma_wait3A_1072 : memref<10240x64xf32, #tpu.memory_space<vmem_shared>>)
      %mul3A_1073 = arith.constant 4 : i32
      %mul3A_1074 = arith.muli %mul3A_1042, %mul3A_1073 : i32
      %add3A_1075 = arith.constant 2 : i32
      %add3A_1076 = arith.addi %mul3A_1074, %add3A_1075 : i32
      %dma_wait3A_1077 = arith.constant 2 : i32
      %dma_wait3A_1078 = arith.constant 0 : i32
      %dma_wait3A_1079 = arith.constant 0 : i32
      %dma_wait3A_1080 = tpu.memref_slice %arg9[%dma_wait3A_1077, %dma_wait3A_1078, %dma_wait3A_1079] : memref<8x128x64xf32, #tpu.memory_space<vmem>> -> memref<1x128x64xf32, #tpu.memory_space<vmem>>
      %dma_wait3A_1081 = tpu.memref_squeeze %dma_wait3A_1080 : memref<1x128x64xf32, #tpu.memory_space<vmem>> -> memref<128x64xf32, #tpu.memory_space<vmem>>
      %dma_wait3A_1082 = arith.constant 0 : i32
      %dma_wait3A_1083 = tpu.memref_slice %arg8[%add3A_1076, %dma_wait3A_1082] : memref<80x128xi32, #tpu.memory_space<vmem>> -> memref<1x128xi32, #tpu.memory_space<vmem>>
      %dma_wait3A_1084 = tpu.memref_squeeze %dma_wait3A_1083 : memref<1x128xi32, #tpu.memory_space<vmem>> -> memref<128xi32, #tpu.memory_space<vmem>>
      %dma_wait3A_1085 = arith.constant 0 : i32
      %dma_wait3A_1086 = arith.constant 0 : i32
      %dma_wait3A_1087 = tpu.memref_slice %arg10[%dma_wait3A_1085, %dma_wait3A_1086] : memref<10240x64xf32, #tpu.memory_space<vmem_shared>> -> memref<10240x64xf32, #tpu.memory_space<vmem_shared>>
      tpu.wait_indirect_dma semaphore(%arg13 : memref<!tpu.dma_semaphore, #tpu.memory_space<semaphore_mem>>) src(%dma_wait3A_1081 : memref<128x64xf32, #tpu.memory_space<vmem>>) dst(%dma_wait3A_1087 : memref<10240x64xf32, #tpu.memory_space<vmem_shared>>)
      %mul3A_1088 = arith.constant 4 : i32
      %mul3A_1089 = arith.muli %mul3A_1042, %mul3A_1088 : i32
      %add3A_1090 = arith.constant 3 : i32
      %add3A_1091 = arith.addi %mul3A_1089, %add3A_1090 : i32
      %dma_wait3A_1092 = arith.constant 3 : i32
      %dma_wait3A_1093 = arith.constant 0 : i32
      %dma_wait3A_1094 = arith.constant 0 : i32
      %dma_wait3A_1095 = tpu.memref_slice %arg9[%dma_wait3A_1092, %dma_wait3A_1093, %dma_wait3A_1094] : memref<8x128x64xf32, #tpu.memory_space<vmem>> -> memref<1x128x64xf32, #tpu.memory_space<vmem>>
      %dma_wait3A_1096 = tpu.memref_squeeze %dma_wait3A_1095 : memref<1x128x64xf32, #tpu.memory_space<vmem>> -> memref<128x64xf32, #tpu.memory_space<vmem>>
      %dma_wait3A_1097 = arith.constant 0 : i32
      %dma_wait3A_1098 = tpu.memref_slice %arg8[%add3A_1091, %dma_wait3A_1097] : memref<80x128xi32, #tpu.memory_space<vmem>> -> memref<1x128xi32, #tpu.memory_space<vmem>>
      %dma_wait3A_1099 = tpu.memref_squeeze %dma_wait3A_1098 : memref<1x128xi32, #tpu.memory_space<vmem>> -> memref<128xi32, #tpu.memory_space<vmem>>
      %dma_wait3A_1100 = arith.constant 0 : i32
      %dma_wait3A_1101 = arith.constant 0 : i32
      %dma_wait3A_1102 = tpu.memref_slice %arg10[%dma_wait3A_1100, %dma_wait3A_1101] : memref<10240x64xf32, #tpu.memory_space<vmem_shared>> -> memref<10240x64xf32, #tpu.memory_space<vmem_shared>>
      tpu.wait_indirect_dma semaphore(%arg13 : memref<!tpu.dma_semaphore, #tpu.memory_space<semaphore_mem>>) src(%dma_wait3A_1096 : memref<128x64xf32, #tpu.memory_space<vmem>>) dst(%dma_wait3A_1102 : memref<10240x64xf32, #tpu.memory_space<vmem_shared>>)
      %mul3A_1103 = arith.constant 2 : i32
      %mul3A_1104 = arith.muli %mul3A_1103, %scan3A_787 : i32
      %add3A_1105 = arith.constant 2 : i32
      %add3A_1106 = arith.addi %mul3A_1104, %add3A_1105 : i32
      %mul3A_1107 = arith.constant 4 : i32
      %mul3A_1108 = arith.muli %add3A_1106, %mul3A_1107 : i32
      %add3A_1109 = arith.constant 0 : i32
      %add3A_1110 = arith.addi %mul3A_1108, %add3A_1109 : i32
      %dma_start3A_1111 = arith.constant 0 : i32
      %dma_start3A_1112 = arith.constant 0 : i32
      %dma_start3A_1113 = arith.constant 0 : i32
      %dma_start3A_1114 = tpu.memref_slice %arg9[%dma_start3A_1111, %dma_start3A_1112, %dma_start3A_1113] : memref<8x128x64xf32, #tpu.memory_space<vmem>> -> memref<1x128x64xf32, #tpu.memory_space<vmem>>
      %dma_start3A_1115 = tpu.memref_squeeze %dma_start3A_1114 : memref<1x128x64xf32, #tpu.memory_space<vmem>> -> memref<128x64xf32, #tpu.memory_space<vmem>>
      %dma_start3A_1116 = arith.constant 0 : i32
      %dma_start3A_1117 = tpu.memref_slice %arg7[%add3A_1110, %dma_start3A_1116] : memref<80x128xi32, #tpu.memory_space<vmem>> -> memref<1x128xi32, #tpu.memory_space<vmem>>
      %dma_start3A_1118 = tpu.memref_squeeze %dma_start3A_1117 : memref<1x128xi32, #tpu.memory_space<vmem>> -> memref<128xi32, #tpu.memory_space<vmem>>
      %dma_start3A_1119 = arith.constant 0 : i32
      %dma_start3A_1120 = arith.constant 0 : i32
      %dma_start3A_1121 = tpu.memref_slice %arg2[%dma_start3A_1119, %dma_start3A_1120] : memref<20000x64xf32, #tpu.memory_space<hbm>> -> memref<20000x64xf32, #tpu.memory_space<hbm>>
      tpu.enqueue_indirect_dma source(%dma_start3A_1121 : memref<20000x64xf32, #tpu.memory_space<hbm>>) target(%dma_start3A_1115 : memref<128x64xf32, #tpu.memory_space<vmem>>) offsets(%dma_start3A_1118 : memref<128xi32, #tpu.memory_space<vmem>>) semaphore(%arg11 : memref<!tpu.dma_semaphore, #tpu.memory_space<semaphore_mem>>)
      %mul3A_1122 = arith.constant 4 : i32
      %mul3A_1123 = arith.muli %add3A_1106, %mul3A_1122 : i32
      %add3A_1124 = arith.constant 1 : i32
      %add3A_1125 = arith.addi %mul3A_1123, %add3A_1124 : i32
      %dma_start3A_1126 = arith.constant 1 : i32
      %dma_start3A_1127 = arith.constant 0 : i32
      %dma_start3A_1128 = arith.constant 0 : i32
      %dma_start3A_1129 = tpu.memref_slice %arg9[%dma_start3A_1126, %dma_start3A_1127, %dma_start3A_1128] : memref<8x128x64xf32, #tpu.memory_space<vmem>> -> memref<1x128x64xf32, #tpu.memory_space<vmem>>
      %dma_start3A_1130 = tpu.memref_squeeze %dma_start3A_1129 : memref<1x128x64xf32, #tpu.memory_space<vmem>> -> memref<128x64xf32, #tpu.memory_space<vmem>>
      %dma_start3A_1131 = arith.constant 0 : i32
      %dma_start3A_1132 = tpu.memref_slice %arg7[%add3A_1125, %dma_start3A_1131] : memref<80x128xi32, #tpu.memory_space<vmem>> -> memref<1x128xi32, #tpu.memory_space<vmem>>
      %dma_start3A_1133 = tpu.memref_squeeze %dma_start3A_1132 : memref<1x128xi32, #tpu.memory_space<vmem>> -> memref<128xi32, #tpu.memory_space<vmem>>
      %dma_start3A_1134 = arith.constant 0 : i32
      %dma_start3A_1135 = arith.constant 0 : i32
      %dma_start3A_1136 = tpu.memref_slice %arg2[%dma_start3A_1134, %dma_start3A_1135] : memref<20000x64xf32, #tpu.memory_space<hbm>> -> memref<20000x64xf32, #tpu.memory_space<hbm>>
      tpu.enqueue_indirect_dma source(%dma_start3A_1136 : memref<20000x64xf32, #tpu.memory_space<hbm>>) target(%dma_start3A_1130 : memref<128x64xf32, #tpu.memory_space<vmem>>) offsets(%dma_start3A_1133 : memref<128xi32, #tpu.memory_space<vmem>>) semaphore(%arg11 : memref<!tpu.dma_semaphore, #tpu.memory_space<semaphore_mem>>)
      %mul3A_1137 = arith.constant 4 : i32
      %mul3A_1138 = arith.muli %add3A_1106, %mul3A_1137 : i32
      %add3A_1139 = arith.constant 2 : i32
      %add3A_1140 = arith.addi %mul3A_1138, %add3A_1139 : i32
      %dma_start3A_1141 = arith.constant 2 : i32
      %dma_start3A_1142 = arith.constant 0 : i32
      %dma_start3A_1143 = arith.constant 0 : i32
      %dma_start3A_1144 = tpu.memref_slice %arg9[%dma_start3A_1141, %dma_start3A_1142, %dma_start3A_1143] : memref<8x128x64xf32, #tpu.memory_space<vmem>> -> memref<1x128x64xf32, #tpu.memory_space<vmem>>
      %dma_start3A_1145 = tpu.memref_squeeze %dma_start3A_1144 : memref<1x128x64xf32, #tpu.memory_space<vmem>> -> memref<128x64xf32, #tpu.memory_space<vmem>>
      %dma_start3A_1146 = arith.constant 0 : i32
      %dma_start3A_1147 = tpu.memref_slice %arg7[%add3A_1140, %dma_start3A_1146] : memref<80x128xi32, #tpu.memory_space<vmem>> -> memref<1x128xi32, #tpu.memory_space<vmem>>
      %dma_start3A_1148 = tpu.memref_squeeze %dma_start3A_1147 : memref<1x128xi32, #tpu.memory_space<vmem>> -> memref<128xi32, #tpu.memory_space<vmem>>
      %dma_start3A_1149 = arith.constant 0 : i32
      %dma_start3A_1150 = arith.constant 0 : i32
      %dma_start3A_1151 = tpu.memref_slice %arg2[%dma_start3A_1149, %dma_start3A_1150] : memref<20000x64xf32, #tpu.memory_space<hbm>> -> memref<20000x64xf32, #tpu.memory_space<hbm>>
      tpu.enqueue_indirect_dma source(%dma_start3A_1151 : memref<20000x64xf32, #tpu.memory_space<hbm>>) target(%dma_start3A_1145 : memref<128x64xf32, #tpu.memory_space<vmem>>) offsets(%dma_start3A_1148 : memref<128xi32, #tpu.memory_space<vmem>>) semaphore(%arg11 : memref<!tpu.dma_semaphore, #tpu.memory_space<semaphore_mem>>)
      %mul3A_1152 = arith.constant 4 : i32
      %mul3A_1153 = arith.muli %add3A_1106, %mul3A_1152 : i32
      %add3A_1154 = arith.constant 3 : i32
      %add3A_1155 = arith.addi %mul3A_1153, %add3A_1154 : i32
      %dma_start3A_1156 = arith.constant 3 : i32
      %dma_start3A_1157 = arith.constant 0 : i32
      %dma_start3A_1158 = arith.constant 0 : i32
      %dma_start3A_1159 = tpu.memref_slice %arg9[%dma_start3A_1156, %dma_start3A_1157, %dma_start3A_1158] : memref<8x128x64xf32, #tpu.memory_space<vmem>> -> memref<1x128x64xf32, #tpu.memory_space<vmem>>
      %dma_start3A_1160 = tpu.memref_squeeze %dma_start3A_1159 : memref<1x128x64xf32, #tpu.memory_space<vmem>> -> memref<128x64xf32, #tpu.memory_space<vmem>>
      %dma_start3A_1161 = arith.constant 0 : i32
      %dma_start3A_1162 = tpu.memref_slice %arg7[%add3A_1155, %dma_start3A_1161] : memref<80x128xi32, #tpu.memory_space<vmem>> -> memref<1x128xi32, #tpu.memory_space<vmem>>
      %dma_start3A_1163 = tpu.memref_squeeze %dma_start3A_1162 : memref<1x128xi32, #tpu.memory_space<vmem>> -> memref<128xi32, #tpu.memory_space<vmem>>
      %dma_start3A_1164 = arith.constant 0 : i32
      %dma_start3A_1165 = arith.constant 0 : i32
      %dma_start3A_1166 = tpu.memref_slice %arg2[%dma_start3A_1164, %dma_start3A_1165] : memref<20000x64xf32, #tpu.memory_space<hbm>> -> memref<20000x64xf32, #tpu.memory_space<hbm>>
      tpu.enqueue_indirect_dma source(%dma_start3A_1166 : memref<20000x64xf32, #tpu.memory_space<hbm>>) target(%dma_start3A_1160 : memref<128x64xf32, #tpu.memory_space<vmem>>) offsets(%dma_start3A_1163 : memref<128xi32, #tpu.memory_space<vmem>>) semaphore(%arg11 : memref<!tpu.dma_semaphore, #tpu.memory_space<semaphore_mem>>)
      %mul3A_1167 = arith.constant 2 : i32
      %mul3A_1168 = arith.muli %mul3A_1167, %scan3A_787 : i32
      %add3A_1169 = arith.constant 1 : i32
      %add3A_1170 = arith.addi %mul3A_1168, %add3A_1169 : i32
      %mul3A_1171 = arith.constant 4 : i32
      %mul3A_1172 = arith.muli %add3A_1170, %mul3A_1171 : i32
      %add3A_1173 = arith.constant 0 : i32
      %add3A_1174 = arith.addi %mul3A_1172, %add3A_1173 : i32
      %dma_wait3A_1175 = arith.constant 4 : i32
      %dma_wait3A_1176 = arith.constant 0 : i32
      %dma_wait3A_1177 = arith.constant 0 : i32
      %dma_wait3A_1178 = tpu.memref_slice %arg9[%dma_wait3A_1175, %dma_wait3A_1176, %dma_wait3A_1177] : memref<8x128x64xf32, #tpu.memory_space<vmem>> -> memref<1x128x64xf32, #tpu.memory_space<vmem>>
      %dma_wait3A_1179 = tpu.memref_squeeze %dma_wait3A_1178 : memref<1x128x64xf32, #tpu.memory_space<vmem>> -> memref<128x64xf32, #tpu.memory_space<vmem>>
      %dma_wait3A_1180 = arith.constant 0 : i32
      %dma_wait3A_1181 = tpu.memref_slice %arg8[%add3A_1174, %dma_wait3A_1180] : memref<80x128xi32, #tpu.memory_space<vmem>> -> memref<1x128xi32, #tpu.memory_space<vmem>>
      %dma_wait3A_1182 = tpu.memref_squeeze %dma_wait3A_1181 : memref<1x128xi32, #tpu.memory_space<vmem>> -> memref<128xi32, #tpu.memory_space<vmem>>
      %dma_wait3A_1183 = arith.constant 0 : i32
      %dma_wait3A_1184 = arith.constant 0 : i32
      %dma_wait3A_1185 = tpu.memref_slice %arg10[%dma_wait3A_1183, %dma_wait3A_1184] : memref<10240x64xf32, #tpu.memory_space<vmem_shared>> -> memref<10240x64xf32, #tpu.memory_space<vmem_shared>>
      tpu.wait_indirect_dma semaphore(%arg14 : memref<!tpu.dma_semaphore, #tpu.memory_space<semaphore_mem>>) src(%dma_wait3A_1179 : memref<128x64xf32, #tpu.memory_space<vmem>>) dst(%dma_wait3A_1185 : memref<10240x64xf32, #tpu.memory_space<vmem_shared>>)
      %mul3A_1186 = arith.constant 4 : i32
      %mul3A_1187 = arith.muli %add3A_1170, %mul3A_1186 : i32
      %add3A_1188 = arith.constant 1 : i32
      %add3A_1189 = arith.addi %mul3A_1187, %add3A_1188 : i32
      %dma_wait3A_1190 = arith.constant 5 : i32
      %dma_wait3A_1191 = arith.constant 0 : i32
      %dma_wait3A_1192 = arith.constant 0 : i32
      %dma_wait3A_1193 = tpu.memref_slice %arg9[%dma_wait3A_1190, %dma_wait3A_1191, %dma_wait3A_1192] : memref<8x128x64xf32, #tpu.memory_space<vmem>> -> memref<1x128x64xf32, #tpu.memory_space<vmem>>
      %dma_wait3A_1194 = tpu.memref_squeeze %dma_wait3A_1193 : memref<1x128x64xf32, #tpu.memory_space<vmem>> -> memref<128x64xf32, #tpu.memory_space<vmem>>
      %dma_wait3A_1195 = arith.constant 0 : i32
      %dma_wait3A_1196 = tpu.memref_slice %arg8[%add3A_1189, %dma_wait3A_1195] : memref<80x128xi32, #tpu.memory_space<vmem>> -> memref<1x128xi32, #tpu.memory_space<vmem>>
      %dma_wait3A_1197 = tpu.memref_squeeze %dma_wait3A_1196 : memref<1x128xi32, #tpu.memory_space<vmem>> -> memref<128xi32, #tpu.memory_space<vmem>>
      %dma_wait3A_1198 = arith.constant 0 : i32
      %dma_wait3A_1199 = arith.constant 0 : i32
      %dma_wait3A_1200 = tpu.memref_slice %arg10[%dma_wait3A_1198, %dma_wait3A_1199] : memref<10240x64xf32, #tpu.memory_space<vmem_shared>> -> memref<10240x64xf32, #tpu.memory_space<vmem_shared>>
      tpu.wait_indirect_dma semaphore(%arg14 : memref<!tpu.dma_semaphore, #tpu.memory_space<semaphore_mem>>) src(%dma_wait3A_1194 : memref<128x64xf32, #tpu.memory_space<vmem>>) dst(%dma_wait3A_1200 : memref<10240x64xf32, #tpu.memory_space<vmem_shared>>)
      %mul3A_1201 = arith.constant 4 : i32
      %mul3A_1202 = arith.muli %add3A_1170, %mul3A_1201 : i32
      %add3A_1203 = arith.constant 2 : i32
      %add3A_1204 = arith.addi %mul3A_1202, %add3A_1203 : i32
      %dma_wait3A_1205 = arith.constant 6 : i32
      %dma_wait3A_1206 = arith.constant 0 : i32
      %dma_wait3A_1207 = arith.constant 0 : i32
      %dma_wait3A_1208 = tpu.memref_slice %arg9[%dma_wait3A_1205, %dma_wait3A_1206, %dma_wait3A_1207] : memref<8x128x64xf32, #tpu.memory_space<vmem>> -> memref<1x128x64xf32, #tpu.memory_space<vmem>>
      %dma_wait3A_1209 = tpu.memref_squeeze %dma_wait3A_1208 : memref<1x128x64xf32, #tpu.memory_space<vmem>> -> memref<128x64xf32, #tpu.memory_space<vmem>>
      %dma_wait3A_1210 = arith.constant 0 : i32
      %dma_wait3A_1211 = tpu.memref_slice %arg8[%add3A_1204, %dma_wait3A_1210] : memref<80x128xi32, #tpu.memory_space<vmem>> -> memref<1x128xi32, #tpu.memory_space<vmem>>
      %dma_wait3A_1212 = tpu.memref_squeeze %dma_wait3A_1211 : memref<1x128xi32, #tpu.memory_space<vmem>> -> memref<128xi32, #tpu.memory_space<vmem>>
      %dma_wait3A_1213 = arith.constant 0 : i32
      %dma_wait3A_1214 = arith.constant 0 : i32
      %dma_wait3A_1215 = tpu.memref_slice %arg10[%dma_wait3A_1213, %dma_wait3A_1214] : memref<10240x64xf32, #tpu.memory_space<vmem_shared>> -> memref<10240x64xf32, #tpu.memory_space<vmem_shared>>
      tpu.wait_indirect_dma semaphore(%arg14 : memref<!tpu.dma_semaphore, #tpu.memory_space<semaphore_mem>>) src(%dma_wait3A_1209 : memref<128x64xf32, #tpu.memory_space<vmem>>) dst(%dma_wait3A_1215 : memref<10240x64xf32, #tpu.memory_space<vmem_shared>>)
      %mul3A_1216 = arith.constant 4 : i32
      %mul3A_1217 = arith.muli %add3A_1170, %mul3A_1216 : i32
      %add3A_1218 = arith.constant 3 : i32
      %add3A_1219 = arith.addi %mul3A_1217, %add3A_1218 : i32
      %dma_wait3A_1220 = arith.constant 7 : i32
      %dma_wait3A_1221 = arith.constant 0 : i32
      %dma_wait3A_1222 = arith.constant 0 : i32
      %dma_wait3A_1223 = tpu.memref_slice %arg9[%dma_wait3A_1220, %dma_wait3A_1221, %dma_wait3A_1222] : memref<8x128x64xf32, #tpu.memory_space<vmem>> -> memref<1x128x64xf32, #tpu.memory_space<vmem>>
      %dma_wait3A_1224 = tpu.memref_squeeze %dma_wait3A_1223 : memref<1x128x64xf32, #tpu.memory_space<vmem>> -> memref<128x64xf32, #tpu.memory_space<vmem>>
      %dma_wait3A_1225 = arith.constant 0 : i32
      %dma_wait3A_1226 = tpu.memref_slice %arg8[%add3A_1219, %dma_wait3A_1225] : memref<80x128xi32, #tpu.memory_space<vmem>> -> memref<1x128xi32, #tpu.memory_space<vmem>>
      %dma_wait3A_1227 = tpu.memref_squeeze %dma_wait3A_1226 : memref<1x128xi32, #tpu.memory_space<vmem>> -> memref<128xi32, #tpu.memory_space<vmem>>
      %dma_wait3A_1228 = arith.constant 0 : i32
      %dma_wait3A_1229 = arith.constant 0 : i32
      %dma_wait3A_1230 = tpu.memref_slice %arg10[%dma_wait3A_1228, %dma_wait3A_1229] : memref<10240x64xf32, #tpu.memory_space<vmem_shared>> -> memref<10240x64xf32, #tpu.memory_space<vmem_shared>>
      tpu.wait_indirect_dma semaphore(%arg14 : memref<!tpu.dma_semaphore, #tpu.memory_space<semaphore_mem>>) src(%dma_wait3A_1224 : memref<128x64xf32, #tpu.memory_space<vmem>>) dst(%dma_wait3A_1230 : memref<10240x64xf32, #tpu.memory_space<vmem_shared>>)
      %mul3A_1231 = arith.constant 2 : i32
      %mul3A_1232 = arith.muli %mul3A_1231, %scan3A_787 : i32
      %add3A_1233 = arith.constant 3 : i32
      %add3A_1234 = arith.addi %mul3A_1232, %add3A_1233 : i32
      %mul3A_1235 = arith.constant 4 : i32
      %mul3A_1236 = arith.muli %add3A_1234, %mul3A_1235 : i32
      %add3A_1237 = arith.constant 0 : i32
      %add3A_1238 = arith.addi %mul3A_1236, %add3A_1237 : i32
      %dma_start3A_1239 = arith.constant 4 : i32
      %dma_start3A_1240 = arith.constant 0 : i32
      %dma_start3A_1241 = arith.constant 0 : i32
      %dma_start3A_1242 = tpu.memref_slice %arg9[%dma_start3A_1239, %dma_start3A_1240, %dma_start3A_1241] : memref<8x128x64xf32, #tpu.memory_space<vmem>> -> memref<1x128x64xf32, #tpu.memory_space<vmem>>
      %dma_start3A_1243 = tpu.memref_squeeze %dma_start3A_1242 : memref<1x128x64xf32, #tpu.memory_space<vmem>> -> memref<128x64xf32, #tpu.memory_space<vmem>>
      %dma_start3A_1244 = arith.constant 0 : i32
      %dma_start3A_1245 = tpu.memref_slice %arg7[%add3A_1238, %dma_start3A_1244] : memref<80x128xi32, #tpu.memory_space<vmem>> -> memref<1x128xi32, #tpu.memory_space<vmem>>
      %dma_start3A_1246 = tpu.memref_squeeze %dma_start3A_1245 : memref<1x128xi32, #tpu.memory_space<vmem>> -> memref<128xi32, #tpu.memory_space<vmem>>
      %dma_start3A_1247 = arith.constant 0 : i32
      %dma_start3A_1248 = arith.constant 0 : i32
      %dma_start3A_1249 = tpu.memref_slice %arg2[%dma_start3A_1247, %dma_start3A_1248] : memref<20000x64xf32, #tpu.memory_space<hbm>> -> memref<20000x64xf32, #tpu.memory_space<hbm>>
      tpu.enqueue_indirect_dma source(%dma_start3A_1249 : memref<20000x64xf32, #tpu.memory_space<hbm>>) target(%dma_start3A_1243 : memref<128x64xf32, #tpu.memory_space<vmem>>) offsets(%dma_start3A_1246 : memref<128xi32, #tpu.memory_space<vmem>>) semaphore(%arg12 : memref<!tpu.dma_semaphore, #tpu.memory_space<semaphore_mem>>)
      %mul3A_1250 = arith.constant 4 : i32
      %mul3A_1251 = arith.muli %add3A_1234, %mul3A_1250 : i32
      %add3A_1252 = arith.constant 1 : i32
      %add3A_1253 = arith.addi %mul3A_1251, %add3A_1252 : i32
      %dma_start3A_1254 = arith.constant 5 : i32
      %dma_start3A_1255 = arith.constant 0 : i32
      %dma_start3A_1256 = arith.constant 0 : i32
      %dma_start3A_1257 = tpu.memref_slice %arg9[%dma_start3A_1254, %dma_start3A_1255, %dma_start3A_1256] : memref<8x128x64xf32, #tpu.memory_space<vmem>> -> memref<1x128x64xf32, #tpu.memory_space<vmem>>
      %dma_start3A_1258 = tpu.memref_squeeze %dma_start3A_1257 : memref<1x128x64xf32, #tpu.memory_space<vmem>> -> memref<128x64xf32, #tpu.memory_space<vmem>>
      %dma_start3A_1259 = arith.constant 0 : i32
      %dma_start3A_1260 = tpu.memref_slice %arg7[%add3A_1253, %dma_start3A_1259] : memref<80x128xi32, #tpu.memory_space<vmem>> -> memref<1x128xi32, #tpu.memory_space<vmem>>
      %dma_start3A_1261 = tpu.memref_squeeze %dma_start3A_1260 : memref<1x128xi32, #tpu.memory_space<vmem>> -> memref<128xi32, #tpu.memory_space<vmem>>
      %dma_start3A_1262 = arith.constant 0 : i32
      %dma_start3A_1263 = arith.constant 0 : i32
      %dma_start3A_1264 = tpu.memref_slice %arg2[%dma_start3A_1262, %dma_start3A_1263] : memref<20000x64xf32, #tpu.memory_space<hbm>> -> memref<20000x64xf32, #tpu.memory_space<hbm>>
      tpu.enqueue_indirect_dma source(%dma_start3A_1264 : memref<20000x64xf32, #tpu.memory_space<hbm>>) target(%dma_start3A_1258 : memref<128x64xf32, #tpu.memory_space<vmem>>) offsets(%dma_start3A_1261 : memref<128xi32, #tpu.memory_space<vmem>>) semaphore(%arg12 : memref<!tpu.dma_semaphore, #tpu.memory_space<semaphore_mem>>)
      %mul3A_1265 = arith.constant 4 : i32
      %mul3A_1266 = arith.muli %add3A_1234, %mul3A_1265 : i32
      %add3A_1267 = arith.constant 2 : i32
      %add3A_1268 = arith.addi %mul3A_1266, %add3A_1267 : i32
      %dma_start3A_1269 = arith.constant 6 : i32
      %dma_start3A_1270 = arith.constant 0 : i32
      %dma_start3A_1271 = arith.constant 0 : i32
      %dma_start3A_1272 = tpu.memref_slice %arg9[%dma_start3A_1269, %dma_start3A_1270, %dma_start3A_1271] : memref<8x128x64xf32, #tpu.memory_space<vmem>> -> memref<1x128x64xf32, #tpu.memory_space<vmem>>
      %dma_start3A_1273 = tpu.memref_squeeze %dma_start3A_1272 : memref<1x128x64xf32, #tpu.memory_space<vmem>> -> memref<128x64xf32, #tpu.memory_space<vmem>>
      %dma_start3A_1274 = arith.constant 0 : i32
      %dma_start3A_1275 = tpu.memref_slice %arg7[%add3A_1268, %dma_start3A_1274] : memref<80x128xi32, #tpu.memory_space<vmem>> -> memref<1x128xi32, #tpu.memory_space<vmem>>
      %dma_start3A_1276 = tpu.memref_squeeze %dma_start3A_1275 : memref<1x128xi32, #tpu.memory_space<vmem>> -> memref<128xi32, #tpu.memory_space<vmem>>
      %dma_start3A_1277 = arith.constant 0 : i32
      %dma_start3A_1278 = arith.constant 0 : i32
      %dma_start3A_1279 = tpu.memref_slice %arg2[%dma_start3A_1277, %dma_start3A_1278] : memref<20000x64xf32, #tpu.memory_space<hbm>> -> memref<20000x64xf32, #tpu.memory_space<hbm>>
      tpu.enqueue_indirect_dma source(%dma_start3A_1279 : memref<20000x64xf32, #tpu.memory_space<hbm>>) target(%dma_start3A_1273 : memref<128x64xf32, #tpu.memory_space<vmem>>) offsets(%dma_start3A_1276 : memref<128xi32, #tpu.memory_space<vmem>>) semaphore(%arg12 : memref<!tpu.dma_semaphore, #tpu.memory_space<semaphore_mem>>)
      %mul3A_1280 = arith.constant 4 : i32
      %mul3A_1281 = arith.muli %add3A_1234, %mul3A_1280 : i32
      %add3A_1282 = arith.constant 3 : i32
      %add3A_1283 = arith.addi %mul3A_1281, %add3A_1282 : i32
      %dma_start3A_1284 = arith.constant 7 : i32
      %dma_start3A_1285 = arith.constant 0 : i32
      %dma_start3A_1286 = arith.constant 0 : i32
      %dma_start3A_1287 = tpu.memref_slice %arg9[%dma_start3A_1284, %dma_start3A_1285, %dma_start3A_1286] : memref<8x128x64xf32, #tpu.memory_space<vmem>> -> memref<1x128x64xf32, #tpu.memory_space<vmem>>
      %dma_start3A_1288 = tpu.memref_squeeze %dma_start3A_1287 : memref<1x128x64xf32, #tpu.memory_space<vmem>> -> memref<128x64xf32, #tpu.memory_space<vmem>>
      %dma_start3A_1289 = arith.constant 0 : i32
      %dma_start3A_1290 = tpu.memref_slice %arg7[%add3A_1283, %dma_start3A_1289] : memref<80x128xi32, #tpu.memory_space<vmem>> -> memref<1x128xi32, #tpu.memory_space<vmem>>
      %dma_start3A_1291 = tpu.memref_squeeze %dma_start3A_1290 : memref<1x128xi32, #tpu.memory_space<vmem>> -> memref<128xi32, #tpu.memory_space<vmem>>
      %dma_start3A_1292 = arith.constant 0 : i32
      %dma_start3A_1293 = arith.constant 0 : i32
      %dma_start3A_1294 = tpu.memref_slice %arg2[%dma_start3A_1292, %dma_start3A_1293] : memref<20000x64xf32, #tpu.memory_space<hbm>> -> memref<20000x64xf32, #tpu.memory_space<hbm>>
      tpu.enqueue_indirect_dma source(%dma_start3A_1294 : memref<20000x64xf32, #tpu.memory_space<hbm>>) target(%dma_start3A_1288 : memref<128x64xf32, #tpu.memory_space<vmem>>) offsets(%dma_start3A_1291 : memref<128xi32, #tpu.memory_space<vmem>>) semaphore(%arg12 : memref<!tpu.dma_semaphore, #tpu.memory_space<semaphore_mem>>)
      %scan3A_1295 = arith.constant 0 : i32
      scf.yield %scan3A_1295 : i32
    }
    %scan3A_127 = arith.constant 9 : i32
    %dma_wait3A_128 = arith.constant 72 : i32
    %dma_wait3A_129 = arith.constant 0 : i32
    %dma_wait3A_130 = arith.constant 0 : i32
    %dma_wait3A_131 = arith.constant 0 : i32
    %dma_wait3A_132 = tpu.memref_slice %arg9[%dma_wait3A_129, %dma_wait3A_130, %dma_wait3A_131] : memref<8x128x64xf32, #tpu.memory_space<vmem>> -> memref<1x128x64xf32, #tpu.memory_space<vmem>>
    %dma_wait3A_133 = tpu.memref_squeeze %dma_wait3A_132 : memref<1x128x64xf32, #tpu.memory_space<vmem>> -> memref<128x64xf32, #tpu.memory_space<vmem>>
    %dma_wait3A_134 = arith.constant 0 : i32
    %dma_wait3A_135 = tpu.memref_slice %arg7[%dma_wait3A_128, %dma_wait3A_134] : memref<80x128xi32, #tpu.memory_space<vmem>> -> memref<1x128xi32, #tpu.memory_space<vmem>>
    %dma_wait3A_136 = tpu.memref_squeeze %dma_wait3A_135 : memref<1x128xi32, #tpu.memory_space<vmem>> -> memref<128xi32, #tpu.memory_space<vmem>>
    %dma_wait3A_137 = arith.constant 0 : i32
    %dma_wait3A_138 = arith.constant 0 : i32
    %dma_wait3A_139 = tpu.memref_slice %arg2[%dma_wait3A_137, %dma_wait3A_138] : memref<20000x64xf32, #tpu.memory_space<hbm>> -> memref<20000x64xf32, #tpu.memory_space<hbm>>
    tpu.wait_indirect_dma semaphore(%arg11 : memref<!tpu.dma_semaphore, #tpu.memory_space<semaphore_mem>>) src(%dma_wait3A_139 : memref<20000x64xf32, #tpu.memory_space<hbm>>) dst(%dma_wait3A_133 : memref<128x64xf32, #tpu.memory_space<vmem>>)
    %dma_wait3A_140 = arith.constant 73 : i32
    %dma_wait3A_141 = arith.constant 1 : i32
    %dma_wait3A_142 = arith.constant 0 : i32
    %dma_wait3A_143 = arith.constant 0 : i32
    %dma_wait3A_144 = tpu.memref_slice %arg9[%dma_wait3A_141, %dma_wait3A_142, %dma_wait3A_143] : memref<8x128x64xf32, #tpu.memory_space<vmem>> -> memref<1x128x64xf32, #tpu.memory_space<vmem>>
    %dma_wait3A_145 = tpu.memref_squeeze %dma_wait3A_144 : memref<1x128x64xf32, #tpu.memory_space<vmem>> -> memref<128x64xf32, #tpu.memory_space<vmem>>
    %dma_wait3A_146 = arith.constant 0 : i32
    %dma_wait3A_147 = tpu.memref_slice %arg7[%dma_wait3A_140, %dma_wait3A_146] : memref<80x128xi32, #tpu.memory_space<vmem>> -> memref<1x128xi32, #tpu.memory_space<vmem>>
    %dma_wait3A_148 = tpu.memref_squeeze %dma_wait3A_147 : memref<1x128xi32, #tpu.memory_space<vmem>> -> memref<128xi32, #tpu.memory_space<vmem>>
    %dma_wait3A_149 = arith.constant 0 : i32
    %dma_wait3A_150 = arith.constant 0 : i32
    %dma_wait3A_151 = tpu.memref_slice %arg2[%dma_wait3A_149, %dma_wait3A_150] : memref<20000x64xf32, #tpu.memory_space<hbm>> -> memref<20000x64xf32, #tpu.memory_space<hbm>>
    tpu.wait_indirect_dma semaphore(%arg11 : memref<!tpu.dma_semaphore, #tpu.memory_space<semaphore_mem>>) src(%dma_wait3A_151 : memref<20000x64xf32, #tpu.memory_space<hbm>>) dst(%dma_wait3A_145 : memref<128x64xf32, #tpu.memory_space<vmem>>)
    %dma_wait3A_152 = arith.constant 74 : i32
    %dma_wait3A_153 = arith.constant 2 : i32
    %dma_wait3A_154 = arith.constant 0 : i32
    %dma_wait3A_155 = arith.constant 0 : i32
    %dma_wait3A_156 = tpu.memref_slice %arg9[%dma_wait3A_153, %dma_wait3A_154, %dma_wait3A_155] : memref<8x128x64xf32, #tpu.memory_space<vmem>> -> memref<1x128x64xf32, #tpu.memory_space<vmem>>
    %dma_wait3A_157 = tpu.memref_squeeze %dma_wait3A_156 : memref<1x128x64xf32, #tpu.memory_space<vmem>> -> memref<128x64xf32, #tpu.memory_space<vmem>>
    %dma_wait3A_158 = arith.constant 0 : i32
    %dma_wait3A_159 = tpu.memref_slice %arg7[%dma_wait3A_152, %dma_wait3A_158] : memref<80x128xi32, #tpu.memory_space<vmem>> -> memref<1x128xi32, #tpu.memory_space<vmem>>
    %dma_wait3A_160 = tpu.memref_squeeze %dma_wait3A_159 : memref<1x128xi32, #tpu.memory_space<vmem>> -> memref<128xi32, #tpu.memory_space<vmem>>
    %dma_wait3A_161 = arith.constant 0 : i32
    %dma_wait3A_162 = arith.constant 0 : i32
    %dma_wait3A_163 = tpu.memref_slice %arg2[%dma_wait3A_161, %dma_wait3A_162] : memref<20000x64xf32, #tpu.memory_space<hbm>> -> memref<20000x64xf32, #tpu.memory_space<hbm>>
    tpu.wait_indirect_dma semaphore(%arg11 : memref<!tpu.dma_semaphore, #tpu.memory_space<semaphore_mem>>) src(%dma_wait3A_163 : memref<20000x64xf32, #tpu.memory_space<hbm>>) dst(%dma_wait3A_157 : memref<128x64xf32, #tpu.memory_space<vmem>>)
    %dma_wait3A_164 = arith.constant 75 : i32
    %dma_wait3A_165 = arith.constant 3 : i32
    %dma_wait3A_166 = arith.constant 0 : i32
    %dma_wait3A_167 = arith.constant 0 : i32
    %dma_wait3A_168 = tpu.memref_slice %arg9[%dma_wait3A_165, %dma_wait3A_166, %dma_wait3A_167] : memref<8x128x64xf32, #tpu.memory_space<vmem>> -> memref<1x128x64xf32, #tpu.memory_space<vmem>>
    %dma_wait3A_169 = tpu.memref_squeeze %dma_wait3A_168 : memref<1x128x64xf32, #tpu.memory_space<vmem>> -> memref<128x64xf32, #tpu.memory_space<vmem>>
    %dma_wait3A_170 = arith.constant 0 : i32
    %dma_wait3A_171 = tpu.memref_slice %arg7[%dma_wait3A_164, %dma_wait3A_170] : memref<80x128xi32, #tpu.memory_space<vmem>> -> memref<1x128xi32, #tpu.memory_space<vmem>>
    %dma_wait3A_172 = tpu.memref_squeeze %dma_wait3A_171 : memref<1x128xi32, #tpu.memory_space<vmem>> -> memref<128xi32, #tpu.memory_space<vmem>>
    %dma_wait3A_173 = arith.constant 0 : i32
    %dma_wait3A_174 = arith.constant 0 : i32
    %dma_wait3A_175 = tpu.memref_slice %arg2[%dma_wait3A_173, %dma_wait3A_174] : memref<20000x64xf32, #tpu.memory_space<hbm>> -> memref<20000x64xf32, #tpu.memory_space<hbm>>
    tpu.wait_indirect_dma semaphore(%arg11 : memref<!tpu.dma_semaphore, #tpu.memory_space<semaphore_mem>>) src(%dma_wait3A_175 : memref<20000x64xf32, #tpu.memory_space<hbm>>) dst(%dma_wait3A_169 : memref<128x64xf32, #tpu.memory_space<vmem>>)
    %dma_start3A_176 = arith.constant 0 : i32
    %dma_start3A_177 = arith.constant 72 : i32
    %dma_start3A_178 = arith.constant 0 : i32
    %dma_start3A_179 = arith.constant 0 : i32
    %dma_start3A_180 = tpu.memref_slice %arg9[%dma_start3A_176, %dma_start3A_178, %dma_start3A_179] : memref<8x128x64xf32, #tpu.memory_space<vmem>> -> memref<1x128x64xf32, #tpu.memory_space<vmem>>
    %dma_start3A_181 = tpu.memref_squeeze %dma_start3A_180 : memref<1x128x64xf32, #tpu.memory_space<vmem>> -> memref<128x64xf32, #tpu.memory_space<vmem>>
    %dma_start3A_182 = arith.constant 0 : i32
    %dma_start3A_183 = tpu.memref_slice %arg8[%dma_start3A_177, %dma_start3A_182] : memref<80x128xi32, #tpu.memory_space<vmem>> -> memref<1x128xi32, #tpu.memory_space<vmem>>
    %dma_start3A_184 = tpu.memref_squeeze %dma_start3A_183 : memref<1x128xi32, #tpu.memory_space<vmem>> -> memref<128xi32, #tpu.memory_space<vmem>>
    %dma_start3A_185 = arith.constant 0 : i32
    %dma_start3A_186 = arith.constant 0 : i32
    %dma_start3A_187 = tpu.memref_slice %arg10[%dma_start3A_185, %dma_start3A_186] : memref<10240x64xf32, #tpu.memory_space<vmem_shared>> -> memref<10240x64xf32, #tpu.memory_space<vmem_shared>>
    tpu.enqueue_indirect_dma source(%dma_start3A_181 : memref<128x64xf32, #tpu.memory_space<vmem>>) target(%dma_start3A_187 : memref<10240x64xf32, #tpu.memory_space<vmem_shared>>) offsets(%dma_start3A_184 : memref<128xi32, #tpu.memory_space<vmem>>) semaphore(%arg13 : memref<!tpu.dma_semaphore, #tpu.memory_space<semaphore_mem>>) {add = true}
    %dma_start3A_188 = arith.constant 1 : i32
    %dma_start3A_189 = arith.constant 73 : i32
    %dma_start3A_190 = arith.constant 0 : i32
    %dma_start3A_191 = arith.constant 0 : i32
    %dma_start3A_192 = tpu.memref_slice %arg9[%dma_start3A_188, %dma_start3A_190, %dma_start3A_191] : memref<8x128x64xf32, #tpu.memory_space<vmem>> -> memref<1x128x64xf32, #tpu.memory_space<vmem>>
    %dma_start3A_193 = tpu.memref_squeeze %dma_start3A_192 : memref<1x128x64xf32, #tpu.memory_space<vmem>> -> memref<128x64xf32, #tpu.memory_space<vmem>>
    %dma_start3A_194 = arith.constant 0 : i32
    %dma_start3A_195 = tpu.memref_slice %arg8[%dma_start3A_189, %dma_start3A_194] : memref<80x128xi32, #tpu.memory_space<vmem>> -> memref<1x128xi32, #tpu.memory_space<vmem>>
    %dma_start3A_196 = tpu.memref_squeeze %dma_start3A_195 : memref<1x128xi32, #tpu.memory_space<vmem>> -> memref<128xi32, #tpu.memory_space<vmem>>
    %dma_start3A_197 = arith.constant 0 : i32
    %dma_start3A_198 = arith.constant 0 : i32
    %dma_start3A_199 = tpu.memref_slice %arg10[%dma_start3A_197, %dma_start3A_198] : memref<10240x64xf32, #tpu.memory_space<vmem_shared>> -> memref<10240x64xf32, #tpu.memory_space<vmem_shared>>
    tpu.enqueue_indirect_dma source(%dma_start3A_193 : memref<128x64xf32, #tpu.memory_space<vmem>>) target(%dma_start3A_199 : memref<10240x64xf32, #tpu.memory_space<vmem_shared>>) offsets(%dma_start3A_196 : memref<128xi32, #tpu.memory_space<vmem>>) semaphore(%arg13 : memref<!tpu.dma_semaphore, #tpu.memory_space<semaphore_mem>>) {add = true}
    %dma_start3A_200 = arith.constant 2 : i32
    %dma_start3A_201 = arith.constant 74 : i32
    %dma_start3A_202 = arith.constant 0 : i32
    %dma_start3A_203 = arith.constant 0 : i32
    %dma_start3A_204 = tpu.memref_slice %arg9[%dma_start3A_200, %dma_start3A_202, %dma_start3A_203] : memref<8x128x64xf32, #tpu.memory_space<vmem>> -> memref<1x128x64xf32, #tpu.memory_space<vmem>>
    %dma_start3A_205 = tpu.memref_squeeze %dma_start3A_204 : memref<1x128x64xf32, #tpu.memory_space<vmem>> -> memref<128x64xf32, #tpu.memory_space<vmem>>
    %dma_start3A_206 = arith.constant 0 : i32
    %dma_start3A_207 = tpu.memref_slice %arg8[%dma_start3A_201, %dma_start3A_206] : memref<80x128xi32, #tpu.memory_space<vmem>> -> memref<1x128xi32, #tpu.memory_space<vmem>>
    %dma_start3A_208 = tpu.memref_squeeze %dma_start3A_207 : memref<1x128xi32, #tpu.memory_space<vmem>> -> memref<128xi32, #tpu.memory_space<vmem>>
    %dma_start3A_209 = arith.constant 0 : i32
    %dma_start3A_210 = arith.constant 0 : i32
    %dma_start3A_211 = tpu.memref_slice %arg10[%dma_start3A_209, %dma_start3A_210] : memref<10240x64xf32, #tpu.memory_space<vmem_shared>> -> memref<10240x64xf32, #tpu.memory_space<vmem_shared>>
    tpu.enqueue_indirect_dma source(%dma_start3A_205 : memref<128x64xf32, #tpu.memory_space<vmem>>) target(%dma_start3A_211 : memref<10240x64xf32, #tpu.memory_space<vmem_shared>>) offsets(%dma_start3A_208 : memref<128xi32, #tpu.memory_space<vmem>>) semaphore(%arg13 : memref<!tpu.dma_semaphore, #tpu.memory_space<semaphore_mem>>) {add = true}
    %dma_start3A_212 = arith.constant 3 : i32
    %dma_start3A_213 = arith.constant 75 : i32
    %dma_start3A_214 = arith.constant 0 : i32
    %dma_start3A_215 = arith.constant 0 : i32
    %dma_start3A_216 = tpu.memref_slice %arg9[%dma_start3A_212, %dma_start3A_214, %dma_start3A_215] : memref<8x128x64xf32, #tpu.memory_space<vmem>> -> memref<1x128x64xf32, #tpu.memory_space<vmem>>
    %dma_start3A_217 = tpu.memref_squeeze %dma_start3A_216 : memref<1x128x64xf32, #tpu.memory_space<vmem>> -> memref<128x64xf32, #tpu.memory_space<vmem>>
    %dma_start3A_218 = arith.constant 0 : i32
    %dma_start3A_219 = tpu.memref_slice %arg8[%dma_start3A_213, %dma_start3A_218] : memref<80x128xi32, #tpu.memory_space<vmem>> -> memref<1x128xi32, #tpu.memory_space<vmem>>
    %dma_start3A_220 = tpu.memref_squeeze %dma_start3A_219 : memref<1x128xi32, #tpu.memory_space<vmem>> -> memref<128xi32, #tpu.memory_space<vmem>>
    %dma_start3A_221 = arith.constant 0 : i32
    %dma_start3A_222 = arith.constant 0 : i32
    %dma_start3A_223 = tpu.memref_slice %arg10[%dma_start3A_221, %dma_start3A_222] : memref<10240x64xf32, #tpu.memory_space<vmem_shared>> -> memref<10240x64xf32, #tpu.memory_space<vmem_shared>>
    tpu.enqueue_indirect_dma source(%dma_start3A_217 : memref<128x64xf32, #tpu.memory_space<vmem>>) target(%dma_start3A_223 : memref<10240x64xf32, #tpu.memory_space<vmem_shared>>) offsets(%dma_start3A_220 : memref<128xi32, #tpu.memory_space<vmem>>) semaphore(%arg13 : memref<!tpu.dma_semaphore, #tpu.memory_space<semaphore_mem>>) {add = true}
    %dma_wait3A_224 = arith.constant 76 : i32
    %dma_wait3A_225 = arith.constant 4 : i32
    %dma_wait3A_226 = arith.constant 0 : i32
    %dma_wait3A_227 = arith.constant 0 : i32
    %dma_wait3A_228 = tpu.memref_slice %arg9[%dma_wait3A_225, %dma_wait3A_226, %dma_wait3A_227] : memref<8x128x64xf32, #tpu.memory_space<vmem>> -> memref<1x128x64xf32, #tpu.memory_space<vmem>>
    %dma_wait3A_229 = tpu.memref_squeeze %dma_wait3A_228 : memref<1x128x64xf32, #tpu.memory_space<vmem>> -> memref<128x64xf32, #tpu.memory_space<vmem>>
    %dma_wait3A_230 = arith.constant 0 : i32
    %dma_wait3A_231 = tpu.memref_slice %arg7[%dma_wait3A_224, %dma_wait3A_230] : memref<80x128xi32, #tpu.memory_space<vmem>> -> memref<1x128xi32, #tpu.memory_space<vmem>>
    %dma_wait3A_232 = tpu.memref_squeeze %dma_wait3A_231 : memref<1x128xi32, #tpu.memory_space<vmem>> -> memref<128xi32, #tpu.memory_space<vmem>>
    %dma_wait3A_233 = arith.constant 0 : i32
    %dma_wait3A_234 = arith.constant 0 : i32
    %dma_wait3A_235 = tpu.memref_slice %arg2[%dma_wait3A_233, %dma_wait3A_234] : memref<20000x64xf32, #tpu.memory_space<hbm>> -> memref<20000x64xf32, #tpu.memory_space<hbm>>
    tpu.wait_indirect_dma semaphore(%arg12 : memref<!tpu.dma_semaphore, #tpu.memory_space<semaphore_mem>>) src(%dma_wait3A_235 : memref<20000x64xf32, #tpu.memory_space<hbm>>) dst(%dma_wait3A_229 : memref<128x64xf32, #tpu.memory_space<vmem>>)
    %dma_wait3A_236 = arith.constant 77 : i32
    %dma_wait3A_237 = arith.constant 5 : i32
    %dma_wait3A_238 = arith.constant 0 : i32
    %dma_wait3A_239 = arith.constant 0 : i32
    %dma_wait3A_240 = tpu.memref_slice %arg9[%dma_wait3A_237, %dma_wait3A_238, %dma_wait3A_239] : memref<8x128x64xf32, #tpu.memory_space<vmem>> -> memref<1x128x64xf32, #tpu.memory_space<vmem>>
    %dma_wait3A_241 = tpu.memref_squeeze %dma_wait3A_240 : memref<1x128x64xf32, #tpu.memory_space<vmem>> -> memref<128x64xf32, #tpu.memory_space<vmem>>
    %dma_wait3A_242 = arith.constant 0 : i32
    %dma_wait3A_243 = tpu.memref_slice %arg7[%dma_wait3A_236, %dma_wait3A_242] : memref<80x128xi32, #tpu.memory_space<vmem>> -> memref<1x128xi32, #tpu.memory_space<vmem>>
    %dma_wait3A_244 = tpu.memref_squeeze %dma_wait3A_243 : memref<1x128xi32, #tpu.memory_space<vmem>> -> memref<128xi32, #tpu.memory_space<vmem>>
    %dma_wait3A_245 = arith.constant 0 : i32
    %dma_wait3A_246 = arith.constant 0 : i32
    %dma_wait3A_247 = tpu.memref_slice %arg2[%dma_wait3A_245, %dma_wait3A_246] : memref<20000x64xf32, #tpu.memory_space<hbm>> -> memref<20000x64xf32, #tpu.memory_space<hbm>>
    tpu.wait_indirect_dma semaphore(%arg12 : memref<!tpu.dma_semaphore, #tpu.memory_space<semaphore_mem>>) src(%dma_wait3A_247 : memref<20000x64xf32, #tpu.memory_space<hbm>>) dst(%dma_wait3A_241 : memref<128x64xf32, #tpu.memory_space<vmem>>)
    %dma_wait3A_248 = arith.constant 78 : i32
    %dma_wait3A_249 = arith.constant 6 : i32
    %dma_wait3A_250 = arith.constant 0 : i32
    %dma_wait3A_251 = arith.constant 0 : i32
    %dma_wait3A_252 = tpu.memref_slice %arg9[%dma_wait3A_249, %dma_wait3A_250, %dma_wait3A_251] : memref<8x128x64xf32, #tpu.memory_space<vmem>> -> memref<1x128x64xf32, #tpu.memory_space<vmem>>
    %dma_wait3A_253 = tpu.memref_squeeze %dma_wait3A_252 : memref<1x128x64xf32, #tpu.memory_space<vmem>> -> memref<128x64xf32, #tpu.memory_space<vmem>>
    %dma_wait3A_254 = arith.constant 0 : i32
    %dma_wait3A_255 = tpu.memref_slice %arg7[%dma_wait3A_248, %dma_wait3A_254] : memref<80x128xi32, #tpu.memory_space<vmem>> -> memref<1x128xi32, #tpu.memory_space<vmem>>
    %dma_wait3A_256 = tpu.memref_squeeze %dma_wait3A_255 : memref<1x128xi32, #tpu.memory_space<vmem>> -> memref<128xi32, #tpu.memory_space<vmem>>
    %dma_wait3A_257 = arith.constant 0 : i32
    %dma_wait3A_258 = arith.constant 0 : i32
    %dma_wait3A_259 = tpu.memref_slice %arg2[%dma_wait3A_257, %dma_wait3A_258] : memref<20000x64xf32, #tpu.memory_space<hbm>> -> memref<20000x64xf32, #tpu.memory_space<hbm>>
    tpu.wait_indirect_dma semaphore(%arg12 : memref<!tpu.dma_semaphore, #tpu.memory_space<semaphore_mem>>) src(%dma_wait3A_259 : memref<20000x64xf32, #tpu.memory_space<hbm>>) dst(%dma_wait3A_253 : memref<128x64xf32, #tpu.memory_space<vmem>>)
    %dma_wait3A_260 = arith.constant 79 : i32
    %dma_wait3A_261 = arith.constant 7 : i32
    %dma_wait3A_262 = arith.constant 0 : i32
    %dma_wait3A_263 = arith.constant 0 : i32
    %dma_wait3A_264 = tpu.memref_slice %arg9[%dma_wait3A_261, %dma_wait3A_262, %dma_wait3A_263] : memref<8x128x64xf32, #tpu.memory_space<vmem>> -> memref<1x128x64xf32, #tpu.memory_space<vmem>>
    %dma_wait3A_265 = tpu.memref_squeeze %dma_wait3A_264 : memref<1x128x64xf32, #tpu.memory_space<vmem>> -> memref<128x64xf32, #tpu.memory_space<vmem>>
    %dma_wait3A_266 = arith.constant 0 : i32
    %dma_wait3A_267 = tpu.memref_slice %arg7[%dma_wait3A_260, %dma_wait3A_266] : memref<80x128xi32, #tpu.memory_space<vmem>> -> memref<1x128xi32, #tpu.memory_space<vmem>>
    %dma_wait3A_268 = tpu.memref_squeeze %dma_wait3A_267 : memref<1x128xi32, #tpu.memory_space<vmem>> -> memref<128xi32, #tpu.memory_space<vmem>>
    %dma_wait3A_269 = arith.constant 0 : i32
    %dma_wait3A_270 = arith.constant 0 : i32
    %dma_wait3A_271 = tpu.memref_slice %arg2[%dma_wait3A_269, %dma_wait3A_270] : memref<20000x64xf32, #tpu.memory_space<hbm>> -> memref<20000x64xf32, #tpu.memory_space<hbm>>
    tpu.wait_indirect_dma semaphore(%arg12 : memref<!tpu.dma_semaphore, #tpu.memory_space<semaphore_mem>>) src(%dma_wait3A_271 : memref<20000x64xf32, #tpu.memory_space<hbm>>) dst(%dma_wait3A_265 : memref<128x64xf32, #tpu.memory_space<vmem>>)
    %dma_start3A_272 = arith.constant 4 : i32
    %dma_start3A_273 = arith.constant 76 : i32
    %dma_start3A_274 = arith.constant 0 : i32
    %dma_start3A_275 = arith.constant 0 : i32
    %dma_start3A_276 = tpu.memref_slice %arg9[%dma_start3A_272, %dma_start3A_274, %dma_start3A_275] : memref<8x128x64xf32, #tpu.memory_space<vmem>> -> memref<1x128x64xf32, #tpu.memory_space<vmem>>
    %dma_start3A_277 = tpu.memref_squeeze %dma_start3A_276 : memref<1x128x64xf32, #tpu.memory_space<vmem>> -> memref<128x64xf32, #tpu.memory_space<vmem>>
    %dma_start3A_278 = arith.constant 0 : i32
    %dma_start3A_279 = tpu.memref_slice %arg8[%dma_start3A_273, %dma_start3A_278] : memref<80x128xi32, #tpu.memory_space<vmem>> -> memref<1x128xi32, #tpu.memory_space<vmem>>
    %dma_start3A_280 = tpu.memref_squeeze %dma_start3A_279 : memref<1x128xi32, #tpu.memory_space<vmem>> -> memref<128xi32, #tpu.memory_space<vmem>>
    %dma_start3A_281 = arith.constant 0 : i32
    %dma_start3A_282 = arith.constant 0 : i32
    %dma_start3A_283 = tpu.memref_slice %arg10[%dma_start3A_281, %dma_start3A_282] : memref<10240x64xf32, #tpu.memory_space<vmem_shared>> -> memref<10240x64xf32, #tpu.memory_space<vmem_shared>>
    tpu.enqueue_indirect_dma source(%dma_start3A_277 : memref<128x64xf32, #tpu.memory_space<vmem>>) target(%dma_start3A_283 : memref<10240x64xf32, #tpu.memory_space<vmem_shared>>) offsets(%dma_start3A_280 : memref<128xi32, #tpu.memory_space<vmem>>) semaphore(%arg14 : memref<!tpu.dma_semaphore, #tpu.memory_space<semaphore_mem>>) {add = true}
    %dma_start3A_284 = arith.constant 5 : i32
    %dma_start3A_285 = arith.constant 77 : i32
    %dma_start3A_286 = arith.constant 0 : i32
    %dma_start3A_287 = arith.constant 0 : i32
    %dma_start3A_288 = tpu.memref_slice %arg9[%dma_start3A_284, %dma_start3A_286, %dma_start3A_287] : memref<8x128x64xf32, #tpu.memory_space<vmem>> -> memref<1x128x64xf32, #tpu.memory_space<vmem>>
    %dma_start3A_289 = tpu.memref_squeeze %dma_start3A_288 : memref<1x128x64xf32, #tpu.memory_space<vmem>> -> memref<128x64xf32, #tpu.memory_space<vmem>>
    %dma_start3A_290 = arith.constant 0 : i32
    %dma_start3A_291 = tpu.memref_slice %arg8[%dma_start3A_285, %dma_start3A_290] : memref<80x128xi32, #tpu.memory_space<vmem>> -> memref<1x128xi32, #tpu.memory_space<vmem>>
    %dma_start3A_292 = tpu.memref_squeeze %dma_start3A_291 : memref<1x128xi32, #tpu.memory_space<vmem>> -> memref<128xi32, #tpu.memory_space<vmem>>
    %dma_start3A_293 = arith.constant 0 : i32
    %dma_start3A_294 = arith.constant 0 : i32
    %dma_start3A_295 = tpu.memref_slice %arg10[%dma_start3A_293, %dma_start3A_294] : memref<10240x64xf32, #tpu.memory_space<vmem_shared>> -> memref<10240x64xf32, #tpu.memory_space<vmem_shared>>
    tpu.enqueue_indirect_dma source(%dma_start3A_289 : memref<128x64xf32, #tpu.memory_space<vmem>>) target(%dma_start3A_295 : memref<10240x64xf32, #tpu.memory_space<vmem_shared>>) offsets(%dma_start3A_292 : memref<128xi32, #tpu.memory_space<vmem>>) semaphore(%arg14 : memref<!tpu.dma_semaphore, #tpu.memory_space<semaphore_mem>>) {add = true}
    %dma_start3A_296 = arith.constant 6 : i32
    %dma_start3A_297 = arith.constant 78 : i32
    %dma_start3A_298 = arith.constant 0 : i32
    %dma_start3A_299 = arith.constant 0 : i32
    %dma_start3A_300 = tpu.memref_slice %arg9[%dma_start3A_296, %dma_start3A_298, %dma_start3A_299] : memref<8x128x64xf32, #tpu.memory_space<vmem>> -> memref<1x128x64xf32, #tpu.memory_space<vmem>>
    %dma_start3A_301 = tpu.memref_squeeze %dma_start3A_300 : memref<1x128x64xf32, #tpu.memory_space<vmem>> -> memref<128x64xf32, #tpu.memory_space<vmem>>
    %dma_start3A_302 = arith.constant 0 : i32
    %dma_start3A_303 = tpu.memref_slice %arg8[%dma_start3A_297, %dma_start3A_302] : memref<80x128xi32, #tpu.memory_space<vmem>> -> memref<1x128xi32, #tpu.memory_space<vmem>>
    %dma_start3A_304 = tpu.memref_squeeze %dma_start3A_303 : memref<1x128xi32, #tpu.memory_space<vmem>> -> memref<128xi32, #tpu.memory_space<vmem>>
    %dma_start3A_305 = arith.constant 0 : i32
    %dma_start3A_306 = arith.constant 0 : i32
    %dma_start3A_307 = tpu.memref_slice %arg10[%dma_start3A_305, %dma_start3A_306] : memref<10240x64xf32, #tpu.memory_space<vmem_shared>> -> memref<10240x64xf32, #tpu.memory_space<vmem_shared>>
    tpu.enqueue_indirect_dma source(%dma_start3A_301 : memref<128x64xf32, #tpu.memory_space<vmem>>) target(%dma_start3A_307 : memref<10240x64xf32, #tpu.memory_space<vmem_shared>>) offsets(%dma_start3A_304 : memref<128xi32, #tpu.memory_space<vmem>>) semaphore(%arg14 : memref<!tpu.dma_semaphore, #tpu.memory_space<semaphore_mem>>) {add = true}
    %dma_start3A_308 = arith.constant 7 : i32
    %dma_start3A_309 = arith.constant 79 : i32
    %dma_start3A_310 = arith.constant 0 : i32
    %dma_start3A_311 = arith.constant 0 : i32
    %dma_start3A_312 = tpu.memref_slice %arg9[%dma_start3A_308, %dma_start3A_310, %dma_start3A_311] : memref<8x128x64xf32, #tpu.memory_space<vmem>> -> memref<1x128x64xf32, #tpu.memory_space<vmem>>
    %dma_start3A_313 = tpu.memref_squeeze %dma_start3A_312 : memref<1x128x64xf32, #tpu.memory_space<vmem>> -> memref<128x64xf32, #tpu.memory_space<vmem>>
    %dma_start3A_314 = arith.constant 0 : i32
    %dma_start3A_315 = tpu.memref_slice %arg8[%dma_start3A_309, %dma_start3A_314] : memref<80x128xi32, #tpu.memory_space<vmem>> -> memref<1x128xi32, #tpu.memory_space<vmem>>
    %dma_start3A_316 = tpu.memref_squeeze %dma_start3A_315 : memref<1x128xi32, #tpu.memory_space<vmem>> -> memref<128xi32, #tpu.memory_space<vmem>>
    %dma_start3A_317 = arith.constant 0 : i32
    %dma_start3A_318 = arith.constant 0 : i32
    %dma_start3A_319 = tpu.memref_slice %arg10[%dma_start3A_317, %dma_start3A_318] : memref<10240x64xf32, #tpu.memory_space<vmem_shared>> -> memref<10240x64xf32, #tpu.memory_space<vmem_shared>>
    tpu.enqueue_indirect_dma source(%dma_start3A_313 : memref<128x64xf32, #tpu.memory_space<vmem>>) target(%dma_start3A_319 : memref<10240x64xf32, #tpu.memory_space<vmem_shared>>) offsets(%dma_start3A_316 : memref<128xi32, #tpu.memory_space<vmem>>) semaphore(%arg14 : memref<!tpu.dma_semaphore, #tpu.memory_space<semaphore_mem>>) {add = true}
    %dma_wait3A_320 = arith.constant 0 : i32
    %dma_wait3A_321 = arith.constant 72 : i32
    %dma_wait3A_322 = arith.constant 0 : i32
    %dma_wait3A_323 = arith.constant 0 : i32
    %dma_wait3A_324 = tpu.memref_slice %arg9[%dma_wait3A_320, %dma_wait3A_322, %dma_wait3A_323] : memref<8x128x64xf32, #tpu.memory_space<vmem>> -> memref<1x128x64xf32, #tpu.memory_space<vmem>>
    %dma_wait3A_325 = tpu.memref_squeeze %dma_wait3A_324 : memref<1x128x64xf32, #tpu.memory_space<vmem>> -> memref<128x64xf32, #tpu.memory_space<vmem>>
    %dma_wait3A_326 = arith.constant 0 : i32
    %dma_wait3A_327 = tpu.memref_slice %arg8[%dma_wait3A_321, %dma_wait3A_326] : memref<80x128xi32, #tpu.memory_space<vmem>> -> memref<1x128xi32, #tpu.memory_space<vmem>>
    %dma_wait3A_328 = tpu.memref_squeeze %dma_wait3A_327 : memref<1x128xi32, #tpu.memory_space<vmem>> -> memref<128xi32, #tpu.memory_space<vmem>>
    %dma_wait3A_329 = arith.constant 0 : i32
    %dma_wait3A_330 = arith.constant 0 : i32
    %dma_wait3A_331 = tpu.memref_slice %arg10[%dma_wait3A_329, %dma_wait3A_330] : memref<10240x64xf32, #tpu.memory_space<vmem_shared>> -> memref<10240x64xf32, #tpu.memory_space<vmem_shared>>
    tpu.wait_indirect_dma semaphore(%arg13 : memref<!tpu.dma_semaphore, #tpu.memory_space<semaphore_mem>>) src(%dma_wait3A_325 : memref<128x64xf32, #tpu.memory_space<vmem>>) dst(%dma_wait3A_331 : memref<10240x64xf32, #tpu.memory_space<vmem_shared>>)
    %dma_wait3A_332 = arith.constant 1 : i32
    %dma_wait3A_333 = arith.constant 73 : i32
    %dma_wait3A_334 = arith.constant 0 : i32
    %dma_wait3A_335 = arith.constant 0 : i32
    %dma_wait3A_336 = tpu.memref_slice %arg9[%dma_wait3A_332, %dma_wait3A_334, %dma_wait3A_335] : memref<8x128x64xf32, #tpu.memory_space<vmem>> -> memref<1x128x64xf32, #tpu.memory_space<vmem>>
    %dma_wait3A_337 = tpu.memref_squeeze %dma_wait3A_336 : memref<1x128x64xf32, #tpu.memory_space<vmem>> -> memref<128x64xf32, #tpu.memory_space<vmem>>
    %dma_wait3A_338 = arith.constant 0 : i32
    %dma_wait3A_339 = tpu.memref_slice %arg8[%dma_wait3A_333, %dma_wait3A_338] : memref<80x128xi32, #tpu.memory_space<vmem>> -> memref<1x128xi32, #tpu.memory_space<vmem>>
    %dma_wait3A_340 = tpu.memref_squeeze %dma_wait3A_339 : memref<1x128xi32, #tpu.memory_space<vmem>> -> memref<128xi32, #tpu.memory_space<vmem>>
    %dma_wait3A_341 = arith.constant 0 : i32
    %dma_wait3A_342 = arith.constant 0 : i32
    %dma_wait3A_343 = tpu.memref_slice %arg10[%dma_wait3A_341, %dma_wait3A_342] : memref<10240x64xf32, #tpu.memory_space<vmem_shared>> -> memref<10240x64xf32, #tpu.memory_space<vmem_shared>>
    tpu.wait_indirect_dma semaphore(%arg13 : memref<!tpu.dma_semaphore, #tpu.memory_space<semaphore_mem>>) src(%dma_wait3A_337 : memref<128x64xf32, #tpu.memory_space<vmem>>) dst(%dma_wait3A_343 : memref<10240x64xf32, #tpu.memory_space<vmem_shared>>)
    %dma_wait3A_344 = arith.constant 2 : i32
    %dma_wait3A_345 = arith.constant 74 : i32
    %dma_wait3A_346 = arith.constant 0 : i32
    %dma_wait3A_347 = arith.constant 0 : i32
    %dma_wait3A_348 = tpu.memref_slice %arg9[%dma_wait3A_344, %dma_wait3A_346, %dma_wait3A_347] : memref<8x128x64xf32, #tpu.memory_space<vmem>> -> memref<1x128x64xf32, #tpu.memory_space<vmem>>
    %dma_wait3A_349 = tpu.memref_squeeze %dma_wait3A_348 : memref<1x128x64xf32, #tpu.memory_space<vmem>> -> memref<128x64xf32, #tpu.memory_space<vmem>>
    %dma_wait3A_350 = arith.constant 0 : i32
    %dma_wait3A_351 = tpu.memref_slice %arg8[%dma_wait3A_345, %dma_wait3A_350] : memref<80x128xi32, #tpu.memory_space<vmem>> -> memref<1x128xi32, #tpu.memory_space<vmem>>
    %dma_wait3A_352 = tpu.memref_squeeze %dma_wait3A_351 : memref<1x128xi32, #tpu.memory_space<vmem>> -> memref<128xi32, #tpu.memory_space<vmem>>
    %dma_wait3A_353 = arith.constant 0 : i32
    %dma_wait3A_354 = arith.constant 0 : i32
    %dma_wait3A_355 = tpu.memref_slice %arg10[%dma_wait3A_353, %dma_wait3A_354] : memref<10240x64xf32, #tpu.memory_space<vmem_shared>> -> memref<10240x64xf32, #tpu.memory_space<vmem_shared>>
    tpu.wait_indirect_dma semaphore(%arg13 : memref<!tpu.dma_semaphore, #tpu.memory_space<semaphore_mem>>) src(%dma_wait3A_349 : memref<128x64xf32, #tpu.memory_space<vmem>>) dst(%dma_wait3A_355 : memref<10240x64xf32, #tpu.memory_space<vmem_shared>>)
    %dma_wait3A_356 = arith.constant 3 : i32
    %dma_wait3A_357 = arith.constant 75 : i32
    %dma_wait3A_358 = arith.constant 0 : i32
    %dma_wait3A_359 = arith.constant 0 : i32
    %dma_wait3A_360 = tpu.memref_slice %arg9[%dma_wait3A_356, %dma_wait3A_358, %dma_wait3A_359] : memref<8x128x64xf32, #tpu.memory_space<vmem>> -> memref<1x128x64xf32, #tpu.memory_space<vmem>>
    %dma_wait3A_361 = tpu.memref_squeeze %dma_wait3A_360 : memref<1x128x64xf32, #tpu.memory_space<vmem>> -> memref<128x64xf32, #tpu.memory_space<vmem>>
    %dma_wait3A_362 = arith.constant 0 : i32
    %dma_wait3A_363 = tpu.memref_slice %arg8[%dma_wait3A_357, %dma_wait3A_362] : memref<80x128xi32, #tpu.memory_space<vmem>> -> memref<1x128xi32, #tpu.memory_space<vmem>>
    %dma_wait3A_364 = tpu.memref_squeeze %dma_wait3A_363 : memref<1x128xi32, #tpu.memory_space<vmem>> -> memref<128xi32, #tpu.memory_space<vmem>>
    %dma_wait3A_365 = arith.constant 0 : i32
    %dma_wait3A_366 = arith.constant 0 : i32
    %dma_wait3A_367 = tpu.memref_slice %arg10[%dma_wait3A_365, %dma_wait3A_366] : memref<10240x64xf32, #tpu.memory_space<vmem_shared>> -> memref<10240x64xf32, #tpu.memory_space<vmem_shared>>
    tpu.wait_indirect_dma semaphore(%arg13 : memref<!tpu.dma_semaphore, #tpu.memory_space<semaphore_mem>>) src(%dma_wait3A_361 : memref<128x64xf32, #tpu.memory_space<vmem>>) dst(%dma_wait3A_367 : memref<10240x64xf32, #tpu.memory_space<vmem_shared>>)
    %dma_wait3A_368 = arith.constant 4 : i32
    %dma_wait3A_369 = arith.constant 76 : i32
    %dma_wait3A_370 = arith.constant 0 : i32
    %dma_wait3A_371 = arith.constant 0 : i32
    %dma_wait3A_372 = tpu.memref_slice %arg9[%dma_wait3A_368, %dma_wait3A_370, %dma_wait3A_371] : memref<8x128x64xf32, #tpu.memory_space<vmem>> -> memref<1x128x64xf32, #tpu.memory_space<vmem>>
    %dma_wait3A_373 = tpu.memref_squeeze %dma_wait3A_372 : memref<1x128x64xf32, #tpu.memory_space<vmem>> -> memref<128x64xf32, #tpu.memory_space<vmem>>
    %dma_wait3A_374 = arith.constant 0 : i32
    %dma_wait3A_375 = tpu.memref_slice %arg8[%dma_wait3A_369, %dma_wait3A_374] : memref<80x128xi32, #tpu.memory_space<vmem>> -> memref<1x128xi32, #tpu.memory_space<vmem>>
    %dma_wait3A_376 = tpu.memref_squeeze %dma_wait3A_375 : memref<1x128xi32, #tpu.memory_space<vmem>> -> memref<128xi32, #tpu.memory_space<vmem>>
    %dma_wait3A_377 = arith.constant 0 : i32
    %dma_wait3A_378 = arith.constant 0 : i32
    %dma_wait3A_379 = tpu.memref_slice %arg10[%dma_wait3A_377, %dma_wait3A_378] : memref<10240x64xf32, #tpu.memory_space<vmem_shared>> -> memref<10240x64xf32, #tpu.memory_space<vmem_shared>>
    tpu.wait_indirect_dma semaphore(%arg14 : memref<!tpu.dma_semaphore, #tpu.memory_space<semaphore_mem>>) src(%dma_wait3A_373 : memref<128x64xf32, #tpu.memory_space<vmem>>) dst(%dma_wait3A_379 : memref<10240x64xf32, #tpu.memory_space<vmem_shared>>)
    %dma_wait3A_380 = arith.constant 5 : i32
    %dma_wait3A_381 = arith.constant 77 : i32
    %dma_wait3A_382 = arith.constant 0 : i32
    %dma_wait3A_383 = arith.constant 0 : i32
    %dma_wait3A_384 = tpu.memref_slice %arg9[%dma_wait3A_380, %dma_wait3A_382, %dma_wait3A_383] : memref<8x128x64xf32, #tpu.memory_space<vmem>> -> memref<1x128x64xf32, #tpu.memory_space<vmem>>
    %dma_wait3A_385 = tpu.memref_squeeze %dma_wait3A_384 : memref<1x128x64xf32, #tpu.memory_space<vmem>> -> memref<128x64xf32, #tpu.memory_space<vmem>>
    %dma_wait3A_386 = arith.constant 0 : i32
    %dma_wait3A_387 = tpu.memref_slice %arg8[%dma_wait3A_381, %dma_wait3A_386] : memref<80x128xi32, #tpu.memory_space<vmem>> -> memref<1x128xi32, #tpu.memory_space<vmem>>
    %dma_wait3A_388 = tpu.memref_squeeze %dma_wait3A_387 : memref<1x128xi32, #tpu.memory_space<vmem>> -> memref<128xi32, #tpu.memory_space<vmem>>
    %dma_wait3A_389 = arith.constant 0 : i32
    %dma_wait3A_390 = arith.constant 0 : i32
    %dma_wait3A_391 = tpu.memref_slice %arg10[%dma_wait3A_389, %dma_wait3A_390] : memref<10240x64xf32, #tpu.memory_space<vmem_shared>> -> memref<10240x64xf32, #tpu.memory_space<vmem_shared>>
    tpu.wait_indirect_dma semaphore(%arg14 : memref<!tpu.dma_semaphore, #tpu.memory_space<semaphore_mem>>) src(%dma_wait3A_385 : memref<128x64xf32, #tpu.memory_space<vmem>>) dst(%dma_wait3A_391 : memref<10240x64xf32, #tpu.memory_space<vmem_shared>>)
    %dma_wait3A_392 = arith.constant 6 : i32
    %dma_wait3A_393 = arith.constant 78 : i32
    %dma_wait3A_394 = arith.constant 0 : i32
    %dma_wait3A_395 = arith.constant 0 : i32
    %dma_wait3A_396 = tpu.memref_slice %arg9[%dma_wait3A_392, %dma_wait3A_394, %dma_wait3A_395] : memref<8x128x64xf32, #tpu.memory_space<vmem>> -> memref<1x128x64xf32, #tpu.memory_space<vmem>>
    %dma_wait3A_397 = tpu.memref_squeeze %dma_wait3A_396 : memref<1x128x64xf32, #tpu.memory_space<vmem>> -> memref<128x64xf32, #tpu.memory_space<vmem>>
    %dma_wait3A_398 = arith.constant 0 : i32
    %dma_wait3A_399 = tpu.memref_slice %arg8[%dma_wait3A_393, %dma_wait3A_398] : memref<80x128xi32, #tpu.memory_space<vmem>> -> memref<1x128xi32, #tpu.memory_space<vmem>>
    %dma_wait3A_400 = tpu.memref_squeeze %dma_wait3A_399 : memref<1x128xi32, #tpu.memory_space<vmem>> -> memref<128xi32, #tpu.memory_space<vmem>>
    %dma_wait3A_401 = arith.constant 0 : i32
    %dma_wait3A_402 = arith.constant 0 : i32
    %dma_wait3A_403 = tpu.memref_slice %arg10[%dma_wait3A_401, %dma_wait3A_402] : memref<10240x64xf32, #tpu.memory_space<vmem_shared>> -> memref<10240x64xf32, #tpu.memory_space<vmem_shared>>
    tpu.wait_indirect_dma semaphore(%arg14 : memref<!tpu.dma_semaphore, #tpu.memory_space<semaphore_mem>>) src(%dma_wait3A_397 : memref<128x64xf32, #tpu.memory_space<vmem>>) dst(%dma_wait3A_403 : memref<10240x64xf32, #tpu.memory_space<vmem_shared>>)
    %dma_wait3A_404 = arith.constant 7 : i32
    %dma_wait3A_405 = arith.constant 79 : i32
    %dma_wait3A_406 = arith.constant 0 : i32
    %dma_wait3A_407 = arith.constant 0 : i32
    %dma_wait3A_408 = tpu.memref_slice %arg9[%dma_wait3A_404, %dma_wait3A_406, %dma_wait3A_407] : memref<8x128x64xf32, #tpu.memory_space<vmem>> -> memref<1x128x64xf32, #tpu.memory_space<vmem>>
    %dma_wait3A_409 = tpu.memref_squeeze %dma_wait3A_408 : memref<1x128x64xf32, #tpu.memory_space<vmem>> -> memref<128x64xf32, #tpu.memory_space<vmem>>
    %dma_wait3A_410 = arith.constant 0 : i32
    %dma_wait3A_411 = tpu.memref_slice %arg8[%dma_wait3A_405, %dma_wait3A_410] : memref<80x128xi32, #tpu.memory_space<vmem>> -> memref<1x128xi32, #tpu.memory_space<vmem>>
    %dma_wait3A_412 = tpu.memref_squeeze %dma_wait3A_411 : memref<1x128xi32, #tpu.memory_space<vmem>> -> memref<128xi32, #tpu.memory_space<vmem>>
    %dma_wait3A_413 = arith.constant 0 : i32
    %dma_wait3A_414 = arith.constant 0 : i32
    %dma_wait3A_415 = tpu.memref_slice %arg10[%dma_wait3A_413, %dma_wait3A_414] : memref<10240x64xf32, #tpu.memory_space<vmem_shared>> -> memref<10240x64xf32, #tpu.memory_space<vmem_shared>>
    tpu.wait_indirect_dma semaphore(%arg14 : memref<!tpu.dma_semaphore, #tpu.memory_space<semaphore_mem>>) src(%dma_wait3A_409 : memref<128x64xf32, #tpu.memory_space<vmem>>) dst(%dma_wait3A_415 : memref<10240x64xf32, #tpu.memory_space<vmem_shared>>)
    %barrier3A_416 = arith.constant 0 : index
    tpu.barrier barrier_id(%barrier3A_416)
    %mul3A_417 = arith.constant 640 : i32
    %mul3A_418 = arith.muli %arg1, %mul3A_417 : i32
    %add3A_419 = arith.constant 0 : i32
    %add3A_420 = arith.addi %mul3A_418, %add3A_419 : i32
    %dma_start3A_421 = arith.constant 0 : i32
    %dma_start3A_422 = arith.constant 0 : i32
    %dma_start3A_423 = arith.constant 0 : i32
    %dma_start3A_424 = tpu.memref_slice %arg9[%dma_start3A_421, %dma_start3A_422, %dma_start3A_423] : memref<8x128x64xf32, #tpu.memory_space<vmem>> -> memref<1x128x64xf32, #tpu.memory_space<vmem>>
    %dma_start3A_425 = tpu.memref_squeeze %dma_start3A_424 : memref<1x128x64xf32, #tpu.memory_space<vmem>> -> memref<128x64xf32, #tpu.memory_space<vmem>>
    %dma_start3A_426 = arith.constant 0 : i32
    %dma_start3A_427 = tpu.memref_slice %arg10[%add3A_420, %dma_start3A_426] : memref<10240x64xf32, #tpu.memory_space<vmem_shared>> -> memref<128x64xf32, #tpu.memory_space<vmem_shared>>
    %dma_start3A_428 = arith.constant 0 : i32
    %dma_start3A_429 = arith.constant 0 : i32
    %dma_start3A_430 = tpu.memref_slice %arg9[%dma_start3A_421, %dma_start3A_428, %dma_start3A_429] : memref<8x128x64xf32, #tpu.memory_space<vmem>> -> memref<1x128x64xf32, #tpu.memory_space<vmem>>
    %dma_start3A_431 = tpu.memref_squeeze %dma_start3A_430 : memref<1x128x64xf32, #tpu.memory_space<vmem>> -> memref<128x64xf32, #tpu.memory_space<vmem>>
    %dma_start3A_432 = arith.constant 0 : i32
    %dma_start3A_433 = tpu.memref_slice %arg10[%add3A_420, %dma_start3A_432] : memref<10240x64xf32, #tpu.memory_space<vmem_shared>> -> memref<128x64xf32, #tpu.memory_space<vmem_shared>>
    tpu.enqueue_dma source(%dma_start3A_433 : memref<128x64xf32, #tpu.memory_space<vmem_shared>>) target(%dma_start3A_431 : memref<128x64xf32, #tpu.memory_space<vmem>>) target_semaphore(%arg11 : memref<!tpu.dma_semaphore, #tpu.memory_space<semaphore_mem>>)
    %mul3A_434 = arith.constant 640 : i32
    %mul3A_435 = arith.muli %arg1, %mul3A_434 : i32
    %add3A_436 = arith.constant 128 : i32
    %add3A_437 = arith.addi %mul3A_435, %add3A_436 : i32
    %dma_start3A_438 = arith.constant 1 : i32
    %dma_start3A_439 = arith.constant 0 : i32
    %dma_start3A_440 = arith.constant 0 : i32
    %dma_start3A_441 = tpu.memref_slice %arg9[%dma_start3A_438, %dma_start3A_439, %dma_start3A_440] : memref<8x128x64xf32, #tpu.memory_space<vmem>> -> memref<1x128x64xf32, #tpu.memory_space<vmem>>
    %dma_start3A_442 = tpu.memref_squeeze %dma_start3A_441 : memref<1x128x64xf32, #tpu.memory_space<vmem>> -> memref<128x64xf32, #tpu.memory_space<vmem>>
    %dma_start3A_443 = arith.constant 0 : i32
    %dma_start3A_444 = tpu.memref_slice %arg10[%add3A_437, %dma_start3A_443] : memref<10240x64xf32, #tpu.memory_space<vmem_shared>> -> memref<128x64xf32, #tpu.memory_space<vmem_shared>>
    %dma_start3A_445 = arith.constant 0 : i32
    %dma_start3A_446 = arith.constant 0 : i32
    %dma_start3A_447 = tpu.memref_slice %arg9[%dma_start3A_438, %dma_start3A_445, %dma_start3A_446] : memref<8x128x64xf32, #tpu.memory_space<vmem>> -> memref<1x128x64xf32, #tpu.memory_space<vmem>>
    %dma_start3A_448 = tpu.memref_squeeze %dma_start3A_447 : memref<1x128x64xf32, #tpu.memory_space<vmem>> -> memref<128x64xf32, #tpu.memory_space<vmem>>
    %dma_start3A_449 = arith.constant 0 : i32
    %dma_start3A_450 = tpu.memref_slice %arg10[%add3A_437, %dma_start3A_449] : memref<10240x64xf32, #tpu.memory_space<vmem_shared>> -> memref<128x64xf32, #tpu.memory_space<vmem_shared>>
    tpu.enqueue_dma source(%dma_start3A_450 : memref<128x64xf32, #tpu.memory_space<vmem_shared>>) target(%dma_start3A_448 : memref<128x64xf32, #tpu.memory_space<vmem>>) target_semaphore(%arg11 : memref<!tpu.dma_semaphore, #tpu.memory_space<semaphore_mem>>)
    %mul3A_451 = arith.constant 640 : i32
    %mul3A_452 = arith.muli %arg1, %mul3A_451 : i32
    %add3A_453 = arith.constant 256 : i32
    %add3A_454 = arith.addi %mul3A_452, %add3A_453 : i32
    %dma_start3A_455 = arith.constant 2 : i32
    %dma_start3A_456 = arith.constant 0 : i32
    %dma_start3A_457 = arith.constant 0 : i32
    %dma_start3A_458 = tpu.memref_slice %arg9[%dma_start3A_455, %dma_start3A_456, %dma_start3A_457] : memref<8x128x64xf32, #tpu.memory_space<vmem>> -> memref<1x128x64xf32, #tpu.memory_space<vmem>>
    %dma_start3A_459 = tpu.memref_squeeze %dma_start3A_458 : memref<1x128x64xf32, #tpu.memory_space<vmem>> -> memref<128x64xf32, #tpu.memory_space<vmem>>
    %dma_start3A_460 = arith.constant 0 : i32
    %dma_start3A_461 = tpu.memref_slice %arg10[%add3A_454, %dma_start3A_460] : memref<10240x64xf32, #tpu.memory_space<vmem_shared>> -> memref<128x64xf32, #tpu.memory_space<vmem_shared>>
    %dma_start3A_462 = arith.constant 0 : i32
    %dma_start3A_463 = arith.constant 0 : i32
    %dma_start3A_464 = tpu.memref_slice %arg9[%dma_start3A_455, %dma_start3A_462, %dma_start3A_463] : memref<8x128x64xf32, #tpu.memory_space<vmem>> -> memref<1x128x64xf32, #tpu.memory_space<vmem>>
    %dma_start3A_465 = tpu.memref_squeeze %dma_start3A_464 : memref<1x128x64xf32, #tpu.memory_space<vmem>> -> memref<128x64xf32, #tpu.memory_space<vmem>>
    %dma_start3A_466 = arith.constant 0 : i32
    %dma_start3A_467 = tpu.memref_slice %arg10[%add3A_454, %dma_start3A_466] : memref<10240x64xf32, #tpu.memory_space<vmem_shared>> -> memref<128x64xf32, #tpu.memory_space<vmem_shared>>
    tpu.enqueue_dma source(%dma_start3A_467 : memref<128x64xf32, #tpu.memory_space<vmem_shared>>) target(%dma_start3A_465 : memref<128x64xf32, #tpu.memory_space<vmem>>) target_semaphore(%arg11 : memref<!tpu.dma_semaphore, #tpu.memory_space<semaphore_mem>>)
    %mul3A_468 = arith.constant 640 : i32
    %mul3A_469 = arith.muli %arg1, %mul3A_468 : i32
    %add3A_470 = arith.constant 384 : i32
    %add3A_471 = arith.addi %mul3A_469, %add3A_470 : i32
    %dma_start3A_472 = arith.constant 3 : i32
    %dma_start3A_473 = arith.constant 0 : i32
    %dma_start3A_474 = arith.constant 0 : i32
    %dma_start3A_475 = tpu.memref_slice %arg9[%dma_start3A_472, %dma_start3A_473, %dma_start3A_474] : memref<8x128x64xf32, #tpu.memory_space<vmem>> -> memref<1x128x64xf32, #tpu.memory_space<vmem>>
    %dma_start3A_476 = tpu.memref_squeeze %dma_start3A_475 : memref<1x128x64xf32, #tpu.memory_space<vmem>> -> memref<128x64xf32, #tpu.memory_space<vmem>>
    %dma_start3A_477 = arith.constant 0 : i32
    %dma_start3A_478 = tpu.memref_slice %arg10[%add3A_471, %dma_start3A_477] : memref<10240x64xf32, #tpu.memory_space<vmem_shared>> -> memref<128x64xf32, #tpu.memory_space<vmem_shared>>
    %dma_start3A_479 = arith.constant 0 : i32
    %dma_start3A_480 = arith.constant 0 : i32
    %dma_start3A_481 = tpu.memref_slice %arg9[%dma_start3A_472, %dma_start3A_479, %dma_start3A_480] : memref<8x128x64xf32, #tpu.memory_space<vmem>> -> memref<1x128x64xf32, #tpu.memory_space<vmem>>
    %dma_start3A_482 = tpu.memref_squeeze %dma_start3A_481 : memref<1x128x64xf32, #tpu.memory_space<vmem>> -> memref<128x64xf32, #tpu.memory_space<vmem>>
    %dma_start3A_483 = arith.constant 0 : i32
    %dma_start3A_484 = tpu.memref_slice %arg10[%add3A_471, %dma_start3A_483] : memref<10240x64xf32, #tpu.memory_space<vmem_shared>> -> memref<128x64xf32, #tpu.memory_space<vmem_shared>>
    tpu.enqueue_dma source(%dma_start3A_484 : memref<128x64xf32, #tpu.memory_space<vmem_shared>>) target(%dma_start3A_482 : memref<128x64xf32, #tpu.memory_space<vmem>>) target_semaphore(%arg11 : memref<!tpu.dma_semaphore, #tpu.memory_space<semaphore_mem>>)
    %mul3A_485 = arith.constant 640 : i32
    %mul3A_486 = arith.muli %arg1, %mul3A_485 : i32
    %add3A_487 = arith.constant 512 : i32
    %add3A_488 = arith.addi %mul3A_486, %add3A_487 : i32
    %dma_start3A_489 = arith.constant 4 : i32
    %dma_start3A_490 = arith.constant 0 : i32
    %dma_start3A_491 = arith.constant 0 : i32
    %dma_start3A_492 = tpu.memref_slice %arg9[%dma_start3A_489, %dma_start3A_490, %dma_start3A_491] : memref<8x128x64xf32, #tpu.memory_space<vmem>> -> memref<1x128x64xf32, #tpu.memory_space<vmem>>
    %dma_start3A_493 = tpu.memref_squeeze %dma_start3A_492 : memref<1x128x64xf32, #tpu.memory_space<vmem>> -> memref<128x64xf32, #tpu.memory_space<vmem>>
    %dma_start3A_494 = arith.constant 0 : i32
    %dma_start3A_495 = tpu.memref_slice %arg10[%add3A_488, %dma_start3A_494] : memref<10240x64xf32, #tpu.memory_space<vmem_shared>> -> memref<128x64xf32, #tpu.memory_space<vmem_shared>>
    %dma_start3A_496 = arith.constant 0 : i32
    %dma_start3A_497 = arith.constant 0 : i32
    %dma_start3A_498 = tpu.memref_slice %arg9[%dma_start3A_489, %dma_start3A_496, %dma_start3A_497] : memref<8x128x64xf32, #tpu.memory_space<vmem>> -> memref<1x128x64xf32, #tpu.memory_space<vmem>>
    %dma_start3A_499 = tpu.memref_squeeze %dma_start3A_498 : memref<1x128x64xf32, #tpu.memory_space<vmem>> -> memref<128x64xf32, #tpu.memory_space<vmem>>
    %dma_start3A_500 = arith.constant 0 : i32
    %dma_start3A_501 = tpu.memref_slice %arg10[%add3A_488, %dma_start3A_500] : memref<10240x64xf32, #tpu.memory_space<vmem_shared>> -> memref<128x64xf32, #tpu.memory_space<vmem_shared>>
    tpu.enqueue_dma source(%dma_start3A_501 : memref<128x64xf32, #tpu.memory_space<vmem_shared>>) target(%dma_start3A_499 : memref<128x64xf32, #tpu.memory_space<vmem>>) target_semaphore(%arg11 : memref<!tpu.dma_semaphore, #tpu.memory_space<semaphore_mem>>)
    %mul3A_502 = arith.constant 640 : i32
    %mul3A_503 = arith.muli %arg1, %mul3A_502 : i32
    %add3A_504 = arith.constant 0 : i32
    %add3A_505 = arith.addi %mul3A_503, %add3A_504 : i32
    %dma_wait3A_506 = arith.constant 0 : i32
    %dma_wait3A_507 = arith.constant 0 : i32
    %dma_wait3A_508 = arith.constant 0 : i32
    %dma_wait3A_509 = tpu.memref_slice %arg9[%dma_wait3A_506, %dma_wait3A_507, %dma_wait3A_508] : memref<8x128x64xf32, #tpu.memory_space<vmem>> -> memref<1x128x64xf32, #tpu.memory_space<vmem>>
    %dma_wait3A_510 = tpu.memref_squeeze %dma_wait3A_509 : memref<1x128x64xf32, #tpu.memory_space<vmem>> -> memref<128x64xf32, #tpu.memory_space<vmem>>
    %dma_wait3A_511 = arith.constant 0 : i32
    %dma_wait3A_512 = tpu.memref_slice %arg10[%add3A_505, %dma_wait3A_511] : memref<10240x64xf32, #tpu.memory_space<vmem_shared>> -> memref<128x64xf32, #tpu.memory_space<vmem_shared>>
    %dma_wait3A_513 = arith.constant 0 : i32
    %dma_wait3A_514 = arith.constant 0 : i32
    %dma_wait3A_515 = tpu.memref_slice %arg9[%dma_wait3A_506, %dma_wait3A_513, %dma_wait3A_514] : memref<8x128x64xf32, #tpu.memory_space<vmem>> -> memref<1x128x64xf32, #tpu.memory_space<vmem>>
    %dma_wait3A_516 = tpu.memref_squeeze %dma_wait3A_515 : memref<1x128x64xf32, #tpu.memory_space<vmem>> -> memref<128x64xf32, #tpu.memory_space<vmem>>
    %dma_wait3A_517 = arith.constant 0 : i32
    %dma_wait3A_518 = tpu.memref_slice %arg10[%add3A_505, %dma_wait3A_517] : memref<10240x64xf32, #tpu.memory_space<vmem_shared>> -> memref<128x64xf32, #tpu.memory_space<vmem_shared>>
    tpu.wait_dma2 semaphore(%arg11 : memref<!tpu.dma_semaphore, #tpu.memory_space<semaphore_mem>>) src(%dma_wait3A_518 : memref<128x64xf32, #tpu.memory_space<vmem_shared>>) dst(%dma_wait3A_516 : memref<128x64xf32, #tpu.memory_space<vmem>>)
    %mul3A_519 = arith.constant 10240 : i32
    %mul3A_520 = arith.muli %arg0, %mul3A_519 : i32
    %mul3A_521 = arith.constant 640 : i32
    %mul3A_522 = arith.muli %arg1, %mul3A_521 : i32
    %add3A_523 = arith.addi %mul3A_520, %mul3A_522 : i32
    %add3A_524 = arith.constant 0 : i32
    %add3A_525 = arith.addi %add3A_523, %add3A_524 : i32
    %dma_start3A_526 = arith.constant 0 : i32
    %dma_start3A_527 = arith.constant 0 : i32
    %dma_start3A_528 = arith.constant 0 : i32
    %dma_start3A_529 = tpu.memref_slice %arg9[%dma_start3A_526, %dma_start3A_527, %dma_start3A_528] : memref<8x128x64xf32, #tpu.memory_space<vmem>> -> memref<1x128x64xf32, #tpu.memory_space<vmem>>
    %dma_start3A_530 = tpu.memref_squeeze %dma_start3A_529 : memref<1x128x64xf32, #tpu.memory_space<vmem>> -> memref<128x64xf32, #tpu.memory_space<vmem>>
    %dma_start3A_531 = arith.constant 0 : i32
    %dma_start3A_532 = tpu.memref_slice %arg6[%add3A_525, %dma_start3A_531] : memref<20480x128xf32, #tpu.memory_space<hbm>> -> memref<128x64xf32, #tpu.memory_space<hbm>>
    %dma_start3A_533 = arith.constant 0 : i32
    %dma_start3A_534 = tpu.memref_slice %arg6[%add3A_525, %dma_start3A_533] : memref<20480x128xf32, #tpu.memory_space<hbm>> -> memref<128x64xf32, #tpu.memory_space<hbm>>
    %dma_start3A_535 = arith.constant 0 : i32
    %dma_start3A_536 = arith.constant 0 : i32
    %dma_start3A_537 = tpu.memref_slice %arg9[%dma_start3A_526, %dma_start3A_535, %dma_start3A_536] : memref<8x128x64xf32, #tpu.memory_space<vmem>> -> memref<1x128x64xf32, #tpu.memory_space<vmem>>
    %dma_start3A_538 = tpu.memref_squeeze %dma_start3A_537 : memref<1x128x64xf32, #tpu.memory_space<vmem>> -> memref<128x64xf32, #tpu.memory_space<vmem>>
    tpu.enqueue_dma source(%dma_start3A_538 : memref<128x64xf32, #tpu.memory_space<vmem>>) target(%dma_start3A_534 : memref<128x64xf32, #tpu.memory_space<hbm>>) target_semaphore(%arg13 : memref<!tpu.dma_semaphore, #tpu.memory_space<semaphore_mem>>)
    %mul3A_539 = arith.constant 640 : i32
    %mul3A_540 = arith.muli %arg1, %mul3A_539 : i32
    %add3A_541 = arith.constant 128 : i32
    %add3A_542 = arith.addi %mul3A_540, %add3A_541 : i32
    %dma_wait3A_543 = arith.constant 1 : i32
    %dma_wait3A_544 = arith.constant 0 : i32
    %dma_wait3A_545 = arith.constant 0 : i32
    %dma_wait3A_546 = tpu.memref_slice %arg9[%dma_wait3A_543, %dma_wait3A_544, %dma_wait3A_545] : memref<8x128x64xf32, #tpu.memory_space<vmem>> -> memref<1x128x64xf32, #tpu.memory_space<vmem>>
    %dma_wait3A_547 = tpu.memref_squeeze %dma_wait3A_546 : memref<1x128x64xf32, #tpu.memory_space<vmem>> -> memref<128x64xf32, #tpu.memory_space<vmem>>
    %dma_wait3A_548 = arith.constant 0 : i32
    %dma_wait3A_549 = tpu.memref_slice %arg10[%add3A_542, %dma_wait3A_548] : memref<10240x64xf32, #tpu.memory_space<vmem_shared>> -> memref<128x64xf32, #tpu.memory_space<vmem_shared>>
    %dma_wait3A_550 = arith.constant 0 : i32
    %dma_wait3A_551 = arith.constant 0 : i32
    %dma_wait3A_552 = tpu.memref_slice %arg9[%dma_wait3A_543, %dma_wait3A_550, %dma_wait3A_551] : memref<8x128x64xf32, #tpu.memory_space<vmem>> -> memref<1x128x64xf32, #tpu.memory_space<vmem>>
    %dma_wait3A_553 = tpu.memref_squeeze %dma_wait3A_552 : memref<1x128x64xf32, #tpu.memory_space<vmem>> -> memref<128x64xf32, #tpu.memory_space<vmem>>
    %dma_wait3A_554 = arith.constant 0 : i32
    %dma_wait3A_555 = tpu.memref_slice %arg10[%add3A_542, %dma_wait3A_554] : memref<10240x64xf32, #tpu.memory_space<vmem_shared>> -> memref<128x64xf32, #tpu.memory_space<vmem_shared>>
    tpu.wait_dma2 semaphore(%arg11 : memref<!tpu.dma_semaphore, #tpu.memory_space<semaphore_mem>>) src(%dma_wait3A_555 : memref<128x64xf32, #tpu.memory_space<vmem_shared>>) dst(%dma_wait3A_553 : memref<128x64xf32, #tpu.memory_space<vmem>>)
    %mul3A_556 = arith.constant 10240 : i32
    %mul3A_557 = arith.muli %arg0, %mul3A_556 : i32
    %mul3A_558 = arith.constant 640 : i32
    %mul3A_559 = arith.muli %arg1, %mul3A_558 : i32
    %add3A_560 = arith.addi %mul3A_557, %mul3A_559 : i32
    %add3A_561 = arith.constant 128 : i32
    %add3A_562 = arith.addi %add3A_560, %add3A_561 : i32
    %dma_start3A_563 = arith.constant 1 : i32
    %dma_start3A_564 = arith.constant 0 : i32
    %dma_start3A_565 = arith.constant 0 : i32
    %dma_start3A_566 = tpu.memref_slice %arg9[%dma_start3A_563, %dma_start3A_564, %dma_start3A_565] : memref<8x128x64xf32, #tpu.memory_space<vmem>> -> memref<1x128x64xf32, #tpu.memory_space<vmem>>
    %dma_start3A_567 = tpu.memref_squeeze %dma_start3A_566 : memref<1x128x64xf32, #tpu.memory_space<vmem>> -> memref<128x64xf32, #tpu.memory_space<vmem>>
    %dma_start3A_568 = arith.constant 0 : i32
    %dma_start3A_569 = tpu.memref_slice %arg6[%add3A_562, %dma_start3A_568] : memref<20480x128xf32, #tpu.memory_space<hbm>> -> memref<128x64xf32, #tpu.memory_space<hbm>>
    %dma_start3A_570 = arith.constant 0 : i32
    %dma_start3A_571 = tpu.memref_slice %arg6[%add3A_562, %dma_start3A_570] : memref<20480x128xf32, #tpu.memory_space<hbm>> -> memref<128x64xf32, #tpu.memory_space<hbm>>
    %dma_start3A_572 = arith.constant 0 : i32
    %dma_start3A_573 = arith.constant 0 : i32
    %dma_start3A_574 = tpu.memref_slice %arg9[%dma_start3A_563, %dma_start3A_572, %dma_start3A_573] : memref<8x128x64xf32, #tpu.memory_space<vmem>> -> memref<1x128x64xf32, #tpu.memory_space<vmem>>
    %dma_start3A_575 = tpu.memref_squeeze %dma_start3A_574 : memref<1x128x64xf32, #tpu.memory_space<vmem>> -> memref<128x64xf32, #tpu.memory_space<vmem>>
    tpu.enqueue_dma source(%dma_start3A_575 : memref<128x64xf32, #tpu.memory_space<vmem>>) target(%dma_start3A_571 : memref<128x64xf32, #tpu.memory_space<hbm>>) target_semaphore(%arg13 : memref<!tpu.dma_semaphore, #tpu.memory_space<semaphore_mem>>)
    %mul3A_576 = arith.constant 640 : i32
    %mul3A_577 = arith.muli %arg1, %mul3A_576 : i32
    %add3A_578 = arith.constant 256 : i32
    %add3A_579 = arith.addi %mul3A_577, %add3A_578 : i32
    %dma_wait3A_580 = arith.constant 2 : i32
    %dma_wait3A_581 = arith.constant 0 : i32
    %dma_wait3A_582 = arith.constant 0 : i32
    %dma_wait3A_583 = tpu.memref_slice %arg9[%dma_wait3A_580, %dma_wait3A_581, %dma_wait3A_582] : memref<8x128x64xf32, #tpu.memory_space<vmem>> -> memref<1x128x64xf32, #tpu.memory_space<vmem>>
    %dma_wait3A_584 = tpu.memref_squeeze %dma_wait3A_583 : memref<1x128x64xf32, #tpu.memory_space<vmem>> -> memref<128x64xf32, #tpu.memory_space<vmem>>
    %dma_wait3A_585 = arith.constant 0 : i32
    %dma_wait3A_586 = tpu.memref_slice %arg10[%add3A_579, %dma_wait3A_585] : memref<10240x64xf32, #tpu.memory_space<vmem_shared>> -> memref<128x64xf32, #tpu.memory_space<vmem_shared>>
    %dma_wait3A_587 = arith.constant 0 : i32
    %dma_wait3A_588 = arith.constant 0 : i32
    %dma_wait3A_589 = tpu.memref_slice %arg9[%dma_wait3A_580, %dma_wait3A_587, %dma_wait3A_588] : memref<8x128x64xf32, #tpu.memory_space<vmem>> -> memref<1x128x64xf32, #tpu.memory_space<vmem>>
    %dma_wait3A_590 = tpu.memref_squeeze %dma_wait3A_589 : memref<1x128x64xf32, #tpu.memory_space<vmem>> -> memref<128x64xf32, #tpu.memory_space<vmem>>
    %dma_wait3A_591 = arith.constant 0 : i32
    %dma_wait3A_592 = tpu.memref_slice %arg10[%add3A_579, %dma_wait3A_591] : memref<10240x64xf32, #tpu.memory_space<vmem_shared>> -> memref<128x64xf32, #tpu.memory_space<vmem_shared>>
    tpu.wait_dma2 semaphore(%arg11 : memref<!tpu.dma_semaphore, #tpu.memory_space<semaphore_mem>>) src(%dma_wait3A_592 : memref<128x64xf32, #tpu.memory_space<vmem_shared>>) dst(%dma_wait3A_590 : memref<128x64xf32, #tpu.memory_space<vmem>>)
    %mul3A_593 = arith.constant 10240 : i32
    %mul3A_594 = arith.muli %arg0, %mul3A_593 : i32
    %mul3A_595 = arith.constant 640 : i32
    %mul3A_596 = arith.muli %arg1, %mul3A_595 : i32
    %add3A_597 = arith.addi %mul3A_594, %mul3A_596 : i32
    %add3A_598 = arith.constant 256 : i32
    %add3A_599 = arith.addi %add3A_597, %add3A_598 : i32
    %dma_start3A_600 = arith.constant 2 : i32
    %dma_start3A_601 = arith.constant 0 : i32
    %dma_start3A_602 = arith.constant 0 : i32
    %dma_start3A_603 = tpu.memref_slice %arg9[%dma_start3A_600, %dma_start3A_601, %dma_start3A_602] : memref<8x128x64xf32, #tpu.memory_space<vmem>> -> memref<1x128x64xf32, #tpu.memory_space<vmem>>
    %dma_start3A_604 = tpu.memref_squeeze %dma_start3A_603 : memref<1x128x64xf32, #tpu.memory_space<vmem>> -> memref<128x64xf32, #tpu.memory_space<vmem>>
    %dma_start3A_605 = arith.constant 0 : i32
    %dma_start3A_606 = tpu.memref_slice %arg6[%add3A_599, %dma_start3A_605] : memref<20480x128xf32, #tpu.memory_space<hbm>> -> memref<128x64xf32, #tpu.memory_space<hbm>>
    %dma_start3A_607 = arith.constant 0 : i32
    %dma_start3A_608 = tpu.memref_slice %arg6[%add3A_599, %dma_start3A_607] : memref<20480x128xf32, #tpu.memory_space<hbm>> -> memref<128x64xf32, #tpu.memory_space<hbm>>
    %dma_start3A_609 = arith.constant 0 : i32
    %dma_start3A_610 = arith.constant 0 : i32
    %dma_start3A_611 = tpu.memref_slice %arg9[%dma_start3A_600, %dma_start3A_609, %dma_start3A_610] : memref<8x128x64xf32, #tpu.memory_space<vmem>> -> memref<1x128x64xf32, #tpu.memory_space<vmem>>
    %dma_start3A_612 = tpu.memref_squeeze %dma_start3A_611 : memref<1x128x64xf32, #tpu.memory_space<vmem>> -> memref<128x64xf32, #tpu.memory_space<vmem>>
    tpu.enqueue_dma source(%dma_start3A_612 : memref<128x64xf32, #tpu.memory_space<vmem>>) target(%dma_start3A_608 : memref<128x64xf32, #tpu.memory_space<hbm>>) target_semaphore(%arg13 : memref<!tpu.dma_semaphore, #tpu.memory_space<semaphore_mem>>)
    %mul3A_613 = arith.constant 640 : i32
    %mul3A_614 = arith.muli %arg1, %mul3A_613 : i32
    %add3A_615 = arith.constant 384 : i32
    %add3A_616 = arith.addi %mul3A_614, %add3A_615 : i32
    %dma_wait3A_617 = arith.constant 3 : i32
    %dma_wait3A_618 = arith.constant 0 : i32
    %dma_wait3A_619 = arith.constant 0 : i32
    %dma_wait3A_620 = tpu.memref_slice %arg9[%dma_wait3A_617, %dma_wait3A_618, %dma_wait3A_619] : memref<8x128x64xf32, #tpu.memory_space<vmem>> -> memref<1x128x64xf32, #tpu.memory_space<vmem>>
    %dma_wait3A_621 = tpu.memref_squeeze %dma_wait3A_620 : memref<1x128x64xf32, #tpu.memory_space<vmem>> -> memref<128x64xf32, #tpu.memory_space<vmem>>
    %dma_wait3A_622 = arith.constant 0 : i32
    %dma_wait3A_623 = tpu.memref_slice %arg10[%add3A_616, %dma_wait3A_622] : memref<10240x64xf32, #tpu.memory_space<vmem_shared>> -> memref<128x64xf32, #tpu.memory_space<vmem_shared>>
    %dma_wait3A_624 = arith.constant 0 : i32
    %dma_wait3A_625 = arith.constant 0 : i32
    %dma_wait3A_626 = tpu.memref_slice %arg9[%dma_wait3A_617, %dma_wait3A_624, %dma_wait3A_625] : memref<8x128x64xf32, #tpu.memory_space<vmem>> -> memref<1x128x64xf32, #tpu.memory_space<vmem>>
    %dma_wait3A_627 = tpu.memref_squeeze %dma_wait3A_626 : memref<1x128x64xf32, #tpu.memory_space<vmem>> -> memref<128x64xf32, #tpu.memory_space<vmem>>
    %dma_wait3A_628 = arith.constant 0 : i32
    %dma_wait3A_629 = tpu.memref_slice %arg10[%add3A_616, %dma_wait3A_628] : memref<10240x64xf32, #tpu.memory_space<vmem_shared>> -> memref<128x64xf32, #tpu.memory_space<vmem_shared>>
    tpu.wait_dma2 semaphore(%arg11 : memref<!tpu.dma_semaphore, #tpu.memory_space<semaphore_mem>>) src(%dma_wait3A_629 : memref<128x64xf32, #tpu.memory_space<vmem_shared>>) dst(%dma_wait3A_627 : memref<128x64xf32, #tpu.memory_space<vmem>>)
    %mul3A_630 = arith.constant 10240 : i32
    %mul3A_631 = arith.muli %arg0, %mul3A_630 : i32
    %mul3A_632 = arith.constant 640 : i32
    %mul3A_633 = arith.muli %arg1, %mul3A_632 : i32
    %add3A_634 = arith.addi %mul3A_631, %mul3A_633 : i32
    %add3A_635 = arith.constant 384 : i32
    %add3A_636 = arith.addi %add3A_634, %add3A_635 : i32
    %dma_start3A_637 = arith.constant 3 : i32
    %dma_start3A_638 = arith.constant 0 : i32
    %dma_start3A_639 = arith.constant 0 : i32
    %dma_start3A_640 = tpu.memref_slice %arg9[%dma_start3A_637, %dma_start3A_638, %dma_start3A_639] : memref<8x128x64xf32, #tpu.memory_space<vmem>> -> memref<1x128x64xf32, #tpu.memory_space<vmem>>
    %dma_start3A_641 = tpu.memref_squeeze %dma_start3A_640 : memref<1x128x64xf32, #tpu.memory_space<vmem>> -> memref<128x64xf32, #tpu.memory_space<vmem>>
    %dma_start3A_642 = arith.constant 0 : i32
    %dma_start3A_643 = tpu.memref_slice %arg6[%add3A_636, %dma_start3A_642] : memref<20480x128xf32, #tpu.memory_space<hbm>> -> memref<128x64xf32, #tpu.memory_space<hbm>>
    %dma_start3A_644 = arith.constant 0 : i32
    %dma_start3A_645 = tpu.memref_slice %arg6[%add3A_636, %dma_start3A_644] : memref<20480x128xf32, #tpu.memory_space<hbm>> -> memref<128x64xf32, #tpu.memory_space<hbm>>
    %dma_start3A_646 = arith.constant 0 : i32
    %dma_start3A_647 = arith.constant 0 : i32
    %dma_start3A_648 = tpu.memref_slice %arg9[%dma_start3A_637, %dma_start3A_646, %dma_start3A_647] : memref<8x128x64xf32, #tpu.memory_space<vmem>> -> memref<1x128x64xf32, #tpu.memory_space<vmem>>
    %dma_start3A_649 = tpu.memref_squeeze %dma_start3A_648 : memref<1x128x64xf32, #tpu.memory_space<vmem>> -> memref<128x64xf32, #tpu.memory_space<vmem>>
    tpu.enqueue_dma source(%dma_start3A_649 : memref<128x64xf32, #tpu.memory_space<vmem>>) target(%dma_start3A_645 : memref<128x64xf32, #tpu.memory_space<hbm>>) target_semaphore(%arg13 : memref<!tpu.dma_semaphore, #tpu.memory_space<semaphore_mem>>)
    %mul3A_650 = arith.constant 640 : i32
    %mul3A_651 = arith.muli %arg1, %mul3A_650 : i32
    %add3A_652 = arith.constant 512 : i32
    %add3A_653 = arith.addi %mul3A_651, %add3A_652 : i32
    %dma_wait3A_654 = arith.constant 4 : i32
    %dma_wait3A_655 = arith.constant 0 : i32
    %dma_wait3A_656 = arith.constant 0 : i32
    %dma_wait3A_657 = tpu.memref_slice %arg9[%dma_wait3A_654, %dma_wait3A_655, %dma_wait3A_656] : memref<8x128x64xf32, #tpu.memory_space<vmem>> -> memref<1x128x64xf32, #tpu.memory_space<vmem>>
    %dma_wait3A_658 = tpu.memref_squeeze %dma_wait3A_657 : memref<1x128x64xf32, #tpu.memory_space<vmem>> -> memref<128x64xf32, #tpu.memory_space<vmem>>
    %dma_wait3A_659 = arith.constant 0 : i32
    %dma_wait3A_660 = tpu.memref_slice %arg10[%add3A_653, %dma_wait3A_659] : memref<10240x64xf32, #tpu.memory_space<vmem_shared>> -> memref<128x64xf32, #tpu.memory_space<vmem_shared>>
    %dma_wait3A_661 = arith.constant 0 : i32
    %dma_wait3A_662 = arith.constant 0 : i32
    %dma_wait3A_663 = tpu.memref_slice %arg9[%dma_wait3A_654, %dma_wait3A_661, %dma_wait3A_662] : memref<8x128x64xf32, #tpu.memory_space<vmem>> -> memref<1x128x64xf32, #tpu.memory_space<vmem>>
    %dma_wait3A_664 = tpu.memref_squeeze %dma_wait3A_663 : memref<1x128x64xf32, #tpu.memory_space<vmem>> -> memref<128x64xf32, #tpu.memory_space<vmem>>
    %dma_wait3A_665 = arith.constant 0 : i32
    %dma_wait3A_666 = tpu.memref_slice %arg10[%add3A_653, %dma_wait3A_665] : memref<10240x64xf32, #tpu.memory_space<vmem_shared>> -> memref<128x64xf32, #tpu.memory_space<vmem_shared>>
    tpu.wait_dma2 semaphore(%arg11 : memref<!tpu.dma_semaphore, #tpu.memory_space<semaphore_mem>>) src(%dma_wait3A_666 : memref<128x64xf32, #tpu.memory_space<vmem_shared>>) dst(%dma_wait3A_664 : memref<128x64xf32, #tpu.memory_space<vmem>>)
    %mul3A_667 = arith.constant 10240 : i32
    %mul3A_668 = arith.muli %arg0, %mul3A_667 : i32
    %mul3A_669 = arith.constant 640 : i32
    %mul3A_670 = arith.muli %arg1, %mul3A_669 : i32
    %add3A_671 = arith.addi %mul3A_668, %mul3A_670 : i32
    %add3A_672 = arith.constant 512 : i32
    %add3A_673 = arith.addi %add3A_671, %add3A_672 : i32
    %dma_start3A_674 = arith.constant 4 : i32
    %dma_start3A_675 = arith.constant 0 : i32
    %dma_start3A_676 = arith.constant 0 : i32
    %dma_start3A_677 = tpu.memref_slice %arg9[%dma_start3A_674, %dma_start3A_675, %dma_start3A_676] : memref<8x128x64xf32, #tpu.memory_space<vmem>> -> memref<1x128x64xf32, #tpu.memory_space<vmem>>
    %dma_start3A_678 = tpu.memref_squeeze %dma_start3A_677 : memref<1x128x64xf32, #tpu.memory_space<vmem>> -> memref<128x64xf32, #tpu.memory_space<vmem>>
    %dma_start3A_679 = arith.constant 0 : i32
    %dma_start3A_680 = tpu.memref_slice %arg6[%add3A_673, %dma_start3A_679] : memref<20480x128xf32, #tpu.memory_space<hbm>> -> memref<128x64xf32, #tpu.memory_space<hbm>>
    %dma_start3A_681 = arith.constant 0 : i32
    %dma_start3A_682 = tpu.memref_slice %arg6[%add3A_673, %dma_start3A_681] : memref<20480x128xf32, #tpu.memory_space<hbm>> -> memref<128x64xf32, #tpu.memory_space<hbm>>
    %dma_start3A_683 = arith.constant 0 : i32
    %dma_start3A_684 = arith.constant 0 : i32
    %dma_start3A_685 = tpu.memref_slice %arg9[%dma_start3A_674, %dma_start3A_683, %dma_start3A_684] : memref<8x128x64xf32, #tpu.memory_space<vmem>> -> memref<1x128x64xf32, #tpu.memory_space<vmem>>
    %dma_start3A_686 = tpu.memref_squeeze %dma_start3A_685 : memref<1x128x64xf32, #tpu.memory_space<vmem>> -> memref<128x64xf32, #tpu.memory_space<vmem>>
    tpu.enqueue_dma source(%dma_start3A_686 : memref<128x64xf32, #tpu.memory_space<vmem>>) target(%dma_start3A_682 : memref<128x64xf32, #tpu.memory_space<hbm>>) target_semaphore(%arg13 : memref<!tpu.dma_semaphore, #tpu.memory_space<semaphore_mem>>)
    %mul3A_687 = arith.constant 10240 : i32
    %mul3A_688 = arith.muli %arg0, %mul3A_687 : i32
    %mul3A_689 = arith.constant 640 : i32
    %mul3A_690 = arith.muli %arg1, %mul3A_689 : i32
    %add3A_691 = arith.addi %mul3A_688, %mul3A_690 : i32
    %add3A_692 = arith.constant 0 : i32
    %add3A_693 = arith.addi %add3A_691, %add3A_692 : i32
    %dma_wait3A_694 = arith.constant 0 : i32
    %dma_wait3A_695 = arith.constant 0 : i32
    %dma_wait3A_696 = arith.constant 0 : i32
    %dma_wait3A_697 = tpu.memref_slice %arg9[%dma_wait3A_694, %dma_wait3A_695, %dma_wait3A_696] : memref<8x128x64xf32, #tpu.memory_space<vmem>> -> memref<1x128x64xf32, #tpu.memory_space<vmem>>
    %dma_wait3A_698 = tpu.memref_squeeze %dma_wait3A_697 : memref<1x128x64xf32, #tpu.memory_space<vmem>> -> memref<128x64xf32, #tpu.memory_space<vmem>>
    %dma_wait3A_699 = arith.constant 0 : i32
    %dma_wait3A_700 = tpu.memref_slice %arg6[%add3A_693, %dma_wait3A_699] : memref<20480x128xf32, #tpu.memory_space<hbm>> -> memref<128x64xf32, #tpu.memory_space<hbm>>
    %dma_wait3A_701 = arith.constant 0 : i32
    %dma_wait3A_702 = tpu.memref_slice %arg6[%add3A_693, %dma_wait3A_701] : memref<20480x128xf32, #tpu.memory_space<hbm>> -> memref<128x64xf32, #tpu.memory_space<hbm>>
    %dma_wait3A_703 = arith.constant 0 : i32
    %dma_wait3A_704 = arith.constant 0 : i32
    %dma_wait3A_705 = tpu.memref_slice %arg9[%dma_wait3A_694, %dma_wait3A_703, %dma_wait3A_704] : memref<8x128x64xf32, #tpu.memory_space<vmem>> -> memref<1x128x64xf32, #tpu.memory_space<vmem>>
    %dma_wait3A_706 = tpu.memref_squeeze %dma_wait3A_705 : memref<1x128x64xf32, #tpu.memory_space<vmem>> -> memref<128x64xf32, #tpu.memory_space<vmem>>
    tpu.wait_dma2 semaphore(%arg13 : memref<!tpu.dma_semaphore, #tpu.memory_space<semaphore_mem>>) src(%dma_wait3A_706 : memref<128x64xf32, #tpu.memory_space<vmem>>) dst(%dma_wait3A_702 : memref<128x64xf32, #tpu.memory_space<hbm>>)
    %mul3A_707 = arith.constant 10240 : i32
    %mul3A_708 = arith.muli %arg0, %mul3A_707 : i32
    %mul3A_709 = arith.constant 640 : i32
    %mul3A_710 = arith.muli %arg1, %mul3A_709 : i32
    %add3A_711 = arith.addi %mul3A_708, %mul3A_710 : i32
    %add3A_712 = arith.constant 128 : i32
    %add3A_713 = arith.addi %add3A_711, %add3A_712 : i32
    %dma_wait3A_714 = arith.constant 1 : i32
    %dma_wait3A_715 = arith.constant 0 : i32
    %dma_wait3A_716 = arith.constant 0 : i32
    %dma_wait3A_717 = tpu.memref_slice %arg9[%dma_wait3A_714, %dma_wait3A_715, %dma_wait3A_716] : memref<8x128x64xf32, #tpu.memory_space<vmem>> -> memref<1x128x64xf32, #tpu.memory_space<vmem>>
    %dma_wait3A_718 = tpu.memref_squeeze %dma_wait3A_717 : memref<1x128x64xf32, #tpu.memory_space<vmem>> -> memref<128x64xf32, #tpu.memory_space<vmem>>
    %dma_wait3A_719 = arith.constant 0 : i32
    %dma_wait3A_720 = tpu.memref_slice %arg6[%add3A_713, %dma_wait3A_719] : memref<20480x128xf32, #tpu.memory_space<hbm>> -> memref<128x64xf32, #tpu.memory_space<hbm>>
    %dma_wait3A_721 = arith.constant 0 : i32
    %dma_wait3A_722 = tpu.memref_slice %arg6[%add3A_713, %dma_wait3A_721] : memref<20480x128xf32, #tpu.memory_space<hbm>> -> memref<128x64xf32, #tpu.memory_space<hbm>>
    %dma_wait3A_723 = arith.constant 0 : i32
    %dma_wait3A_724 = arith.constant 0 : i32
    %dma_wait3A_725 = tpu.memref_slice %arg9[%dma_wait3A_714, %dma_wait3A_723, %dma_wait3A_724] : memref<8x128x64xf32, #tpu.memory_space<vmem>> -> memref<1x128x64xf32, #tpu.memory_space<vmem>>
    %dma_wait3A_726 = tpu.memref_squeeze %dma_wait3A_725 : memref<1x128x64xf32, #tpu.memory_space<vmem>> -> memref<128x64xf32, #tpu.memory_space<vmem>>
    tpu.wait_dma2 semaphore(%arg13 : memref<!tpu.dma_semaphore, #tpu.memory_space<semaphore_mem>>) src(%dma_wait3A_726 : memref<128x64xf32, #tpu.memory_space<vmem>>) dst(%dma_wait3A_722 : memref<128x64xf32, #tpu.memory_space<hbm>>)
    %mul3A_727 = arith.constant 10240 : i32
    %mul3A_728 = arith.muli %arg0, %mul3A_727 : i32
    %mul3A_729 = arith.constant 640 : i32
    %mul3A_730 = arith.muli %arg1, %mul3A_729 : i32
    %add3A_731 = arith.addi %mul3A_728, %mul3A_730 : i32
    %add3A_732 = arith.constant 256 : i32
    %add3A_733 = arith.addi %add3A_731, %add3A_732 : i32
    %dma_wait3A_734 = arith.constant 2 : i32
    %dma_wait3A_735 = arith.constant 0 : i32
    %dma_wait3A_736 = arith.constant 0 : i32
    %dma_wait3A_737 = tpu.memref_slice %arg9[%dma_wait3A_734, %dma_wait3A_735, %dma_wait3A_736] : memref<8x128x64xf32, #tpu.memory_space<vmem>> -> memref<1x128x64xf32, #tpu.memory_space<vmem>>
    %dma_wait3A_738 = tpu.memref_squeeze %dma_wait3A_737 : memref<1x128x64xf32, #tpu.memory_space<vmem>> -> memref<128x64xf32, #tpu.memory_space<vmem>>
    %dma_wait3A_739 = arith.constant 0 : i32
    %dma_wait3A_740 = tpu.memref_slice %arg6[%add3A_733, %dma_wait3A_739] : memref<20480x128xf32, #tpu.memory_space<hbm>> -> memref<128x64xf32, #tpu.memory_space<hbm>>
    %dma_wait3A_741 = arith.constant 0 : i32
    %dma_wait3A_742 = tpu.memref_slice %arg6[%add3A_733, %dma_wait3A_741] : memref<20480x128xf32, #tpu.memory_space<hbm>> -> memref<128x64xf32, #tpu.memory_space<hbm>>
    %dma_wait3A_743 = arith.constant 0 : i32
    %dma_wait3A_744 = arith.constant 0 : i32
    %dma_wait3A_745 = tpu.memref_slice %arg9[%dma_wait3A_734, %dma_wait3A_743, %dma_wait3A_744] : memref<8x128x64xf32, #tpu.memory_space<vmem>> -> memref<1x128x64xf32, #tpu.memory_space<vmem>>
    %dma_wait3A_746 = tpu.memref_squeeze %dma_wait3A_745 : memref<1x128x64xf32, #tpu.memory_space<vmem>> -> memref<128x64xf32, #tpu.memory_space<vmem>>
    tpu.wait_dma2 semaphore(%arg13 : memref<!tpu.dma_semaphore, #tpu.memory_space<semaphore_mem>>) src(%dma_wait3A_746 : memref<128x64xf32, #tpu.memory_space<vmem>>) dst(%dma_wait3A_742 : memref<128x64xf32, #tpu.memory_space<hbm>>)
    %mul3A_747 = arith.constant 10240 : i32
    %mul3A_748 = arith.muli %arg0, %mul3A_747 : i32
    %mul3A_749 = arith.constant 640 : i32
    %mul3A_750 = arith.muli %arg1, %mul3A_749 : i32
    %add3A_751 = arith.addi %mul3A_748, %mul3A_750 : i32
    %add3A_752 = arith.constant 384 : i32
    %add3A_753 = arith.addi %add3A_751, %add3A_752 : i32
    %dma_wait3A_754 = arith.constant 3 : i32
    %dma_wait3A_755 = arith.constant 0 : i32
    %dma_wait3A_756 = arith.constant 0 : i32
    %dma_wait3A_757 = tpu.memref_slice %arg9[%dma_wait3A_754, %dma_wait3A_755, %dma_wait3A_756] : memref<8x128x64xf32, #tpu.memory_space<vmem>> -> memref<1x128x64xf32, #tpu.memory_space<vmem>>
    %dma_wait3A_758 = tpu.memref_squeeze %dma_wait3A_757 : memref<1x128x64xf32, #tpu.memory_space<vmem>> -> memref<128x64xf32, #tpu.memory_space<vmem>>
    %dma_wait3A_759 = arith.constant 0 : i32
    %dma_wait3A_760 = tpu.memref_slice %arg6[%add3A_753, %dma_wait3A_759] : memref<20480x128xf32, #tpu.memory_space<hbm>> -> memref<128x64xf32, #tpu.memory_space<hbm>>
    %dma_wait3A_761 = arith.constant 0 : i32
    %dma_wait3A_762 = tpu.memref_slice %arg6[%add3A_753, %dma_wait3A_761] : memref<20480x128xf32, #tpu.memory_space<hbm>> -> memref<128x64xf32, #tpu.memory_space<hbm>>
    %dma_wait3A_763 = arith.constant 0 : i32
    %dma_wait3A_764 = arith.constant 0 : i32
    %dma_wait3A_765 = tpu.memref_slice %arg9[%dma_wait3A_754, %dma_wait3A_763, %dma_wait3A_764] : memref<8x128x64xf32, #tpu.memory_space<vmem>> -> memref<1x128x64xf32, #tpu.memory_space<vmem>>
    %dma_wait3A_766 = tpu.memref_squeeze %dma_wait3A_765 : memref<1x128x64xf32, #tpu.memory_space<vmem>> -> memref<128x64xf32, #tpu.memory_space<vmem>>
    tpu.wait_dma2 semaphore(%arg13 : memref<!tpu.dma_semaphore, #tpu.memory_space<semaphore_mem>>) src(%dma_wait3A_766 : memref<128x64xf32, #tpu.memory_space<vmem>>) dst(%dma_wait3A_762 : memref<128x64xf32, #tpu.memory_space<hbm>>)
    %mul3A_767 = arith.constant 10240 : i32
    %mul3A_768 = arith.muli %arg0, %mul3A_767 : i32
    %mul3A_769 = arith.constant 640 : i32
    %mul3A_770 = arith.muli %arg1, %mul3A_769 : i32
    %add3A_771 = arith.addi %mul3A_768, %mul3A_770 : i32
    %add3A_772 = arith.constant 512 : i32
    %add3A_773 = arith.addi %add3A_771, %add3A_772 : i32
    %dma_wait3A_774 = arith.constant 4 : i32
    %dma_wait3A_775 = arith.constant 0 : i32
    %dma_wait3A_776 = arith.constant 0 : i32
    %dma_wait3A_777 = tpu.memref_slice %arg9[%dma_wait3A_774, %dma_wait3A_775, %dma_wait3A_776] : memref<8x128x64xf32, #tpu.memory_space<vmem>> -> memref<1x128x64xf32, #tpu.memory_space<vmem>>
    %dma_wait3A_778 = tpu.memref_squeeze %dma_wait3A_777 : memref<1x128x64xf32, #tpu.memory_space<vmem>> -> memref<128x64xf32, #tpu.memory_space<vmem>>
    %dma_wait3A_779 = arith.constant 0 : i32
    %dma_wait3A_780 = tpu.memref_slice %arg6[%add3A_773, %dma_wait3A_779] : memref<20480x128xf32, #tpu.memory_space<hbm>> -> memref<128x64xf32, #tpu.memory_space<hbm>>
    %dma_wait3A_781 = arith.constant 0 : i32
    %dma_wait3A_782 = tpu.memref_slice %arg6[%add3A_773, %dma_wait3A_781] : memref<20480x128xf32, #tpu.memory_space<hbm>> -> memref<128x64xf32, #tpu.memory_space<hbm>>
    %dma_wait3A_783 = arith.constant 0 : i32
    %dma_wait3A_784 = arith.constant 0 : i32
    %dma_wait3A_785 = tpu.memref_slice %arg9[%dma_wait3A_774, %dma_wait3A_783, %dma_wait3A_784] : memref<8x128x64xf32, #tpu.memory_space<vmem>> -> memref<1x128x64xf32, #tpu.memory_space<vmem>>
    %dma_wait3A_786 = tpu.memref_squeeze %dma_wait3A_785 : memref<1x128x64xf32, #tpu.memory_space<vmem>> -> memref<128x64xf32, #tpu.memory_space<vmem>>
    tpu.wait_dma2 semaphore(%arg13 : memref<!tpu.dma_semaphore, #tpu.memory_space<semaphore_mem>>) src(%dma_wait3A_786 : memref<128x64xf32, #tpu.memory_space<vmem>>) dst(%dma_wait3A_782 : memref<128x64xf32, #tpu.memory_space<hbm>>)
    return
  }
}

#map = affine_map<(d0, d1) -> (0, 0)>
module attributes {stable_mosaic.version = 14 : i64} {
  func.func @_sc_segsum(%arg0: i32, %arg1: i32, %arg2: memref<10000x64xf32, #tpu.memory_space<hbm>>, %arg3: memref<2560x128xi32, #tpu.memory_space<hbm>>, %arg4: memref<2560x128xi32, #tpu.memory_space<hbm>>, %arg5: memref<128x64xf32, #tpu.memory_space<hbm>>, %arg6: memref<20480x128xf32, #tpu.memory_space<hbm>>, %arg7: memref<80x128xi32, #tpu.memory_space<vmem>>, %arg8: memref<80x128xi32, #tpu.memory_space<vmem>>, %arg9: memref<8x128x64xf32, #tpu.memory_space<vmem>>, %arg10: memref<10240x64xf32, #tpu.memory_space<vmem_shared>>, %arg11: memref<!tpu.dma_semaphore, #tpu.memory_space<semaphore_mem>>, %arg12: memref<!tpu.dma_semaphore, #tpu.memory_space<semaphore_mem>>, %arg13: memref<!tpu.dma_semaphore, #tpu.memory_space<semaphore_mem>>, %arg14: memref<!tpu.dma_semaphore, #tpu.memory_space<semaphore_mem>>, %arg15: memref<!tpu.dma_semaphore, #tpu.memory_space<semaphore_mem>>) attributes {dimension_semantics = [#tpu.dimension_semantics<core_parallel>, #tpu.dimension_semantics<subcore_parallel>], iteration_bounds = array<i64: 2, 16>, scalar_prefetch = 0 : i64, scratch_operands = 9 : i64, tpu.core_type = #tpu.core_type<sc_vector_subcore>, window_params = [{transform_indices = #map}, {transform_indices = #map}, {transform_indices = #map}, {transform_indices = #map}, {transform_indices = #map}]} {
    %mul3A = arith.constant 2 : i32
    %mul3A_0 = arith.muli %arg1, %mul3A : i32
    %add3A = arith.addi %mul3A_0, %arg0 : i32
    %mul3A_1 = arith.constant 80 : i32
    %mul3A_2 = arith.muli %add3A, %mul3A_1 : i32
    %dma_start3A = arith.constant 0 : i32
    %dma_start3A_3 = tpu.memref_slice %arg3[%mul3A_2, %dma_start3A] : memref<2560x128xi32, #tpu.memory_space<hbm>> -> memref<80x128xi32, #tpu.memory_space<hbm>>
    %dma_start3A_4 = arith.constant 0 : i32
    %dma_start3A_5 = tpu.memref_slice %arg3[%mul3A_2, %dma_start3A_4] : memref<2560x128xi32, #tpu.memory_space<hbm>> -> memref<80x128xi32, #tpu.memory_space<hbm>>
    tpu.enqueue_dma source(%dma_start3A_5 : memref<80x128xi32, #tpu.memory_space<hbm>>) target(%arg7 : memref<80x128xi32, #tpu.memory_space<vmem>>) target_semaphore(%arg15 : memref<!tpu.dma_semaphore, #tpu.memory_space<semaphore_mem>>)
    %mul3A_6 = arith.constant 80 : i32
    %mul3A_7 = arith.muli %add3A, %mul3A_6 : i32
    %dma_start3A_8 = arith.constant 0 : i32
    %dma_start3A_9 = tpu.memref_slice %arg4[%mul3A_7, %dma_start3A_8] : memref<2560x128xi32, #tpu.memory_space<hbm>> -> memref<80x128xi32, #tpu.memory_space<hbm>>
    %dma_start3A_10 = arith.constant 0 : i32
    %dma_start3A_11 = tpu.memref_slice %arg4[%mul3A_7, %dma_start3A_10] : memref<2560x128xi32, #tpu.memory_space<hbm>> -> memref<80x128xi32, #tpu.memory_space<hbm>>
    tpu.enqueue_dma source(%dma_start3A_11 : memref<80x128xi32, #tpu.memory_space<hbm>>) target(%arg8 : memref<80x128xi32, #tpu.memory_space<vmem>>) target_semaphore(%arg15 : memref<!tpu.dma_semaphore, #tpu.memory_space<semaphore_mem>>)
    %run_scoped3A = arith.constant 0 : i32
    "tpu.region"() ({
      %run_scoped3A_787 = tpu.sem_alloc : memref<!tpu.dma_semaphore, #tpu.memory_space<semaphore_mem>>
      %dma_start3A_788 = arith.constant 0 : i32
      %dma_start3A_789 = arith.constant 0 : i32
      %dma_start3A_790 = tpu.memref_slice %arg9[%run_scoped3A, %dma_start3A_788, %dma_start3A_789] : memref<8x128x64xf32, #tpu.memory_space<vmem>> -> memref<1x128x64xf32, #tpu.memory_space<vmem>>
      %dma_start3A_791 = tpu.memref_squeeze %dma_start3A_790 : memref<1x128x64xf32, #tpu.memory_space<vmem>> -> memref<128x64xf32, #tpu.memory_space<vmem>>
      %dma_start3A_792 = arith.constant 0 : i32
      %dma_start3A_793 = arith.constant 0 : i32
      %dma_start3A_794 = tpu.memref_slice %arg9[%run_scoped3A, %dma_start3A_792, %dma_start3A_793] : memref<8x128x64xf32, #tpu.memory_space<vmem>> -> memref<1x128x64xf32, #tpu.memory_space<vmem>>
      %dma_start3A_795 = tpu.memref_squeeze %dma_start3A_794 : memref<1x128x64xf32, #tpu.memory_space<vmem>> -> memref<128x64xf32, #tpu.memory_space<vmem>>
      tpu.enqueue_dma source(%arg5 : memref<128x64xf32, #tpu.memory_space<hbm>>) target(%dma_start3A_795 : memref<128x64xf32, #tpu.memory_space<vmem>>) target_semaphore(%run_scoped3A_787 : memref<!tpu.dma_semaphore, #tpu.memory_space<semaphore_mem>>)
      %dma_wait3A_796 = arith.constant 0 : i32
      %dma_wait3A_797 = arith.constant 0 : i32
      %dma_wait3A_798 = tpu.memref_slice %arg9[%run_scoped3A, %dma_wait3A_796, %dma_wait3A_797] : memref<8x128x64xf32, #tpu.memory_space<vmem>> -> memref<1x128x64xf32, #tpu.memory_space<vmem>>
      %dma_wait3A_799 = tpu.memref_squeeze %dma_wait3A_798 : memref<1x128x64xf32, #tpu.memory_space<vmem>> -> memref<128x64xf32, #tpu.memory_space<vmem>>
      %dma_wait3A_800 = arith.constant 0 : i32
      %dma_wait3A_801 = arith.constant 0 : i32
      %dma_wait3A_802 = tpu.memref_slice %arg9[%run_scoped3A, %dma_wait3A_800, %dma_wait3A_801] : memref<8x128x64xf32, #tpu.memory_space<vmem>> -> memref<1x128x64xf32, #tpu.memory_space<vmem>>
      %dma_wait3A_803 = tpu.memref_squeeze %dma_wait3A_802 : memref<1x128x64xf32, #tpu.memory_space<vmem>> -> memref<128x64xf32, #tpu.memory_space<vmem>>
      tpu.wait_dma2 semaphore(%run_scoped3A_787 : memref<!tpu.dma_semaphore, #tpu.memory_space<semaphore_mem>>) src(%arg5 : memref<128x64xf32, #tpu.memory_space<hbm>>) dst(%dma_wait3A_803 : memref<128x64xf32, #tpu.memory_space<vmem>>)
      tpu.yield
    }) : () -> ()
    %scan3A = arith.constant 0 : i32
    %scan3A_12 = arith.constant 0 : i32
    %scan3A_13 = arith.constant 5 : i32
    %scan3A_14 = arith.addi %scan3A_12, %scan3A_13 : i32
    %scan3A_15 = arith.constant 1 : i32
    %scan3A_16 = scf.for %scan3A_787 = %scan3A_12 to %scan3A_14 step %scan3A_15 iter_args(%scan3A_788 = %scan3A) -> (i32)  : i32 {
      %mul3A_789 = arith.constant 640 : i32
      %mul3A_790 = arith.muli %arg1, %mul3A_789 : i32
      %mul3A_791 = arith.constant 128 : i32
      %mul3A_792 = arith.muli %scan3A_787, %mul3A_791 : i32
      %add3A_793 = arith.addi %mul3A_790, %mul3A_792 : i32
      %run_scoped3A_794 = arith.constant 0 : i32
      "tpu.region"() ({
        %run_scoped3A_796 = tpu.sem_alloc : memref<!tpu.dma_semaphore, #tpu.memory_space<semaphore_mem>>
        %dma_start3A_797 = arith.constant 0 : i32
        %dma_start3A_798 = arith.constant 0 : i32
        %dma_start3A_799 = tpu.memref_slice %arg9[%run_scoped3A_794, %dma_start3A_797, %dma_start3A_798] : memref<8x128x64xf32, #tpu.memory_space<vmem>> -> memref<1x128x64xf32, #tpu.memory_space<vmem>>
        %dma_start3A_800 = tpu.memref_squeeze %dma_start3A_799 : memref<1x128x64xf32, #tpu.memory_space<vmem>> -> memref<128x64xf32, #tpu.memory_space<vmem>>
        %dma_start3A_801 = arith.constant 0 : i32
        %dma_start3A_802 = tpu.memref_slice %arg10[%add3A_793, %dma_start3A_801] : memref<10240x64xf32, #tpu.memory_space<vmem_shared>> -> memref<128x64xf32, #tpu.memory_space<vmem_shared>>
        %dma_start3A_803 = arith.constant 0 : i32
        %dma_start3A_804 = tpu.memref_slice %arg10[%add3A_793, %dma_start3A_803] : memref<10240x64xf32, #tpu.memory_space<vmem_shared>> -> memref<128x64xf32, #tpu.memory_space<vmem_shared>>
        %dma_start3A_805 = arith.constant 0 : i32
        %dma_start3A_806 = arith.constant 0 : i32
        %dma_start3A_807 = tpu.memref_slice %arg9[%run_scoped3A_794, %dma_start3A_805, %dma_start3A_806] : memref<8x128x64xf32, #tpu.memory_space<vmem>> -> memref<1x128x64xf32, #tpu.memory_space<vmem>>
        %dma_start3A_808 = tpu.memref_squeeze %dma_start3A_807 : memref<1x128x64xf32, #tpu.memory_space<vmem>> -> memref<128x64xf32, #tpu.memory_space<vmem>>
        tpu.enqueue_dma source(%dma_start3A_808 : memref<128x64xf32, #tpu.memory_space<vmem>>) target(%dma_start3A_804 : memref<128x64xf32, #tpu.memory_space<vmem_shared>>) target_semaphore(%run_scoped3A_796 : memref<!tpu.dma_semaphore, #tpu.memory_space<semaphore_mem>>)
        %dma_wait3A_809 = arith.constant 0 : i32
        %dma_wait3A_810 = arith.constant 0 : i32
        %dma_wait3A_811 = tpu.memref_slice %arg9[%run_scoped3A_794, %dma_wait3A_809, %dma_wait3A_810] : memref<8x128x64xf32, #tpu.memory_space<vmem>> -> memref<1x128x64xf32, #tpu.memory_space<vmem>>
        %dma_wait3A_812 = tpu.memref_squeeze %dma_wait3A_811 : memref<1x128x64xf32, #tpu.memory_space<vmem>> -> memref<128x64xf32, #tpu.memory_space<vmem>>
        %dma_wait3A_813 = arith.constant 0 : i32
        %dma_wait3A_814 = tpu.memref_slice %arg10[%add3A_793, %dma_wait3A_813] : memref<10240x64xf32, #tpu.memory_space<vmem_shared>> -> memref<128x64xf32, #tpu.memory_space<vmem_shared>>
        %dma_wait3A_815 = arith.constant 0 : i32
        %dma_wait3A_816 = tpu.memref_slice %arg10[%add3A_793, %dma_wait3A_815] : memref<10240x64xf32, #tpu.memory_space<vmem_shared>> -> memref<128x64xf32, #tpu.memory_space<vmem_shared>>
        %dma_wait3A_817 = arith.constant 0 : i32
        %dma_wait3A_818 = arith.constant 0 : i32
        %dma_wait3A_819 = tpu.memref_slice %arg9[%run_scoped3A_794, %dma_wait3A_817, %dma_wait3A_818] : memref<8x128x64xf32, #tpu.memory_space<vmem>> -> memref<1x128x64xf32, #tpu.memory_space<vmem>>
        %dma_wait3A_820 = tpu.memref_squeeze %dma_wait3A_819 : memref<1x128x64xf32, #tpu.memory_space<vmem>> -> memref<128x64xf32, #tpu.memory_space<vmem>>
        tpu.wait_dma2 semaphore(%run_scoped3A_796 : memref<!tpu.dma_semaphore, #tpu.memory_space<semaphore_mem>>) src(%dma_wait3A_820 : memref<128x64xf32, #tpu.memory_space<vmem>>) dst(%dma_wait3A_816 : memref<128x64xf32, #tpu.memory_space<vmem_shared>>)
        tpu.yield
      }) : () -> ()
      %scan3A_795 = arith.constant 0 : i32
      scf.yield %scan3A_795 : i32
    }
    %scan3A_17 = arith.constant 5 : i32
    %dma_wait3A = arith.constant 0 : i32
    %dma_wait3A_18 = tpu.memref_slice %arg3[%mul3A_2, %dma_wait3A] : memref<2560x128xi32, #tpu.memory_space<hbm>> -> memref<80x128xi32, #tpu.memory_space<hbm>>
    %dma_wait3A_19 = arith.constant 0 : i32
    %dma_wait3A_20 = tpu.memref_slice %arg3[%mul3A_2, %dma_wait3A_19] : memref<2560x128xi32, #tpu.memory_space<hbm>> -> memref<80x128xi32, #tpu.memory_space<hbm>>
    tpu.wait_dma2 semaphore(%arg15 : memref<!tpu.dma_semaphore, #tpu.memory_space<semaphore_mem>>) src(%dma_wait3A_20 : memref<80x128xi32, #tpu.memory_space<hbm>>) dst(%arg7 : memref<80x128xi32, #tpu.memory_space<vmem>>)
    %dma_wait3A_21 = arith.constant 0 : i32
    %dma_wait3A_22 = tpu.memref_slice %arg4[%mul3A_7, %dma_wait3A_21] : memref<2560x128xi32, #tpu.memory_space<hbm>> -> memref<80x128xi32, #tpu.memory_space<hbm>>
    %dma_wait3A_23 = arith.constant 0 : i32
    %dma_wait3A_24 = tpu.memref_slice %arg4[%mul3A_7, %dma_wait3A_23] : memref<2560x128xi32, #tpu.memory_space<hbm>> -> memref<80x128xi32, #tpu.memory_space<hbm>>
    tpu.wait_dma2 semaphore(%arg15 : memref<!tpu.dma_semaphore, #tpu.memory_space<semaphore_mem>>) src(%dma_wait3A_24 : memref<80x128xi32, #tpu.memory_space<hbm>>) dst(%arg8 : memref<80x128xi32, #tpu.memory_space<vmem>>)
    %barrier3A = arith.constant 0 : index
    tpu.barrier barrier_id(%barrier3A)
    %dma_start3A_25 = arith.constant 0 : i32
    %dma_start3A_26 = arith.constant 0 : i32
    %dma_start3A_27 = arith.constant 0 : i32
    %dma_start3A_28 = arith.constant 0 : i32
    %dma_start3A_29 = tpu.memref_slice %arg9[%dma_start3A_26, %dma_start3A_27, %dma_start3A_28] : memref<8x128x64xf32, #tpu.memory_space<vmem>> -> memref<1x128x64xf32, #tpu.memory_space<vmem>>
    %dma_start3A_30 = tpu.memref_squeeze %dma_start3A_29 : memref<1x128x64xf32, #tpu.memory_space<vmem>> -> memref<128x64xf32, #tpu.memory_space<vmem>>
    %dma_start3A_31 = arith.constant 0 : i32
    %dma_start3A_32 = tpu.memref_slice %arg7[%dma_start3A_25, %dma_start3A_31] : memref<80x128xi32, #tpu.memory_space<vmem>> -> memref<1x128xi32, #tpu.memory_space<vmem>>
    %dma_start3A_33 = tpu.memref_squeeze %dma_start3A_32 : memref<1x128xi32, #tpu.memory_space<vmem>> -> memref<128xi32, #tpu.memory_space<vmem>>
    %dma_start3A_34 = arith.constant 0 : i32
    %dma_start3A_35 = arith.constant 0 : i32
    %dma_start3A_36 = tpu.memref_slice %arg2[%dma_start3A_34, %dma_start3A_35] : memref<10000x64xf32, #tpu.memory_space<hbm>> -> memref<10000x64xf32, #tpu.memory_space<hbm>>
    tpu.enqueue_indirect_dma source(%dma_start3A_36 : memref<10000x64xf32, #tpu.memory_space<hbm>>) target(%dma_start3A_30 : memref<128x64xf32, #tpu.memory_space<vmem>>) offsets(%dma_start3A_33 : memref<128xi32, #tpu.memory_space<vmem>>) semaphore(%arg11 : memref<!tpu.dma_semaphore, #tpu.memory_space<semaphore_mem>>)
    %dma_start3A_37 = arith.constant 1 : i32
    %dma_start3A_38 = arith.constant 1 : i32
    %dma_start3A_39 = arith.constant 0 : i32
    %dma_start3A_40 = arith.constant 0 : i32
    %dma_start3A_41 = tpu.memref_slice %arg9[%dma_start3A_38, %dma_start3A_39, %dma_start3A_40] : memref<8x128x64xf32, #tpu.memory_space<vmem>> -> memref<1x128x64xf32, #tpu.memory_space<vmem>>
    %dma_start3A_42 = tpu.memref_squeeze %dma_start3A_41 : memref<1x128x64xf32, #tpu.memory_space<vmem>> -> memref<128x64xf32, #tpu.memory_space<vmem>>
    %dma_start3A_43 = arith.constant 0 : i32
    %dma_start3A_44 = tpu.memref_slice %arg7[%dma_start3A_37, %dma_start3A_43] : memref<80x128xi32, #tpu.memory_space<vmem>> -> memref<1x128xi32, #tpu.memory_space<vmem>>
    %dma_start3A_45 = tpu.memref_squeeze %dma_start3A_44 : memref<1x128xi32, #tpu.memory_space<vmem>> -> memref<128xi32, #tpu.memory_space<vmem>>
    %dma_start3A_46 = arith.constant 0 : i32
    %dma_start3A_47 = arith.constant 0 : i32
    %dma_start3A_48 = tpu.memref_slice %arg2[%dma_start3A_46, %dma_start3A_47] : memref<10000x64xf32, #tpu.memory_space<hbm>> -> memref<10000x64xf32, #tpu.memory_space<hbm>>
    tpu.enqueue_indirect_dma source(%dma_start3A_48 : memref<10000x64xf32, #tpu.memory_space<hbm>>) target(%dma_start3A_42 : memref<128x64xf32, #tpu.memory_space<vmem>>) offsets(%dma_start3A_45 : memref<128xi32, #tpu.memory_space<vmem>>) semaphore(%arg11 : memref<!tpu.dma_semaphore, #tpu.memory_space<semaphore_mem>>)
    %dma_start3A_49 = arith.constant 2 : i32
    %dma_start3A_50 = arith.constant 2 : i32
    %dma_start3A_51 = arith.constant 0 : i32
    %dma_start3A_52 = arith.constant 0 : i32
    %dma_start3A_53 = tpu.memref_slice %arg9[%dma_start3A_50, %dma_start3A_51, %dma_start3A_52] : memref<8x128x64xf32, #tpu.memory_space<vmem>> -> memref<1x128x64xf32, #tpu.memory_space<vmem>>
    %dma_start3A_54 = tpu.memref_squeeze %dma_start3A_53 : memref<1x128x64xf32, #tpu.memory_space<vmem>> -> memref<128x64xf32, #tpu.memory_space<vmem>>
    %dma_start3A_55 = arith.constant 0 : i32
    %dma_start3A_56 = tpu.memref_slice %arg7[%dma_start3A_49, %dma_start3A_55] : memref<80x128xi32, #tpu.memory_space<vmem>> -> memref<1x128xi32, #tpu.memory_space<vmem>>
    %dma_start3A_57 = tpu.memref_squeeze %dma_start3A_56 : memref<1x128xi32, #tpu.memory_space<vmem>> -> memref<128xi32, #tpu.memory_space<vmem>>
    %dma_start3A_58 = arith.constant 0 : i32
    %dma_start3A_59 = arith.constant 0 : i32
    %dma_start3A_60 = tpu.memref_slice %arg2[%dma_start3A_58, %dma_start3A_59] : memref<10000x64xf32, #tpu.memory_space<hbm>> -> memref<10000x64xf32, #tpu.memory_space<hbm>>
    tpu.enqueue_indirect_dma source(%dma_start3A_60 : memref<10000x64xf32, #tpu.memory_space<hbm>>) target(%dma_start3A_54 : memref<128x64xf32, #tpu.memory_space<vmem>>) offsets(%dma_start3A_57 : memref<128xi32, #tpu.memory_space<vmem>>) semaphore(%arg11 : memref<!tpu.dma_semaphore, #tpu.memory_space<semaphore_mem>>)
    %dma_start3A_61 = arith.constant 3 : i32
    %dma_start3A_62 = arith.constant 3 : i32
    %dma_start3A_63 = arith.constant 0 : i32
    %dma_start3A_64 = arith.constant 0 : i32
    %dma_start3A_65 = tpu.memref_slice %arg9[%dma_start3A_62, %dma_start3A_63, %dma_start3A_64] : memref<8x128x64xf32, #tpu.memory_space<vmem>> -> memref<1x128x64xf32, #tpu.memory_space<vmem>>
    %dma_start3A_66 = tpu.memref_squeeze %dma_start3A_65 : memref<1x128x64xf32, #tpu.memory_space<vmem>> -> memref<128x64xf32, #tpu.memory_space<vmem>>
    %dma_start3A_67 = arith.constant 0 : i32
    %dma_start3A_68 = tpu.memref_slice %arg7[%dma_start3A_61, %dma_start3A_67] : memref<80x128xi32, #tpu.memory_space<vmem>> -> memref<1x128xi32, #tpu.memory_space<vmem>>
    %dma_start3A_69 = tpu.memref_squeeze %dma_start3A_68 : memref<1x128xi32, #tpu.memory_space<vmem>> -> memref<128xi32, #tpu.memory_space<vmem>>
    %dma_start3A_70 = arith.constant 0 : i32
    %dma_start3A_71 = arith.constant 0 : i32
    %dma_start3A_72 = tpu.memref_slice %arg2[%dma_start3A_70, %dma_start3A_71] : memref<10000x64xf32, #tpu.memory_space<hbm>> -> memref<10000x64xf32, #tpu.memory_space<hbm>>
    tpu.enqueue_indirect_dma source(%dma_start3A_72 : memref<10000x64xf32, #tpu.memory_space<hbm>>) target(%dma_start3A_66 : memref<128x64xf32, #tpu.memory_space<vmem>>) offsets(%dma_start3A_69 : memref<128xi32, #tpu.memory_space<vmem>>) semaphore(%arg11 : memref<!tpu.dma_semaphore, #tpu.memory_space<semaphore_mem>>)
    %dma_start3A_73 = arith.constant 4 : i32
    %dma_start3A_74 = arith.constant 4 : i32
    %dma_start3A_75 = arith.constant 0 : i32
    %dma_start3A_76 = arith.constant 0 : i32
    %dma_start3A_77 = tpu.memref_slice %arg9[%dma_start3A_74, %dma_start3A_75, %dma_start3A_76] : memref<8x128x64xf32, #tpu.memory_space<vmem>> -> memref<1x128x64xf32, #tpu.memory_space<vmem>>
    %dma_start3A_78 = tpu.memref_squeeze %dma_start3A_77 : memref<1x128x64xf32, #tpu.memory_space<vmem>> -> memref<128x64xf32, #tpu.memory_space<vmem>>
    %dma_start3A_79 = arith.constant 0 : i32
    %dma_start3A_80 = tpu.memref_slice %arg7[%dma_start3A_73, %dma_start3A_79] : memref<80x128xi32, #tpu.memory_space<vmem>> -> memref<1x128xi32, #tpu.memory_space<vmem>>
    %dma_start3A_81 = tpu.memref_squeeze %dma_start3A_80 : memref<1x128xi32, #tpu.memory_space<vmem>> -> memref<128xi32, #tpu.memory_space<vmem>>
    %dma_start3A_82 = arith.constant 0 : i32
    %dma_start3A_83 = arith.constant 0 : i32
    %dma_start3A_84 = tpu.memref_slice %arg2[%dma_start3A_82, %dma_start3A_83] : memref<10000x64xf32, #tpu.memory_space<hbm>> -> memref<10000x64xf32, #tpu.memory_space<hbm>>
    tpu.enqueue_indirect_dma source(%dma_start3A_84 : memref<10000x64xf32, #tpu.memory_space<hbm>>) target(%dma_start3A_78 : memref<128x64xf32, #tpu.memory_space<vmem>>) offsets(%dma_start3A_81 : memref<128xi32, #tpu.memory_space<vmem>>) semaphore(%arg12 : memref<!tpu.dma_semaphore, #tpu.memory_space<semaphore_mem>>)
    %dma_start3A_85 = arith.constant 5 : i32
    %dma_start3A_86 = arith.constant 5 : i32
    %dma_start3A_87 = arith.constant 0 : i32
    %dma_start3A_88 = arith.constant 0 : i32
    %dma_start3A_89 = tpu.memref_slice %arg9[%dma_start3A_86, %dma_start3A_87, %dma_start3A_88] : memref<8x128x64xf32, #tpu.memory_space<vmem>> -> memref<1x128x64xf32, #tpu.memory_space<vmem>>
    %dma_start3A_90 = tpu.memref_squeeze %dma_start3A_89 : memref<1x128x64xf32, #tpu.memory_space<vmem>> -> memref<128x64xf32, #tpu.memory_space<vmem>>
    %dma_start3A_91 = arith.constant 0 : i32
    %dma_start3A_92 = tpu.memref_slice %arg7[%dma_start3A_85, %dma_start3A_91] : memref<80x128xi32, #tpu.memory_space<vmem>> -> memref<1x128xi32, #tpu.memory_space<vmem>>
    %dma_start3A_93 = tpu.memref_squeeze %dma_start3A_92 : memref<1x128xi32, #tpu.memory_space<vmem>> -> memref<128xi32, #tpu.memory_space<vmem>>
    %dma_start3A_94 = arith.constant 0 : i32
    %dma_start3A_95 = arith.constant 0 : i32
    %dma_start3A_96 = tpu.memref_slice %arg2[%dma_start3A_94, %dma_start3A_95] : memref<10000x64xf32, #tpu.memory_space<hbm>> -> memref<10000x64xf32, #tpu.memory_space<hbm>>
    tpu.enqueue_indirect_dma source(%dma_start3A_96 : memref<10000x64xf32, #tpu.memory_space<hbm>>) target(%dma_start3A_90 : memref<128x64xf32, #tpu.memory_space<vmem>>) offsets(%dma_start3A_93 : memref<128xi32, #tpu.memory_space<vmem>>) semaphore(%arg12 : memref<!tpu.dma_semaphore, #tpu.memory_space<semaphore_mem>>)
    %dma_start3A_97 = arith.constant 6 : i32
    %dma_start3A_98 = arith.constant 6 : i32
    %dma_start3A_99 = arith.constant 0 : i32
    %dma_start3A_100 = arith.constant 0 : i32
    %dma_start3A_101 = tpu.memref_slice %arg9[%dma_start3A_98, %dma_start3A_99, %dma_start3A_100] : memref<8x128x64xf32, #tpu.memory_space<vmem>> -> memref<1x128x64xf32, #tpu.memory_space<vmem>>
    %dma_start3A_102 = tpu.memref_squeeze %dma_start3A_101 : memref<1x128x64xf32, #tpu.memory_space<vmem>> -> memref<128x64xf32, #tpu.memory_space<vmem>>
    %dma_start3A_103 = arith.constant 0 : i32
    %dma_start3A_104 = tpu.memref_slice %arg7[%dma_start3A_97, %dma_start3A_103] : memref<80x128xi32, #tpu.memory_space<vmem>> -> memref<1x128xi32, #tpu.memory_space<vmem>>
    %dma_start3A_105 = tpu.memref_squeeze %dma_start3A_104 : memref<1x128xi32, #tpu.memory_space<vmem>> -> memref<128xi32, #tpu.memory_space<vmem>>
    %dma_start3A_106 = arith.constant 0 : i32
    %dma_start3A_107 = arith.constant 0 : i32
    %dma_start3A_108 = tpu.memref_slice %arg2[%dma_start3A_106, %dma_start3A_107] : memref<10000x64xf32, #tpu.memory_space<hbm>> -> memref<10000x64xf32, #tpu.memory_space<hbm>>
    tpu.enqueue_indirect_dma source(%dma_start3A_108 : memref<10000x64xf32, #tpu.memory_space<hbm>>) target(%dma_start3A_102 : memref<128x64xf32, #tpu.memory_space<vmem>>) offsets(%dma_start3A_105 : memref<128xi32, #tpu.memory_space<vmem>>) semaphore(%arg12 : memref<!tpu.dma_semaphore, #tpu.memory_space<semaphore_mem>>)
    %dma_start3A_109 = arith.constant 7 : i32
    %dma_start3A_110 = arith.constant 7 : i32
    %dma_start3A_111 = arith.constant 0 : i32
    %dma_start3A_112 = arith.constant 0 : i32
    %dma_start3A_113 = tpu.memref_slice %arg9[%dma_start3A_110, %dma_start3A_111, %dma_start3A_112] : memref<8x128x64xf32, #tpu.memory_space<vmem>> -> memref<1x128x64xf32, #tpu.memory_space<vmem>>
    %dma_start3A_114 = tpu.memref_squeeze %dma_start3A_113 : memref<1x128x64xf32, #tpu.memory_space<vmem>> -> memref<128x64xf32, #tpu.memory_space<vmem>>
    %dma_start3A_115 = arith.constant 0 : i32
    %dma_start3A_116 = tpu.memref_slice %arg7[%dma_start3A_109, %dma_start3A_115] : memref<80x128xi32, #tpu.memory_space<vmem>> -> memref<1x128xi32, #tpu.memory_space<vmem>>
    %dma_start3A_117 = tpu.memref_squeeze %dma_start3A_116 : memref<1x128xi32, #tpu.memory_space<vmem>> -> memref<128xi32, #tpu.memory_space<vmem>>
    %dma_start3A_118 = arith.constant 0 : i32
    %dma_start3A_119 = arith.constant 0 : i32
    %dma_start3A_120 = tpu.memref_slice %arg2[%dma_start3A_118, %dma_start3A_119] : memref<10000x64xf32, #tpu.memory_space<hbm>> -> memref<10000x64xf32, #tpu.memory_space<hbm>>
    tpu.enqueue_indirect_dma source(%dma_start3A_120 : memref<10000x64xf32, #tpu.memory_space<hbm>>) target(%dma_start3A_114 : memref<128x64xf32, #tpu.memory_space<vmem>>) offsets(%dma_start3A_117 : memref<128xi32, #tpu.memory_space<vmem>>) semaphore(%arg12 : memref<!tpu.dma_semaphore, #tpu.memory_space<semaphore_mem>>)
    %scan3A_121 = arith.constant 0 : i32
    %scan3A_122 = arith.constant 0 : i32
    %scan3A_123 = arith.constant 9 : i32
    %scan3A_124 = arith.addi %scan3A_122, %scan3A_123 : i32
    %scan3A_125 = arith.constant 1 : i32
    %scan3A_126 = scf.for %scan3A_787 = %scan3A_122 to %scan3A_124 step %scan3A_125 iter_args(%scan3A_788 = %scan3A_121) -> (i32)  : i32 {
      %mul3A_789 = arith.constant 2 : i32
      %mul3A_790 = arith.muli %mul3A_789, %scan3A_787 : i32
      %mul3A_791 = arith.constant 4 : i32
      %mul3A_792 = arith.muli %mul3A_790, %mul3A_791 : i32
      %add3A_793 = arith.constant 0 : i32
      %add3A_794 = arith.addi %mul3A_792, %add3A_793 : i32
      %dma_wait3A_795 = arith.constant 0 : i32
      %dma_wait3A_796 = arith.constant 0 : i32
      %dma_wait3A_797 = arith.constant 0 : i32
      %dma_wait3A_798 = tpu.memref_slice %arg9[%dma_wait3A_795, %dma_wait3A_796, %dma_wait3A_797] : memref<8x128x64xf32, #tpu.memory_space<vmem>> -> memref<1x128x64xf32, #tpu.memory_space<vmem>>
      %dma_wait3A_799 = tpu.memref_squeeze %dma_wait3A_798 : memref<1x128x64xf32, #tpu.memory_space<vmem>> -> memref<128x64xf32, #tpu.memory_space<vmem>>
      %dma_wait3A_800 = arith.constant 0 : i32
      %dma_wait3A_801 = tpu.memref_slice %arg7[%add3A_794, %dma_wait3A_800] : memref<80x128xi32, #tpu.memory_space<vmem>> -> memref<1x128xi32, #tpu.memory_space<vmem>>
      %dma_wait3A_802 = tpu.memref_squeeze %dma_wait3A_801 : memref<1x128xi32, #tpu.memory_space<vmem>> -> memref<128xi32, #tpu.memory_space<vmem>>
      %dma_wait3A_803 = arith.constant 0 : i32
      %dma_wait3A_804 = arith.constant 0 : i32
      %dma_wait3A_805 = tpu.memref_slice %arg2[%dma_wait3A_803, %dma_wait3A_804] : memref<10000x64xf32, #tpu.memory_space<hbm>> -> memref<10000x64xf32, #tpu.memory_space<hbm>>
      tpu.wait_indirect_dma semaphore(%arg11 : memref<!tpu.dma_semaphore, #tpu.memory_space<semaphore_mem>>) src(%dma_wait3A_805 : memref<10000x64xf32, #tpu.memory_space<hbm>>) dst(%dma_wait3A_799 : memref<128x64xf32, #tpu.memory_space<vmem>>)
      %mul3A_806 = arith.constant 4 : i32
      %mul3A_807 = arith.muli %mul3A_790, %mul3A_806 : i32
      %add3A_808 = arith.constant 1 : i32
      %add3A_809 = arith.addi %mul3A_807, %add3A_808 : i32
      %dma_wait3A_810 = arith.constant 1 : i32
      %dma_wait3A_811 = arith.constant 0 : i32
      %dma_wait3A_812 = arith.constant 0 : i32
      %dma_wait3A_813 = tpu.memref_slice %arg9[%dma_wait3A_810, %dma_wait3A_811, %dma_wait3A_812] : memref<8x128x64xf32, #tpu.memory_space<vmem>> -> memref<1x128x64xf32, #tpu.memory_space<vmem>>
      %dma_wait3A_814 = tpu.memref_squeeze %dma_wait3A_813 : memref<1x128x64xf32, #tpu.memory_space<vmem>> -> memref<128x64xf32, #tpu.memory_space<vmem>>
      %dma_wait3A_815 = arith.constant 0 : i32
      %dma_wait3A_816 = tpu.memref_slice %arg7[%add3A_809, %dma_wait3A_815] : memref<80x128xi32, #tpu.memory_space<vmem>> -> memref<1x128xi32, #tpu.memory_space<vmem>>
      %dma_wait3A_817 = tpu.memref_squeeze %dma_wait3A_816 : memref<1x128xi32, #tpu.memory_space<vmem>> -> memref<128xi32, #tpu.memory_space<vmem>>
      %dma_wait3A_818 = arith.constant 0 : i32
      %dma_wait3A_819 = arith.constant 0 : i32
      %dma_wait3A_820 = tpu.memref_slice %arg2[%dma_wait3A_818, %dma_wait3A_819] : memref<10000x64xf32, #tpu.memory_space<hbm>> -> memref<10000x64xf32, #tpu.memory_space<hbm>>
      tpu.wait_indirect_dma semaphore(%arg11 : memref<!tpu.dma_semaphore, #tpu.memory_space<semaphore_mem>>) src(%dma_wait3A_820 : memref<10000x64xf32, #tpu.memory_space<hbm>>) dst(%dma_wait3A_814 : memref<128x64xf32, #tpu.memory_space<vmem>>)
      %mul3A_821 = arith.constant 4 : i32
      %mul3A_822 = arith.muli %mul3A_790, %mul3A_821 : i32
      %add3A_823 = arith.constant 2 : i32
      %add3A_824 = arith.addi %mul3A_822, %add3A_823 : i32
      %dma_wait3A_825 = arith.constant 2 : i32
      %dma_wait3A_826 = arith.constant 0 : i32
      %dma_wait3A_827 = arith.constant 0 : i32
      %dma_wait3A_828 = tpu.memref_slice %arg9[%dma_wait3A_825, %dma_wait3A_826, %dma_wait3A_827] : memref<8x128x64xf32, #tpu.memory_space<vmem>> -> memref<1x128x64xf32, #tpu.memory_space<vmem>>
      %dma_wait3A_829 = tpu.memref_squeeze %dma_wait3A_828 : memref<1x128x64xf32, #tpu.memory_space<vmem>> -> memref<128x64xf32, #tpu.memory_space<vmem>>
      %dma_wait3A_830 = arith.constant 0 : i32
      %dma_wait3A_831 = tpu.memref_slice %arg7[%add3A_824, %dma_wait3A_830] : memref<80x128xi32, #tpu.memory_space<vmem>> -> memref<1x128xi32, #tpu.memory_space<vmem>>
      %dma_wait3A_832 = tpu.memref_squeeze %dma_wait3A_831 : memref<1x128xi32, #tpu.memory_space<vmem>> -> memref<128xi32, #tpu.memory_space<vmem>>
      %dma_wait3A_833 = arith.constant 0 : i32
      %dma_wait3A_834 = arith.constant 0 : i32
      %dma_wait3A_835 = tpu.memref_slice %arg2[%dma_wait3A_833, %dma_wait3A_834] : memref<10000x64xf32, #tpu.memory_space<hbm>> -> memref<10000x64xf32, #tpu.memory_space<hbm>>
      tpu.wait_indirect_dma semaphore(%arg11 : memref<!tpu.dma_semaphore, #tpu.memory_space<semaphore_mem>>) src(%dma_wait3A_835 : memref<10000x64xf32, #tpu.memory_space<hbm>>) dst(%dma_wait3A_829 : memref<128x64xf32, #tpu.memory_space<vmem>>)
      %mul3A_836 = arith.constant 4 : i32
      %mul3A_837 = arith.muli %mul3A_790, %mul3A_836 : i32
      %add3A_838 = arith.constant 3 : i32
      %add3A_839 = arith.addi %mul3A_837, %add3A_838 : i32
      %dma_wait3A_840 = arith.constant 3 : i32
      %dma_wait3A_841 = arith.constant 0 : i32
      %dma_wait3A_842 = arith.constant 0 : i32
      %dma_wait3A_843 = tpu.memref_slice %arg9[%dma_wait3A_840, %dma_wait3A_841, %dma_wait3A_842] : memref<8x128x64xf32, #tpu.memory_space<vmem>> -> memref<1x128x64xf32, #tpu.memory_space<vmem>>
      %dma_wait3A_844 = tpu.memref_squeeze %dma_wait3A_843 : memref<1x128x64xf32, #tpu.memory_space<vmem>> -> memref<128x64xf32, #tpu.memory_space<vmem>>
      %dma_wait3A_845 = arith.constant 0 : i32
      %dma_wait3A_846 = tpu.memref_slice %arg7[%add3A_839, %dma_wait3A_845] : memref<80x128xi32, #tpu.memory_space<vmem>> -> memref<1x128xi32, #tpu.memory_space<vmem>>
      %dma_wait3A_847 = tpu.memref_squeeze %dma_wait3A_846 : memref<1x128xi32, #tpu.memory_space<vmem>> -> memref<128xi32, #tpu.memory_space<vmem>>
      %dma_wait3A_848 = arith.constant 0 : i32
      %dma_wait3A_849 = arith.constant 0 : i32
      %dma_wait3A_850 = tpu.memref_slice %arg2[%dma_wait3A_848, %dma_wait3A_849] : memref<10000x64xf32, #tpu.memory_space<hbm>> -> memref<10000x64xf32, #tpu.memory_space<hbm>>
      tpu.wait_indirect_dma semaphore(%arg11 : memref<!tpu.dma_semaphore, #tpu.memory_space<semaphore_mem>>) src(%dma_wait3A_850 : memref<10000x64xf32, #tpu.memory_space<hbm>>) dst(%dma_wait3A_844 : memref<128x64xf32, #tpu.memory_space<vmem>>)
      %mul3A_851 = arith.constant 2 : i32
      %mul3A_852 = arith.muli %mul3A_851, %scan3A_787 : i32
      %mul3A_853 = arith.constant 4 : i32
      %mul3A_854 = arith.muli %mul3A_852, %mul3A_853 : i32
      %add3A_855 = arith.constant 0 : i32
      %add3A_856 = arith.addi %mul3A_854, %add3A_855 : i32
      %dma_start3A_857 = arith.constant 0 : i32
      %dma_start3A_858 = arith.constant 0 : i32
      %dma_start3A_859 = arith.constant 0 : i32
      %dma_start3A_860 = tpu.memref_slice %arg9[%dma_start3A_857, %dma_start3A_858, %dma_start3A_859] : memref<8x128x64xf32, #tpu.memory_space<vmem>> -> memref<1x128x64xf32, #tpu.memory_space<vmem>>
      %dma_start3A_861 = tpu.memref_squeeze %dma_start3A_860 : memref<1x128x64xf32, #tpu.memory_space<vmem>> -> memref<128x64xf32, #tpu.memory_space<vmem>>
      %dma_start3A_862 = arith.constant 0 : i32
      %dma_start3A_863 = tpu.memref_slice %arg8[%add3A_856, %dma_start3A_862] : memref<80x128xi32, #tpu.memory_space<vmem>> -> memref<1x128xi32, #tpu.memory_space<vmem>>
      %dma_start3A_864 = tpu.memref_squeeze %dma_start3A_863 : memref<1x128xi32, #tpu.memory_space<vmem>> -> memref<128xi32, #tpu.memory_space<vmem>>
      %dma_start3A_865 = arith.constant 0 : i32
      %dma_start3A_866 = arith.constant 0 : i32
      %dma_start3A_867 = tpu.memref_slice %arg10[%dma_start3A_865, %dma_start3A_866] : memref<10240x64xf32, #tpu.memory_space<vmem_shared>> -> memref<10240x64xf32, #tpu.memory_space<vmem_shared>>
      tpu.enqueue_indirect_dma source(%dma_start3A_861 : memref<128x64xf32, #tpu.memory_space<vmem>>) target(%dma_start3A_867 : memref<10240x64xf32, #tpu.memory_space<vmem_shared>>) offsets(%dma_start3A_864 : memref<128xi32, #tpu.memory_space<vmem>>) semaphore(%arg13 : memref<!tpu.dma_semaphore, #tpu.memory_space<semaphore_mem>>) {add = true}
      %mul3A_868 = arith.constant 4 : i32
      %mul3A_869 = arith.muli %mul3A_852, %mul3A_868 : i32
      %add3A_870 = arith.constant 1 : i32
      %add3A_871 = arith.addi %mul3A_869, %add3A_870 : i32
      %dma_start3A_872 = arith.constant 1 : i32
      %dma_start3A_873 = arith.constant 0 : i32
      %dma_start3A_874 = arith.constant 0 : i32
      %dma_start3A_875 = tpu.memref_slice %arg9[%dma_start3A_872, %dma_start3A_873, %dma_start3A_874] : memref<8x128x64xf32, #tpu.memory_space<vmem>> -> memref<1x128x64xf32, #tpu.memory_space<vmem>>
      %dma_start3A_876 = tpu.memref_squeeze %dma_start3A_875 : memref<1x128x64xf32, #tpu.memory_space<vmem>> -> memref<128x64xf32, #tpu.memory_space<vmem>>
      %dma_start3A_877 = arith.constant 0 : i32
      %dma_start3A_878 = tpu.memref_slice %arg8[%add3A_871, %dma_start3A_877] : memref<80x128xi32, #tpu.memory_space<vmem>> -> memref<1x128xi32, #tpu.memory_space<vmem>>
      %dma_start3A_879 = tpu.memref_squeeze %dma_start3A_878 : memref<1x128xi32, #tpu.memory_space<vmem>> -> memref<128xi32, #tpu.memory_space<vmem>>
      %dma_start3A_880 = arith.constant 0 : i32
      %dma_start3A_881 = arith.constant 0 : i32
      %dma_start3A_882 = tpu.memref_slice %arg10[%dma_start3A_880, %dma_start3A_881] : memref<10240x64xf32, #tpu.memory_space<vmem_shared>> -> memref<10240x64xf32, #tpu.memory_space<vmem_shared>>
      tpu.enqueue_indirect_dma source(%dma_start3A_876 : memref<128x64xf32, #tpu.memory_space<vmem>>) target(%dma_start3A_882 : memref<10240x64xf32, #tpu.memory_space<vmem_shared>>) offsets(%dma_start3A_879 : memref<128xi32, #tpu.memory_space<vmem>>) semaphore(%arg13 : memref<!tpu.dma_semaphore, #tpu.memory_space<semaphore_mem>>) {add = true}
      %mul3A_883 = arith.constant 4 : i32
      %mul3A_884 = arith.muli %mul3A_852, %mul3A_883 : i32
      %add3A_885 = arith.constant 2 : i32
      %add3A_886 = arith.addi %mul3A_884, %add3A_885 : i32
      %dma_start3A_887 = arith.constant 2 : i32
      %dma_start3A_888 = arith.constant 0 : i32
      %dma_start3A_889 = arith.constant 0 : i32
      %dma_start3A_890 = tpu.memref_slice %arg9[%dma_start3A_887, %dma_start3A_888, %dma_start3A_889] : memref<8x128x64xf32, #tpu.memory_space<vmem>> -> memref<1x128x64xf32, #tpu.memory_space<vmem>>
      %dma_start3A_891 = tpu.memref_squeeze %dma_start3A_890 : memref<1x128x64xf32, #tpu.memory_space<vmem>> -> memref<128x64xf32, #tpu.memory_space<vmem>>
      %dma_start3A_892 = arith.constant 0 : i32
      %dma_start3A_893 = tpu.memref_slice %arg8[%add3A_886, %dma_start3A_892] : memref<80x128xi32, #tpu.memory_space<vmem>> -> memref<1x128xi32, #tpu.memory_space<vmem>>
      %dma_start3A_894 = tpu.memref_squeeze %dma_start3A_893 : memref<1x128xi32, #tpu.memory_space<vmem>> -> memref<128xi32, #tpu.memory_space<vmem>>
      %dma_start3A_895 = arith.constant 0 : i32
      %dma_start3A_896 = arith.constant 0 : i32
      %dma_start3A_897 = tpu.memref_slice %arg10[%dma_start3A_895, %dma_start3A_896] : memref<10240x64xf32, #tpu.memory_space<vmem_shared>> -> memref<10240x64xf32, #tpu.memory_space<vmem_shared>>
      tpu.enqueue_indirect_dma source(%dma_start3A_891 : memref<128x64xf32, #tpu.memory_space<vmem>>) target(%dma_start3A_897 : memref<10240x64xf32, #tpu.memory_space<vmem_shared>>) offsets(%dma_start3A_894 : memref<128xi32, #tpu.memory_space<vmem>>) semaphore(%arg13 : memref<!tpu.dma_semaphore, #tpu.memory_space<semaphore_mem>>) {add = true}
      %mul3A_898 = arith.constant 4 : i32
      %mul3A_899 = arith.muli %mul3A_852, %mul3A_898 : i32
      %add3A_900 = arith.constant 3 : i32
      %add3A_901 = arith.addi %mul3A_899, %add3A_900 : i32
      %dma_start3A_902 = arith.constant 3 : i32
      %dma_start3A_903 = arith.constant 0 : i32
      %dma_start3A_904 = arith.constant 0 : i32
      %dma_start3A_905 = tpu.memref_slice %arg9[%dma_start3A_902, %dma_start3A_903, %dma_start3A_904] : memref<8x128x64xf32, #tpu.memory_space<vmem>> -> memref<1x128x64xf32, #tpu.memory_space<vmem>>
      %dma_start3A_906 = tpu.memref_squeeze %dma_start3A_905 : memref<1x128x64xf32, #tpu.memory_space<vmem>> -> memref<128x64xf32, #tpu.memory_space<vmem>>
      %dma_start3A_907 = arith.constant 0 : i32
      %dma_start3A_908 = tpu.memref_slice %arg8[%add3A_901, %dma_start3A_907] : memref<80x128xi32, #tpu.memory_space<vmem>> -> memref<1x128xi32, #tpu.memory_space<vmem>>
      %dma_start3A_909 = tpu.memref_squeeze %dma_start3A_908 : memref<1x128xi32, #tpu.memory_space<vmem>> -> memref<128xi32, #tpu.memory_space<vmem>>
      %dma_start3A_910 = arith.constant 0 : i32
      %dma_start3A_911 = arith.constant 0 : i32
      %dma_start3A_912 = tpu.memref_slice %arg10[%dma_start3A_910, %dma_start3A_911] : memref<10240x64xf32, #tpu.memory_space<vmem_shared>> -> memref<10240x64xf32, #tpu.memory_space<vmem_shared>>
      tpu.enqueue_indirect_dma source(%dma_start3A_906 : memref<128x64xf32, #tpu.memory_space<vmem>>) target(%dma_start3A_912 : memref<10240x64xf32, #tpu.memory_space<vmem_shared>>) offsets(%dma_start3A_909 : memref<128xi32, #tpu.memory_space<vmem>>) semaphore(%arg13 : memref<!tpu.dma_semaphore, #tpu.memory_space<semaphore_mem>>) {add = true}
      %mul3A_913 = arith.constant 2 : i32
      %mul3A_914 = arith.muli %mul3A_913, %scan3A_787 : i32
      %add3A_915 = arith.constant 1 : i32
      %add3A_916 = arith.addi %mul3A_914, %add3A_915 : i32
      %mul3A_917 = arith.constant 4 : i32
      %mul3A_918 = arith.muli %add3A_916, %mul3A_917 : i32
      %add3A_919 = arith.constant 0 : i32
      %add3A_920 = arith.addi %mul3A_918, %add3A_919 : i32
      %dma_wait3A_921 = arith.constant 4 : i32
      %dma_wait3A_922 = arith.constant 0 : i32
      %dma_wait3A_923 = arith.constant 0 : i32
      %dma_wait3A_924 = tpu.memref_slice %arg9[%dma_wait3A_921, %dma_wait3A_922, %dma_wait3A_923] : memref<8x128x64xf32, #tpu.memory_space<vmem>> -> memref<1x128x64xf32, #tpu.memory_space<vmem>>
      %dma_wait3A_925 = tpu.memref_squeeze %dma_wait3A_924 : memref<1x128x64xf32, #tpu.memory_space<vmem>> -> memref<128x64xf32, #tpu.memory_space<vmem>>
      %dma_wait3A_926 = arith.constant 0 : i32
      %dma_wait3A_927 = tpu.memref_slice %arg7[%add3A_920, %dma_wait3A_926] : memref<80x128xi32, #tpu.memory_space<vmem>> -> memref<1x128xi32, #tpu.memory_space<vmem>>
      %dma_wait3A_928 = tpu.memref_squeeze %dma_wait3A_927 : memref<1x128xi32, #tpu.memory_space<vmem>> -> memref<128xi32, #tpu.memory_space<vmem>>
      %dma_wait3A_929 = arith.constant 0 : i32
      %dma_wait3A_930 = arith.constant 0 : i32
      %dma_wait3A_931 = tpu.memref_slice %arg2[%dma_wait3A_929, %dma_wait3A_930] : memref<10000x64xf32, #tpu.memory_space<hbm>> -> memref<10000x64xf32, #tpu.memory_space<hbm>>
      tpu.wait_indirect_dma semaphore(%arg12 : memref<!tpu.dma_semaphore, #tpu.memory_space<semaphore_mem>>) src(%dma_wait3A_931 : memref<10000x64xf32, #tpu.memory_space<hbm>>) dst(%dma_wait3A_925 : memref<128x64xf32, #tpu.memory_space<vmem>>)
      %mul3A_932 = arith.constant 4 : i32
      %mul3A_933 = arith.muli %add3A_916, %mul3A_932 : i32
      %add3A_934 = arith.constant 1 : i32
      %add3A_935 = arith.addi %mul3A_933, %add3A_934 : i32
      %dma_wait3A_936 = arith.constant 5 : i32
      %dma_wait3A_937 = arith.constant 0 : i32
      %dma_wait3A_938 = arith.constant 0 : i32
      %dma_wait3A_939 = tpu.memref_slice %arg9[%dma_wait3A_936, %dma_wait3A_937, %dma_wait3A_938] : memref<8x128x64xf32, #tpu.memory_space<vmem>> -> memref<1x128x64xf32, #tpu.memory_space<vmem>>
      %dma_wait3A_940 = tpu.memref_squeeze %dma_wait3A_939 : memref<1x128x64xf32, #tpu.memory_space<vmem>> -> memref<128x64xf32, #tpu.memory_space<vmem>>
      %dma_wait3A_941 = arith.constant 0 : i32
      %dma_wait3A_942 = tpu.memref_slice %arg7[%add3A_935, %dma_wait3A_941] : memref<80x128xi32, #tpu.memory_space<vmem>> -> memref<1x128xi32, #tpu.memory_space<vmem>>
      %dma_wait3A_943 = tpu.memref_squeeze %dma_wait3A_942 : memref<1x128xi32, #tpu.memory_space<vmem>> -> memref<128xi32, #tpu.memory_space<vmem>>
      %dma_wait3A_944 = arith.constant 0 : i32
      %dma_wait3A_945 = arith.constant 0 : i32
      %dma_wait3A_946 = tpu.memref_slice %arg2[%dma_wait3A_944, %dma_wait3A_945] : memref<10000x64xf32, #tpu.memory_space<hbm>> -> memref<10000x64xf32, #tpu.memory_space<hbm>>
      tpu.wait_indirect_dma semaphore(%arg12 : memref<!tpu.dma_semaphore, #tpu.memory_space<semaphore_mem>>) src(%dma_wait3A_946 : memref<10000x64xf32, #tpu.memory_space<hbm>>) dst(%dma_wait3A_940 : memref<128x64xf32, #tpu.memory_space<vmem>>)
      %mul3A_947 = arith.constant 4 : i32
      %mul3A_948 = arith.muli %add3A_916, %mul3A_947 : i32
      %add3A_949 = arith.constant 2 : i32
      %add3A_950 = arith.addi %mul3A_948, %add3A_949 : i32
      %dma_wait3A_951 = arith.constant 6 : i32
      %dma_wait3A_952 = arith.constant 0 : i32
      %dma_wait3A_953 = arith.constant 0 : i32
      %dma_wait3A_954 = tpu.memref_slice %arg9[%dma_wait3A_951, %dma_wait3A_952, %dma_wait3A_953] : memref<8x128x64xf32, #tpu.memory_space<vmem>> -> memref<1x128x64xf32, #tpu.memory_space<vmem>>
      %dma_wait3A_955 = tpu.memref_squeeze %dma_wait3A_954 : memref<1x128x64xf32, #tpu.memory_space<vmem>> -> memref<128x64xf32, #tpu.memory_space<vmem>>
      %dma_wait3A_956 = arith.constant 0 : i32
      %dma_wait3A_957 = tpu.memref_slice %arg7[%add3A_950, %dma_wait3A_956] : memref<80x128xi32, #tpu.memory_space<vmem>> -> memref<1x128xi32, #tpu.memory_space<vmem>>
      %dma_wait3A_958 = tpu.memref_squeeze %dma_wait3A_957 : memref<1x128xi32, #tpu.memory_space<vmem>> -> memref<128xi32, #tpu.memory_space<vmem>>
      %dma_wait3A_959 = arith.constant 0 : i32
      %dma_wait3A_960 = arith.constant 0 : i32
      %dma_wait3A_961 = tpu.memref_slice %arg2[%dma_wait3A_959, %dma_wait3A_960] : memref<10000x64xf32, #tpu.memory_space<hbm>> -> memref<10000x64xf32, #tpu.memory_space<hbm>>
      tpu.wait_indirect_dma semaphore(%arg12 : memref<!tpu.dma_semaphore, #tpu.memory_space<semaphore_mem>>) src(%dma_wait3A_961 : memref<10000x64xf32, #tpu.memory_space<hbm>>) dst(%dma_wait3A_955 : memref<128x64xf32, #tpu.memory_space<vmem>>)
      %mul3A_962 = arith.constant 4 : i32
      %mul3A_963 = arith.muli %add3A_916, %mul3A_962 : i32
      %add3A_964 = arith.constant 3 : i32
      %add3A_965 = arith.addi %mul3A_963, %add3A_964 : i32
      %dma_wait3A_966 = arith.constant 7 : i32
      %dma_wait3A_967 = arith.constant 0 : i32
      %dma_wait3A_968 = arith.constant 0 : i32
      %dma_wait3A_969 = tpu.memref_slice %arg9[%dma_wait3A_966, %dma_wait3A_967, %dma_wait3A_968] : memref<8x128x64xf32, #tpu.memory_space<vmem>> -> memref<1x128x64xf32, #tpu.memory_space<vmem>>
      %dma_wait3A_970 = tpu.memref_squeeze %dma_wait3A_969 : memref<1x128x64xf32, #tpu.memory_space<vmem>> -> memref<128x64xf32, #tpu.memory_space<vmem>>
      %dma_wait3A_971 = arith.constant 0 : i32
      %dma_wait3A_972 = tpu.memref_slice %arg7[%add3A_965, %dma_wait3A_971] : memref<80x128xi32, #tpu.memory_space<vmem>> -> memref<1x128xi32, #tpu.memory_space<vmem>>
      %dma_wait3A_973 = tpu.memref_squeeze %dma_wait3A_972 : memref<1x128xi32, #tpu.memory_space<vmem>> -> memref<128xi32, #tpu.memory_space<vmem>>
      %dma_wait3A_974 = arith.constant 0 : i32
      %dma_wait3A_975 = arith.constant 0 : i32
      %dma_wait3A_976 = tpu.memref_slice %arg2[%dma_wait3A_974, %dma_wait3A_975] : memref<10000x64xf32, #tpu.memory_space<hbm>> -> memref<10000x64xf32, #tpu.memory_space<hbm>>
      tpu.wait_indirect_dma semaphore(%arg12 : memref<!tpu.dma_semaphore, #tpu.memory_space<semaphore_mem>>) src(%dma_wait3A_976 : memref<10000x64xf32, #tpu.memory_space<hbm>>) dst(%dma_wait3A_970 : memref<128x64xf32, #tpu.memory_space<vmem>>)
      %mul3A_977 = arith.constant 2 : i32
      %mul3A_978 = arith.muli %mul3A_977, %scan3A_787 : i32
      %add3A_979 = arith.constant 1 : i32
      %add3A_980 = arith.addi %mul3A_978, %add3A_979 : i32
      %mul3A_981 = arith.constant 4 : i32
      %mul3A_982 = arith.muli %add3A_980, %mul3A_981 : i32
      %add3A_983 = arith.constant 0 : i32
      %add3A_984 = arith.addi %mul3A_982, %add3A_983 : i32
      %dma_start3A_985 = arith.constant 4 : i32
      %dma_start3A_986 = arith.constant 0 : i32
      %dma_start3A_987 = arith.constant 0 : i32
      %dma_start3A_988 = tpu.memref_slice %arg9[%dma_start3A_985, %dma_start3A_986, %dma_start3A_987] : memref<8x128x64xf32, #tpu.memory_space<vmem>> -> memref<1x128x64xf32, #tpu.memory_space<vmem>>
      %dma_start3A_989 = tpu.memref_squeeze %dma_start3A_988 : memref<1x128x64xf32, #tpu.memory_space<vmem>> -> memref<128x64xf32, #tpu.memory_space<vmem>>
      %dma_start3A_990 = arith.constant 0 : i32
      %dma_start3A_991 = tpu.memref_slice %arg8[%add3A_984, %dma_start3A_990] : memref<80x128xi32, #tpu.memory_space<vmem>> -> memref<1x128xi32, #tpu.memory_space<vmem>>
      %dma_start3A_992 = tpu.memref_squeeze %dma_start3A_991 : memref<1x128xi32, #tpu.memory_space<vmem>> -> memref<128xi32, #tpu.memory_space<vmem>>
      %dma_start3A_993 = arith.constant 0 : i32
      %dma_start3A_994 = arith.constant 0 : i32
      %dma_start3A_995 = tpu.memref_slice %arg10[%dma_start3A_993, %dma_start3A_994] : memref<10240x64xf32, #tpu.memory_space<vmem_shared>> -> memref<10240x64xf32, #tpu.memory_space<vmem_shared>>
      tpu.enqueue_indirect_dma source(%dma_start3A_989 : memref<128x64xf32, #tpu.memory_space<vmem>>) target(%dma_start3A_995 : memref<10240x64xf32, #tpu.memory_space<vmem_shared>>) offsets(%dma_start3A_992 : memref<128xi32, #tpu.memory_space<vmem>>) semaphore(%arg14 : memref<!tpu.dma_semaphore, #tpu.memory_space<semaphore_mem>>) {add = true}
      %mul3A_996 = arith.constant 4 : i32
      %mul3A_997 = arith.muli %add3A_980, %mul3A_996 : i32
      %add3A_998 = arith.constant 1 : i32
      %add3A_999 = arith.addi %mul3A_997, %add3A_998 : i32
      %dma_start3A_1000 = arith.constant 5 : i32
      %dma_start3A_1001 = arith.constant 0 : i32
      %dma_start3A_1002 = arith.constant 0 : i32
      %dma_start3A_1003 = tpu.memref_slice %arg9[%dma_start3A_1000, %dma_start3A_1001, %dma_start3A_1002] : memref<8x128x64xf32, #tpu.memory_space<vmem>> -> memref<1x128x64xf32, #tpu.memory_space<vmem>>
      %dma_start3A_1004 = tpu.memref_squeeze %dma_start3A_1003 : memref<1x128x64xf32, #tpu.memory_space<vmem>> -> memref<128x64xf32, #tpu.memory_space<vmem>>
      %dma_start3A_1005 = arith.constant 0 : i32
      %dma_start3A_1006 = tpu.memref_slice %arg8[%add3A_999, %dma_start3A_1005] : memref<80x128xi32, #tpu.memory_space<vmem>> -> memref<1x128xi32, #tpu.memory_space<vmem>>
      %dma_start3A_1007 = tpu.memref_squeeze %dma_start3A_1006 : memref<1x128xi32, #tpu.memory_space<vmem>> -> memref<128xi32, #tpu.memory_space<vmem>>
      %dma_start3A_1008 = arith.constant 0 : i32
      %dma_start3A_1009 = arith.constant 0 : i32
      %dma_start3A_1010 = tpu.memref_slice %arg10[%dma_start3A_1008, %dma_start3A_1009] : memref<10240x64xf32, #tpu.memory_space<vmem_shared>> -> memref<10240x64xf32, #tpu.memory_space<vmem_shared>>
      tpu.enqueue_indirect_dma source(%dma_start3A_1004 : memref<128x64xf32, #tpu.memory_space<vmem>>) target(%dma_start3A_1010 : memref<10240x64xf32, #tpu.memory_space<vmem_shared>>) offsets(%dma_start3A_1007 : memref<128xi32, #tpu.memory_space<vmem>>) semaphore(%arg14 : memref<!tpu.dma_semaphore, #tpu.memory_space<semaphore_mem>>) {add = true}
      %mul3A_1011 = arith.constant 4 : i32
      %mul3A_1012 = arith.muli %add3A_980, %mul3A_1011 : i32
      %add3A_1013 = arith.constant 2 : i32
      %add3A_1014 = arith.addi %mul3A_1012, %add3A_1013 : i32
      %dma_start3A_1015 = arith.constant 6 : i32
      %dma_start3A_1016 = arith.constant 0 : i32
      %dma_start3A_1017 = arith.constant 0 : i32
      %dma_start3A_1018 = tpu.memref_slice %arg9[%dma_start3A_1015, %dma_start3A_1016, %dma_start3A_1017] : memref<8x128x64xf32, #tpu.memory_space<vmem>> -> memref<1x128x64xf32, #tpu.memory_space<vmem>>
      %dma_start3A_1019 = tpu.memref_squeeze %dma_start3A_1018 : memref<1x128x64xf32, #tpu.memory_space<vmem>> -> memref<128x64xf32, #tpu.memory_space<vmem>>
      %dma_start3A_1020 = arith.constant 0 : i32
      %dma_start3A_1021 = tpu.memref_slice %arg8[%add3A_1014, %dma_start3A_1020] : memref<80x128xi32, #tpu.memory_space<vmem>> -> memref<1x128xi32, #tpu.memory_space<vmem>>
      %dma_start3A_1022 = tpu.memref_squeeze %dma_start3A_1021 : memref<1x128xi32, #tpu.memory_space<vmem>> -> memref<128xi32, #tpu.memory_space<vmem>>
      %dma_start3A_1023 = arith.constant 0 : i32
      %dma_start3A_1024 = arith.constant 0 : i32
      %dma_start3A_1025 = tpu.memref_slice %arg10[%dma_start3A_1023, %dma_start3A_1024] : memref<10240x64xf32, #tpu.memory_space<vmem_shared>> -> memref<10240x64xf32, #tpu.memory_space<vmem_shared>>
      tpu.enqueue_indirect_dma source(%dma_start3A_1019 : memref<128x64xf32, #tpu.memory_space<vmem>>) target(%dma_start3A_1025 : memref<10240x64xf32, #tpu.memory_space<vmem_shared>>) offsets(%dma_start3A_1022 : memref<128xi32, #tpu.memory_space<vmem>>) semaphore(%arg14 : memref<!tpu.dma_semaphore, #tpu.memory_space<semaphore_mem>>) {add = true}
      %mul3A_1026 = arith.constant 4 : i32
      %mul3A_1027 = arith.muli %add3A_980, %mul3A_1026 : i32
      %add3A_1028 = arith.constant 3 : i32
      %add3A_1029 = arith.addi %mul3A_1027, %add3A_1028 : i32
      %dma_start3A_1030 = arith.constant 7 : i32
      %dma_start3A_1031 = arith.constant 0 : i32
      %dma_start3A_1032 = arith.constant 0 : i32
      %dma_start3A_1033 = tpu.memref_slice %arg9[%dma_start3A_1030, %dma_start3A_1031, %dma_start3A_1032] : memref<8x128x64xf32, #tpu.memory_space<vmem>> -> memref<1x128x64xf32, #tpu.memory_space<vmem>>
      %dma_start3A_1034 = tpu.memref_squeeze %dma_start3A_1033 : memref<1x128x64xf32, #tpu.memory_space<vmem>> -> memref<128x64xf32, #tpu.memory_space<vmem>>
      %dma_start3A_1035 = arith.constant 0 : i32
      %dma_start3A_1036 = tpu.memref_slice %arg8[%add3A_1029, %dma_start3A_1035] : memref<80x128xi32, #tpu.memory_space<vmem>> -> memref<1x128xi32, #tpu.memory_space<vmem>>
      %dma_start3A_1037 = tpu.memref_squeeze %dma_start3A_1036 : memref<1x128xi32, #tpu.memory_space<vmem>> -> memref<128xi32, #tpu.memory_space<vmem>>
      %dma_start3A_1038 = arith.constant 0 : i32
      %dma_start3A_1039 = arith.constant 0 : i32
      %dma_start3A_1040 = tpu.memref_slice %arg10[%dma_start3A_1038, %dma_start3A_1039] : memref<10240x64xf32, #tpu.memory_space<vmem_shared>> -> memref<10240x64xf32, #tpu.memory_space<vmem_shared>>
      tpu.enqueue_indirect_dma source(%dma_start3A_1034 : memref<128x64xf32, #tpu.memory_space<vmem>>) target(%dma_start3A_1040 : memref<10240x64xf32, #tpu.memory_space<vmem_shared>>) offsets(%dma_start3A_1037 : memref<128xi32, #tpu.memory_space<vmem>>) semaphore(%arg14 : memref<!tpu.dma_semaphore, #tpu.memory_space<semaphore_mem>>) {add = true}
      %mul3A_1041 = arith.constant 2 : i32
      %mul3A_1042 = arith.muli %mul3A_1041, %scan3A_787 : i32
      %mul3A_1043 = arith.constant 4 : i32
      %mul3A_1044 = arith.muli %mul3A_1042, %mul3A_1043 : i32
      %add3A_1045 = arith.constant 0 : i32
      %add3A_1046 = arith.addi %mul3A_1044, %add3A_1045 : i32
      %dma_wait3A_1047 = arith.constant 0 : i32
      %dma_wait3A_1048 = arith.constant 0 : i32
      %dma_wait3A_1049 = arith.constant 0 : i32
      %dma_wait3A_1050 = tpu.memref_slice %arg9[%dma_wait3A_1047, %dma_wait3A_1048, %dma_wait3A_1049] : memref<8x128x64xf32, #tpu.memory_space<vmem>> -> memref<1x128x64xf32, #tpu.memory_space<vmem>>
      %dma_wait3A_1051 = tpu.memref_squeeze %dma_wait3A_1050 : memref<1x128x64xf32, #tpu.memory_space<vmem>> -> memref<128x64xf32, #tpu.memory_space<vmem>>
      %dma_wait3A_1052 = arith.constant 0 : i32
      %dma_wait3A_1053 = tpu.memref_slice %arg8[%add3A_1046, %dma_wait3A_1052] : memref<80x128xi32, #tpu.memory_space<vmem>> -> memref<1x128xi32, #tpu.memory_space<vmem>>
      %dma_wait3A_1054 = tpu.memref_squeeze %dma_wait3A_1053 : memref<1x128xi32, #tpu.memory_space<vmem>> -> memref<128xi32, #tpu.memory_space<vmem>>
      %dma_wait3A_1055 = arith.constant 0 : i32
      %dma_wait3A_1056 = arith.constant 0 : i32
      %dma_wait3A_1057 = tpu.memref_slice %arg10[%dma_wait3A_1055, %dma_wait3A_1056] : memref<10240x64xf32, #tpu.memory_space<vmem_shared>> -> memref<10240x64xf32, #tpu.memory_space<vmem_shared>>
      tpu.wait_indirect_dma semaphore(%arg13 : memref<!tpu.dma_semaphore, #tpu.memory_space<semaphore_mem>>) src(%dma_wait3A_1051 : memref<128x64xf32, #tpu.memory_space<vmem>>) dst(%dma_wait3A_1057 : memref<10240x64xf32, #tpu.memory_space<vmem_shared>>)
      %mul3A_1058 = arith.constant 4 : i32
      %mul3A_1059 = arith.muli %mul3A_1042, %mul3A_1058 : i32
      %add3A_1060 = arith.constant 1 : i32
      %add3A_1061 = arith.addi %mul3A_1059, %add3A_1060 : i32
      %dma_wait3A_1062 = arith.constant 1 : i32
      %dma_wait3A_1063 = arith.constant 0 : i32
      %dma_wait3A_1064 = arith.constant 0 : i32
      %dma_wait3A_1065 = tpu.memref_slice %arg9[%dma_wait3A_1062, %dma_wait3A_1063, %dma_wait3A_1064] : memref<8x128x64xf32, #tpu.memory_space<vmem>> -> memref<1x128x64xf32, #tpu.memory_space<vmem>>
      %dma_wait3A_1066 = tpu.memref_squeeze %dma_wait3A_1065 : memref<1x128x64xf32, #tpu.memory_space<vmem>> -> memref<128x64xf32, #tpu.memory_space<vmem>>
      %dma_wait3A_1067 = arith.constant 0 : i32
      %dma_wait3A_1068 = tpu.memref_slice %arg8[%add3A_1061, %dma_wait3A_1067] : memref<80x128xi32, #tpu.memory_space<vmem>> -> memref<1x128xi32, #tpu.memory_space<vmem>>
      %dma_wait3A_1069 = tpu.memref_squeeze %dma_wait3A_1068 : memref<1x128xi32, #tpu.memory_space<vmem>> -> memref<128xi32, #tpu.memory_space<vmem>>
      %dma_wait3A_1070 = arith.constant 0 : i32
      %dma_wait3A_1071 = arith.constant 0 : i32
      %dma_wait3A_1072 = tpu.memref_slice %arg10[%dma_wait3A_1070, %dma_wait3A_1071] : memref<10240x64xf32, #tpu.memory_space<vmem_shared>> -> memref<10240x64xf32, #tpu.memory_space<vmem_shared>>
      tpu.wait_indirect_dma semaphore(%arg13 : memref<!tpu.dma_semaphore, #tpu.memory_space<semaphore_mem>>) src(%dma_wait3A_1066 : memref<128x64xf32, #tpu.memory_space<vmem>>) dst(%dma_wait3A_1072 : memref<10240x64xf32, #tpu.memory_space<vmem_shared>>)
      %mul3A_1073 = arith.constant 4 : i32
      %mul3A_1074 = arith.muli %mul3A_1042, %mul3A_1073 : i32
      %add3A_1075 = arith.constant 2 : i32
      %add3A_1076 = arith.addi %mul3A_1074, %add3A_1075 : i32
      %dma_wait3A_1077 = arith.constant 2 : i32
      %dma_wait3A_1078 = arith.constant 0 : i32
      %dma_wait3A_1079 = arith.constant 0 : i32
      %dma_wait3A_1080 = tpu.memref_slice %arg9[%dma_wait3A_1077, %dma_wait3A_1078, %dma_wait3A_1079] : memref<8x128x64xf32, #tpu.memory_space<vmem>> -> memref<1x128x64xf32, #tpu.memory_space<vmem>>
      %dma_wait3A_1081 = tpu.memref_squeeze %dma_wait3A_1080 : memref<1x128x64xf32, #tpu.memory_space<vmem>> -> memref<128x64xf32, #tpu.memory_space<vmem>>
      %dma_wait3A_1082 = arith.constant 0 : i32
      %dma_wait3A_1083 = tpu.memref_slice %arg8[%add3A_1076, %dma_wait3A_1082] : memref<80x128xi32, #tpu.memory_space<vmem>> -> memref<1x128xi32, #tpu.memory_space<vmem>>
      %dma_wait3A_1084 = tpu.memref_squeeze %dma_wait3A_1083 : memref<1x128xi32, #tpu.memory_space<vmem>> -> memref<128xi32, #tpu.memory_space<vmem>>
      %dma_wait3A_1085 = arith.constant 0 : i32
      %dma_wait3A_1086 = arith.constant 0 : i32
      %dma_wait3A_1087 = tpu.memref_slice %arg10[%dma_wait3A_1085, %dma_wait3A_1086] : memref<10240x64xf32, #tpu.memory_space<vmem_shared>> -> memref<10240x64xf32, #tpu.memory_space<vmem_shared>>
      tpu.wait_indirect_dma semaphore(%arg13 : memref<!tpu.dma_semaphore, #tpu.memory_space<semaphore_mem>>) src(%dma_wait3A_1081 : memref<128x64xf32, #tpu.memory_space<vmem>>) dst(%dma_wait3A_1087 : memref<10240x64xf32, #tpu.memory_space<vmem_shared>>)
      %mul3A_1088 = arith.constant 4 : i32
      %mul3A_1089 = arith.muli %mul3A_1042, %mul3A_1088 : i32
      %add3A_1090 = arith.constant 3 : i32
      %add3A_1091 = arith.addi %mul3A_1089, %add3A_1090 : i32
      %dma_wait3A_1092 = arith.constant 3 : i32
      %dma_wait3A_1093 = arith.constant 0 : i32
      %dma_wait3A_1094 = arith.constant 0 : i32
      %dma_wait3A_1095 = tpu.memref_slice %arg9[%dma_wait3A_1092, %dma_wait3A_1093, %dma_wait3A_1094] : memref<8x128x64xf32, #tpu.memory_space<vmem>> -> memref<1x128x64xf32, #tpu.memory_space<vmem>>
      %dma_wait3A_1096 = tpu.memref_squeeze %dma_wait3A_1095 : memref<1x128x64xf32, #tpu.memory_space<vmem>> -> memref<128x64xf32, #tpu.memory_space<vmem>>
      %dma_wait3A_1097 = arith.constant 0 : i32
      %dma_wait3A_1098 = tpu.memref_slice %arg8[%add3A_1091, %dma_wait3A_1097] : memref<80x128xi32, #tpu.memory_space<vmem>> -> memref<1x128xi32, #tpu.memory_space<vmem>>
      %dma_wait3A_1099 = tpu.memref_squeeze %dma_wait3A_1098 : memref<1x128xi32, #tpu.memory_space<vmem>> -> memref<128xi32, #tpu.memory_space<vmem>>
      %dma_wait3A_1100 = arith.constant 0 : i32
      %dma_wait3A_1101 = arith.constant 0 : i32
      %dma_wait3A_1102 = tpu.memref_slice %arg10[%dma_wait3A_1100, %dma_wait3A_1101] : memref<10240x64xf32, #tpu.memory_space<vmem_shared>> -> memref<10240x64xf32, #tpu.memory_space<vmem_shared>>
      tpu.wait_indirect_dma semaphore(%arg13 : memref<!tpu.dma_semaphore, #tpu.memory_space<semaphore_mem>>) src(%dma_wait3A_1096 : memref<128x64xf32, #tpu.memory_space<vmem>>) dst(%dma_wait3A_1102 : memref<10240x64xf32, #tpu.memory_space<vmem_shared>>)
      %mul3A_1103 = arith.constant 2 : i32
      %mul3A_1104 = arith.muli %mul3A_1103, %scan3A_787 : i32
      %add3A_1105 = arith.constant 2 : i32
      %add3A_1106 = arith.addi %mul3A_1104, %add3A_1105 : i32
      %mul3A_1107 = arith.constant 4 : i32
      %mul3A_1108 = arith.muli %add3A_1106, %mul3A_1107 : i32
      %add3A_1109 = arith.constant 0 : i32
      %add3A_1110 = arith.addi %mul3A_1108, %add3A_1109 : i32
      %dma_start3A_1111 = arith.constant 0 : i32
      %dma_start3A_1112 = arith.constant 0 : i32
      %dma_start3A_1113 = arith.constant 0 : i32
      %dma_start3A_1114 = tpu.memref_slice %arg9[%dma_start3A_1111, %dma_start3A_1112, %dma_start3A_1113] : memref<8x128x64xf32, #tpu.memory_space<vmem>> -> memref<1x128x64xf32, #tpu.memory_space<vmem>>
      %dma_start3A_1115 = tpu.memref_squeeze %dma_start3A_1114 : memref<1x128x64xf32, #tpu.memory_space<vmem>> -> memref<128x64xf32, #tpu.memory_space<vmem>>
      %dma_start3A_1116 = arith.constant 0 : i32
      %dma_start3A_1117 = tpu.memref_slice %arg7[%add3A_1110, %dma_start3A_1116] : memref<80x128xi32, #tpu.memory_space<vmem>> -> memref<1x128xi32, #tpu.memory_space<vmem>>
      %dma_start3A_1118 = tpu.memref_squeeze %dma_start3A_1117 : memref<1x128xi32, #tpu.memory_space<vmem>> -> memref<128xi32, #tpu.memory_space<vmem>>
      %dma_start3A_1119 = arith.constant 0 : i32
      %dma_start3A_1120 = arith.constant 0 : i32
      %dma_start3A_1121 = tpu.memref_slice %arg2[%dma_start3A_1119, %dma_start3A_1120] : memref<10000x64xf32, #tpu.memory_space<hbm>> -> memref<10000x64xf32, #tpu.memory_space<hbm>>
      tpu.enqueue_indirect_dma source(%dma_start3A_1121 : memref<10000x64xf32, #tpu.memory_space<hbm>>) target(%dma_start3A_1115 : memref<128x64xf32, #tpu.memory_space<vmem>>) offsets(%dma_start3A_1118 : memref<128xi32, #tpu.memory_space<vmem>>) semaphore(%arg11 : memref<!tpu.dma_semaphore, #tpu.memory_space<semaphore_mem>>)
      %mul3A_1122 = arith.constant 4 : i32
      %mul3A_1123 = arith.muli %add3A_1106, %mul3A_1122 : i32
      %add3A_1124 = arith.constant 1 : i32
      %add3A_1125 = arith.addi %mul3A_1123, %add3A_1124 : i32
      %dma_start3A_1126 = arith.constant 1 : i32
      %dma_start3A_1127 = arith.constant 0 : i32
      %dma_start3A_1128 = arith.constant 0 : i32
      %dma_start3A_1129 = tpu.memref_slice %arg9[%dma_start3A_1126, %dma_start3A_1127, %dma_start3A_1128] : memref<8x128x64xf32, #tpu.memory_space<vmem>> -> memref<1x128x64xf32, #tpu.memory_space<vmem>>
      %dma_start3A_1130 = tpu.memref_squeeze %dma_start3A_1129 : memref<1x128x64xf32, #tpu.memory_space<vmem>> -> memref<128x64xf32, #tpu.memory_space<vmem>>
      %dma_start3A_1131 = arith.constant 0 : i32
      %dma_start3A_1132 = tpu.memref_slice %arg7[%add3A_1125, %dma_start3A_1131] : memref<80x128xi32, #tpu.memory_space<vmem>> -> memref<1x128xi32, #tpu.memory_space<vmem>>
      %dma_start3A_1133 = tpu.memref_squeeze %dma_start3A_1132 : memref<1x128xi32, #tpu.memory_space<vmem>> -> memref<128xi32, #tpu.memory_space<vmem>>
      %dma_start3A_1134 = arith.constant 0 : i32
      %dma_start3A_1135 = arith.constant 0 : i32
      %dma_start3A_1136 = tpu.memref_slice %arg2[%dma_start3A_1134, %dma_start3A_1135] : memref<10000x64xf32, #tpu.memory_space<hbm>> -> memref<10000x64xf32, #tpu.memory_space<hbm>>
      tpu.enqueue_indirect_dma source(%dma_start3A_1136 : memref<10000x64xf32, #tpu.memory_space<hbm>>) target(%dma_start3A_1130 : memref<128x64xf32, #tpu.memory_space<vmem>>) offsets(%dma_start3A_1133 : memref<128xi32, #tpu.memory_space<vmem>>) semaphore(%arg11 : memref<!tpu.dma_semaphore, #tpu.memory_space<semaphore_mem>>)
      %mul3A_1137 = arith.constant 4 : i32
      %mul3A_1138 = arith.muli %add3A_1106, %mul3A_1137 : i32
      %add3A_1139 = arith.constant 2 : i32
      %add3A_1140 = arith.addi %mul3A_1138, %add3A_1139 : i32
      %dma_start3A_1141 = arith.constant 2 : i32
      %dma_start3A_1142 = arith.constant 0 : i32
      %dma_start3A_1143 = arith.constant 0 : i32
      %dma_start3A_1144 = tpu.memref_slice %arg9[%dma_start3A_1141, %dma_start3A_1142, %dma_start3A_1143] : memref<8x128x64xf32, #tpu.memory_space<vmem>> -> memref<1x128x64xf32, #tpu.memory_space<vmem>>
      %dma_start3A_1145 = tpu.memref_squeeze %dma_start3A_1144 : memref<1x128x64xf32, #tpu.memory_space<vmem>> -> memref<128x64xf32, #tpu.memory_space<vmem>>
      %dma_start3A_1146 = arith.constant 0 : i32
      %dma_start3A_1147 = tpu.memref_slice %arg7[%add3A_1140, %dma_start3A_1146] : memref<80x128xi32, #tpu.memory_space<vmem>> -> memref<1x128xi32, #tpu.memory_space<vmem>>
      %dma_start3A_1148 = tpu.memref_squeeze %dma_start3A_1147 : memref<1x128xi32, #tpu.memory_space<vmem>> -> memref<128xi32, #tpu.memory_space<vmem>>
      %dma_start3A_1149 = arith.constant 0 : i32
      %dma_start3A_1150 = arith.constant 0 : i32
      %dma_start3A_1151 = tpu.memref_slice %arg2[%dma_start3A_1149, %dma_start3A_1150] : memref<10000x64xf32, #tpu.memory_space<hbm>> -> memref<10000x64xf32, #tpu.memory_space<hbm>>
      tpu.enqueue_indirect_dma source(%dma_start3A_1151 : memref<10000x64xf32, #tpu.memory_space<hbm>>) target(%dma_start3A_1145 : memref<128x64xf32, #tpu.memory_space<vmem>>) offsets(%dma_start3A_1148 : memref<128xi32, #tpu.memory_space<vmem>>) semaphore(%arg11 : memref<!tpu.dma_semaphore, #tpu.memory_space<semaphore_mem>>)
      %mul3A_1152 = arith.constant 4 : i32
      %mul3A_1153 = arith.muli %add3A_1106, %mul3A_1152 : i32
      %add3A_1154 = arith.constant 3 : i32
      %add3A_1155 = arith.addi %mul3A_1153, %add3A_1154 : i32
      %dma_start3A_1156 = arith.constant 3 : i32
      %dma_start3A_1157 = arith.constant 0 : i32
      %dma_start3A_1158 = arith.constant 0 : i32
      %dma_start3A_1159 = tpu.memref_slice %arg9[%dma_start3A_1156, %dma_start3A_1157, %dma_start3A_1158] : memref<8x128x64xf32, #tpu.memory_space<vmem>> -> memref<1x128x64xf32, #tpu.memory_space<vmem>>
      %dma_start3A_1160 = tpu.memref_squeeze %dma_start3A_1159 : memref<1x128x64xf32, #tpu.memory_space<vmem>> -> memref<128x64xf32, #tpu.memory_space<vmem>>
      %dma_start3A_1161 = arith.constant 0 : i32
      %dma_start3A_1162 = tpu.memref_slice %arg7[%add3A_1155, %dma_start3A_1161] : memref<80x128xi32, #tpu.memory_space<vmem>> -> memref<1x128xi32, #tpu.memory_space<vmem>>
      %dma_start3A_1163 = tpu.memref_squeeze %dma_start3A_1162 : memref<1x128xi32, #tpu.memory_space<vmem>> -> memref<128xi32, #tpu.memory_space<vmem>>
      %dma_start3A_1164 = arith.constant 0 : i32
      %dma_start3A_1165 = arith.constant 0 : i32
      %dma_start3A_1166 = tpu.memref_slice %arg2[%dma_start3A_1164, %dma_start3A_1165] : memref<10000x64xf32, #tpu.memory_space<hbm>> -> memref<10000x64xf32, #tpu.memory_space<hbm>>
      tpu.enqueue_indirect_dma source(%dma_start3A_1166 : memref<10000x64xf32, #tpu.memory_space<hbm>>) target(%dma_start3A_1160 : memref<128x64xf32, #tpu.memory_space<vmem>>) offsets(%dma_start3A_1163 : memref<128xi32, #tpu.memory_space<vmem>>) semaphore(%arg11 : memref<!tpu.dma_semaphore, #tpu.memory_space<semaphore_mem>>)
      %mul3A_1167 = arith.constant 2 : i32
      %mul3A_1168 = arith.muli %mul3A_1167, %scan3A_787 : i32
      %add3A_1169 = arith.constant 1 : i32
      %add3A_1170 = arith.addi %mul3A_1168, %add3A_1169 : i32
      %mul3A_1171 = arith.constant 4 : i32
      %mul3A_1172 = arith.muli %add3A_1170, %mul3A_1171 : i32
      %add3A_1173 = arith.constant 0 : i32
      %add3A_1174 = arith.addi %mul3A_1172, %add3A_1173 : i32
      %dma_wait3A_1175 = arith.constant 4 : i32
      %dma_wait3A_1176 = arith.constant 0 : i32
      %dma_wait3A_1177 = arith.constant 0 : i32
      %dma_wait3A_1178 = tpu.memref_slice %arg9[%dma_wait3A_1175, %dma_wait3A_1176, %dma_wait3A_1177] : memref<8x128x64xf32, #tpu.memory_space<vmem>> -> memref<1x128x64xf32, #tpu.memory_space<vmem>>
      %dma_wait3A_1179 = tpu.memref_squeeze %dma_wait3A_1178 : memref<1x128x64xf32, #tpu.memory_space<vmem>> -> memref<128x64xf32, #tpu.memory_space<vmem>>
      %dma_wait3A_1180 = arith.constant 0 : i32
      %dma_wait3A_1181 = tpu.memref_slice %arg8[%add3A_1174, %dma_wait3A_1180] : memref<80x128xi32, #tpu.memory_space<vmem>> -> memref<1x128xi32, #tpu.memory_space<vmem>>
      %dma_wait3A_1182 = tpu.memref_squeeze %dma_wait3A_1181 : memref<1x128xi32, #tpu.memory_space<vmem>> -> memref<128xi32, #tpu.memory_space<vmem>>
      %dma_wait3A_1183 = arith.constant 0 : i32
      %dma_wait3A_1184 = arith.constant 0 : i32
      %dma_wait3A_1185 = tpu.memref_slice %arg10[%dma_wait3A_1183, %dma_wait3A_1184] : memref<10240x64xf32, #tpu.memory_space<vmem_shared>> -> memref<10240x64xf32, #tpu.memory_space<vmem_shared>>
      tpu.wait_indirect_dma semaphore(%arg14 : memref<!tpu.dma_semaphore, #tpu.memory_space<semaphore_mem>>) src(%dma_wait3A_1179 : memref<128x64xf32, #tpu.memory_space<vmem>>) dst(%dma_wait3A_1185 : memref<10240x64xf32, #tpu.memory_space<vmem_shared>>)
      %mul3A_1186 = arith.constant 4 : i32
      %mul3A_1187 = arith.muli %add3A_1170, %mul3A_1186 : i32
      %add3A_1188 = arith.constant 1 : i32
      %add3A_1189 = arith.addi %mul3A_1187, %add3A_1188 : i32
      %dma_wait3A_1190 = arith.constant 5 : i32
      %dma_wait3A_1191 = arith.constant 0 : i32
      %dma_wait3A_1192 = arith.constant 0 : i32
      %dma_wait3A_1193 = tpu.memref_slice %arg9[%dma_wait3A_1190, %dma_wait3A_1191, %dma_wait3A_1192] : memref<8x128x64xf32, #tpu.memory_space<vmem>> -> memref<1x128x64xf32, #tpu.memory_space<vmem>>
      %dma_wait3A_1194 = tpu.memref_squeeze %dma_wait3A_1193 : memref<1x128x64xf32, #tpu.memory_space<vmem>> -> memref<128x64xf32, #tpu.memory_space<vmem>>
      %dma_wait3A_1195 = arith.constant 0 : i32
      %dma_wait3A_1196 = tpu.memref_slice %arg8[%add3A_1189, %dma_wait3A_1195] : memref<80x128xi32, #tpu.memory_space<vmem>> -> memref<1x128xi32, #tpu.memory_space<vmem>>
      %dma_wait3A_1197 = tpu.memref_squeeze %dma_wait3A_1196 : memref<1x128xi32, #tpu.memory_space<vmem>> -> memref<128xi32, #tpu.memory_space<vmem>>
      %dma_wait3A_1198 = arith.constant 0 : i32
      %dma_wait3A_1199 = arith.constant 0 : i32
      %dma_wait3A_1200 = tpu.memref_slice %arg10[%dma_wait3A_1198, %dma_wait3A_1199] : memref<10240x64xf32, #tpu.memory_space<vmem_shared>> -> memref<10240x64xf32, #tpu.memory_space<vmem_shared>>
      tpu.wait_indirect_dma semaphore(%arg14 : memref<!tpu.dma_semaphore, #tpu.memory_space<semaphore_mem>>) src(%dma_wait3A_1194 : memref<128x64xf32, #tpu.memory_space<vmem>>) dst(%dma_wait3A_1200 : memref<10240x64xf32, #tpu.memory_space<vmem_shared>>)
      %mul3A_1201 = arith.constant 4 : i32
      %mul3A_1202 = arith.muli %add3A_1170, %mul3A_1201 : i32
      %add3A_1203 = arith.constant 2 : i32
      %add3A_1204 = arith.addi %mul3A_1202, %add3A_1203 : i32
      %dma_wait3A_1205 = arith.constant 6 : i32
      %dma_wait3A_1206 = arith.constant 0 : i32
      %dma_wait3A_1207 = arith.constant 0 : i32
      %dma_wait3A_1208 = tpu.memref_slice %arg9[%dma_wait3A_1205, %dma_wait3A_1206, %dma_wait3A_1207] : memref<8x128x64xf32, #tpu.memory_space<vmem>> -> memref<1x128x64xf32, #tpu.memory_space<vmem>>
      %dma_wait3A_1209 = tpu.memref_squeeze %dma_wait3A_1208 : memref<1x128x64xf32, #tpu.memory_space<vmem>> -> memref<128x64xf32, #tpu.memory_space<vmem>>
      %dma_wait3A_1210 = arith.constant 0 : i32
      %dma_wait3A_1211 = tpu.memref_slice %arg8[%add3A_1204, %dma_wait3A_1210] : memref<80x128xi32, #tpu.memory_space<vmem>> -> memref<1x128xi32, #tpu.memory_space<vmem>>
      %dma_wait3A_1212 = tpu.memref_squeeze %dma_wait3A_1211 : memref<1x128xi32, #tpu.memory_space<vmem>> -> memref<128xi32, #tpu.memory_space<vmem>>
      %dma_wait3A_1213 = arith.constant 0 : i32
      %dma_wait3A_1214 = arith.constant 0 : i32
      %dma_wait3A_1215 = tpu.memref_slice %arg10[%dma_wait3A_1213, %dma_wait3A_1214] : memref<10240x64xf32, #tpu.memory_space<vmem_shared>> -> memref<10240x64xf32, #tpu.memory_space<vmem_shared>>
      tpu.wait_indirect_dma semaphore(%arg14 : memref<!tpu.dma_semaphore, #tpu.memory_space<semaphore_mem>>) src(%dma_wait3A_1209 : memref<128x64xf32, #tpu.memory_space<vmem>>) dst(%dma_wait3A_1215 : memref<10240x64xf32, #tpu.memory_space<vmem_shared>>)
      %mul3A_1216 = arith.constant 4 : i32
      %mul3A_1217 = arith.muli %add3A_1170, %mul3A_1216 : i32
      %add3A_1218 = arith.constant 3 : i32
      %add3A_1219 = arith.addi %mul3A_1217, %add3A_1218 : i32
      %dma_wait3A_1220 = arith.constant 7 : i32
      %dma_wait3A_1221 = arith.constant 0 : i32
      %dma_wait3A_1222 = arith.constant 0 : i32
      %dma_wait3A_1223 = tpu.memref_slice %arg9[%dma_wait3A_1220, %dma_wait3A_1221, %dma_wait3A_1222] : memref<8x128x64xf32, #tpu.memory_space<vmem>> -> memref<1x128x64xf32, #tpu.memory_space<vmem>>
      %dma_wait3A_1224 = tpu.memref_squeeze %dma_wait3A_1223 : memref<1x128x64xf32, #tpu.memory_space<vmem>> -> memref<128x64xf32, #tpu.memory_space<vmem>>
      %dma_wait3A_1225 = arith.constant 0 : i32
      %dma_wait3A_1226 = tpu.memref_slice %arg8[%add3A_1219, %dma_wait3A_1225] : memref<80x128xi32, #tpu.memory_space<vmem>> -> memref<1x128xi32, #tpu.memory_space<vmem>>
      %dma_wait3A_1227 = tpu.memref_squeeze %dma_wait3A_1226 : memref<1x128xi32, #tpu.memory_space<vmem>> -> memref<128xi32, #tpu.memory_space<vmem>>
      %dma_wait3A_1228 = arith.constant 0 : i32
      %dma_wait3A_1229 = arith.constant 0 : i32
      %dma_wait3A_1230 = tpu.memref_slice %arg10[%dma_wait3A_1228, %dma_wait3A_1229] : memref<10240x64xf32, #tpu.memory_space<vmem_shared>> -> memref<10240x64xf32, #tpu.memory_space<vmem_shared>>
      tpu.wait_indirect_dma semaphore(%arg14 : memref<!tpu.dma_semaphore, #tpu.memory_space<semaphore_mem>>) src(%dma_wait3A_1224 : memref<128x64xf32, #tpu.memory_space<vmem>>) dst(%dma_wait3A_1230 : memref<10240x64xf32, #tpu.memory_space<vmem_shared>>)
      %mul3A_1231 = arith.constant 2 : i32
      %mul3A_1232 = arith.muli %mul3A_1231, %scan3A_787 : i32
      %add3A_1233 = arith.constant 3 : i32
      %add3A_1234 = arith.addi %mul3A_1232, %add3A_1233 : i32
      %mul3A_1235 = arith.constant 4 : i32
      %mul3A_1236 = arith.muli %add3A_1234, %mul3A_1235 : i32
      %add3A_1237 = arith.constant 0 : i32
      %add3A_1238 = arith.addi %mul3A_1236, %add3A_1237 : i32
      %dma_start3A_1239 = arith.constant 4 : i32
      %dma_start3A_1240 = arith.constant 0 : i32
      %dma_start3A_1241 = arith.constant 0 : i32
      %dma_start3A_1242 = tpu.memref_slice %arg9[%dma_start3A_1239, %dma_start3A_1240, %dma_start3A_1241] : memref<8x128x64xf32, #tpu.memory_space<vmem>> -> memref<1x128x64xf32, #tpu.memory_space<vmem>>
      %dma_start3A_1243 = tpu.memref_squeeze %dma_start3A_1242 : memref<1x128x64xf32, #tpu.memory_space<vmem>> -> memref<128x64xf32, #tpu.memory_space<vmem>>
      %dma_start3A_1244 = arith.constant 0 : i32
      %dma_start3A_1245 = tpu.memref_slice %arg7[%add3A_1238, %dma_start3A_1244] : memref<80x128xi32, #tpu.memory_space<vmem>> -> memref<1x128xi32, #tpu.memory_space<vmem>>
      %dma_start3A_1246 = tpu.memref_squeeze %dma_start3A_1245 : memref<1x128xi32, #tpu.memory_space<vmem>> -> memref<128xi32, #tpu.memory_space<vmem>>
      %dma_start3A_1247 = arith.constant 0 : i32
      %dma_start3A_1248 = arith.constant 0 : i32
      %dma_start3A_1249 = tpu.memref_slice %arg2[%dma_start3A_1247, %dma_start3A_1248] : memref<10000x64xf32, #tpu.memory_space<hbm>> -> memref<10000x64xf32, #tpu.memory_space<hbm>>
      tpu.enqueue_indirect_dma source(%dma_start3A_1249 : memref<10000x64xf32, #tpu.memory_space<hbm>>) target(%dma_start3A_1243 : memref<128x64xf32, #tpu.memory_space<vmem>>) offsets(%dma_start3A_1246 : memref<128xi32, #tpu.memory_space<vmem>>) semaphore(%arg12 : memref<!tpu.dma_semaphore, #tpu.memory_space<semaphore_mem>>)
      %mul3A_1250 = arith.constant 4 : i32
      %mul3A_1251 = arith.muli %add3A_1234, %mul3A_1250 : i32
      %add3A_1252 = arith.constant 1 : i32
      %add3A_1253 = arith.addi %mul3A_1251, %add3A_1252 : i32
      %dma_start3A_1254 = arith.constant 5 : i32
      %dma_start3A_1255 = arith.constant 0 : i32
      %dma_start3A_1256 = arith.constant 0 : i32
      %dma_start3A_1257 = tpu.memref_slice %arg9[%dma_start3A_1254, %dma_start3A_1255, %dma_start3A_1256] : memref<8x128x64xf32, #tpu.memory_space<vmem>> -> memref<1x128x64xf32, #tpu.memory_space<vmem>>
      %dma_start3A_1258 = tpu.memref_squeeze %dma_start3A_1257 : memref<1x128x64xf32, #tpu.memory_space<vmem>> -> memref<128x64xf32, #tpu.memory_space<vmem>>
      %dma_start3A_1259 = arith.constant 0 : i32
      %dma_start3A_1260 = tpu.memref_slice %arg7[%add3A_1253, %dma_start3A_1259] : memref<80x128xi32, #tpu.memory_space<vmem>> -> memref<1x128xi32, #tpu.memory_space<vmem>>
      %dma_start3A_1261 = tpu.memref_squeeze %dma_start3A_1260 : memref<1x128xi32, #tpu.memory_space<vmem>> -> memref<128xi32, #tpu.memory_space<vmem>>
      %dma_start3A_1262 = arith.constant 0 : i32
      %dma_start3A_1263 = arith.constant 0 : i32
      %dma_start3A_1264 = tpu.memref_slice %arg2[%dma_start3A_1262, %dma_start3A_1263] : memref<10000x64xf32, #tpu.memory_space<hbm>> -> memref<10000x64xf32, #tpu.memory_space<hbm>>
      tpu.enqueue_indirect_dma source(%dma_start3A_1264 : memref<10000x64xf32, #tpu.memory_space<hbm>>) target(%dma_start3A_1258 : memref<128x64xf32, #tpu.memory_space<vmem>>) offsets(%dma_start3A_1261 : memref<128xi32, #tpu.memory_space<vmem>>) semaphore(%arg12 : memref<!tpu.dma_semaphore, #tpu.memory_space<semaphore_mem>>)
      %mul3A_1265 = arith.constant 4 : i32
      %mul3A_1266 = arith.muli %add3A_1234, %mul3A_1265 : i32
      %add3A_1267 = arith.constant 2 : i32
      %add3A_1268 = arith.addi %mul3A_1266, %add3A_1267 : i32
      %dma_start3A_1269 = arith.constant 6 : i32
      %dma_start3A_1270 = arith.constant 0 : i32
      %dma_start3A_1271 = arith.constant 0 : i32
      %dma_start3A_1272 = tpu.memref_slice %arg9[%dma_start3A_1269, %dma_start3A_1270, %dma_start3A_1271] : memref<8x128x64xf32, #tpu.memory_space<vmem>> -> memref<1x128x64xf32, #tpu.memory_space<vmem>>
      %dma_start3A_1273 = tpu.memref_squeeze %dma_start3A_1272 : memref<1x128x64xf32, #tpu.memory_space<vmem>> -> memref<128x64xf32, #tpu.memory_space<vmem>>
      %dma_start3A_1274 = arith.constant 0 : i32
      %dma_start3A_1275 = tpu.memref_slice %arg7[%add3A_1268, %dma_start3A_1274] : memref<80x128xi32, #tpu.memory_space<vmem>> -> memref<1x128xi32, #tpu.memory_space<vmem>>
      %dma_start3A_1276 = tpu.memref_squeeze %dma_start3A_1275 : memref<1x128xi32, #tpu.memory_space<vmem>> -> memref<128xi32, #tpu.memory_space<vmem>>
      %dma_start3A_1277 = arith.constant 0 : i32
      %dma_start3A_1278 = arith.constant 0 : i32
      %dma_start3A_1279 = tpu.memref_slice %arg2[%dma_start3A_1277, %dma_start3A_1278] : memref<10000x64xf32, #tpu.memory_space<hbm>> -> memref<10000x64xf32, #tpu.memory_space<hbm>>
      tpu.enqueue_indirect_dma source(%dma_start3A_1279 : memref<10000x64xf32, #tpu.memory_space<hbm>>) target(%dma_start3A_1273 : memref<128x64xf32, #tpu.memory_space<vmem>>) offsets(%dma_start3A_1276 : memref<128xi32, #tpu.memory_space<vmem>>) semaphore(%arg12 : memref<!tpu.dma_semaphore, #tpu.memory_space<semaphore_mem>>)
      %mul3A_1280 = arith.constant 4 : i32
      %mul3A_1281 = arith.muli %add3A_1234, %mul3A_1280 : i32
      %add3A_1282 = arith.constant 3 : i32
      %add3A_1283 = arith.addi %mul3A_1281, %add3A_1282 : i32
      %dma_start3A_1284 = arith.constant 7 : i32
      %dma_start3A_1285 = arith.constant 0 : i32
      %dma_start3A_1286 = arith.constant 0 : i32
      %dma_start3A_1287 = tpu.memref_slice %arg9[%dma_start3A_1284, %dma_start3A_1285, %dma_start3A_1286] : memref<8x128x64xf32, #tpu.memory_space<vmem>> -> memref<1x128x64xf32, #tpu.memory_space<vmem>>
      %dma_start3A_1288 = tpu.memref_squeeze %dma_start3A_1287 : memref<1x128x64xf32, #tpu.memory_space<vmem>> -> memref<128x64xf32, #tpu.memory_space<vmem>>
      %dma_start3A_1289 = arith.constant 0 : i32
      %dma_start3A_1290 = tpu.memref_slice %arg7[%add3A_1283, %dma_start3A_1289] : memref<80x128xi32, #tpu.memory_space<vmem>> -> memref<1x128xi32, #tpu.memory_space<vmem>>
      %dma_start3A_1291 = tpu.memref_squeeze %dma_start3A_1290 : memref<1x128xi32, #tpu.memory_space<vmem>> -> memref<128xi32, #tpu.memory_space<vmem>>
      %dma_start3A_1292 = arith.constant 0 : i32
      %dma_start3A_1293 = arith.constant 0 : i32
      %dma_start3A_1294 = tpu.memref_slice %arg2[%dma_start3A_1292, %dma_start3A_1293] : memref<10000x64xf32, #tpu.memory_space<hbm>> -> memref<10000x64xf32, #tpu.memory_space<hbm>>
      tpu.enqueue_indirect_dma source(%dma_start3A_1294 : memref<10000x64xf32, #tpu.memory_space<hbm>>) target(%dma_start3A_1288 : memref<128x64xf32, #tpu.memory_space<vmem>>) offsets(%dma_start3A_1291 : memref<128xi32, #tpu.memory_space<vmem>>) semaphore(%arg12 : memref<!tpu.dma_semaphore, #tpu.memory_space<semaphore_mem>>)
      %scan3A_1295 = arith.constant 0 : i32
      scf.yield %scan3A_1295 : i32
    }
    %scan3A_127 = arith.constant 9 : i32
    %dma_wait3A_128 = arith.constant 72 : i32
    %dma_wait3A_129 = arith.constant 0 : i32
    %dma_wait3A_130 = arith.constant 0 : i32
    %dma_wait3A_131 = arith.constant 0 : i32
    %dma_wait3A_132 = tpu.memref_slice %arg9[%dma_wait3A_129, %dma_wait3A_130, %dma_wait3A_131] : memref<8x128x64xf32, #tpu.memory_space<vmem>> -> memref<1x128x64xf32, #tpu.memory_space<vmem>>
    %dma_wait3A_133 = tpu.memref_squeeze %dma_wait3A_132 : memref<1x128x64xf32, #tpu.memory_space<vmem>> -> memref<128x64xf32, #tpu.memory_space<vmem>>
    %dma_wait3A_134 = arith.constant 0 : i32
    %dma_wait3A_135 = tpu.memref_slice %arg7[%dma_wait3A_128, %dma_wait3A_134] : memref<80x128xi32, #tpu.memory_space<vmem>> -> memref<1x128xi32, #tpu.memory_space<vmem>>
    %dma_wait3A_136 = tpu.memref_squeeze %dma_wait3A_135 : memref<1x128xi32, #tpu.memory_space<vmem>> -> memref<128xi32, #tpu.memory_space<vmem>>
    %dma_wait3A_137 = arith.constant 0 : i32
    %dma_wait3A_138 = arith.constant 0 : i32
    %dma_wait3A_139 = tpu.memref_slice %arg2[%dma_wait3A_137, %dma_wait3A_138] : memref<10000x64xf32, #tpu.memory_space<hbm>> -> memref<10000x64xf32, #tpu.memory_space<hbm>>
    tpu.wait_indirect_dma semaphore(%arg11 : memref<!tpu.dma_semaphore, #tpu.memory_space<semaphore_mem>>) src(%dma_wait3A_139 : memref<10000x64xf32, #tpu.memory_space<hbm>>) dst(%dma_wait3A_133 : memref<128x64xf32, #tpu.memory_space<vmem>>)
    %dma_wait3A_140 = arith.constant 73 : i32
    %dma_wait3A_141 = arith.constant 1 : i32
    %dma_wait3A_142 = arith.constant 0 : i32
    %dma_wait3A_143 = arith.constant 0 : i32
    %dma_wait3A_144 = tpu.memref_slice %arg9[%dma_wait3A_141, %dma_wait3A_142, %dma_wait3A_143] : memref<8x128x64xf32, #tpu.memory_space<vmem>> -> memref<1x128x64xf32, #tpu.memory_space<vmem>>
    %dma_wait3A_145 = tpu.memref_squeeze %dma_wait3A_144 : memref<1x128x64xf32, #tpu.memory_space<vmem>> -> memref<128x64xf32, #tpu.memory_space<vmem>>
    %dma_wait3A_146 = arith.constant 0 : i32
    %dma_wait3A_147 = tpu.memref_slice %arg7[%dma_wait3A_140, %dma_wait3A_146] : memref<80x128xi32, #tpu.memory_space<vmem>> -> memref<1x128xi32, #tpu.memory_space<vmem>>
    %dma_wait3A_148 = tpu.memref_squeeze %dma_wait3A_147 : memref<1x128xi32, #tpu.memory_space<vmem>> -> memref<128xi32, #tpu.memory_space<vmem>>
    %dma_wait3A_149 = arith.constant 0 : i32
    %dma_wait3A_150 = arith.constant 0 : i32
    %dma_wait3A_151 = tpu.memref_slice %arg2[%dma_wait3A_149, %dma_wait3A_150] : memref<10000x64xf32, #tpu.memory_space<hbm>> -> memref<10000x64xf32, #tpu.memory_space<hbm>>
    tpu.wait_indirect_dma semaphore(%arg11 : memref<!tpu.dma_semaphore, #tpu.memory_space<semaphore_mem>>) src(%dma_wait3A_151 : memref<10000x64xf32, #tpu.memory_space<hbm>>) dst(%dma_wait3A_145 : memref<128x64xf32, #tpu.memory_space<vmem>>)
    %dma_wait3A_152 = arith.constant 74 : i32
    %dma_wait3A_153 = arith.constant 2 : i32
    %dma_wait3A_154 = arith.constant 0 : i32
    %dma_wait3A_155 = arith.constant 0 : i32
    %dma_wait3A_156 = tpu.memref_slice %arg9[%dma_wait3A_153, %dma_wait3A_154, %dma_wait3A_155] : memref<8x128x64xf32, #tpu.memory_space<vmem>> -> memref<1x128x64xf32, #tpu.memory_space<vmem>>
    %dma_wait3A_157 = tpu.memref_squeeze %dma_wait3A_156 : memref<1x128x64xf32, #tpu.memory_space<vmem>> -> memref<128x64xf32, #tpu.memory_space<vmem>>
    %dma_wait3A_158 = arith.constant 0 : i32
    %dma_wait3A_159 = tpu.memref_slice %arg7[%dma_wait3A_152, %dma_wait3A_158] : memref<80x128xi32, #tpu.memory_space<vmem>> -> memref<1x128xi32, #tpu.memory_space<vmem>>
    %dma_wait3A_160 = tpu.memref_squeeze %dma_wait3A_159 : memref<1x128xi32, #tpu.memory_space<vmem>> -> memref<128xi32, #tpu.memory_space<vmem>>
    %dma_wait3A_161 = arith.constant 0 : i32
    %dma_wait3A_162 = arith.constant 0 : i32
    %dma_wait3A_163 = tpu.memref_slice %arg2[%dma_wait3A_161, %dma_wait3A_162] : memref<10000x64xf32, #tpu.memory_space<hbm>> -> memref<10000x64xf32, #tpu.memory_space<hbm>>
    tpu.wait_indirect_dma semaphore(%arg11 : memref<!tpu.dma_semaphore, #tpu.memory_space<semaphore_mem>>) src(%dma_wait3A_163 : memref<10000x64xf32, #tpu.memory_space<hbm>>) dst(%dma_wait3A_157 : memref<128x64xf32, #tpu.memory_space<vmem>>)
    %dma_wait3A_164 = arith.constant 75 : i32
    %dma_wait3A_165 = arith.constant 3 : i32
    %dma_wait3A_166 = arith.constant 0 : i32
    %dma_wait3A_167 = arith.constant 0 : i32
    %dma_wait3A_168 = tpu.memref_slice %arg9[%dma_wait3A_165, %dma_wait3A_166, %dma_wait3A_167] : memref<8x128x64xf32, #tpu.memory_space<vmem>> -> memref<1x128x64xf32, #tpu.memory_space<vmem>>
    %dma_wait3A_169 = tpu.memref_squeeze %dma_wait3A_168 : memref<1x128x64xf32, #tpu.memory_space<vmem>> -> memref<128x64xf32, #tpu.memory_space<vmem>>
    %dma_wait3A_170 = arith.constant 0 : i32
    %dma_wait3A_171 = tpu.memref_slice %arg7[%dma_wait3A_164, %dma_wait3A_170] : memref<80x128xi32, #tpu.memory_space<vmem>> -> memref<1x128xi32, #tpu.memory_space<vmem>>
    %dma_wait3A_172 = tpu.memref_squeeze %dma_wait3A_171 : memref<1x128xi32, #tpu.memory_space<vmem>> -> memref<128xi32, #tpu.memory_space<vmem>>
    %dma_wait3A_173 = arith.constant 0 : i32
    %dma_wait3A_174 = arith.constant 0 : i32
    %dma_wait3A_175 = tpu.memref_slice %arg2[%dma_wait3A_173, %dma_wait3A_174] : memref<10000x64xf32, #tpu.memory_space<hbm>> -> memref<10000x64xf32, #tpu.memory_space<hbm>>
    tpu.wait_indirect_dma semaphore(%arg11 : memref<!tpu.dma_semaphore, #tpu.memory_space<semaphore_mem>>) src(%dma_wait3A_175 : memref<10000x64xf32, #tpu.memory_space<hbm>>) dst(%dma_wait3A_169 : memref<128x64xf32, #tpu.memory_space<vmem>>)
    %dma_start3A_176 = arith.constant 0 : i32
    %dma_start3A_177 = arith.constant 72 : i32
    %dma_start3A_178 = arith.constant 0 : i32
    %dma_start3A_179 = arith.constant 0 : i32
    %dma_start3A_180 = tpu.memref_slice %arg9[%dma_start3A_176, %dma_start3A_178, %dma_start3A_179] : memref<8x128x64xf32, #tpu.memory_space<vmem>> -> memref<1x128x64xf32, #tpu.memory_space<vmem>>
    %dma_start3A_181 = tpu.memref_squeeze %dma_start3A_180 : memref<1x128x64xf32, #tpu.memory_space<vmem>> -> memref<128x64xf32, #tpu.memory_space<vmem>>
    %dma_start3A_182 = arith.constant 0 : i32
    %dma_start3A_183 = tpu.memref_slice %arg8[%dma_start3A_177, %dma_start3A_182] : memref<80x128xi32, #tpu.memory_space<vmem>> -> memref<1x128xi32, #tpu.memory_space<vmem>>
    %dma_start3A_184 = tpu.memref_squeeze %dma_start3A_183 : memref<1x128xi32, #tpu.memory_space<vmem>> -> memref<128xi32, #tpu.memory_space<vmem>>
    %dma_start3A_185 = arith.constant 0 : i32
    %dma_start3A_186 = arith.constant 0 : i32
    %dma_start3A_187 = tpu.memref_slice %arg10[%dma_start3A_185, %dma_start3A_186] : memref<10240x64xf32, #tpu.memory_space<vmem_shared>> -> memref<10240x64xf32, #tpu.memory_space<vmem_shared>>
    tpu.enqueue_indirect_dma source(%dma_start3A_181 : memref<128x64xf32, #tpu.memory_space<vmem>>) target(%dma_start3A_187 : memref<10240x64xf32, #tpu.memory_space<vmem_shared>>) offsets(%dma_start3A_184 : memref<128xi32, #tpu.memory_space<vmem>>) semaphore(%arg13 : memref<!tpu.dma_semaphore, #tpu.memory_space<semaphore_mem>>) {add = true}
    %dma_start3A_188 = arith.constant 1 : i32
    %dma_start3A_189 = arith.constant 73 : i32
    %dma_start3A_190 = arith.constant 0 : i32
    %dma_start3A_191 = arith.constant 0 : i32
    %dma_start3A_192 = tpu.memref_slice %arg9[%dma_start3A_188, %dma_start3A_190, %dma_start3A_191] : memref<8x128x64xf32, #tpu.memory_space<vmem>> -> memref<1x128x64xf32, #tpu.memory_space<vmem>>
    %dma_start3A_193 = tpu.memref_squeeze %dma_start3A_192 : memref<1x128x64xf32, #tpu.memory_space<vmem>> -> memref<128x64xf32, #tpu.memory_space<vmem>>
    %dma_start3A_194 = arith.constant 0 : i32
    %dma_start3A_195 = tpu.memref_slice %arg8[%dma_start3A_189, %dma_start3A_194] : memref<80x128xi32, #tpu.memory_space<vmem>> -> memref<1x128xi32, #tpu.memory_space<vmem>>
    %dma_start3A_196 = tpu.memref_squeeze %dma_start3A_195 : memref<1x128xi32, #tpu.memory_space<vmem>> -> memref<128xi32, #tpu.memory_space<vmem>>
    %dma_start3A_197 = arith.constant 0 : i32
    %dma_start3A_198 = arith.constant 0 : i32
    %dma_start3A_199 = tpu.memref_slice %arg10[%dma_start3A_197, %dma_start3A_198] : memref<10240x64xf32, #tpu.memory_space<vmem_shared>> -> memref<10240x64xf32, #tpu.memory_space<vmem_shared>>
    tpu.enqueue_indirect_dma source(%dma_start3A_193 : memref<128x64xf32, #tpu.memory_space<vmem>>) target(%dma_start3A_199 : memref<10240x64xf32, #tpu.memory_space<vmem_shared>>) offsets(%dma_start3A_196 : memref<128xi32, #tpu.memory_space<vmem>>) semaphore(%arg13 : memref<!tpu.dma_semaphore, #tpu.memory_space<semaphore_mem>>) {add = true}
    %dma_start3A_200 = arith.constant 2 : i32
    %dma_start3A_201 = arith.constant 74 : i32
    %dma_start3A_202 = arith.constant 0 : i32
    %dma_start3A_203 = arith.constant 0 : i32
    %dma_start3A_204 = tpu.memref_slice %arg9[%dma_start3A_200, %dma_start3A_202, %dma_start3A_203] : memref<8x128x64xf32, #tpu.memory_space<vmem>> -> memref<1x128x64xf32, #tpu.memory_space<vmem>>
    %dma_start3A_205 = tpu.memref_squeeze %dma_start3A_204 : memref<1x128x64xf32, #tpu.memory_space<vmem>> -> memref<128x64xf32, #tpu.memory_space<vmem>>
    %dma_start3A_206 = arith.constant 0 : i32
    %dma_start3A_207 = tpu.memref_slice %arg8[%dma_start3A_201, %dma_start3A_206] : memref<80x128xi32, #tpu.memory_space<vmem>> -> memref<1x128xi32, #tpu.memory_space<vmem>>
    %dma_start3A_208 = tpu.memref_squeeze %dma_start3A_207 : memref<1x128xi32, #tpu.memory_space<vmem>> -> memref<128xi32, #tpu.memory_space<vmem>>
    %dma_start3A_209 = arith.constant 0 : i32
    %dma_start3A_210 = arith.constant 0 : i32
    %dma_start3A_211 = tpu.memref_slice %arg10[%dma_start3A_209, %dma_start3A_210] : memref<10240x64xf32, #tpu.memory_space<vmem_shared>> -> memref<10240x64xf32, #tpu.memory_space<vmem_shared>>
    tpu.enqueue_indirect_dma source(%dma_start3A_205 : memref<128x64xf32, #tpu.memory_space<vmem>>) target(%dma_start3A_211 : memref<10240x64xf32, #tpu.memory_space<vmem_shared>>) offsets(%dma_start3A_208 : memref<128xi32, #tpu.memory_space<vmem>>) semaphore(%arg13 : memref<!tpu.dma_semaphore, #tpu.memory_space<semaphore_mem>>) {add = true}
    %dma_start3A_212 = arith.constant 3 : i32
    %dma_start3A_213 = arith.constant 75 : i32
    %dma_start3A_214 = arith.constant 0 : i32
    %dma_start3A_215 = arith.constant 0 : i32
    %dma_start3A_216 = tpu.memref_slice %arg9[%dma_start3A_212, %dma_start3A_214, %dma_start3A_215] : memref<8x128x64xf32, #tpu.memory_space<vmem>> -> memref<1x128x64xf32, #tpu.memory_space<vmem>>
    %dma_start3A_217 = tpu.memref_squeeze %dma_start3A_216 : memref<1x128x64xf32, #tpu.memory_space<vmem>> -> memref<128x64xf32, #tpu.memory_space<vmem>>
    %dma_start3A_218 = arith.constant 0 : i32
    %dma_start3A_219 = tpu.memref_slice %arg8[%dma_start3A_213, %dma_start3A_218] : memref<80x128xi32, #tpu.memory_space<vmem>> -> memref<1x128xi32, #tpu.memory_space<vmem>>
    %dma_start3A_220 = tpu.memref_squeeze %dma_start3A_219 : memref<1x128xi32, #tpu.memory_space<vmem>> -> memref<128xi32, #tpu.memory_space<vmem>>
    %dma_start3A_221 = arith.constant 0 : i32
    %dma_start3A_222 = arith.constant 0 : i32
    %dma_start3A_223 = tpu.memref_slice %arg10[%dma_start3A_221, %dma_start3A_222] : memref<10240x64xf32, #tpu.memory_space<vmem_shared>> -> memref<10240x64xf32, #tpu.memory_space<vmem_shared>>
    tpu.enqueue_indirect_dma source(%dma_start3A_217 : memref<128x64xf32, #tpu.memory_space<vmem>>) target(%dma_start3A_223 : memref<10240x64xf32, #tpu.memory_space<vmem_shared>>) offsets(%dma_start3A_220 : memref<128xi32, #tpu.memory_space<vmem>>) semaphore(%arg13 : memref<!tpu.dma_semaphore, #tpu.memory_space<semaphore_mem>>) {add = true}
    %dma_wait3A_224 = arith.constant 76 : i32
    %dma_wait3A_225 = arith.constant 4 : i32
    %dma_wait3A_226 = arith.constant 0 : i32
    %dma_wait3A_227 = arith.constant 0 : i32
    %dma_wait3A_228 = tpu.memref_slice %arg9[%dma_wait3A_225, %dma_wait3A_226, %dma_wait3A_227] : memref<8x128x64xf32, #tpu.memory_space<vmem>> -> memref<1x128x64xf32, #tpu.memory_space<vmem>>
    %dma_wait3A_229 = tpu.memref_squeeze %dma_wait3A_228 : memref<1x128x64xf32, #tpu.memory_space<vmem>> -> memref<128x64xf32, #tpu.memory_space<vmem>>
    %dma_wait3A_230 = arith.constant 0 : i32
    %dma_wait3A_231 = tpu.memref_slice %arg7[%dma_wait3A_224, %dma_wait3A_230] : memref<80x128xi32, #tpu.memory_space<vmem>> -> memref<1x128xi32, #tpu.memory_space<vmem>>
    %dma_wait3A_232 = tpu.memref_squeeze %dma_wait3A_231 : memref<1x128xi32, #tpu.memory_space<vmem>> -> memref<128xi32, #tpu.memory_space<vmem>>
    %dma_wait3A_233 = arith.constant 0 : i32
    %dma_wait3A_234 = arith.constant 0 : i32
    %dma_wait3A_235 = tpu.memref_slice %arg2[%dma_wait3A_233, %dma_wait3A_234] : memref<10000x64xf32, #tpu.memory_space<hbm>> -> memref<10000x64xf32, #tpu.memory_space<hbm>>
    tpu.wait_indirect_dma semaphore(%arg12 : memref<!tpu.dma_semaphore, #tpu.memory_space<semaphore_mem>>) src(%dma_wait3A_235 : memref<10000x64xf32, #tpu.memory_space<hbm>>) dst(%dma_wait3A_229 : memref<128x64xf32, #tpu.memory_space<vmem>>)
    %dma_wait3A_236 = arith.constant 77 : i32
    %dma_wait3A_237 = arith.constant 5 : i32
    %dma_wait3A_238 = arith.constant 0 : i32
    %dma_wait3A_239 = arith.constant 0 : i32
    %dma_wait3A_240 = tpu.memref_slice %arg9[%dma_wait3A_237, %dma_wait3A_238, %dma_wait3A_239] : memref<8x128x64xf32, #tpu.memory_space<vmem>> -> memref<1x128x64xf32, #tpu.memory_space<vmem>>
    %dma_wait3A_241 = tpu.memref_squeeze %dma_wait3A_240 : memref<1x128x64xf32, #tpu.memory_space<vmem>> -> memref<128x64xf32, #tpu.memory_space<vmem>>
    %dma_wait3A_242 = arith.constant 0 : i32
    %dma_wait3A_243 = tpu.memref_slice %arg7[%dma_wait3A_236, %dma_wait3A_242] : memref<80x128xi32, #tpu.memory_space<vmem>> -> memref<1x128xi32, #tpu.memory_space<vmem>>
    %dma_wait3A_244 = tpu.memref_squeeze %dma_wait3A_243 : memref<1x128xi32, #tpu.memory_space<vmem>> -> memref<128xi32, #tpu.memory_space<vmem>>
    %dma_wait3A_245 = arith.constant 0 : i32
    %dma_wait3A_246 = arith.constant 0 : i32
    %dma_wait3A_247 = tpu.memref_slice %arg2[%dma_wait3A_245, %dma_wait3A_246] : memref<10000x64xf32, #tpu.memory_space<hbm>> -> memref<10000x64xf32, #tpu.memory_space<hbm>>
    tpu.wait_indirect_dma semaphore(%arg12 : memref<!tpu.dma_semaphore, #tpu.memory_space<semaphore_mem>>) src(%dma_wait3A_247 : memref<10000x64xf32, #tpu.memory_space<hbm>>) dst(%dma_wait3A_241 : memref<128x64xf32, #tpu.memory_space<vmem>>)
    %dma_wait3A_248 = arith.constant 78 : i32
    %dma_wait3A_249 = arith.constant 6 : i32
    %dma_wait3A_250 = arith.constant 0 : i32
    %dma_wait3A_251 = arith.constant 0 : i32
    %dma_wait3A_252 = tpu.memref_slice %arg9[%dma_wait3A_249, %dma_wait3A_250, %dma_wait3A_251] : memref<8x128x64xf32, #tpu.memory_space<vmem>> -> memref<1x128x64xf32, #tpu.memory_space<vmem>>
    %dma_wait3A_253 = tpu.memref_squeeze %dma_wait3A_252 : memref<1x128x64xf32, #tpu.memory_space<vmem>> -> memref<128x64xf32, #tpu.memory_space<vmem>>
    %dma_wait3A_254 = arith.constant 0 : i32
    %dma_wait3A_255 = tpu.memref_slice %arg7[%dma_wait3A_248, %dma_wait3A_254] : memref<80x128xi32, #tpu.memory_space<vmem>> -> memref<1x128xi32, #tpu.memory_space<vmem>>
    %dma_wait3A_256 = tpu.memref_squeeze %dma_wait3A_255 : memref<1x128xi32, #tpu.memory_space<vmem>> -> memref<128xi32, #tpu.memory_space<vmem>>
    %dma_wait3A_257 = arith.constant 0 : i32
    %dma_wait3A_258 = arith.constant 0 : i32
    %dma_wait3A_259 = tpu.memref_slice %arg2[%dma_wait3A_257, %dma_wait3A_258] : memref<10000x64xf32, #tpu.memory_space<hbm>> -> memref<10000x64xf32, #tpu.memory_space<hbm>>
    tpu.wait_indirect_dma semaphore(%arg12 : memref<!tpu.dma_semaphore, #tpu.memory_space<semaphore_mem>>) src(%dma_wait3A_259 : memref<10000x64xf32, #tpu.memory_space<hbm>>) dst(%dma_wait3A_253 : memref<128x64xf32, #tpu.memory_space<vmem>>)
    %dma_wait3A_260 = arith.constant 79 : i32
    %dma_wait3A_261 = arith.constant 7 : i32
    %dma_wait3A_262 = arith.constant 0 : i32
    %dma_wait3A_263 = arith.constant 0 : i32
    %dma_wait3A_264 = tpu.memref_slice %arg9[%dma_wait3A_261, %dma_wait3A_262, %dma_wait3A_263] : memref<8x128x64xf32, #tpu.memory_space<vmem>> -> memref<1x128x64xf32, #tpu.memory_space<vmem>>
    %dma_wait3A_265 = tpu.memref_squeeze %dma_wait3A_264 : memref<1x128x64xf32, #tpu.memory_space<vmem>> -> memref<128x64xf32, #tpu.memory_space<vmem>>
    %dma_wait3A_266 = arith.constant 0 : i32
    %dma_wait3A_267 = tpu.memref_slice %arg7[%dma_wait3A_260, %dma_wait3A_266] : memref<80x128xi32, #tpu.memory_space<vmem>> -> memref<1x128xi32, #tpu.memory_space<vmem>>
    %dma_wait3A_268 = tpu.memref_squeeze %dma_wait3A_267 : memref<1x128xi32, #tpu.memory_space<vmem>> -> memref<128xi32, #tpu.memory_space<vmem>>
    %dma_wait3A_269 = arith.constant 0 : i32
    %dma_wait3A_270 = arith.constant 0 : i32
    %dma_wait3A_271 = tpu.memref_slice %arg2[%dma_wait3A_269, %dma_wait3A_270] : memref<10000x64xf32, #tpu.memory_space<hbm>> -> memref<10000x64xf32, #tpu.memory_space<hbm>>
    tpu.wait_indirect_dma semaphore(%arg12 : memref<!tpu.dma_semaphore, #tpu.memory_space<semaphore_mem>>) src(%dma_wait3A_271 : memref<10000x64xf32, #tpu.memory_space<hbm>>) dst(%dma_wait3A_265 : memref<128x64xf32, #tpu.memory_space<vmem>>)
    %dma_start3A_272 = arith.constant 4 : i32
    %dma_start3A_273 = arith.constant 76 : i32
    %dma_start3A_274 = arith.constant 0 : i32
    %dma_start3A_275 = arith.constant 0 : i32
    %dma_start3A_276 = tpu.memref_slice %arg9[%dma_start3A_272, %dma_start3A_274, %dma_start3A_275] : memref<8x128x64xf32, #tpu.memory_space<vmem>> -> memref<1x128x64xf32, #tpu.memory_space<vmem>>
    %dma_start3A_277 = tpu.memref_squeeze %dma_start3A_276 : memref<1x128x64xf32, #tpu.memory_space<vmem>> -> memref<128x64xf32, #tpu.memory_space<vmem>>
    %dma_start3A_278 = arith.constant 0 : i32
    %dma_start3A_279 = tpu.memref_slice %arg8[%dma_start3A_273, %dma_start3A_278] : memref<80x128xi32, #tpu.memory_space<vmem>> -> memref<1x128xi32, #tpu.memory_space<vmem>>
    %dma_start3A_280 = tpu.memref_squeeze %dma_start3A_279 : memref<1x128xi32, #tpu.memory_space<vmem>> -> memref<128xi32, #tpu.memory_space<vmem>>
    %dma_start3A_281 = arith.constant 0 : i32
    %dma_start3A_282 = arith.constant 0 : i32
    %dma_start3A_283 = tpu.memref_slice %arg10[%dma_start3A_281, %dma_start3A_282] : memref<10240x64xf32, #tpu.memory_space<vmem_shared>> -> memref<10240x64xf32, #tpu.memory_space<vmem_shared>>
    tpu.enqueue_indirect_dma source(%dma_start3A_277 : memref<128x64xf32, #tpu.memory_space<vmem>>) target(%dma_start3A_283 : memref<10240x64xf32, #tpu.memory_space<vmem_shared>>) offsets(%dma_start3A_280 : memref<128xi32, #tpu.memory_space<vmem>>) semaphore(%arg14 : memref<!tpu.dma_semaphore, #tpu.memory_space<semaphore_mem>>) {add = true}
    %dma_start3A_284 = arith.constant 5 : i32
    %dma_start3A_285 = arith.constant 77 : i32
    %dma_start3A_286 = arith.constant 0 : i32
    %dma_start3A_287 = arith.constant 0 : i32
    %dma_start3A_288 = tpu.memref_slice %arg9[%dma_start3A_284, %dma_start3A_286, %dma_start3A_287] : memref<8x128x64xf32, #tpu.memory_space<vmem>> -> memref<1x128x64xf32, #tpu.memory_space<vmem>>
    %dma_start3A_289 = tpu.memref_squeeze %dma_start3A_288 : memref<1x128x64xf32, #tpu.memory_space<vmem>> -> memref<128x64xf32, #tpu.memory_space<vmem>>
    %dma_start3A_290 = arith.constant 0 : i32
    %dma_start3A_291 = tpu.memref_slice %arg8[%dma_start3A_285, %dma_start3A_290] : memref<80x128xi32, #tpu.memory_space<vmem>> -> memref<1x128xi32, #tpu.memory_space<vmem>>
    %dma_start3A_292 = tpu.memref_squeeze %dma_start3A_291 : memref<1x128xi32, #tpu.memory_space<vmem>> -> memref<128xi32, #tpu.memory_space<vmem>>
    %dma_start3A_293 = arith.constant 0 : i32
    %dma_start3A_294 = arith.constant 0 : i32
    %dma_start3A_295 = tpu.memref_slice %arg10[%dma_start3A_293, %dma_start3A_294] : memref<10240x64xf32, #tpu.memory_space<vmem_shared>> -> memref<10240x64xf32, #tpu.memory_space<vmem_shared>>
    tpu.enqueue_indirect_dma source(%dma_start3A_289 : memref<128x64xf32, #tpu.memory_space<vmem>>) target(%dma_start3A_295 : memref<10240x64xf32, #tpu.memory_space<vmem_shared>>) offsets(%dma_start3A_292 : memref<128xi32, #tpu.memory_space<vmem>>) semaphore(%arg14 : memref<!tpu.dma_semaphore, #tpu.memory_space<semaphore_mem>>) {add = true}
    %dma_start3A_296 = arith.constant 6 : i32
    %dma_start3A_297 = arith.constant 78 : i32
    %dma_start3A_298 = arith.constant 0 : i32
    %dma_start3A_299 = arith.constant 0 : i32
    %dma_start3A_300 = tpu.memref_slice %arg9[%dma_start3A_296, %dma_start3A_298, %dma_start3A_299] : memref<8x128x64xf32, #tpu.memory_space<vmem>> -> memref<1x128x64xf32, #tpu.memory_space<vmem>>
    %dma_start3A_301 = tpu.memref_squeeze %dma_start3A_300 : memref<1x128x64xf32, #tpu.memory_space<vmem>> -> memref<128x64xf32, #tpu.memory_space<vmem>>
    %dma_start3A_302 = arith.constant 0 : i32
    %dma_start3A_303 = tpu.memref_slice %arg8[%dma_start3A_297, %dma_start3A_302] : memref<80x128xi32, #tpu.memory_space<vmem>> -> memref<1x128xi32, #tpu.memory_space<vmem>>
    %dma_start3A_304 = tpu.memref_squeeze %dma_start3A_303 : memref<1x128xi32, #tpu.memory_space<vmem>> -> memref<128xi32, #tpu.memory_space<vmem>>
    %dma_start3A_305 = arith.constant 0 : i32
    %dma_start3A_306 = arith.constant 0 : i32
    %dma_start3A_307 = tpu.memref_slice %arg10[%dma_start3A_305, %dma_start3A_306] : memref<10240x64xf32, #tpu.memory_space<vmem_shared>> -> memref<10240x64xf32, #tpu.memory_space<vmem_shared>>
    tpu.enqueue_indirect_dma source(%dma_start3A_301 : memref<128x64xf32, #tpu.memory_space<vmem>>) target(%dma_start3A_307 : memref<10240x64xf32, #tpu.memory_space<vmem_shared>>) offsets(%dma_start3A_304 : memref<128xi32, #tpu.memory_space<vmem>>) semaphore(%arg14 : memref<!tpu.dma_semaphore, #tpu.memory_space<semaphore_mem>>) {add = true}
    %dma_start3A_308 = arith.constant 7 : i32
    %dma_start3A_309 = arith.constant 79 : i32
    %dma_start3A_310 = arith.constant 0 : i32
    %dma_start3A_311 = arith.constant 0 : i32
    %dma_start3A_312 = tpu.memref_slice %arg9[%dma_start3A_308, %dma_start3A_310, %dma_start3A_311] : memref<8x128x64xf32, #tpu.memory_space<vmem>> -> memref<1x128x64xf32, #tpu.memory_space<vmem>>
    %dma_start3A_313 = tpu.memref_squeeze %dma_start3A_312 : memref<1x128x64xf32, #tpu.memory_space<vmem>> -> memref<128x64xf32, #tpu.memory_space<vmem>>
    %dma_start3A_314 = arith.constant 0 : i32
    %dma_start3A_315 = tpu.memref_slice %arg8[%dma_start3A_309, %dma_start3A_314] : memref<80x128xi32, #tpu.memory_space<vmem>> -> memref<1x128xi32, #tpu.memory_space<vmem>>
    %dma_start3A_316 = tpu.memref_squeeze %dma_start3A_315 : memref<1x128xi32, #tpu.memory_space<vmem>> -> memref<128xi32, #tpu.memory_space<vmem>>
    %dma_start3A_317 = arith.constant 0 : i32
    %dma_start3A_318 = arith.constant 0 : i32
    %dma_start3A_319 = tpu.memref_slice %arg10[%dma_start3A_317, %dma_start3A_318] : memref<10240x64xf32, #tpu.memory_space<vmem_shared>> -> memref<10240x64xf32, #tpu.memory_space<vmem_shared>>
    tpu.enqueue_indirect_dma source(%dma_start3A_313 : memref<128x64xf32, #tpu.memory_space<vmem>>) target(%dma_start3A_319 : memref<10240x64xf32, #tpu.memory_space<vmem_shared>>) offsets(%dma_start3A_316 : memref<128xi32, #tpu.memory_space<vmem>>) semaphore(%arg14 : memref<!tpu.dma_semaphore, #tpu.memory_space<semaphore_mem>>) {add = true}
    %dma_wait3A_320 = arith.constant 0 : i32
    %dma_wait3A_321 = arith.constant 72 : i32
    %dma_wait3A_322 = arith.constant 0 : i32
    %dma_wait3A_323 = arith.constant 0 : i32
    %dma_wait3A_324 = tpu.memref_slice %arg9[%dma_wait3A_320, %dma_wait3A_322, %dma_wait3A_323] : memref<8x128x64xf32, #tpu.memory_space<vmem>> -> memref<1x128x64xf32, #tpu.memory_space<vmem>>
    %dma_wait3A_325 = tpu.memref_squeeze %dma_wait3A_324 : memref<1x128x64xf32, #tpu.memory_space<vmem>> -> memref<128x64xf32, #tpu.memory_space<vmem>>
    %dma_wait3A_326 = arith.constant 0 : i32
    %dma_wait3A_327 = tpu.memref_slice %arg8[%dma_wait3A_321, %dma_wait3A_326] : memref<80x128xi32, #tpu.memory_space<vmem>> -> memref<1x128xi32, #tpu.memory_space<vmem>>
    %dma_wait3A_328 = tpu.memref_squeeze %dma_wait3A_327 : memref<1x128xi32, #tpu.memory_space<vmem>> -> memref<128xi32, #tpu.memory_space<vmem>>
    %dma_wait3A_329 = arith.constant 0 : i32
    %dma_wait3A_330 = arith.constant 0 : i32
    %dma_wait3A_331 = tpu.memref_slice %arg10[%dma_wait3A_329, %dma_wait3A_330] : memref<10240x64xf32, #tpu.memory_space<vmem_shared>> -> memref<10240x64xf32, #tpu.memory_space<vmem_shared>>
    tpu.wait_indirect_dma semaphore(%arg13 : memref<!tpu.dma_semaphore, #tpu.memory_space<semaphore_mem>>) src(%dma_wait3A_325 : memref<128x64xf32, #tpu.memory_space<vmem>>) dst(%dma_wait3A_331 : memref<10240x64xf32, #tpu.memory_space<vmem_shared>>)
    %dma_wait3A_332 = arith.constant 1 : i32
    %dma_wait3A_333 = arith.constant 73 : i32
    %dma_wait3A_334 = arith.constant 0 : i32
    %dma_wait3A_335 = arith.constant 0 : i32
    %dma_wait3A_336 = tpu.memref_slice %arg9[%dma_wait3A_332, %dma_wait3A_334, %dma_wait3A_335] : memref<8x128x64xf32, #tpu.memory_space<vmem>> -> memref<1x128x64xf32, #tpu.memory_space<vmem>>
    %dma_wait3A_337 = tpu.memref_squeeze %dma_wait3A_336 : memref<1x128x64xf32, #tpu.memory_space<vmem>> -> memref<128x64xf32, #tpu.memory_space<vmem>>
    %dma_wait3A_338 = arith.constant 0 : i32
    %dma_wait3A_339 = tpu.memref_slice %arg8[%dma_wait3A_333, %dma_wait3A_338] : memref<80x128xi32, #tpu.memory_space<vmem>> -> memref<1x128xi32, #tpu.memory_space<vmem>>
    %dma_wait3A_340 = tpu.memref_squeeze %dma_wait3A_339 : memref<1x128xi32, #tpu.memory_space<vmem>> -> memref<128xi32, #tpu.memory_space<vmem>>
    %dma_wait3A_341 = arith.constant 0 : i32
    %dma_wait3A_342 = arith.constant 0 : i32
    %dma_wait3A_343 = tpu.memref_slice %arg10[%dma_wait3A_341, %dma_wait3A_342] : memref<10240x64xf32, #tpu.memory_space<vmem_shared>> -> memref<10240x64xf32, #tpu.memory_space<vmem_shared>>
    tpu.wait_indirect_dma semaphore(%arg13 : memref<!tpu.dma_semaphore, #tpu.memory_space<semaphore_mem>>) src(%dma_wait3A_337 : memref<128x64xf32, #tpu.memory_space<vmem>>) dst(%dma_wait3A_343 : memref<10240x64xf32, #tpu.memory_space<vmem_shared>>)
    %dma_wait3A_344 = arith.constant 2 : i32
    %dma_wait3A_345 = arith.constant 74 : i32
    %dma_wait3A_346 = arith.constant 0 : i32
    %dma_wait3A_347 = arith.constant 0 : i32
    %dma_wait3A_348 = tpu.memref_slice %arg9[%dma_wait3A_344, %dma_wait3A_346, %dma_wait3A_347] : memref<8x128x64xf32, #tpu.memory_space<vmem>> -> memref<1x128x64xf32, #tpu.memory_space<vmem>>
    %dma_wait3A_349 = tpu.memref_squeeze %dma_wait3A_348 : memref<1x128x64xf32, #tpu.memory_space<vmem>> -> memref<128x64xf32, #tpu.memory_space<vmem>>
    %dma_wait3A_350 = arith.constant 0 : i32
    %dma_wait3A_351 = tpu.memref_slice %arg8[%dma_wait3A_345, %dma_wait3A_350] : memref<80x128xi32, #tpu.memory_space<vmem>> -> memref<1x128xi32, #tpu.memory_space<vmem>>
    %dma_wait3A_352 = tpu.memref_squeeze %dma_wait3A_351 : memref<1x128xi32, #tpu.memory_space<vmem>> -> memref<128xi32, #tpu.memory_space<vmem>>
    %dma_wait3A_353 = arith.constant 0 : i32
    %dma_wait3A_354 = arith.constant 0 : i32
    %dma_wait3A_355 = tpu.memref_slice %arg10[%dma_wait3A_353, %dma_wait3A_354] : memref<10240x64xf32, #tpu.memory_space<vmem_shared>> -> memref<10240x64xf32, #tpu.memory_space<vmem_shared>>
    tpu.wait_indirect_dma semaphore(%arg13 : memref<!tpu.dma_semaphore, #tpu.memory_space<semaphore_mem>>) src(%dma_wait3A_349 : memref<128x64xf32, #tpu.memory_space<vmem>>) dst(%dma_wait3A_355 : memref<10240x64xf32, #tpu.memory_space<vmem_shared>>)
    %dma_wait3A_356 = arith.constant 3 : i32
    %dma_wait3A_357 = arith.constant 75 : i32
    %dma_wait3A_358 = arith.constant 0 : i32
    %dma_wait3A_359 = arith.constant 0 : i32
    %dma_wait3A_360 = tpu.memref_slice %arg9[%dma_wait3A_356, %dma_wait3A_358, %dma_wait3A_359] : memref<8x128x64xf32, #tpu.memory_space<vmem>> -> memref<1x128x64xf32, #tpu.memory_space<vmem>>
    %dma_wait3A_361 = tpu.memref_squeeze %dma_wait3A_360 : memref<1x128x64xf32, #tpu.memory_space<vmem>> -> memref<128x64xf32, #tpu.memory_space<vmem>>
    %dma_wait3A_362 = arith.constant 0 : i32
    %dma_wait3A_363 = tpu.memref_slice %arg8[%dma_wait3A_357, %dma_wait3A_362] : memref<80x128xi32, #tpu.memory_space<vmem>> -> memref<1x128xi32, #tpu.memory_space<vmem>>
    %dma_wait3A_364 = tpu.memref_squeeze %dma_wait3A_363 : memref<1x128xi32, #tpu.memory_space<vmem>> -> memref<128xi32, #tpu.memory_space<vmem>>
    %dma_wait3A_365 = arith.constant 0 : i32
    %dma_wait3A_366 = arith.constant 0 : i32
    %dma_wait3A_367 = tpu.memref_slice %arg10[%dma_wait3A_365, %dma_wait3A_366] : memref<10240x64xf32, #tpu.memory_space<vmem_shared>> -> memref<10240x64xf32, #tpu.memory_space<vmem_shared>>
    tpu.wait_indirect_dma semaphore(%arg13 : memref<!tpu.dma_semaphore, #tpu.memory_space<semaphore_mem>>) src(%dma_wait3A_361 : memref<128x64xf32, #tpu.memory_space<vmem>>) dst(%dma_wait3A_367 : memref<10240x64xf32, #tpu.memory_space<vmem_shared>>)
    %dma_wait3A_368 = arith.constant 4 : i32
    %dma_wait3A_369 = arith.constant 76 : i32
    %dma_wait3A_370 = arith.constant 0 : i32
    %dma_wait3A_371 = arith.constant 0 : i32
    %dma_wait3A_372 = tpu.memref_slice %arg9[%dma_wait3A_368, %dma_wait3A_370, %dma_wait3A_371] : memref<8x128x64xf32, #tpu.memory_space<vmem>> -> memref<1x128x64xf32, #tpu.memory_space<vmem>>
    %dma_wait3A_373 = tpu.memref_squeeze %dma_wait3A_372 : memref<1x128x64xf32, #tpu.memory_space<vmem>> -> memref<128x64xf32, #tpu.memory_space<vmem>>
    %dma_wait3A_374 = arith.constant 0 : i32
    %dma_wait3A_375 = tpu.memref_slice %arg8[%dma_wait3A_369, %dma_wait3A_374] : memref<80x128xi32, #tpu.memory_space<vmem>> -> memref<1x128xi32, #tpu.memory_space<vmem>>
    %dma_wait3A_376 = tpu.memref_squeeze %dma_wait3A_375 : memref<1x128xi32, #tpu.memory_space<vmem>> -> memref<128xi32, #tpu.memory_space<vmem>>
    %dma_wait3A_377 = arith.constant 0 : i32
    %dma_wait3A_378 = arith.constant 0 : i32
    %dma_wait3A_379 = tpu.memref_slice %arg10[%dma_wait3A_377, %dma_wait3A_378] : memref<10240x64xf32, #tpu.memory_space<vmem_shared>> -> memref<10240x64xf32, #tpu.memory_space<vmem_shared>>
    tpu.wait_indirect_dma semaphore(%arg14 : memref<!tpu.dma_semaphore, #tpu.memory_space<semaphore_mem>>) src(%dma_wait3A_373 : memref<128x64xf32, #tpu.memory_space<vmem>>) dst(%dma_wait3A_379 : memref<10240x64xf32, #tpu.memory_space<vmem_shared>>)
    %dma_wait3A_380 = arith.constant 5 : i32
    %dma_wait3A_381 = arith.constant 77 : i32
    %dma_wait3A_382 = arith.constant 0 : i32
    %dma_wait3A_383 = arith.constant 0 : i32
    %dma_wait3A_384 = tpu.memref_slice %arg9[%dma_wait3A_380, %dma_wait3A_382, %dma_wait3A_383] : memref<8x128x64xf32, #tpu.memory_space<vmem>> -> memref<1x128x64xf32, #tpu.memory_space<vmem>>
    %dma_wait3A_385 = tpu.memref_squeeze %dma_wait3A_384 : memref<1x128x64xf32, #tpu.memory_space<vmem>> -> memref<128x64xf32, #tpu.memory_space<vmem>>
    %dma_wait3A_386 = arith.constant 0 : i32
    %dma_wait3A_387 = tpu.memref_slice %arg8[%dma_wait3A_381, %dma_wait3A_386] : memref<80x128xi32, #tpu.memory_space<vmem>> -> memref<1x128xi32, #tpu.memory_space<vmem>>
    %dma_wait3A_388 = tpu.memref_squeeze %dma_wait3A_387 : memref<1x128xi32, #tpu.memory_space<vmem>> -> memref<128xi32, #tpu.memory_space<vmem>>
    %dma_wait3A_389 = arith.constant 0 : i32
    %dma_wait3A_390 = arith.constant 0 : i32
    %dma_wait3A_391 = tpu.memref_slice %arg10[%dma_wait3A_389, %dma_wait3A_390] : memref<10240x64xf32, #tpu.memory_space<vmem_shared>> -> memref<10240x64xf32, #tpu.memory_space<vmem_shared>>
    tpu.wait_indirect_dma semaphore(%arg14 : memref<!tpu.dma_semaphore, #tpu.memory_space<semaphore_mem>>) src(%dma_wait3A_385 : memref<128x64xf32, #tpu.memory_space<vmem>>) dst(%dma_wait3A_391 : memref<10240x64xf32, #tpu.memory_space<vmem_shared>>)
    %dma_wait3A_392 = arith.constant 6 : i32
    %dma_wait3A_393 = arith.constant 78 : i32
    %dma_wait3A_394 = arith.constant 0 : i32
    %dma_wait3A_395 = arith.constant 0 : i32
    %dma_wait3A_396 = tpu.memref_slice %arg9[%dma_wait3A_392, %dma_wait3A_394, %dma_wait3A_395] : memref<8x128x64xf32, #tpu.memory_space<vmem>> -> memref<1x128x64xf32, #tpu.memory_space<vmem>>
    %dma_wait3A_397 = tpu.memref_squeeze %dma_wait3A_396 : memref<1x128x64xf32, #tpu.memory_space<vmem>> -> memref<128x64xf32, #tpu.memory_space<vmem>>
    %dma_wait3A_398 = arith.constant 0 : i32
    %dma_wait3A_399 = tpu.memref_slice %arg8[%dma_wait3A_393, %dma_wait3A_398] : memref<80x128xi32, #tpu.memory_space<vmem>> -> memref<1x128xi32, #tpu.memory_space<vmem>>
    %dma_wait3A_400 = tpu.memref_squeeze %dma_wait3A_399 : memref<1x128xi32, #tpu.memory_space<vmem>> -> memref<128xi32, #tpu.memory_space<vmem>>
    %dma_wait3A_401 = arith.constant 0 : i32
    %dma_wait3A_402 = arith.constant 0 : i32
    %dma_wait3A_403 = tpu.memref_slice %arg10[%dma_wait3A_401, %dma_wait3A_402] : memref<10240x64xf32, #tpu.memory_space<vmem_shared>> -> memref<10240x64xf32, #tpu.memory_space<vmem_shared>>
    tpu.wait_indirect_dma semaphore(%arg14 : memref<!tpu.dma_semaphore, #tpu.memory_space<semaphore_mem>>) src(%dma_wait3A_397 : memref<128x64xf32, #tpu.memory_space<vmem>>) dst(%dma_wait3A_403 : memref<10240x64xf32, #tpu.memory_space<vmem_shared>>)
    %dma_wait3A_404 = arith.constant 7 : i32
    %dma_wait3A_405 = arith.constant 79 : i32
    %dma_wait3A_406 = arith.constant 0 : i32
    %dma_wait3A_407 = arith.constant 0 : i32
    %dma_wait3A_408 = tpu.memref_slice %arg9[%dma_wait3A_404, %dma_wait3A_406, %dma_wait3A_407] : memref<8x128x64xf32, #tpu.memory_space<vmem>> -> memref<1x128x64xf32, #tpu.memory_space<vmem>>
    %dma_wait3A_409 = tpu.memref_squeeze %dma_wait3A_408 : memref<1x128x64xf32, #tpu.memory_space<vmem>> -> memref<128x64xf32, #tpu.memory_space<vmem>>
    %dma_wait3A_410 = arith.constant 0 : i32
    %dma_wait3A_411 = tpu.memref_slice %arg8[%dma_wait3A_405, %dma_wait3A_410] : memref<80x128xi32, #tpu.memory_space<vmem>> -> memref<1x128xi32, #tpu.memory_space<vmem>>
    %dma_wait3A_412 = tpu.memref_squeeze %dma_wait3A_411 : memref<1x128xi32, #tpu.memory_space<vmem>> -> memref<128xi32, #tpu.memory_space<vmem>>
    %dma_wait3A_413 = arith.constant 0 : i32
    %dma_wait3A_414 = arith.constant 0 : i32
    %dma_wait3A_415 = tpu.memref_slice %arg10[%dma_wait3A_413, %dma_wait3A_414] : memref<10240x64xf32, #tpu.memory_space<vmem_shared>> -> memref<10240x64xf32, #tpu.memory_space<vmem_shared>>
    tpu.wait_indirect_dma semaphore(%arg14 : memref<!tpu.dma_semaphore, #tpu.memory_space<semaphore_mem>>) src(%dma_wait3A_409 : memref<128x64xf32, #tpu.memory_space<vmem>>) dst(%dma_wait3A_415 : memref<10240x64xf32, #tpu.memory_space<vmem_shared>>)
    %barrier3A_416 = arith.constant 0 : index
    tpu.barrier barrier_id(%barrier3A_416)
    %mul3A_417 = arith.constant 640 : i32
    %mul3A_418 = arith.muli %arg1, %mul3A_417 : i32
    %add3A_419 = arith.constant 0 : i32
    %add3A_420 = arith.addi %mul3A_418, %add3A_419 : i32
    %dma_start3A_421 = arith.constant 0 : i32
    %dma_start3A_422 = arith.constant 0 : i32
    %dma_start3A_423 = arith.constant 0 : i32
    %dma_start3A_424 = tpu.memref_slice %arg9[%dma_start3A_421, %dma_start3A_422, %dma_start3A_423] : memref<8x128x64xf32, #tpu.memory_space<vmem>> -> memref<1x128x64xf32, #tpu.memory_space<vmem>>
    %dma_start3A_425 = tpu.memref_squeeze %dma_start3A_424 : memref<1x128x64xf32, #tpu.memory_space<vmem>> -> memref<128x64xf32, #tpu.memory_space<vmem>>
    %dma_start3A_426 = arith.constant 0 : i32
    %dma_start3A_427 = tpu.memref_slice %arg10[%add3A_420, %dma_start3A_426] : memref<10240x64xf32, #tpu.memory_space<vmem_shared>> -> memref<128x64xf32, #tpu.memory_space<vmem_shared>>
    %dma_start3A_428 = arith.constant 0 : i32
    %dma_start3A_429 = arith.constant 0 : i32
    %dma_start3A_430 = tpu.memref_slice %arg9[%dma_start3A_421, %dma_start3A_428, %dma_start3A_429] : memref<8x128x64xf32, #tpu.memory_space<vmem>> -> memref<1x128x64xf32, #tpu.memory_space<vmem>>
    %dma_start3A_431 = tpu.memref_squeeze %dma_start3A_430 : memref<1x128x64xf32, #tpu.memory_space<vmem>> -> memref<128x64xf32, #tpu.memory_space<vmem>>
    %dma_start3A_432 = arith.constant 0 : i32
    %dma_start3A_433 = tpu.memref_slice %arg10[%add3A_420, %dma_start3A_432] : memref<10240x64xf32, #tpu.memory_space<vmem_shared>> -> memref<128x64xf32, #tpu.memory_space<vmem_shared>>
    tpu.enqueue_dma source(%dma_start3A_433 : memref<128x64xf32, #tpu.memory_space<vmem_shared>>) target(%dma_start3A_431 : memref<128x64xf32, #tpu.memory_space<vmem>>) target_semaphore(%arg11 : memref<!tpu.dma_semaphore, #tpu.memory_space<semaphore_mem>>)
    %mul3A_434 = arith.constant 640 : i32
    %mul3A_435 = arith.muli %arg1, %mul3A_434 : i32
    %add3A_436 = arith.constant 128 : i32
    %add3A_437 = arith.addi %mul3A_435, %add3A_436 : i32
    %dma_start3A_438 = arith.constant 1 : i32
    %dma_start3A_439 = arith.constant 0 : i32
    %dma_start3A_440 = arith.constant 0 : i32
    %dma_start3A_441 = tpu.memref_slice %arg9[%dma_start3A_438, %dma_start3A_439, %dma_start3A_440] : memref<8x128x64xf32, #tpu.memory_space<vmem>> -> memref<1x128x64xf32, #tpu.memory_space<vmem>>
    %dma_start3A_442 = tpu.memref_squeeze %dma_start3A_441 : memref<1x128x64xf32, #tpu.memory_space<vmem>> -> memref<128x64xf32, #tpu.memory_space<vmem>>
    %dma_start3A_443 = arith.constant 0 : i32
    %dma_start3A_444 = tpu.memref_slice %arg10[%add3A_437, %dma_start3A_443] : memref<10240x64xf32, #tpu.memory_space<vmem_shared>> -> memref<128x64xf32, #tpu.memory_space<vmem_shared>>
    %dma_start3A_445 = arith.constant 0 : i32
    %dma_start3A_446 = arith.constant 0 : i32
    %dma_start3A_447 = tpu.memref_slice %arg9[%dma_start3A_438, %dma_start3A_445, %dma_start3A_446] : memref<8x128x64xf32, #tpu.memory_space<vmem>> -> memref<1x128x64xf32, #tpu.memory_space<vmem>>
    %dma_start3A_448 = tpu.memref_squeeze %dma_start3A_447 : memref<1x128x64xf32, #tpu.memory_space<vmem>> -> memref<128x64xf32, #tpu.memory_space<vmem>>
    %dma_start3A_449 = arith.constant 0 : i32
    %dma_start3A_450 = tpu.memref_slice %arg10[%add3A_437, %dma_start3A_449] : memref<10240x64xf32, #tpu.memory_space<vmem_shared>> -> memref<128x64xf32, #tpu.memory_space<vmem_shared>>
    tpu.enqueue_dma source(%dma_start3A_450 : memref<128x64xf32, #tpu.memory_space<vmem_shared>>) target(%dma_start3A_448 : memref<128x64xf32, #tpu.memory_space<vmem>>) target_semaphore(%arg11 : memref<!tpu.dma_semaphore, #tpu.memory_space<semaphore_mem>>)
    %mul3A_451 = arith.constant 640 : i32
    %mul3A_452 = arith.muli %arg1, %mul3A_451 : i32
    %add3A_453 = arith.constant 256 : i32
    %add3A_454 = arith.addi %mul3A_452, %add3A_453 : i32
    %dma_start3A_455 = arith.constant 2 : i32
    %dma_start3A_456 = arith.constant 0 : i32
    %dma_start3A_457 = arith.constant 0 : i32
    %dma_start3A_458 = tpu.memref_slice %arg9[%dma_start3A_455, %dma_start3A_456, %dma_start3A_457] : memref<8x128x64xf32, #tpu.memory_space<vmem>> -> memref<1x128x64xf32, #tpu.memory_space<vmem>>
    %dma_start3A_459 = tpu.memref_squeeze %dma_start3A_458 : memref<1x128x64xf32, #tpu.memory_space<vmem>> -> memref<128x64xf32, #tpu.memory_space<vmem>>
    %dma_start3A_460 = arith.constant 0 : i32
    %dma_start3A_461 = tpu.memref_slice %arg10[%add3A_454, %dma_start3A_460] : memref<10240x64xf32, #tpu.memory_space<vmem_shared>> -> memref<128x64xf32, #tpu.memory_space<vmem_shared>>
    %dma_start3A_462 = arith.constant 0 : i32
    %dma_start3A_463 = arith.constant 0 : i32
    %dma_start3A_464 = tpu.memref_slice %arg9[%dma_start3A_455, %dma_start3A_462, %dma_start3A_463] : memref<8x128x64xf32, #tpu.memory_space<vmem>> -> memref<1x128x64xf32, #tpu.memory_space<vmem>>
    %dma_start3A_465 = tpu.memref_squeeze %dma_start3A_464 : memref<1x128x64xf32, #tpu.memory_space<vmem>> -> memref<128x64xf32, #tpu.memory_space<vmem>>
    %dma_start3A_466 = arith.constant 0 : i32
    %dma_start3A_467 = tpu.memref_slice %arg10[%add3A_454, %dma_start3A_466] : memref<10240x64xf32, #tpu.memory_space<vmem_shared>> -> memref<128x64xf32, #tpu.memory_space<vmem_shared>>
    tpu.enqueue_dma source(%dma_start3A_467 : memref<128x64xf32, #tpu.memory_space<vmem_shared>>) target(%dma_start3A_465 : memref<128x64xf32, #tpu.memory_space<vmem>>) target_semaphore(%arg11 : memref<!tpu.dma_semaphore, #tpu.memory_space<semaphore_mem>>)
    %mul3A_468 = arith.constant 640 : i32
    %mul3A_469 = arith.muli %arg1, %mul3A_468 : i32
    %add3A_470 = arith.constant 384 : i32
    %add3A_471 = arith.addi %mul3A_469, %add3A_470 : i32
    %dma_start3A_472 = arith.constant 3 : i32
    %dma_start3A_473 = arith.constant 0 : i32
    %dma_start3A_474 = arith.constant 0 : i32
    %dma_start3A_475 = tpu.memref_slice %arg9[%dma_start3A_472, %dma_start3A_473, %dma_start3A_474] : memref<8x128x64xf32, #tpu.memory_space<vmem>> -> memref<1x128x64xf32, #tpu.memory_space<vmem>>
    %dma_start3A_476 = tpu.memref_squeeze %dma_start3A_475 : memref<1x128x64xf32, #tpu.memory_space<vmem>> -> memref<128x64xf32, #tpu.memory_space<vmem>>
    %dma_start3A_477 = arith.constant 0 : i32
    %dma_start3A_478 = tpu.memref_slice %arg10[%add3A_471, %dma_start3A_477] : memref<10240x64xf32, #tpu.memory_space<vmem_shared>> -> memref<128x64xf32, #tpu.memory_space<vmem_shared>>
    %dma_start3A_479 = arith.constant 0 : i32
    %dma_start3A_480 = arith.constant 0 : i32
    %dma_start3A_481 = tpu.memref_slice %arg9[%dma_start3A_472, %dma_start3A_479, %dma_start3A_480] : memref<8x128x64xf32, #tpu.memory_space<vmem>> -> memref<1x128x64xf32, #tpu.memory_space<vmem>>
    %dma_start3A_482 = tpu.memref_squeeze %dma_start3A_481 : memref<1x128x64xf32, #tpu.memory_space<vmem>> -> memref<128x64xf32, #tpu.memory_space<vmem>>
    %dma_start3A_483 = arith.constant 0 : i32
    %dma_start3A_484 = tpu.memref_slice %arg10[%add3A_471, %dma_start3A_483] : memref<10240x64xf32, #tpu.memory_space<vmem_shared>> -> memref<128x64xf32, #tpu.memory_space<vmem_shared>>
    tpu.enqueue_dma source(%dma_start3A_484 : memref<128x64xf32, #tpu.memory_space<vmem_shared>>) target(%dma_start3A_482 : memref<128x64xf32, #tpu.memory_space<vmem>>) target_semaphore(%arg11 : memref<!tpu.dma_semaphore, #tpu.memory_space<semaphore_mem>>)
    %mul3A_485 = arith.constant 640 : i32
    %mul3A_486 = arith.muli %arg1, %mul3A_485 : i32
    %add3A_487 = arith.constant 512 : i32
    %add3A_488 = arith.addi %mul3A_486, %add3A_487 : i32
    %dma_start3A_489 = arith.constant 4 : i32
    %dma_start3A_490 = arith.constant 0 : i32
    %dma_start3A_491 = arith.constant 0 : i32
    %dma_start3A_492 = tpu.memref_slice %arg9[%dma_start3A_489, %dma_start3A_490, %dma_start3A_491] : memref<8x128x64xf32, #tpu.memory_space<vmem>> -> memref<1x128x64xf32, #tpu.memory_space<vmem>>
    %dma_start3A_493 = tpu.memref_squeeze %dma_start3A_492 : memref<1x128x64xf32, #tpu.memory_space<vmem>> -> memref<128x64xf32, #tpu.memory_space<vmem>>
    %dma_start3A_494 = arith.constant 0 : i32
    %dma_start3A_495 = tpu.memref_slice %arg10[%add3A_488, %dma_start3A_494] : memref<10240x64xf32, #tpu.memory_space<vmem_shared>> -> memref<128x64xf32, #tpu.memory_space<vmem_shared>>
    %dma_start3A_496 = arith.constant 0 : i32
    %dma_start3A_497 = arith.constant 0 : i32
    %dma_start3A_498 = tpu.memref_slice %arg9[%dma_start3A_489, %dma_start3A_496, %dma_start3A_497] : memref<8x128x64xf32, #tpu.memory_space<vmem>> -> memref<1x128x64xf32, #tpu.memory_space<vmem>>
    %dma_start3A_499 = tpu.memref_squeeze %dma_start3A_498 : memref<1x128x64xf32, #tpu.memory_space<vmem>> -> memref<128x64xf32, #tpu.memory_space<vmem>>
    %dma_start3A_500 = arith.constant 0 : i32
    %dma_start3A_501 = tpu.memref_slice %arg10[%add3A_488, %dma_start3A_500] : memref<10240x64xf32, #tpu.memory_space<vmem_shared>> -> memref<128x64xf32, #tpu.memory_space<vmem_shared>>
    tpu.enqueue_dma source(%dma_start3A_501 : memref<128x64xf32, #tpu.memory_space<vmem_shared>>) target(%dma_start3A_499 : memref<128x64xf32, #tpu.memory_space<vmem>>) target_semaphore(%arg11 : memref<!tpu.dma_semaphore, #tpu.memory_space<semaphore_mem>>)
    %mul3A_502 = arith.constant 640 : i32
    %mul3A_503 = arith.muli %arg1, %mul3A_502 : i32
    %add3A_504 = arith.constant 0 : i32
    %add3A_505 = arith.addi %mul3A_503, %add3A_504 : i32
    %dma_wait3A_506 = arith.constant 0 : i32
    %dma_wait3A_507 = arith.constant 0 : i32
    %dma_wait3A_508 = arith.constant 0 : i32
    %dma_wait3A_509 = tpu.memref_slice %arg9[%dma_wait3A_506, %dma_wait3A_507, %dma_wait3A_508] : memref<8x128x64xf32, #tpu.memory_space<vmem>> -> memref<1x128x64xf32, #tpu.memory_space<vmem>>
    %dma_wait3A_510 = tpu.memref_squeeze %dma_wait3A_509 : memref<1x128x64xf32, #tpu.memory_space<vmem>> -> memref<128x64xf32, #tpu.memory_space<vmem>>
    %dma_wait3A_511 = arith.constant 0 : i32
    %dma_wait3A_512 = tpu.memref_slice %arg10[%add3A_505, %dma_wait3A_511] : memref<10240x64xf32, #tpu.memory_space<vmem_shared>> -> memref<128x64xf32, #tpu.memory_space<vmem_shared>>
    %dma_wait3A_513 = arith.constant 0 : i32
    %dma_wait3A_514 = arith.constant 0 : i32
    %dma_wait3A_515 = tpu.memref_slice %arg9[%dma_wait3A_506, %dma_wait3A_513, %dma_wait3A_514] : memref<8x128x64xf32, #tpu.memory_space<vmem>> -> memref<1x128x64xf32, #tpu.memory_space<vmem>>
    %dma_wait3A_516 = tpu.memref_squeeze %dma_wait3A_515 : memref<1x128x64xf32, #tpu.memory_space<vmem>> -> memref<128x64xf32, #tpu.memory_space<vmem>>
    %dma_wait3A_517 = arith.constant 0 : i32
    %dma_wait3A_518 = tpu.memref_slice %arg10[%add3A_505, %dma_wait3A_517] : memref<10240x64xf32, #tpu.memory_space<vmem_shared>> -> memref<128x64xf32, #tpu.memory_space<vmem_shared>>
    tpu.wait_dma2 semaphore(%arg11 : memref<!tpu.dma_semaphore, #tpu.memory_space<semaphore_mem>>) src(%dma_wait3A_518 : memref<128x64xf32, #tpu.memory_space<vmem_shared>>) dst(%dma_wait3A_516 : memref<128x64xf32, #tpu.memory_space<vmem>>)
    %mul3A_519 = arith.constant 10240 : i32
    %mul3A_520 = arith.muli %arg0, %mul3A_519 : i32
    %mul3A_521 = arith.constant 640 : i32
    %mul3A_522 = arith.muli %arg1, %mul3A_521 : i32
    %add3A_523 = arith.addi %mul3A_520, %mul3A_522 : i32
    %add3A_524 = arith.constant 0 : i32
    %add3A_525 = arith.addi %add3A_523, %add3A_524 : i32
    %dma_start3A_526 = arith.constant 0 : i32
    %dma_start3A_527 = arith.constant 0 : i32
    %dma_start3A_528 = arith.constant 0 : i32
    %dma_start3A_529 = tpu.memref_slice %arg9[%dma_start3A_526, %dma_start3A_527, %dma_start3A_528] : memref<8x128x64xf32, #tpu.memory_space<vmem>> -> memref<1x128x64xf32, #tpu.memory_space<vmem>>
    %dma_start3A_530 = tpu.memref_squeeze %dma_start3A_529 : memref<1x128x64xf32, #tpu.memory_space<vmem>> -> memref<128x64xf32, #tpu.memory_space<vmem>>
    %dma_start3A_531 = arith.constant 0 : i32
    %dma_start3A_532 = tpu.memref_slice %arg6[%add3A_525, %dma_start3A_531] : memref<20480x128xf32, #tpu.memory_space<hbm>> -> memref<128x64xf32, #tpu.memory_space<hbm>>
    %dma_start3A_533 = arith.constant 0 : i32
    %dma_start3A_534 = tpu.memref_slice %arg6[%add3A_525, %dma_start3A_533] : memref<20480x128xf32, #tpu.memory_space<hbm>> -> memref<128x64xf32, #tpu.memory_space<hbm>>
    %dma_start3A_535 = arith.constant 0 : i32
    %dma_start3A_536 = arith.constant 0 : i32
    %dma_start3A_537 = tpu.memref_slice %arg9[%dma_start3A_526, %dma_start3A_535, %dma_start3A_536] : memref<8x128x64xf32, #tpu.memory_space<vmem>> -> memref<1x128x64xf32, #tpu.memory_space<vmem>>
    %dma_start3A_538 = tpu.memref_squeeze %dma_start3A_537 : memref<1x128x64xf32, #tpu.memory_space<vmem>> -> memref<128x64xf32, #tpu.memory_space<vmem>>
    tpu.enqueue_dma source(%dma_start3A_538 : memref<128x64xf32, #tpu.memory_space<vmem>>) target(%dma_start3A_534 : memref<128x64xf32, #tpu.memory_space<hbm>>) target_semaphore(%arg13 : memref<!tpu.dma_semaphore, #tpu.memory_space<semaphore_mem>>)
    %mul3A_539 = arith.constant 640 : i32
    %mul3A_540 = arith.muli %arg1, %mul3A_539 : i32
    %add3A_541 = arith.constant 128 : i32
    %add3A_542 = arith.addi %mul3A_540, %add3A_541 : i32
    %dma_wait3A_543 = arith.constant 1 : i32
    %dma_wait3A_544 = arith.constant 0 : i32
    %dma_wait3A_545 = arith.constant 0 : i32
    %dma_wait3A_546 = tpu.memref_slice %arg9[%dma_wait3A_543, %dma_wait3A_544, %dma_wait3A_545] : memref<8x128x64xf32, #tpu.memory_space<vmem>> -> memref<1x128x64xf32, #tpu.memory_space<vmem>>
    %dma_wait3A_547 = tpu.memref_squeeze %dma_wait3A_546 : memref<1x128x64xf32, #tpu.memory_space<vmem>> -> memref<128x64xf32, #tpu.memory_space<vmem>>
    %dma_wait3A_548 = arith.constant 0 : i32
    %dma_wait3A_549 = tpu.memref_slice %arg10[%add3A_542, %dma_wait3A_548] : memref<10240x64xf32, #tpu.memory_space<vmem_shared>> -> memref<128x64xf32, #tpu.memory_space<vmem_shared>>
    %dma_wait3A_550 = arith.constant 0 : i32
    %dma_wait3A_551 = arith.constant 0 : i32
    %dma_wait3A_552 = tpu.memref_slice %arg9[%dma_wait3A_543, %dma_wait3A_550, %dma_wait3A_551] : memref<8x128x64xf32, #tpu.memory_space<vmem>> -> memref<1x128x64xf32, #tpu.memory_space<vmem>>
    %dma_wait3A_553 = tpu.memref_squeeze %dma_wait3A_552 : memref<1x128x64xf32, #tpu.memory_space<vmem>> -> memref<128x64xf32, #tpu.memory_space<vmem>>
    %dma_wait3A_554 = arith.constant 0 : i32
    %dma_wait3A_555 = tpu.memref_slice %arg10[%add3A_542, %dma_wait3A_554] : memref<10240x64xf32, #tpu.memory_space<vmem_shared>> -> memref<128x64xf32, #tpu.memory_space<vmem_shared>>
    tpu.wait_dma2 semaphore(%arg11 : memref<!tpu.dma_semaphore, #tpu.memory_space<semaphore_mem>>) src(%dma_wait3A_555 : memref<128x64xf32, #tpu.memory_space<vmem_shared>>) dst(%dma_wait3A_553 : memref<128x64xf32, #tpu.memory_space<vmem>>)
    %mul3A_556 = arith.constant 10240 : i32
    %mul3A_557 = arith.muli %arg0, %mul3A_556 : i32
    %mul3A_558 = arith.constant 640 : i32
    %mul3A_559 = arith.muli %arg1, %mul3A_558 : i32
    %add3A_560 = arith.addi %mul3A_557, %mul3A_559 : i32
    %add3A_561 = arith.constant 128 : i32
    %add3A_562 = arith.addi %add3A_560, %add3A_561 : i32
    %dma_start3A_563 = arith.constant 1 : i32
    %dma_start3A_564 = arith.constant 0 : i32
    %dma_start3A_565 = arith.constant 0 : i32
    %dma_start3A_566 = tpu.memref_slice %arg9[%dma_start3A_563, %dma_start3A_564, %dma_start3A_565] : memref<8x128x64xf32, #tpu.memory_space<vmem>> -> memref<1x128x64xf32, #tpu.memory_space<vmem>>
    %dma_start3A_567 = tpu.memref_squeeze %dma_start3A_566 : memref<1x128x64xf32, #tpu.memory_space<vmem>> -> memref<128x64xf32, #tpu.memory_space<vmem>>
    %dma_start3A_568 = arith.constant 0 : i32
    %dma_start3A_569 = tpu.memref_slice %arg6[%add3A_562, %dma_start3A_568] : memref<20480x128xf32, #tpu.memory_space<hbm>> -> memref<128x64xf32, #tpu.memory_space<hbm>>
    %dma_start3A_570 = arith.constant 0 : i32
    %dma_start3A_571 = tpu.memref_slice %arg6[%add3A_562, %dma_start3A_570] : memref<20480x128xf32, #tpu.memory_space<hbm>> -> memref<128x64xf32, #tpu.memory_space<hbm>>
    %dma_start3A_572 = arith.constant 0 : i32
    %dma_start3A_573 = arith.constant 0 : i32
    %dma_start3A_574 = tpu.memref_slice %arg9[%dma_start3A_563, %dma_start3A_572, %dma_start3A_573] : memref<8x128x64xf32, #tpu.memory_space<vmem>> -> memref<1x128x64xf32, #tpu.memory_space<vmem>>
    %dma_start3A_575 = tpu.memref_squeeze %dma_start3A_574 : memref<1x128x64xf32, #tpu.memory_space<vmem>> -> memref<128x64xf32, #tpu.memory_space<vmem>>
    tpu.enqueue_dma source(%dma_start3A_575 : memref<128x64xf32, #tpu.memory_space<vmem>>) target(%dma_start3A_571 : memref<128x64xf32, #tpu.memory_space<hbm>>) target_semaphore(%arg13 : memref<!tpu.dma_semaphore, #tpu.memory_space<semaphore_mem>>)
    %mul3A_576 = arith.constant 640 : i32
    %mul3A_577 = arith.muli %arg1, %mul3A_576 : i32
    %add3A_578 = arith.constant 256 : i32
    %add3A_579 = arith.addi %mul3A_577, %add3A_578 : i32
    %dma_wait3A_580 = arith.constant 2 : i32
    %dma_wait3A_581 = arith.constant 0 : i32
    %dma_wait3A_582 = arith.constant 0 : i32
    %dma_wait3A_583 = tpu.memref_slice %arg9[%dma_wait3A_580, %dma_wait3A_581, %dma_wait3A_582] : memref<8x128x64xf32, #tpu.memory_space<vmem>> -> memref<1x128x64xf32, #tpu.memory_space<vmem>>
    %dma_wait3A_584 = tpu.memref_squeeze %dma_wait3A_583 : memref<1x128x64xf32, #tpu.memory_space<vmem>> -> memref<128x64xf32, #tpu.memory_space<vmem>>
    %dma_wait3A_585 = arith.constant 0 : i32
    %dma_wait3A_586 = tpu.memref_slice %arg10[%add3A_579, %dma_wait3A_585] : memref<10240x64xf32, #tpu.memory_space<vmem_shared>> -> memref<128x64xf32, #tpu.memory_space<vmem_shared>>
    %dma_wait3A_587 = arith.constant 0 : i32
    %dma_wait3A_588 = arith.constant 0 : i32
    %dma_wait3A_589 = tpu.memref_slice %arg9[%dma_wait3A_580, %dma_wait3A_587, %dma_wait3A_588] : memref<8x128x64xf32, #tpu.memory_space<vmem>> -> memref<1x128x64xf32, #tpu.memory_space<vmem>>
    %dma_wait3A_590 = tpu.memref_squeeze %dma_wait3A_589 : memref<1x128x64xf32, #tpu.memory_space<vmem>> -> memref<128x64xf32, #tpu.memory_space<vmem>>
    %dma_wait3A_591 = arith.constant 0 : i32
    %dma_wait3A_592 = tpu.memref_slice %arg10[%add3A_579, %dma_wait3A_591] : memref<10240x64xf32, #tpu.memory_space<vmem_shared>> -> memref<128x64xf32, #tpu.memory_space<vmem_shared>>
    tpu.wait_dma2 semaphore(%arg11 : memref<!tpu.dma_semaphore, #tpu.memory_space<semaphore_mem>>) src(%dma_wait3A_592 : memref<128x64xf32, #tpu.memory_space<vmem_shared>>) dst(%dma_wait3A_590 : memref<128x64xf32, #tpu.memory_space<vmem>>)
    %mul3A_593 = arith.constant 10240 : i32
    %mul3A_594 = arith.muli %arg0, %mul3A_593 : i32
    %mul3A_595 = arith.constant 640 : i32
    %mul3A_596 = arith.muli %arg1, %mul3A_595 : i32
    %add3A_597 = arith.addi %mul3A_594, %mul3A_596 : i32
    %add3A_598 = arith.constant 256 : i32
    %add3A_599 = arith.addi %add3A_597, %add3A_598 : i32
    %dma_start3A_600 = arith.constant 2 : i32
    %dma_start3A_601 = arith.constant 0 : i32
    %dma_start3A_602 = arith.constant 0 : i32
    %dma_start3A_603 = tpu.memref_slice %arg9[%dma_start3A_600, %dma_start3A_601, %dma_start3A_602] : memref<8x128x64xf32, #tpu.memory_space<vmem>> -> memref<1x128x64xf32, #tpu.memory_space<vmem>>
    %dma_start3A_604 = tpu.memref_squeeze %dma_start3A_603 : memref<1x128x64xf32, #tpu.memory_space<vmem>> -> memref<128x64xf32, #tpu.memory_space<vmem>>
    %dma_start3A_605 = arith.constant 0 : i32
    %dma_start3A_606 = tpu.memref_slice %arg6[%add3A_599, %dma_start3A_605] : memref<20480x128xf32, #tpu.memory_space<hbm>> -> memref<128x64xf32, #tpu.memory_space<hbm>>
    %dma_start3A_607 = arith.constant 0 : i32
    %dma_start3A_608 = tpu.memref_slice %arg6[%add3A_599, %dma_start3A_607] : memref<20480x128xf32, #tpu.memory_space<hbm>> -> memref<128x64xf32, #tpu.memory_space<hbm>>
    %dma_start3A_609 = arith.constant 0 : i32
    %dma_start3A_610 = arith.constant 0 : i32
    %dma_start3A_611 = tpu.memref_slice %arg9[%dma_start3A_600, %dma_start3A_609, %dma_start3A_610] : memref<8x128x64xf32, #tpu.memory_space<vmem>> -> memref<1x128x64xf32, #tpu.memory_space<vmem>>
    %dma_start3A_612 = tpu.memref_squeeze %dma_start3A_611 : memref<1x128x64xf32, #tpu.memory_space<vmem>> -> memref<128x64xf32, #tpu.memory_space<vmem>>
    tpu.enqueue_dma source(%dma_start3A_612 : memref<128x64xf32, #tpu.memory_space<vmem>>) target(%dma_start3A_608 : memref<128x64xf32, #tpu.memory_space<hbm>>) target_semaphore(%arg13 : memref<!tpu.dma_semaphore, #tpu.memory_space<semaphore_mem>>)
    %mul3A_613 = arith.constant 640 : i32
    %mul3A_614 = arith.muli %arg1, %mul3A_613 : i32
    %add3A_615 = arith.constant 384 : i32
    %add3A_616 = arith.addi %mul3A_614, %add3A_615 : i32
    %dma_wait3A_617 = arith.constant 3 : i32
    %dma_wait3A_618 = arith.constant 0 : i32
    %dma_wait3A_619 = arith.constant 0 : i32
    %dma_wait3A_620 = tpu.memref_slice %arg9[%dma_wait3A_617, %dma_wait3A_618, %dma_wait3A_619] : memref<8x128x64xf32, #tpu.memory_space<vmem>> -> memref<1x128x64xf32, #tpu.memory_space<vmem>>
    %dma_wait3A_621 = tpu.memref_squeeze %dma_wait3A_620 : memref<1x128x64xf32, #tpu.memory_space<vmem>> -> memref<128x64xf32, #tpu.memory_space<vmem>>
    %dma_wait3A_622 = arith.constant 0 : i32
    %dma_wait3A_623 = tpu.memref_slice %arg10[%add3A_616, %dma_wait3A_622] : memref<10240x64xf32, #tpu.memory_space<vmem_shared>> -> memref<128x64xf32, #tpu.memory_space<vmem_shared>>
    %dma_wait3A_624 = arith.constant 0 : i32
    %dma_wait3A_625 = arith.constant 0 : i32
    %dma_wait3A_626 = tpu.memref_slice %arg9[%dma_wait3A_617, %dma_wait3A_624, %dma_wait3A_625] : memref<8x128x64xf32, #tpu.memory_space<vmem>> -> memref<1x128x64xf32, #tpu.memory_space<vmem>>
    %dma_wait3A_627 = tpu.memref_squeeze %dma_wait3A_626 : memref<1x128x64xf32, #tpu.memory_space<vmem>> -> memref<128x64xf32, #tpu.memory_space<vmem>>
    %dma_wait3A_628 = arith.constant 0 : i32
    %dma_wait3A_629 = tpu.memref_slice %arg10[%add3A_616, %dma_wait3A_628] : memref<10240x64xf32, #tpu.memory_space<vmem_shared>> -> memref<128x64xf32, #tpu.memory_space<vmem_shared>>
    tpu.wait_dma2 semaphore(%arg11 : memref<!tpu.dma_semaphore, #tpu.memory_space<semaphore_mem>>) src(%dma_wait3A_629 : memref<128x64xf32, #tpu.memory_space<vmem_shared>>) dst(%dma_wait3A_627 : memref<128x64xf32, #tpu.memory_space<vmem>>)
    %mul3A_630 = arith.constant 10240 : i32
    %mul3A_631 = arith.muli %arg0, %mul3A_630 : i32
    %mul3A_632 = arith.constant 640 : i32
    %mul3A_633 = arith.muli %arg1, %mul3A_632 : i32
    %add3A_634 = arith.addi %mul3A_631, %mul3A_633 : i32
    %add3A_635 = arith.constant 384 : i32
    %add3A_636 = arith.addi %add3A_634, %add3A_635 : i32
    %dma_start3A_637 = arith.constant 3 : i32
    %dma_start3A_638 = arith.constant 0 : i32
    %dma_start3A_639 = arith.constant 0 : i32
    %dma_start3A_640 = tpu.memref_slice %arg9[%dma_start3A_637, %dma_start3A_638, %dma_start3A_639] : memref<8x128x64xf32, #tpu.memory_space<vmem>> -> memref<1x128x64xf32, #tpu.memory_space<vmem>>
    %dma_start3A_641 = tpu.memref_squeeze %dma_start3A_640 : memref<1x128x64xf32, #tpu.memory_space<vmem>> -> memref<128x64xf32, #tpu.memory_space<vmem>>
    %dma_start3A_642 = arith.constant 0 : i32
    %dma_start3A_643 = tpu.memref_slice %arg6[%add3A_636, %dma_start3A_642] : memref<20480x128xf32, #tpu.memory_space<hbm>> -> memref<128x64xf32, #tpu.memory_space<hbm>>
    %dma_start3A_644 = arith.constant 0 : i32
    %dma_start3A_645 = tpu.memref_slice %arg6[%add3A_636, %dma_start3A_644] : memref<20480x128xf32, #tpu.memory_space<hbm>> -> memref<128x64xf32, #tpu.memory_space<hbm>>
    %dma_start3A_646 = arith.constant 0 : i32
    %dma_start3A_647 = arith.constant 0 : i32
    %dma_start3A_648 = tpu.memref_slice %arg9[%dma_start3A_637, %dma_start3A_646, %dma_start3A_647] : memref<8x128x64xf32, #tpu.memory_space<vmem>> -> memref<1x128x64xf32, #tpu.memory_space<vmem>>
    %dma_start3A_649 = tpu.memref_squeeze %dma_start3A_648 : memref<1x128x64xf32, #tpu.memory_space<vmem>> -> memref<128x64xf32, #tpu.memory_space<vmem>>
    tpu.enqueue_dma source(%dma_start3A_649 : memref<128x64xf32, #tpu.memory_space<vmem>>) target(%dma_start3A_645 : memref<128x64xf32, #tpu.memory_space<hbm>>) target_semaphore(%arg13 : memref<!tpu.dma_semaphore, #tpu.memory_space<semaphore_mem>>)
    %mul3A_650 = arith.constant 640 : i32
    %mul3A_651 = arith.muli %arg1, %mul3A_650 : i32
    %add3A_652 = arith.constant 512 : i32
    %add3A_653 = arith.addi %mul3A_651, %add3A_652 : i32
    %dma_wait3A_654 = arith.constant 4 : i32
    %dma_wait3A_655 = arith.constant 0 : i32
    %dma_wait3A_656 = arith.constant 0 : i32
    %dma_wait3A_657 = tpu.memref_slice %arg9[%dma_wait3A_654, %dma_wait3A_655, %dma_wait3A_656] : memref<8x128x64xf32, #tpu.memory_space<vmem>> -> memref<1x128x64xf32, #tpu.memory_space<vmem>>
    %dma_wait3A_658 = tpu.memref_squeeze %dma_wait3A_657 : memref<1x128x64xf32, #tpu.memory_space<vmem>> -> memref<128x64xf32, #tpu.memory_space<vmem>>
    %dma_wait3A_659 = arith.constant 0 : i32
    %dma_wait3A_660 = tpu.memref_slice %arg10[%add3A_653, %dma_wait3A_659] : memref<10240x64xf32, #tpu.memory_space<vmem_shared>> -> memref<128x64xf32, #tpu.memory_space<vmem_shared>>
    %dma_wait3A_661 = arith.constant 0 : i32
    %dma_wait3A_662 = arith.constant 0 : i32
    %dma_wait3A_663 = tpu.memref_slice %arg9[%dma_wait3A_654, %dma_wait3A_661, %dma_wait3A_662] : memref<8x128x64xf32, #tpu.memory_space<vmem>> -> memref<1x128x64xf32, #tpu.memory_space<vmem>>
    %dma_wait3A_664 = tpu.memref_squeeze %dma_wait3A_663 : memref<1x128x64xf32, #tpu.memory_space<vmem>> -> memref<128x64xf32, #tpu.memory_space<vmem>>
    %dma_wait3A_665 = arith.constant 0 : i32
    %dma_wait3A_666 = tpu.memref_slice %arg10[%add3A_653, %dma_wait3A_665] : memref<10240x64xf32, #tpu.memory_space<vmem_shared>> -> memref<128x64xf32, #tpu.memory_space<vmem_shared>>
    tpu.wait_dma2 semaphore(%arg11 : memref<!tpu.dma_semaphore, #tpu.memory_space<semaphore_mem>>) src(%dma_wait3A_666 : memref<128x64xf32, #tpu.memory_space<vmem_shared>>) dst(%dma_wait3A_664 : memref<128x64xf32, #tpu.memory_space<vmem>>)
    %mul3A_667 = arith.constant 10240 : i32
    %mul3A_668 = arith.muli %arg0, %mul3A_667 : i32
    %mul3A_669 = arith.constant 640 : i32
    %mul3A_670 = arith.muli %arg1, %mul3A_669 : i32
    %add3A_671 = arith.addi %mul3A_668, %mul3A_670 : i32
    %add3A_672 = arith.constant 512 : i32
    %add3A_673 = arith.addi %add3A_671, %add3A_672 : i32
    %dma_start3A_674 = arith.constant 4 : i32
    %dma_start3A_675 = arith.constant 0 : i32
    %dma_start3A_676 = arith.constant 0 : i32
    %dma_start3A_677 = tpu.memref_slice %arg9[%dma_start3A_674, %dma_start3A_675, %dma_start3A_676] : memref<8x128x64xf32, #tpu.memory_space<vmem>> -> memref<1x128x64xf32, #tpu.memory_space<vmem>>
    %dma_start3A_678 = tpu.memref_squeeze %dma_start3A_677 : memref<1x128x64xf32, #tpu.memory_space<vmem>> -> memref<128x64xf32, #tpu.memory_space<vmem>>
    %dma_start3A_679 = arith.constant 0 : i32
    %dma_start3A_680 = tpu.memref_slice %arg6[%add3A_673, %dma_start3A_679] : memref<20480x128xf32, #tpu.memory_space<hbm>> -> memref<128x64xf32, #tpu.memory_space<hbm>>
    %dma_start3A_681 = arith.constant 0 : i32
    %dma_start3A_682 = tpu.memref_slice %arg6[%add3A_673, %dma_start3A_681] : memref<20480x128xf32, #tpu.memory_space<hbm>> -> memref<128x64xf32, #tpu.memory_space<hbm>>
    %dma_start3A_683 = arith.constant 0 : i32
    %dma_start3A_684 = arith.constant 0 : i32
    %dma_start3A_685 = tpu.memref_slice %arg9[%dma_start3A_674, %dma_start3A_683, %dma_start3A_684] : memref<8x128x64xf32, #tpu.memory_space<vmem>> -> memref<1x128x64xf32, #tpu.memory_space<vmem>>
    %dma_start3A_686 = tpu.memref_squeeze %dma_start3A_685 : memref<1x128x64xf32, #tpu.memory_space<vmem>> -> memref<128x64xf32, #tpu.memory_space<vmem>>
    tpu.enqueue_dma source(%dma_start3A_686 : memref<128x64xf32, #tpu.memory_space<vmem>>) target(%dma_start3A_682 : memref<128x64xf32, #tpu.memory_space<hbm>>) target_semaphore(%arg13 : memref<!tpu.dma_semaphore, #tpu.memory_space<semaphore_mem>>)
    %mul3A_687 = arith.constant 10240 : i32
    %mul3A_688 = arith.muli %arg0, %mul3A_687 : i32
    %mul3A_689 = arith.constant 640 : i32
    %mul3A_690 = arith.muli %arg1, %mul3A_689 : i32
    %add3A_691 = arith.addi %mul3A_688, %mul3A_690 : i32
    %add3A_692 = arith.constant 0 : i32
    %add3A_693 = arith.addi %add3A_691, %add3A_692 : i32
    %dma_wait3A_694 = arith.constant 0 : i32
    %dma_wait3A_695 = arith.constant 0 : i32
    %dma_wait3A_696 = arith.constant 0 : i32
    %dma_wait3A_697 = tpu.memref_slice %arg9[%dma_wait3A_694, %dma_wait3A_695, %dma_wait3A_696] : memref<8x128x64xf32, #tpu.memory_space<vmem>> -> memref<1x128x64xf32, #tpu.memory_space<vmem>>
    %dma_wait3A_698 = tpu.memref_squeeze %dma_wait3A_697 : memref<1x128x64xf32, #tpu.memory_space<vmem>> -> memref<128x64xf32, #tpu.memory_space<vmem>>
    %dma_wait3A_699 = arith.constant 0 : i32
    %dma_wait3A_700 = tpu.memref_slice %arg6[%add3A_693, %dma_wait3A_699] : memref<20480x128xf32, #tpu.memory_space<hbm>> -> memref<128x64xf32, #tpu.memory_space<hbm>>
    %dma_wait3A_701 = arith.constant 0 : i32
    %dma_wait3A_702 = tpu.memref_slice %arg6[%add3A_693, %dma_wait3A_701] : memref<20480x128xf32, #tpu.memory_space<hbm>> -> memref<128x64xf32, #tpu.memory_space<hbm>>
    %dma_wait3A_703 = arith.constant 0 : i32
    %dma_wait3A_704 = arith.constant 0 : i32
    %dma_wait3A_705 = tpu.memref_slice %arg9[%dma_wait3A_694, %dma_wait3A_703, %dma_wait3A_704] : memref<8x128x64xf32, #tpu.memory_space<vmem>> -> memref<1x128x64xf32, #tpu.memory_space<vmem>>
    %dma_wait3A_706 = tpu.memref_squeeze %dma_wait3A_705 : memref<1x128x64xf32, #tpu.memory_space<vmem>> -> memref<128x64xf32, #tpu.memory_space<vmem>>
    tpu.wait_dma2 semaphore(%arg13 : memref<!tpu.dma_semaphore, #tpu.memory_space<semaphore_mem>>) src(%dma_wait3A_706 : memref<128x64xf32, #tpu.memory_space<vmem>>) dst(%dma_wait3A_702 : memref<128x64xf32, #tpu.memory_space<hbm>>)
    %mul3A_707 = arith.constant 10240 : i32
    %mul3A_708 = arith.muli %arg0, %mul3A_707 : i32
    %mul3A_709 = arith.constant 640 : i32
    %mul3A_710 = arith.muli %arg1, %mul3A_709 : i32
    %add3A_711 = arith.addi %mul3A_708, %mul3A_710 : i32
    %add3A_712 = arith.constant 128 : i32
    %add3A_713 = arith.addi %add3A_711, %add3A_712 : i32
    %dma_wait3A_714 = arith.constant 1 : i32
    %dma_wait3A_715 = arith.constant 0 : i32
    %dma_wait3A_716 = arith.constant 0 : i32
    %dma_wait3A_717 = tpu.memref_slice %arg9[%dma_wait3A_714, %dma_wait3A_715, %dma_wait3A_716] : memref<8x128x64xf32, #tpu.memory_space<vmem>> -> memref<1x128x64xf32, #tpu.memory_space<vmem>>
    %dma_wait3A_718 = tpu.memref_squeeze %dma_wait3A_717 : memref<1x128x64xf32, #tpu.memory_space<vmem>> -> memref<128x64xf32, #tpu.memory_space<vmem>>
    %dma_wait3A_719 = arith.constant 0 : i32
    %dma_wait3A_720 = tpu.memref_slice %arg6[%add3A_713, %dma_wait3A_719] : memref<20480x128xf32, #tpu.memory_space<hbm>> -> memref<128x64xf32, #tpu.memory_space<hbm>>
    %dma_wait3A_721 = arith.constant 0 : i32
    %dma_wait3A_722 = tpu.memref_slice %arg6[%add3A_713, %dma_wait3A_721] : memref<20480x128xf32, #tpu.memory_space<hbm>> -> memref<128x64xf32, #tpu.memory_space<hbm>>
    %dma_wait3A_723 = arith.constant 0 : i32
    %dma_wait3A_724 = arith.constant 0 : i32
    %dma_wait3A_725 = tpu.memref_slice %arg9[%dma_wait3A_714, %dma_wait3A_723, %dma_wait3A_724] : memref<8x128x64xf32, #tpu.memory_space<vmem>> -> memref<1x128x64xf32, #tpu.memory_space<vmem>>
    %dma_wait3A_726 = tpu.memref_squeeze %dma_wait3A_725 : memref<1x128x64xf32, #tpu.memory_space<vmem>> -> memref<128x64xf32, #tpu.memory_space<vmem>>
    tpu.wait_dma2 semaphore(%arg13 : memref<!tpu.dma_semaphore, #tpu.memory_space<semaphore_mem>>) src(%dma_wait3A_726 : memref<128x64xf32, #tpu.memory_space<vmem>>) dst(%dma_wait3A_722 : memref<128x64xf32, #tpu.memory_space<hbm>>)
    %mul3A_727 = arith.constant 10240 : i32
    %mul3A_728 = arith.muli %arg0, %mul3A_727 : i32
    %mul3A_729 = arith.constant 640 : i32
    %mul3A_730 = arith.muli %arg1, %mul3A_729 : i32
    %add3A_731 = arith.addi %mul3A_728, %mul3A_730 : i32
    %add3A_732 = arith.constant 256 : i32
    %add3A_733 = arith.addi %add3A_731, %add3A_732 : i32
    %dma_wait3A_734 = arith.constant 2 : i32
    %dma_wait3A_735 = arith.constant 0 : i32
    %dma_wait3A_736 = arith.constant 0 : i32
    %dma_wait3A_737 = tpu.memref_slice %arg9[%dma_wait3A_734, %dma_wait3A_735, %dma_wait3A_736] : memref<8x128x64xf32, #tpu.memory_space<vmem>> -> memref<1x128x64xf32, #tpu.memory_space<vmem>>
    %dma_wait3A_738 = tpu.memref_squeeze %dma_wait3A_737 : memref<1x128x64xf32, #tpu.memory_space<vmem>> -> memref<128x64xf32, #tpu.memory_space<vmem>>
    %dma_wait3A_739 = arith.constant 0 : i32
    %dma_wait3A_740 = tpu.memref_slice %arg6[%add3A_733, %dma_wait3A_739] : memref<20480x128xf32, #tpu.memory_space<hbm>> -> memref<128x64xf32, #tpu.memory_space<hbm>>
    %dma_wait3A_741 = arith.constant 0 : i32
    %dma_wait3A_742 = tpu.memref_slice %arg6[%add3A_733, %dma_wait3A_741] : memref<20480x128xf32, #tpu.memory_space<hbm>> -> memref<128x64xf32, #tpu.memory_space<hbm>>
    %dma_wait3A_743 = arith.constant 0 : i32
    %dma_wait3A_744 = arith.constant 0 : i32
    %dma_wait3A_745 = tpu.memref_slice %arg9[%dma_wait3A_734, %dma_wait3A_743, %dma_wait3A_744] : memref<8x128x64xf32, #tpu.memory_space<vmem>> -> memref<1x128x64xf32, #tpu.memory_space<vmem>>
    %dma_wait3A_746 = tpu.memref_squeeze %dma_wait3A_745 : memref<1x128x64xf32, #tpu.memory_space<vmem>> -> memref<128x64xf32, #tpu.memory_space<vmem>>
    tpu.wait_dma2 semaphore(%arg13 : memref<!tpu.dma_semaphore, #tpu.memory_space<semaphore_mem>>) src(%dma_wait3A_746 : memref<128x64xf32, #tpu.memory_space<vmem>>) dst(%dma_wait3A_742 : memref<128x64xf32, #tpu.memory_space<hbm>>)
    %mul3A_747 = arith.constant 10240 : i32
    %mul3A_748 = arith.muli %arg0, %mul3A_747 : i32
    %mul3A_749 = arith.constant 640 : i32
    %mul3A_750 = arith.muli %arg1, %mul3A_749 : i32
    %add3A_751 = arith.addi %mul3A_748, %mul3A_750 : i32
    %add3A_752 = arith.constant 384 : i32
    %add3A_753 = arith.addi %add3A_751, %add3A_752 : i32
    %dma_wait3A_754 = arith.constant 3 : i32
    %dma_wait3A_755 = arith.constant 0 : i32
    %dma_wait3A_756 = arith.constant 0 : i32
    %dma_wait3A_757 = tpu.memref_slice %arg9[%dma_wait3A_754, %dma_wait3A_755, %dma_wait3A_756] : memref<8x128x64xf32, #tpu.memory_space<vmem>> -> memref<1x128x64xf32, #tpu.memory_space<vmem>>
    %dma_wait3A_758 = tpu.memref_squeeze %dma_wait3A_757 : memref<1x128x64xf32, #tpu.memory_space<vmem>> -> memref<128x64xf32, #tpu.memory_space<vmem>>
    %dma_wait3A_759 = arith.constant 0 : i32
    %dma_wait3A_760 = tpu.memref_slice %arg6[%add3A_753, %dma_wait3A_759] : memref<20480x128xf32, #tpu.memory_space<hbm>> -> memref<128x64xf32, #tpu.memory_space<hbm>>
    %dma_wait3A_761 = arith.constant 0 : i32
    %dma_wait3A_762 = tpu.memref_slice %arg6[%add3A_753, %dma_wait3A_761] : memref<20480x128xf32, #tpu.memory_space<hbm>> -> memref<128x64xf32, #tpu.memory_space<hbm>>
    %dma_wait3A_763 = arith.constant 0 : i32
    %dma_wait3A_764 = arith.constant 0 : i32
    %dma_wait3A_765 = tpu.memref_slice %arg9[%dma_wait3A_754, %dma_wait3A_763, %dma_wait3A_764] : memref<8x128x64xf32, #tpu.memory_space<vmem>> -> memref<1x128x64xf32, #tpu.memory_space<vmem>>
    %dma_wait3A_766 = tpu.memref_squeeze %dma_wait3A_765 : memref<1x128x64xf32, #tpu.memory_space<vmem>> -> memref<128x64xf32, #tpu.memory_space<vmem>>
    tpu.wait_dma2 semaphore(%arg13 : memref<!tpu.dma_semaphore, #tpu.memory_space<semaphore_mem>>) src(%dma_wait3A_766 : memref<128x64xf32, #tpu.memory_space<vmem>>) dst(%dma_wait3A_762 : memref<128x64xf32, #tpu.memory_space<hbm>>)
    %mul3A_767 = arith.constant 10240 : i32
    %mul3A_768 = arith.muli %arg0, %mul3A_767 : i32
    %mul3A_769 = arith.constant 640 : i32
    %mul3A_770 = arith.muli %arg1, %mul3A_769 : i32
    %add3A_771 = arith.addi %mul3A_768, %mul3A_770 : i32
    %add3A_772 = arith.constant 512 : i32
    %add3A_773 = arith.addi %add3A_771, %add3A_772 : i32
    %dma_wait3A_774 = arith.constant 4 : i32
    %dma_wait3A_775 = arith.constant 0 : i32
    %dma_wait3A_776 = arith.constant 0 : i32
    %dma_wait3A_777 = tpu.memref_slice %arg9[%dma_wait3A_774, %dma_wait3A_775, %dma_wait3A_776] : memref<8x128x64xf32, #tpu.memory_space<vmem>> -> memref<1x128x64xf32, #tpu.memory_space<vmem>>
    %dma_wait3A_778 = tpu.memref_squeeze %dma_wait3A_777 : memref<1x128x64xf32, #tpu.memory_space<vmem>> -> memref<128x64xf32, #tpu.memory_space<vmem>>
    %dma_wait3A_779 = arith.constant 0 : i32
    %dma_wait3A_780 = tpu.memref_slice %arg6[%add3A_773, %dma_wait3A_779] : memref<20480x128xf32, #tpu.memory_space<hbm>> -> memref<128x64xf32, #tpu.memory_space<hbm>>
    %dma_wait3A_781 = arith.constant 0 : i32
    %dma_wait3A_782 = tpu.memref_slice %arg6[%add3A_773, %dma_wait3A_781] : memref<20480x128xf32, #tpu.memory_space<hbm>> -> memref<128x64xf32, #tpu.memory_space<hbm>>
    %dma_wait3A_783 = arith.constant 0 : i32
    %dma_wait3A_784 = arith.constant 0 : i32
    %dma_wait3A_785 = tpu.memref_slice %arg9[%dma_wait3A_774, %dma_wait3A_783, %dma_wait3A_784] : memref<8x128x64xf32, #tpu.memory_space<vmem>> -> memref<1x128x64xf32, #tpu.memory_space<vmem>>
    %dma_wait3A_786 = tpu.memref_squeeze %dma_wait3A_785 : memref<1x128x64xf32, #tpu.memory_space<vmem>> -> memref<128x64xf32, #tpu.memory_space<vmem>>
    tpu.wait_dma2 semaphore(%arg13 : memref<!tpu.dma_semaphore, #tpu.memory_space<semaphore_mem>>) src(%dma_wait3A_786 : memref<128x64xf32, #tpu.memory_space<vmem>>) dst(%dma_wait3A_782 : memref<128x64xf32, #tpu.memory_space<hbm>>)
    return
  }
}

module attributes {stable_mosaic.version = 14 : i64} {
  func.func @_stage0_body(%arg0: memref<10000x128xf32, #tpu.memory_space<vmem>>, %arg1: memref<128x64xf32, #tpu.memory_space<vmem>>, %arg2: memref<1x64xf32, #tpu.memory_space<vmem>>, %arg3: memref<1x64xf32, #tpu.memory_space<vmem>>, %arg4: memref<1x64xf32, #tpu.memory_space<vmem>>, %arg5: memref<64x16xf32, #tpu.memory_space<vmem>>, %arg6: memref<1x16xf32, #tpu.memory_space<vmem>>, %arg7: memref<10000x1xi32, #tpu.memory_space<vmem>>, %arg8: memref<5xf32, #tpu.memory_space<smem>>, %arg9: memref<10000x64xf32, #tpu.memory_space<vmem>>, %arg10: memref<10000x64xf32, #tpu.memory_space<vmem>>, %arg11: memref<64x16xf32, #tpu.memory_space<vmem>>, %arg12: memref<10000x16xf32, #tpu.memory_space<vmem>>, %arg13: memref<1250x16xf32, #tpu.memory_space<vmem>>) attributes {dimension_semantics = [], scalar_prefetch = 0 : i64, scratch_operands = 2 : i64, tpu.core_type = #tpu.core_type<tc>} {
    %get3A = arith.constant 0 : index
    %get3A_0 = arith.constant 0 : index
    %get3A_1 = vector.load %arg0[%get3A, %get3A_0] : memref<10000x128xf32, #tpu.memory_space<vmem>>, vector<10000x128xf32>
    %get3A_2 = arith.constant 0 : index
    %get3A_3 = arith.constant 0 : index
    %get3A_4 = vector.load %arg1[%get3A_2, %get3A_3] : memref<128x64xf32, #tpu.memory_space<vmem>>, vector<128x64xf32>
    %dot_general3A = arith.constant dense<0.000000e+00> : vector<10000x64xf32>
    %dot_general3A_5 = tpu.matmul %get3A_1, %get3A_4, %dot_general3A {dimension_numbers = #tpu.dot_dimension_numbers<[1], [0], [0], [1], [0, 0, 1, 1], [], []>, transpose_lhs_hint = false} : vector<10000x128xf32>, vector<128x64xf32>, vector<10000x64xf32> -> vector<10000x64xf32>
    %get3A_6 = arith.constant 0 : index
    %get3A_7 = arith.constant 0 : index
    %get3A_8 = vector.load %arg2[%get3A_6, %get3A_7] : memref<1x64xf32, #tpu.memory_space<vmem>>, vector<1x64xf32>
    %add3A = vector.broadcast %get3A_8 : vector<1x64xf32> to vector<10000x64xf32>
    %add3A_9 = arith.addf %dot_general3A_5, %add3A : vector<10000x64xf32>
    %get3A_10 = arith.constant 0 : index
    %get3A_11 = arith.constant 0 : index
    %get3A_12 = vector.load %arg3[%get3A_10, %get3A_11] : memref<1x64xf32, #tpu.memory_space<vmem>>, vector<1x64xf32>
    %get3A_13 = arith.constant 0 : index
    %get3A_14 = arith.constant 0 : index
    %get3A_15 = vector.load %arg4[%get3A_13, %get3A_14] : memref<1x64xf32, #tpu.memory_space<vmem>>, vector<1x64xf32>
    %reduce_sum3A = arith.constant dense<0.000000e+00> : vector<64xf32>
    %reduce_sum3A_16 = vector.multi_reduction <add>, %add3A_9, %reduce_sum3A [0] : vector<10000x64xf32> to vector<64xf32>
    %broadcast_in_dim3A = vector.shape_cast %reduce_sum3A_16 : vector<64xf32> to vector<1x64xf32>
    %div3A = arith.constant 1.000000e+04 : f32
    %div3A_17 = vector.broadcast %div3A : f32 to vector<1x64xf32>
    %div3A_18 = arith.divf %broadcast_in_dim3A, %div3A_17 : vector<1x64xf32>
    %sub3A = vector.broadcast %div3A_18 : vector<1x64xf32> to vector<10000x64xf32>
    %sub3A_19 = arith.subf %add3A_9, %sub3A : vector<10000x64xf32>
    %integer_pow3A = arith.mulf %sub3A_19, %sub3A_19 : vector<10000x64xf32>
    %reduce_sum3A_20 = arith.constant dense<0.000000e+00> : vector<64xf32>
    %reduce_sum3A_21 = vector.multi_reduction <add>, %integer_pow3A, %reduce_sum3A_20 [0] : vector<10000x64xf32> to vector<64xf32>
    %broadcast_in_dim3A_22 = vector.shape_cast %reduce_sum3A_21 : vector<64xf32> to vector<1x64xf32>
    %div3A_23 = arith.constant 1.000000e+04 : f32
    %div3A_24 = vector.broadcast %div3A_23 : f32 to vector<1x64xf32>
    %div3A_25 = arith.divf %broadcast_in_dim3A_22, %div3A_24 : vector<1x64xf32>
    %sub3A_26 = vector.broadcast %div3A_18 : vector<1x64xf32> to vector<10000x64xf32>
    %sub3A_27 = arith.subf %add3A_9, %sub3A_26 : vector<10000x64xf32>
    %mul3A = vector.broadcast %get3A_12 : vector<1x64xf32> to vector<10000x64xf32>
    %mul3A_28 = arith.mulf %mul3A, %sub3A_27 : vector<10000x64xf32>
    %add3A_29 = arith.constant 9.99999974E-6 : f32
    %add3A_30 = vector.broadcast %add3A_29 : f32 to vector<1x64xf32>
    %add3A_31 = arith.addf %div3A_25, %add3A_30 : vector<1x64xf32>
    %rsqrt3A = math.rsqrt %add3A_31 : vector<1x64xf32>
    %mul3A_32 = vector.broadcast %rsqrt3A : vector<1x64xf32> to vector<10000x64xf32>
    %mul3A_33 = arith.mulf %mul3A_28, %mul3A_32 : vector<10000x64xf32>
    %add3A_34 = vector.broadcast %get3A_15 : vector<1x64xf32> to vector<10000x64xf32>
    %add3A_35 = arith.addf %mul3A_33, %add3A_34 : vector<10000x64xf32>
    %max3A = arith.constant 0.000000e+00 : f32
    %max3A_36 = vector.broadcast %max3A : f32 to vector<10000x64xf32>
    %max3A_37 = arith.maximumf %add3A_35, %max3A_36 : vector<10000x64xf32>
    %swap3A = arith.constant 0 : index
    %swap3A_38 = arith.constant 0 : index
    %swap3A_39 = vector.load %arg9[%swap3A, %swap3A_38] : memref<10000x64xf32, #tpu.memory_space<vmem>>, vector<10000x64xf32>
    tpu.vector_store %arg9[%swap3A, %swap3A_38], %max3A_37 {strides = array<i32>} : memref<10000x64xf32, #tpu.memory_space<vmem>>, vector<10000x64xf32>,
    %get3A_40 = arith.constant 0 : index
    %get3A_41 = memref.load %arg8[%get3A_40] : memref<5xf32, #tpu.memory_space<smem>>
    %mul3A_42 = vector.broadcast %get3A_41 : f32 to vector<10000x64xf32>
    %mul3A_43 = arith.mulf %mul3A_42, %max3A_37 : vector<10000x64xf32>
    %swap3A_44 = arith.constant 0 : index
    %swap3A_45 = arith.constant 0 : index
    %swap3A_46 = vector.load %arg10[%swap3A_44, %swap3A_45] : memref<10000x64xf32, #tpu.memory_space<vmem>>, vector<10000x64xf32>
    tpu.vector_store %arg10[%swap3A_44, %swap3A_45], %mul3A_43 {strides = array<i32>} : memref<10000x64xf32, #tpu.memory_space<vmem>>, vector<10000x64xf32>,
    %get3A_47 = arith.constant 0 : index
    %get3A_48 = arith.constant 0 : index
    %get3A_49 = vector.load %arg5[%get3A_47, %get3A_48] : memref<64x16xf32, #tpu.memory_space<vmem>>, vector<64x16xf32>
    %dot_general3A_50 = arith.constant dense<0.000000e+00> : vector<10000x16xf32>
    %dot_general3A_51 = tpu.matmul %max3A_37, %get3A_49, %dot_general3A_50 {dimension_numbers = #tpu.dot_dimension_numbers<[1], [0], [0], [1], [0, 0, 1, 1], [], []>, transpose_lhs_hint = false} : vector<10000x64xf32>, vector<64x16xf32>, vector<10000x16xf32> -> vector<10000x16xf32>
    %get3A_52 = arith.constant 0 : index
    %get3A_53 = arith.constant 0 : index
    %get3A_54 = vector.load %arg6[%get3A_52, %get3A_53] : memref<1x16xf32, #tpu.memory_space<vmem>>, vector<1x16xf32>
    %add3A_55 = vector.broadcast %get3A_54 : vector<1x16xf32> to vector<10000x16xf32>
    %add3A_56 = arith.addf %dot_general3A_51, %add3A_55 : vector<10000x16xf32>
    %get3A_57 = arith.constant 0 : index
    %get3A_58 = arith.constant 0 : index
    %get3A_59 = vector.load %arg7[%get3A_57, %get3A_58] : memref<10000x1xi32, #tpu.memory_space<vmem>>, vector<10000x1xi32>
    %swap3A_60 = arith.constant 0 : index
    %swap3A_61 = arith.constant 0 : index
    %swap3A_62 = vector.load %arg12[%swap3A_60, %swap3A_61] : memref<10000x16xf32, #tpu.memory_space<vmem>>, vector<10000x16xf32>
    tpu.vector_store %arg12[%swap3A_60, %swap3A_61], %add3A_56 {strides = array<i32>} : memref<10000x16xf32, #tpu.memory_space<vmem>>, vector<10000x16xf32>,
    %reshape3A = vector.shape_cast %add3A_56 : vector<10000x16xf32> to vector<1250x8x16xf32>
    %reduce_max3A = arith.constant dense<0xFF800000> : vector<1250x16xf32>
    %reduce_max3A_63 = vector.multi_reduction <maximumf>, %reshape3A, %reduce_max3A [1] : vector<1250x8x16xf32> to vector<1250x16xf32>
    %swap3A_64 = arith.constant 0 : index
    %swap3A_65 = arith.constant 0 : index
    %swap3A_66 = vector.load %arg13[%swap3A_64, %swap3A_65] : memref<1250x16xf32, #tpu.memory_space<vmem>>, vector<1250x16xf32>
    tpu.vector_store %arg13[%swap3A_64, %swap3A_65], %reduce_max3A_63 {strides = array<i32>} : memref<1250x16xf32, #tpu.memory_space<vmem>>, vector<1250x16xf32>,
    %reshape3A_67 = vector.shape_cast %reduce_max3A_63 : vector<1250x16xf32> to vector<125x10x16xf32>
    %reduce_max3A_68 = arith.constant dense<0xFF800000> : vector<125x16xf32>
    %reduce_max3A_69 = vector.multi_reduction <maximumf>, %reshape3A_67, %reduce_max3A_68 [1] : vector<125x10x16xf32> to vector<125x16xf32>
    %iota3A = tpu.iota {dimensions = array<i32: 1>} : vector<1x128xi32>
    %lt3A = vector.broadcast %get3A_59 : vector<10000x1xi32> to vector<10000x128xi32>
    %lt3A_70 = vector.broadcast %iota3A : vector<1x128xi32> to vector<10000x128xi32>
    %lt3A_71 = arith.cmpi slt, %lt3A, %lt3A_70 : vector<10000x128xi32>
    %convert_element_type3A = arith.extui %lt3A_71 : vector<10000x128xi1> to vector<10000x128xi32>
    %convert_element_type3A_72 = arith.sitofp %convert_element_type3A : vector<10000x128xi32> to vector<10000x128xf32>
    %reduce_sum3A_73 = arith.constant dense<0.000000e+00> : vector<128xf32>
    %reduce_sum3A_74 = vector.multi_reduction <add>, %convert_element_type3A_72, %reduce_sum3A_73 [0] : vector<10000x128xf32> to vector<128xf32>
    %broadcast_in_dim3A_75 = vector.shape_cast %reduce_sum3A_74 : vector<128xf32> to vector<1x128xf32>
    %convert_element_type3A_76 = arith.fptosi %broadcast_in_dim3A_75 : vector<1x128xf32> to vector<1x128xi32>
    %iota3A_77 = tpu.iota {dimensions = array<i32: 0>} : vector<125x1xi32>
    %mul3A_78 = arith.constant 10 : i32
    %mul3A_79 = vector.broadcast %mul3A_78 : i32 to vector<125x1xi32>
    %mul3A_80 = arith.muli %iota3A_77, %mul3A_79 : vector<125x1xi32>
    %iota3A_81 = tpu.iota {dimensions = array<i32: 0>} : vector<10x1xi32>
    %scan3A = arith.constant 0 : i32
    %scan3A_82 = arith.constant 64 : i32
    %scan3A_83 = arith.addi %scan3A, %scan3A_82 : i32
    %scan3A_84 = arith.constant 1 : i32
    scf.for %scan3A_86 = %scan3A to %scan3A_83 step %scan3A_84  : i32 {
      %eq3A = vector.broadcast %scan3A_86 : i32 to vector<1x128xi32>
      %eq3A_87 = arith.cmpi eq, %iota3A, %eq3A : vector<1x128xi32>
      %jit3A = arith.constant 0 : i32
      %broadcast_in_dim3A_88 = vector.broadcast %jit3A : i32 to vector<1x128xi32>
      %select_n3A = arith.select %eq3A_87, %convert_element_type3A_76, %broadcast_in_dim3A_88 : vector<1x128xi1>, vector<1x128xi32>
      %reduce_sum3A_89 = vector.shape_cast %select_n3A : vector<1x128xi32> to vector<1x1x128xi32>
      %reduce_sum3A_90 = arith.constant dense<0> : vector<1xi32>
      %reduce_sum3A_91 = vector.multi_reduction <add>, %reduce_sum3A_89, %reduce_sum3A_90 [1, 2] : vector<1x1x128xi32> to vector<1xi32>
      %reduce_sum3A_92 = vector.shape_cast %reduce_sum3A_91 : vector<1xi32> to vector<1x1x1xi32>
      %reduce_sum3A_93 = vector.extract %reduce_sum3A_92[0, 0, 0] : i32 from vector<1x1x1xi32>
      %add3A_94 = arith.constant 1 : i32
      %add3A_95 = arith.addi %scan3A_86, %add3A_94 : i32
      %eq3A_96 = vector.broadcast %add3A_95 : i32 to vector<1x128xi32>
      %eq3A_97 = arith.cmpi eq, %iota3A, %eq3A_96 : vector<1x128xi32>
      %jit3A_98 = arith.constant 0 : i32
      %broadcast_in_dim3A_99 = vector.broadcast %jit3A_98 : i32 to vector<1x128xi32>
      %select_n3A_100 = arith.select %eq3A_97, %convert_element_type3A_76, %broadcast_in_dim3A_99 : vector<1x128xi1>, vector<1x128xi32>
      %reduce_sum3A_101 = vector.shape_cast %select_n3A_100 : vector<1x128xi32> to vector<1x1x128xi32>
      %reduce_sum3A_102 = arith.constant dense<0> : vector<1xi32>
      %reduce_sum3A_103 = vector.multi_reduction <add>, %reduce_sum3A_101, %reduce_sum3A_102 [1, 2] : vector<1x1x128xi32> to vector<1xi32>
      %reduce_sum3A_104 = vector.shape_cast %reduce_sum3A_103 : vector<1xi32> to vector<1x1x1xi32>
      %reduce_sum3A_105 = vector.extract %reduce_sum3A_104[0, 0, 0] : i32 from vector<1x1x1xi32>
      %jit3A_106 = arith.constant 8 : i32
      %div3A_107 = arith.divsi %reduce_sum3A_93, %jit3A_106 : i32
      %sign3A = arith.constant 0 : i32
      %sign3A_108 = arith.cmpi sgt, %reduce_sum3A_93, %sign3A : i32
      %sign3A_109 = arith.extui %sign3A_108 : i1 to i32
      %sign3A_110 = arith.constant 0 : i32
      %sign3A_111 = arith.cmpi slt, %reduce_sum3A_93, %sign3A_110 : i32
      %sign3A_112 = arith.extui %sign3A_111 : i1 to i32
      %sign3A_113 = arith.subi %sign3A_109, %sign3A_112 : i32
      %sign3A_114 = arith.constant 0 : i32
      %sign3A_115 = arith.cmpi sgt, %jit3A_106, %sign3A_114 : i32
      %sign3A_116 = arith.extui %sign3A_115 : i1 to i32
      %sign3A_117 = arith.constant 0 : i32
      %sign3A_118 = arith.cmpi slt, %jit3A_106, %sign3A_117 : i32
      %sign3A_119 = arith.extui %sign3A_118 : i1 to i32
      %sign3A_120 = arith.subi %sign3A_116, %sign3A_119 : i32
      %ne3A = arith.cmpi ne, %sign3A_113, %sign3A_120 : i32
      %rem3A = arith.remsi %reduce_sum3A_93, %jit3A_106 : i32
      %ne3A_121 = arith.constant 0 : i32
      %ne3A_122 = arith.cmpi ne, %rem3A, %ne3A_121 : i32
      %and3A = arith.andi %ne3A, %ne3A_122 : i1
      %sub3A_123 = arith.constant 1 : i32
      %sub3A_124 = arith.subi %div3A_107, %sub3A_123 : i32
      %select_n3A_125 = arith.select %and3A, %sub3A_124, %div3A_107 : i32
      %jit3A_126 = arith.constant 0 : i32
      %jit3A_127 = arith.constant 1249 : i32
      %max3A_128 = arith.maxsi %jit3A_126, %select_n3A_125 : i32
      %min3A = arith.minsi %jit3A_127, %max3A_128 : i32
      %sub3A_129 = arith.constant 1 : i32
      %sub3A_130 = arith.subi %reduce_sum3A_105, %sub3A_129 : i32
      %jit3A_131 = arith.constant 8 : i32
      %div3A_132 = arith.divsi %sub3A_130, %jit3A_131 : i32
      %sign3A_133 = arith.constant 0 : i32
      %sign3A_134 = arith.cmpi sgt, %sub3A_130, %sign3A_133 : i32
      %sign3A_135 = arith.extui %sign3A_134 : i1 to i32
      %sign3A_136 = arith.constant 0 : i32
      %sign3A_137 = arith.cmpi slt, %sub3A_130, %sign3A_136 : i32
      %sign3A_138 = arith.extui %sign3A_137 : i1 to i32
      %sign3A_139 = arith.subi %sign3A_135, %sign3A_138 : i32
      %sign3A_140 = arith.constant 0 : i32
      %sign3A_141 = arith.cmpi sgt, %jit3A_131, %sign3A_140 : i32
      %sign3A_142 = arith.extui %sign3A_141 : i1 to i32
      %sign3A_143 = arith.constant 0 : i32
      %sign3A_144 = arith.cmpi slt, %jit3A_131, %sign3A_143 : i32
      %sign3A_145 = arith.extui %sign3A_144 : i1 to i32
      %sign3A_146 = arith.subi %sign3A_142, %sign3A_145 : i32
      %ne3A_147 = arith.cmpi ne, %sign3A_139, %sign3A_146 : i32
      %rem3A_148 = arith.remsi %sub3A_130, %jit3A_131 : i32
      %ne3A_149 = arith.constant 0 : i32
      %ne3A_150 = arith.cmpi ne, %rem3A_148, %ne3A_149 : i32
      %and3A_151 = arith.andi %ne3A_147, %ne3A_150 : i1
      %sub3A_152 = arith.constant 1 : i32
      %sub3A_153 = arith.subi %div3A_132, %sub3A_152 : i32
      %select_n3A_154 = arith.select %and3A_151, %sub3A_153, %div3A_132 : i32
      %jit3A_155 = arith.constant 0 : i32
      %jit3A_156 = arith.constant 1249 : i32
      %max3A_157 = arith.maxsi %jit3A_155, %select_n3A_154 : i32
      %min3A_158 = arith.minsi %jit3A_156, %max3A_157 : i32
      %gt3A = vector.broadcast %min3A : i32 to vector<125x1xi32>
      %gt3A_159 = arith.cmpi sgt, %mul3A_80, %gt3A : vector<125x1xi32>
      %add3A_160 = arith.constant 9 : i32
      %add3A_161 = vector.broadcast %add3A_160 : i32 to vector<125x1xi32>
      %add3A_162 = arith.addi %mul3A_80, %add3A_161 : vector<125x1xi32>
      %lt3A_163 = vector.broadcast %min3A_158 : i32 to vector<125x1xi32>
      %lt3A_164 = arith.cmpi slt, %add3A_162, %lt3A_163 : vector<125x1xi32>
      %and3A_165 = arith.andi %gt3A_159, %lt3A_164 : vector<125x1xi1>
      %jit3A_166 = arith.constant 0xFF800000 : f32
      %broadcast_in_dim3A_167 = vector.shape_cast %and3A_165 : vector<125x1xi1> to vector<125x1xi1>
      %broadcast_in_dim3A_168 = vector.broadcast %broadcast_in_dim3A_167 : vector<125x1xi1> to vector<125x16xi1>
      %broadcast_in_dim3A_169 = vector.broadcast %jit3A_166 : f32 to vector<125x16xf32>
      %select_n3A_170 = arith.select %broadcast_in_dim3A_168, %reduce_max3A_69, %broadcast_in_dim3A_169 : vector<125x16xi1>, vector<125x16xf32>
      %reduce_max3A_171 = arith.constant dense<0xFF800000> : vector<16xf32>
      %reduce_max3A_172 = vector.multi_reduction <maximumf>, %select_n3A_170, %reduce_max3A_171 [0] : vector<125x16xf32> to vector<16xf32>
      %broadcast_in_dim3A_173 = vector.shape_cast %reduce_max3A_172 : vector<16xf32> to vector<1x16xf32>
      %add3A_174 = arith.constant 1 : i32
      %add3A_175 = arith.addi %min3A, %add3A_174 : i32
      %jit3A_176 = arith.constant 10 : i32
      %div3A_177 = arith.divsi %add3A_175, %jit3A_176 : i32
      %sign3A_178 = arith.constant 0 : i32
      %sign3A_179 = arith.cmpi sgt, %add3A_175, %sign3A_178 : i32
      %sign3A_180 = arith.extui %sign3A_179 : i1 to i32
      %sign3A_181 = arith.constant 0 : i32
      %sign3A_182 = arith.cmpi slt, %add3A_175, %sign3A_181 : i32
      %sign3A_183 = arith.extui %sign3A_182 : i1 to i32
      %sign3A_184 = arith.subi %sign3A_180, %sign3A_183 : i32
      %sign3A_185 = arith.constant 0 : i32
      %sign3A_186 = arith.cmpi sgt, %jit3A_176, %sign3A_185 : i32
      %sign3A_187 = arith.extui %sign3A_186 : i1 to i32
      %sign3A_188 = arith.constant 0 : i32
      %sign3A_189 = arith.cmpi slt, %jit3A_176, %sign3A_188 : i32
      %sign3A_190 = arith.extui %sign3A_189 : i1 to i32
      %sign3A_191 = arith.subi %sign3A_187, %sign3A_190 : i32
      %ne3A_192 = arith.cmpi ne, %sign3A_184, %sign3A_191 : i32
      %rem3A_193 = arith.remsi %add3A_175, %jit3A_176 : i32
      %ne3A_194 = arith.constant 0 : i32
      %ne3A_195 = arith.cmpi ne, %rem3A_193, %ne3A_194 : i32
      %and3A_196 = arith.andi %ne3A_192, %ne3A_195 : i1
      %sub3A_197 = arith.constant 1 : i32
      %sub3A_198 = arith.subi %div3A_177, %sub3A_197 : i32
      %select_n3A_199 = arith.select %and3A_196, %sub3A_198, %div3A_177 : i32
      %jit3A_200 = arith.constant 0 : i32
      %jit3A_201 = arith.constant 124 : i32
      %max3A_202 = arith.maxsi %jit3A_200, %select_n3A_199 : i32
      %min3A_203 = arith.minsi %jit3A_201, %max3A_202 : i32
      %sub3A_204 = arith.constant 1 : i32
      %sub3A_205 = arith.subi %min3A_158, %sub3A_204 : i32
      %jit3A_206 = arith.constant 10 : i32
      %div3A_207 = arith.divsi %sub3A_205, %jit3A_206 : i32
      %sign3A_208 = arith.constant 0 : i32
      %sign3A_209 = arith.cmpi sgt, %sub3A_205, %sign3A_208 : i32
      %sign3A_210 = arith.extui %sign3A_209 : i1 to i32
      %sign3A_211 = arith.constant 0 : i32
      %sign3A_212 = arith.cmpi slt, %sub3A_205, %sign3A_211 : i32
      %sign3A_213 = arith.extui %sign3A_212 : i1 to i32
      %sign3A_214 = arith.subi %sign3A_210, %sign3A_213 : i32
      %sign3A_215 = arith.constant 0 : i32
      %sign3A_216 = arith.cmpi sgt, %jit3A_206, %sign3A_215 : i32
      %sign3A_217 = arith.extui %sign3A_216 : i1 to i32
      %sign3A_218 = arith.constant 0 : i32
      %sign3A_219 = arith.cmpi slt, %jit3A_206, %sign3A_218 : i32
      %sign3A_220 = arith.extui %sign3A_219 : i1 to i32
      %sign3A_221 = arith.subi %sign3A_217, %sign3A_220 : i32
      %ne3A_222 = arith.cmpi ne, %sign3A_214, %sign3A_221 : i32
      %rem3A_223 = arith.remsi %sub3A_205, %jit3A_206 : i32
      %ne3A_224 = arith.constant 0 : i32
      %ne3A_225 = arith.cmpi ne, %rem3A_223, %ne3A_224 : i32
      %and3A_226 = arith.andi %ne3A_222, %ne3A_225 : i1
      %sub3A_227 = arith.constant 1 : i32
      %sub3A_228 = arith.subi %div3A_207, %sub3A_227 : i32
      %select_n3A_229 = arith.select %and3A_226, %sub3A_228, %div3A_207 : i32
      %jit3A_230 = arith.constant 0 : i32
      %jit3A_231 = arith.constant 124 : i32
      %max3A_232 = arith.maxsi %jit3A_230, %select_n3A_229 : i32
      %min3A_233 = arith.minsi %jit3A_231, %max3A_232 : i32
      %mul3A_234 = arith.constant 10 : i32
      %mul3A_235 = arith.muli %min3A_203, %mul3A_234 : i32
      %get3A_236 = arith.index_cast %mul3A_235 : i32 to index
      %get3A_237 = arith.constant 0 : index
      %get3A_238 = vector.load %arg13[%get3A_236, %get3A_237] : memref<1250x16xf32, #tpu.memory_space<vmem>>, vector<10x16xf32>
      %mul3A_239 = arith.constant 10 : i32
      %mul3A_240 = arith.muli %min3A_203, %mul3A_239 : i32
      %add3A_241 = vector.broadcast %mul3A_240 : i32 to vector<10x1xi32>
      %add3A_242 = arith.addi %add3A_241, %iota3A_81 : vector<10x1xi32>
      %gt3A_243 = vector.broadcast %min3A : i32 to vector<10x1xi32>
      %gt3A_244 = arith.cmpi sgt, %add3A_242, %gt3A_243 : vector<10x1xi32>
      %lt3A_245 = vector.broadcast %min3A_158 : i32 to vector<10x1xi32>
      %lt3A_246 = arith.cmpi slt, %add3A_242, %lt3A_245 : vector<10x1xi32>
      %and3A_247 = arith.andi %gt3A_244, %lt3A_246 : vector<10x1xi1>
      %jit3A_248 = arith.constant 0xFF800000 : f32
      %broadcast_in_dim3A_249 = vector.shape_cast %and3A_247 : vector<10x1xi1> to vector<10x1xi1>
      %broadcast_in_dim3A_250 = vector.broadcast %broadcast_in_dim3A_249 : vector<10x1xi1> to vector<10x16xi1>
      %broadcast_in_dim3A_251 = vector.broadcast %jit3A_248 : f32 to vector<10x16xf32>
      %select_n3A_252 = arith.select %broadcast_in_dim3A_250, %get3A_238, %broadcast_in_dim3A_251 : vector<10x16xi1>, vector<10x16xf32>
      %reduce_max3A_253 = arith.constant dense<0xFF800000> : vector<16xf32>
      %reduce_max3A_254 = vector.multi_reduction <maximumf>, %select_n3A_252, %reduce_max3A_253 [0] : vector<10x16xf32> to vector<16xf32>
      %broadcast_in_dim3A_255 = vector.shape_cast %reduce_max3A_254 : vector<16xf32> to vector<1x16xf32>
      %max3A_256 = arith.maximumf %broadcast_in_dim3A_173, %broadcast_in_dim3A_255 : vector<1x16xf32>
      %mul3A_257 = arith.constant 10 : i32
      %mul3A_258 = arith.muli %min3A_233, %mul3A_257 : i32
      %get3A_259 = arith.index_cast %mul3A_258 : i32 to index
      %get3A_260 = arith.constant 0 : index
      %get3A_261 = vector.load %arg13[%get3A_259, %get3A_260] : memref<1250x16xf32, #tpu.memory_space<vmem>>, vector<10x16xf32>
      %mul3A_262 = arith.constant 10 : i32
      %mul3A_263 = arith.muli %min3A_233, %mul3A_262 : i32
      %add3A_264 = vector.broadcast %mul3A_263 : i32 to vector<10x1xi32>
      %add3A_265 = arith.addi %add3A_264, %iota3A_81 : vector<10x1xi32>
      %gt3A_266 = vector.broadcast %min3A : i32 to vector<10x1xi32>
      %gt3A_267 = arith.cmpi sgt, %add3A_265, %gt3A_266 : vector<10x1xi32>
      %lt3A_268 = vector.broadcast %min3A_158 : i32 to vector<10x1xi32>
      %lt3A_269 = arith.cmpi slt, %add3A_265, %lt3A_268 : vector<10x1xi32>
      %and3A_270 = arith.andi %gt3A_267, %lt3A_269 : vector<10x1xi1>
      %jit3A_271 = arith.constant 0xFF800000 : f32
      %broadcast_in_dim3A_272 = vector.shape_cast %and3A_270 : vector<10x1xi1> to vector<10x1xi1>
      %broadcast_in_dim3A_273 = vector.broadcast %broadcast_in_dim3A_272 : vector<10x1xi1> to vector<10x16xi1>
      %broadcast_in_dim3A_274 = vector.broadcast %jit3A_271 : f32 to vector<10x16xf32>
      %select_n3A_275 = arith.select %broadcast_in_dim3A_273, %get3A_261, %broadcast_in_dim3A_274 : vector<10x16xi1>, vector<10x16xf32>
      %reduce_max3A_276 = arith.constant dense<0xFF800000> : vector<16xf32>
      %reduce_max3A_277 = vector.multi_reduction <maximumf>, %select_n3A_275, %reduce_max3A_276 [0] : vector<10x16xf32> to vector<16xf32>
      %broadcast_in_dim3A_278 = vector.shape_cast %reduce_max3A_277 : vector<16xf32> to vector<1x16xf32>
      %max3A_279 = arith.maximumf %max3A_256, %broadcast_in_dim3A_278 : vector<1x16xf32>
      %mul3A_280 = arith.constant 8 : i32
      %mul3A_281 = arith.muli %min3A, %mul3A_280 : i32
      %get3A_282 = arith.index_cast %mul3A_281 : i32 to index
      %get3A_283 = arith.constant 0 : index
      %get3A_284 = vector.load %arg12[%get3A_282, %get3A_283] : memref<10000x16xf32, #tpu.memory_space<vmem>>, vector<8x16xf32>
      %mul3A_285 = arith.constant 8 : i32
      %mul3A_286 = arith.muli %min3A, %mul3A_285 : i32
      %get3A_287 = arith.index_cast %mul3A_286 : i32 to index
      %get3A_288 = arith.constant 0 : index
      %get3A_289 = vector.load %arg7[%get3A_287, %get3A_288] : memref<10000x1xi32, #tpu.memory_space<vmem>>, vector<8x1xi32>
      %eq3A_290 = vector.broadcast %scan3A_86 : i32 to vector<8x1xi32>
      %eq3A_291 = arith.cmpi eq, %get3A_289, %eq3A_290 : vector<8x1xi32>
      %jit3A_292 = arith.constant 0xFF800000 : f32
      %broadcast_in_dim3A_293 = vector.shape_cast %eq3A_291 : vector<8x1xi1> to vector<8x1xi1>
      %broadcast_in_dim3A_294 = vector.broadcast %broadcast_in_dim3A_293 : vector<8x1xi1> to vector<8x16xi1>
      %broadcast_in_dim3A_295 = vector.broadcast %jit3A_292 : f32 to vector<8x16xf32>
      %select_n3A_296 = arith.select %broadcast_in_dim3A_294, %get3A_284, %broadcast_in_dim3A_295 : vector<8x16xi1>, vector<8x16xf32>
      %reduce_max3A_297 = arith.constant dense<0xFF800000> : vector<16xf32>
      %reduce_max3A_298 = vector.multi_reduction <maximumf>, %select_n3A_296, %reduce_max3A_297 [0] : vector<8x16xf32> to vector<16xf32>
      %broadcast_in_dim3A_299 = vector.shape_cast %reduce_max3A_298 : vector<16xf32> to vector<1x16xf32>
      %max3A_300 = arith.maximumf %max3A_279, %broadcast_in_dim3A_299 : vector<1x16xf32>
      %mul3A_301 = arith.constant 8 : i32
      %mul3A_302 = arith.muli %min3A_158, %mul3A_301 : i32
      %get3A_303 = arith.index_cast %mul3A_302 : i32 to index
      %get3A_304 = arith.constant 0 : index
      %get3A_305 = vector.load %arg12[%get3A_303, %get3A_304] : memref<10000x16xf32, #tpu.memory_space<vmem>>, vector<8x16xf32>
      %mul3A_306 = arith.constant 8 : i32
      %mul3A_307 = arith.muli %min3A_158, %mul3A_306 : i32
      %get3A_308 = arith.index_cast %mul3A_307 : i32 to index
      %get3A_309 = arith.constant 0 : index
      %get3A_310 = vector.load %arg7[%get3A_308, %get3A_309] : memref<10000x1xi32, #tpu.memory_space<vmem>>, vector<8x1xi32>
      %eq3A_311 = vector.broadcast %scan3A_86 : i32 to vector<8x1xi32>
      %eq3A_312 = arith.cmpi eq, %get3A_310, %eq3A_311 : vector<8x1xi32>
      %jit3A_313 = arith.constant 0xFF800000 : f32
      %broadcast_in_dim3A_314 = vector.shape_cast %eq3A_312 : vector<8x1xi1> to vector<8x1xi1>
      %broadcast_in_dim3A_315 = vector.broadcast %broadcast_in_dim3A_314 : vector<8x1xi1> to vector<8x16xi1>
      %broadcast_in_dim3A_316 = vector.broadcast %jit3A_313 : f32 to vector<8x16xf32>
      %select_n3A_317 = arith.select %broadcast_in_dim3A_315, %get3A_305, %broadcast_in_dim3A_316 : vector<8x16xi1>, vector<8x16xf32>
      %reduce_max3A_318 = arith.constant dense<0xFF800000> : vector<16xf32>
      %reduce_max3A_319 = vector.multi_reduction <maximumf>, %select_n3A_317, %reduce_max3A_318 [0] : vector<8x16xf32> to vector<16xf32>
      %broadcast_in_dim3A_320 = vector.shape_cast %reduce_max3A_319 : vector<16xf32> to vector<1x16xf32>
      %max3A_321 = arith.maximumf %max3A_300, %broadcast_in_dim3A_320 : vector<1x16xf32>
      %swap3A_322 = arith.index_cast %scan3A_86 : i32 to index
      %swap3A_323 = arith.constant 0 : index
      %swap3A_324 = vector.load %arg11[%swap3A_322, %swap3A_323] : memref<64x16xf32, #tpu.memory_space<vmem>>, vector<1x16xf32>
      tpu.vector_store %arg11[%swap3A_322, %swap3A_323], %max3A_321 {strides = array<i32>} : memref<64x16xf32, #tpu.memory_space<vmem>>, vector<1x16xf32>,
    }
    %scan3A_85 = arith.constant 64 : i32
    return
  }
}

module attributes {stable_mosaic.version = 14 : i64} {
  func.func @_stage1_body(%arg0: memref<10000x64xf32, #tpu.memory_space<vmem>>, %arg1: memref<20480x128xf32, #tpu.memory_space<vmem>>, %arg2: memref<64x64xf32, #tpu.memory_space<vmem>>, %arg3: memref<1x64xf32, #tpu.memory_space<vmem>>, %arg4: memref<1x64xf32, #tpu.memory_space<vmem>>, %arg5: memref<1x64xf32, #tpu.memory_space<vmem>>, %arg6: memref<64x16xf32, #tpu.memory_space<vmem>>, %arg7: memref<1x16xf32, #tpu.memory_space<vmem>>, %arg8: memref<10000x1xi32, #tpu.memory_space<vmem>>, %arg9: memref<64x16xf32, #tpu.memory_space<vmem>>, %arg10: memref<5xf32, #tpu.memory_space<smem>>, %arg11: memref<10000x64xf32, #tpu.memory_space<vmem>>, %arg12: memref<20000x64xf32, #tpu.memory_space<vmem>>, %arg13: memref<64x16xf32, #tpu.memory_space<vmem>>, %arg14: memref<10000x16xf32, #tpu.memory_space<vmem>>, %arg15: memref<1250x16xf32, #tpu.memory_space<vmem>>) attributes {dimension_semantics = [], scalar_prefetch = 0 : i64, scratch_operands = 2 : i64, tpu.core_type = #tpu.core_type<tc>} {
    %get3A = arith.constant 0 : index
    %get3A_0 = arith.constant 0 : index
    %get3A_1 = vector.load %arg1[%get3A, %get3A_0] : memref<20480x128xf32, #tpu.memory_space<vmem>>, vector<10000x64xf32>
    %get3A_2 = arith.constant 10240 : index
    %get3A_3 = arith.constant 0 : index
    %get3A_4 = vector.load %arg1[%get3A_2, %get3A_3] : memref<20480x128xf32, #tpu.memory_space<vmem>>, vector<10000x64xf32>
    %add3A = arith.addf %get3A_1, %get3A_4 : vector<10000x64xf32>
    %get3A_5 = arith.constant 0 : index
    %get3A_6 = arith.constant 0 : index
    %get3A_7 = vector.load %arg0[%get3A_5, %get3A_6] : memref<10000x64xf32, #tpu.memory_space<vmem>>, vector<10000x64xf32>
    %add3A_8 = arith.addf %get3A_7, %add3A : vector<10000x64xf32>
    %get3A_9 = arith.constant 0 : index
    %get3A_10 = arith.constant 0 : index
    %get3A_11 = vector.load %arg2[%get3A_9, %get3A_10] : memref<64x64xf32, #tpu.memory_space<vmem>>, vector<64x64xf32>
    %dot_general3A = arith.constant dense<0.000000e+00> : vector<10000x64xf32>
    %dot_general3A_12 = tpu.matmul %add3A_8, %get3A_11, %dot_general3A {dimension_numbers = #tpu.dot_dimension_numbers<[1], [0], [0], [1], [0, 0, 1, 1], [], []>, transpose_lhs_hint = false} : vector<10000x64xf32>, vector<64x64xf32>, vector<10000x64xf32> -> vector<10000x64xf32>
    %get3A_13 = arith.constant 0 : index
    %get3A_14 = arith.constant 0 : index
    %get3A_15 = vector.load %arg3[%get3A_13, %get3A_14] : memref<1x64xf32, #tpu.memory_space<vmem>>, vector<1x64xf32>
    %add3A_16 = vector.broadcast %get3A_15 : vector<1x64xf32> to vector<10000x64xf32>
    %add3A_17 = arith.addf %dot_general3A_12, %add3A_16 : vector<10000x64xf32>
    %get3A_18 = arith.constant 0 : index
    %get3A_19 = arith.constant 0 : index
    %get3A_20 = vector.load %arg4[%get3A_18, %get3A_19] : memref<1x64xf32, #tpu.memory_space<vmem>>, vector<1x64xf32>
    %get3A_21 = arith.constant 0 : index
    %get3A_22 = arith.constant 0 : index
    %get3A_23 = vector.load %arg5[%get3A_21, %get3A_22] : memref<1x64xf32, #tpu.memory_space<vmem>>, vector<1x64xf32>
    %reduce_sum3A = arith.constant dense<0.000000e+00> : vector<64xf32>
    %reduce_sum3A_24 = vector.multi_reduction <add>, %add3A_17, %reduce_sum3A [0] : vector<10000x64xf32> to vector<64xf32>
    %broadcast_in_dim3A = vector.shape_cast %reduce_sum3A_24 : vector<64xf32> to vector<1x64xf32>
    %div3A = arith.constant 1.000000e+04 : f32
    %div3A_25 = vector.broadcast %div3A : f32 to vector<1x64xf32>
    %div3A_26 = arith.divf %broadcast_in_dim3A, %div3A_25 : vector<1x64xf32>
    %sub3A = vector.broadcast %div3A_26 : vector<1x64xf32> to vector<10000x64xf32>
    %sub3A_27 = arith.subf %add3A_17, %sub3A : vector<10000x64xf32>
    %integer_pow3A = arith.mulf %sub3A_27, %sub3A_27 : vector<10000x64xf32>
    %reduce_sum3A_28 = arith.constant dense<0.000000e+00> : vector<64xf32>
    %reduce_sum3A_29 = vector.multi_reduction <add>, %integer_pow3A, %reduce_sum3A_28 [0] : vector<10000x64xf32> to vector<64xf32>
    %broadcast_in_dim3A_30 = vector.shape_cast %reduce_sum3A_29 : vector<64xf32> to vector<1x64xf32>
    %div3A_31 = arith.constant 1.000000e+04 : f32
    %div3A_32 = vector.broadcast %div3A_31 : f32 to vector<1x64xf32>
    %div3A_33 = arith.divf %broadcast_in_dim3A_30, %div3A_32 : vector<1x64xf32>
    %sub3A_34 = vector.broadcast %div3A_26 : vector<1x64xf32> to vector<10000x64xf32>
    %sub3A_35 = arith.subf %add3A_17, %sub3A_34 : vector<10000x64xf32>
    %mul3A = vector.broadcast %get3A_20 : vector<1x64xf32> to vector<10000x64xf32>
    %mul3A_36 = arith.mulf %mul3A, %sub3A_35 : vector<10000x64xf32>
    %add3A_37 = arith.constant 9.99999974E-6 : f32
    %add3A_38 = vector.broadcast %add3A_37 : f32 to vector<1x64xf32>
    %add3A_39 = arith.addf %div3A_33, %add3A_38 : vector<1x64xf32>
    %rsqrt3A = math.rsqrt %add3A_39 : vector<1x64xf32>
    %mul3A_40 = vector.broadcast %rsqrt3A : vector<1x64xf32> to vector<10000x64xf32>
    %mul3A_41 = arith.mulf %mul3A_36, %mul3A_40 : vector<10000x64xf32>
    %add3A_42 = vector.broadcast %get3A_23 : vector<1x64xf32> to vector<10000x64xf32>
    %add3A_43 = arith.addf %mul3A_41, %add3A_42 : vector<10000x64xf32>
    %max3A = arith.constant 0.000000e+00 : f32
    %max3A_44 = vector.broadcast %max3A : f32 to vector<10000x64xf32>
    %max3A_45 = arith.maximumf %add3A_43, %max3A_44 : vector<10000x64xf32>
    %swap3A = arith.constant 0 : index
    %swap3A_46 = arith.constant 0 : index
    %swap3A_47 = vector.load %arg11[%swap3A, %swap3A_46] : memref<10000x64xf32, #tpu.memory_space<vmem>>, vector<10000x64xf32>
    tpu.vector_store %arg11[%swap3A, %swap3A_46], %max3A_45 {strides = array<i32>} : memref<10000x64xf32, #tpu.memory_space<vmem>>, vector<10000x64xf32>,
    %get3A_48 = arith.constant 0 : index
    %get3A_49 = memref.load %arg10[%get3A_48] : memref<5xf32, #tpu.memory_space<smem>>
    %mul3A_50 = vector.broadcast %get3A_49 : f32 to vector<10000x64xf32>
    %mul3A_51 = arith.mulf %mul3A_50, %max3A_45 : vector<10000x64xf32>
    %swap3A_52 = arith.constant 0 : index
    %swap3A_53 = arith.constant 0 : index
    %swap3A_54 = vector.load %arg12[%swap3A_52, %swap3A_53] : memref<20000x64xf32, #tpu.memory_space<vmem>>, vector<10000x64xf32>
    tpu.vector_store %arg12[%swap3A_52, %swap3A_53], %mul3A_51 {strides = array<i32>} : memref<20000x64xf32, #tpu.memory_space<vmem>>, vector<10000x64xf32>,
    %get3A_55 = arith.constant 1 : index
    %get3A_56 = memref.load %arg10[%get3A_55] : memref<5xf32, #tpu.memory_space<smem>>
    %mul3A_57 = vector.broadcast %get3A_56 : f32 to vector<10000x64xf32>
    %mul3A_58 = arith.mulf %mul3A_57, %max3A_45 : vector<10000x64xf32>
    %swap3A_59 = arith.constant 10000 : index
    %swap3A_60 = arith.constant 0 : index
    %swap3A_61 = vector.load %arg12[%swap3A_59, %swap3A_60] : memref<20000x64xf32, #tpu.memory_space<vmem>>, vector<10000x64xf32>
    tpu.vector_store %arg12[%swap3A_59, %swap3A_60], %mul3A_58 {strides = array<i32>} : memref<20000x64xf32, #tpu.memory_space<vmem>>, vector<10000x64xf32>,
    %get3A_62 = arith.constant 0 : index
    %get3A_63 = arith.constant 0 : index
    %get3A_64 = vector.load %arg6[%get3A_62, %get3A_63] : memref<64x16xf32, #tpu.memory_space<vmem>>, vector<64x16xf32>
    %dot_general3A_65 = arith.constant dense<0.000000e+00> : vector<10000x16xf32>
    %dot_general3A_66 = tpu.matmul %max3A_45, %get3A_64, %dot_general3A_65 {dimension_numbers = #tpu.dot_dimension_numbers<[1], [0], [0], [1], [0, 0, 1, 1], [], []>, transpose_lhs_hint = false} : vector<10000x64xf32>, vector<64x16xf32>, vector<10000x16xf32> -> vector<10000x16xf32>
    %get3A_67 = arith.constant 0 : index
    %get3A_68 = arith.constant 0 : index
    %get3A_69 = vector.load %arg7[%get3A_67, %get3A_68] : memref<1x16xf32, #tpu.memory_space<vmem>>, vector<1x16xf32>
    %add3A_70 = vector.broadcast %get3A_69 : vector<1x16xf32> to vector<10000x16xf32>
    %add3A_71 = arith.addf %dot_general3A_66, %add3A_70 : vector<10000x16xf32>
    %get3A_72 = arith.constant 0 : index
    %get3A_73 = arith.constant 0 : index
    %get3A_74 = vector.load %arg8[%get3A_72, %get3A_73] : memref<10000x1xi32, #tpu.memory_space<vmem>>, vector<10000x1xi32>
    %swap3A_75 = arith.constant 0 : index
    %swap3A_76 = arith.constant 0 : index
    %swap3A_77 = vector.load %arg14[%swap3A_75, %swap3A_76] : memref<10000x16xf32, #tpu.memory_space<vmem>>, vector<10000x16xf32>
    tpu.vector_store %arg14[%swap3A_75, %swap3A_76], %add3A_71 {strides = array<i32>} : memref<10000x16xf32, #tpu.memory_space<vmem>>, vector<10000x16xf32>,
    %reshape3A = vector.shape_cast %add3A_71 : vector<10000x16xf32> to vector<1250x8x16xf32>
    %reduce_max3A = arith.constant dense<0xFF800000> : vector<1250x16xf32>
    %reduce_max3A_78 = vector.multi_reduction <maximumf>, %reshape3A, %reduce_max3A [1] : vector<1250x8x16xf32> to vector<1250x16xf32>
    %swap3A_79 = arith.constant 0 : index
    %swap3A_80 = arith.constant 0 : index
    %swap3A_81 = vector.load %arg15[%swap3A_79, %swap3A_80] : memref<1250x16xf32, #tpu.memory_space<vmem>>, vector<1250x16xf32>
    tpu.vector_store %arg15[%swap3A_79, %swap3A_80], %reduce_max3A_78 {strides = array<i32>} : memref<1250x16xf32, #tpu.memory_space<vmem>>, vector<1250x16xf32>,
    %reshape3A_82 = vector.shape_cast %reduce_max3A_78 : vector<1250x16xf32> to vector<125x10x16xf32>
    %reduce_max3A_83 = arith.constant dense<0xFF800000> : vector<125x16xf32>
    %reduce_max3A_84 = vector.multi_reduction <maximumf>, %reshape3A_82, %reduce_max3A_83 [1] : vector<125x10x16xf32> to vector<125x16xf32>
    %iota3A = tpu.iota {dimensions = array<i32: 1>} : vector<1x128xi32>
    %lt3A = vector.broadcast %get3A_74 : vector<10000x1xi32> to vector<10000x128xi32>
    %lt3A_85 = vector.broadcast %iota3A : vector<1x128xi32> to vector<10000x128xi32>
    %lt3A_86 = arith.cmpi slt, %lt3A, %lt3A_85 : vector<10000x128xi32>
    %convert_element_type3A = arith.extui %lt3A_86 : vector<10000x128xi1> to vector<10000x128xi32>
    %convert_element_type3A_87 = arith.sitofp %convert_element_type3A : vector<10000x128xi32> to vector<10000x128xf32>
    %reduce_sum3A_88 = arith.constant dense<0.000000e+00> : vector<128xf32>
    %reduce_sum3A_89 = vector.multi_reduction <add>, %convert_element_type3A_87, %reduce_sum3A_88 [0] : vector<10000x128xf32> to vector<128xf32>
    %broadcast_in_dim3A_90 = vector.shape_cast %reduce_sum3A_89 : vector<128xf32> to vector<1x128xf32>
    %convert_element_type3A_91 = arith.fptosi %broadcast_in_dim3A_90 : vector<1x128xf32> to vector<1x128xi32>
    %iota3A_92 = tpu.iota {dimensions = array<i32: 0>} : vector<125x1xi32>
    %mul3A_93 = arith.constant 10 : i32
    %mul3A_94 = vector.broadcast %mul3A_93 : i32 to vector<125x1xi32>
    %mul3A_95 = arith.muli %iota3A_92, %mul3A_94 : vector<125x1xi32>
    %iota3A_96 = tpu.iota {dimensions = array<i32: 0>} : vector<10x1xi32>
    %scan3A = arith.constant 0 : i32
    %scan3A_97 = arith.constant 64 : i32
    %scan3A_98 = arith.addi %scan3A, %scan3A_97 : i32
    %scan3A_99 = arith.constant 1 : i32
    scf.for %scan3A_111 = %scan3A to %scan3A_98 step %scan3A_99  : i32 {
      %eq3A = vector.broadcast %scan3A_111 : i32 to vector<1x128xi32>
      %eq3A_112 = arith.cmpi eq, %iota3A, %eq3A : vector<1x128xi32>
      %jit3A = arith.constant 0 : i32
      %broadcast_in_dim3A_113 = vector.broadcast %jit3A : i32 to vector<1x128xi32>
      %select_n3A = arith.select %eq3A_112, %convert_element_type3A_91, %broadcast_in_dim3A_113 : vector<1x128xi1>, vector<1x128xi32>
      %reduce_sum3A_114 = vector.shape_cast %select_n3A : vector<1x128xi32> to vector<1x1x128xi32>
      %reduce_sum3A_115 = arith.constant dense<0> : vector<1xi32>
      %reduce_sum3A_116 = vector.multi_reduction <add>, %reduce_sum3A_114, %reduce_sum3A_115 [1, 2] : vector<1x1x128xi32> to vector<1xi32>
      %reduce_sum3A_117 = vector.shape_cast %reduce_sum3A_116 : vector<1xi32> to vector<1x1x1xi32>
      %reduce_sum3A_118 = vector.extract %reduce_sum3A_117[0, 0, 0] : i32 from vector<1x1x1xi32>
      %add3A_119 = arith.constant 1 : i32
      %add3A_120 = arith.addi %scan3A_111, %add3A_119 : i32
      %eq3A_121 = vector.broadcast %add3A_120 : i32 to vector<1x128xi32>
      %eq3A_122 = arith.cmpi eq, %iota3A, %eq3A_121 : vector<1x128xi32>
      %jit3A_123 = arith.constant 0 : i32
      %broadcast_in_dim3A_124 = vector.broadcast %jit3A_123 : i32 to vector<1x128xi32>
      %select_n3A_125 = arith.select %eq3A_122, %convert_element_type3A_91, %broadcast_in_dim3A_124 : vector<1x128xi1>, vector<1x128xi32>
      %reduce_sum3A_126 = vector.shape_cast %select_n3A_125 : vector<1x128xi32> to vector<1x1x128xi32>
      %reduce_sum3A_127 = arith.constant dense<0> : vector<1xi32>
      %reduce_sum3A_128 = vector.multi_reduction <add>, %reduce_sum3A_126, %reduce_sum3A_127 [1, 2] : vector<1x1x128xi32> to vector<1xi32>
      %reduce_sum3A_129 = vector.shape_cast %reduce_sum3A_128 : vector<1xi32> to vector<1x1x1xi32>
      %reduce_sum3A_130 = vector.extract %reduce_sum3A_129[0, 0, 0] : i32 from vector<1x1x1xi32>
      %jit3A_131 = arith.constant 8 : i32
      %div3A_132 = arith.divsi %reduce_sum3A_118, %jit3A_131 : i32
      %sign3A = arith.constant 0 : i32
      %sign3A_133 = arith.cmpi sgt, %reduce_sum3A_118, %sign3A : i32
      %sign3A_134 = arith.extui %sign3A_133 : i1 to i32
      %sign3A_135 = arith.constant 0 : i32
      %sign3A_136 = arith.cmpi slt, %reduce_sum3A_118, %sign3A_135 : i32
      %sign3A_137 = arith.extui %sign3A_136 : i1 to i32
      %sign3A_138 = arith.subi %sign3A_134, %sign3A_137 : i32
      %sign3A_139 = arith.constant 0 : i32
      %sign3A_140 = arith.cmpi sgt, %jit3A_131, %sign3A_139 : i32
      %sign3A_141 = arith.extui %sign3A_140 : i1 to i32
      %sign3A_142 = arith.constant 0 : i32
      %sign3A_143 = arith.cmpi slt, %jit3A_131, %sign3A_142 : i32
      %sign3A_144 = arith.extui %sign3A_143 : i1 to i32
      %sign3A_145 = arith.subi %sign3A_141, %sign3A_144 : i32
      %ne3A = arith.cmpi ne, %sign3A_138, %sign3A_145 : i32
      %rem3A = arith.remsi %reduce_sum3A_118, %jit3A_131 : i32
      %ne3A_146 = arith.constant 0 : i32
      %ne3A_147 = arith.cmpi ne, %rem3A, %ne3A_146 : i32
      %and3A = arith.andi %ne3A, %ne3A_147 : i1
      %sub3A_148 = arith.constant 1 : i32
      %sub3A_149 = arith.subi %div3A_132, %sub3A_148 : i32
      %select_n3A_150 = arith.select %and3A, %sub3A_149, %div3A_132 : i32
      %jit3A_151 = arith.constant 0 : i32
      %jit3A_152 = arith.constant 1249 : i32
      %max3A_153 = arith.maxsi %jit3A_151, %select_n3A_150 : i32
      %min3A = arith.minsi %jit3A_152, %max3A_153 : i32
      %sub3A_154 = arith.constant 1 : i32
      %sub3A_155 = arith.subi %reduce_sum3A_130, %sub3A_154 : i32
      %jit3A_156 = arith.constant 8 : i32
      %div3A_157 = arith.divsi %sub3A_155, %jit3A_156 : i32
      %sign3A_158 = arith.constant 0 : i32
      %sign3A_159 = arith.cmpi sgt, %sub3A_155, %sign3A_158 : i32
      %sign3A_160 = arith.extui %sign3A_159 : i1 to i32
      %sign3A_161 = arith.constant 0 : i32
      %sign3A_162 = arith.cmpi slt, %sub3A_155, %sign3A_161 : i32
      %sign3A_163 = arith.extui %sign3A_162 : i1 to i32
      %sign3A_164 = arith.subi %sign3A_160, %sign3A_163 : i32
      %sign3A_165 = arith.constant 0 : i32
      %sign3A_166 = arith.cmpi sgt, %jit3A_156, %sign3A_165 : i32
      %sign3A_167 = arith.extui %sign3A_166 : i1 to i32
      %sign3A_168 = arith.constant 0 : i32
      %sign3A_169 = arith.cmpi slt, %jit3A_156, %sign3A_168 : i32
      %sign3A_170 = arith.extui %sign3A_169 : i1 to i32
      %sign3A_171 = arith.subi %sign3A_167, %sign3A_170 : i32
      %ne3A_172 = arith.cmpi ne, %sign3A_164, %sign3A_171 : i32
      %rem3A_173 = arith.remsi %sub3A_155, %jit3A_156 : i32
      %ne3A_174 = arith.constant 0 : i32
      %ne3A_175 = arith.cmpi ne, %rem3A_173, %ne3A_174 : i32
      %and3A_176 = arith.andi %ne3A_172, %ne3A_175 : i1
      %sub3A_177 = arith.constant 1 : i32
      %sub3A_178 = arith.subi %div3A_157, %sub3A_177 : i32
      %select_n3A_179 = arith.select %and3A_176, %sub3A_178, %div3A_157 : i32
      %jit3A_180 = arith.constant 0 : i32
      %jit3A_181 = arith.constant 1249 : i32
      %max3A_182 = arith.maxsi %jit3A_180, %select_n3A_179 : i32
      %min3A_183 = arith.minsi %jit3A_181, %max3A_182 : i32
      %gt3A = vector.broadcast %min3A : i32 to vector<125x1xi32>
      %gt3A_184 = arith.cmpi sgt, %mul3A_95, %gt3A : vector<125x1xi32>
      %add3A_185 = arith.constant 9 : i32
      %add3A_186 = vector.broadcast %add3A_185 : i32 to vector<125x1xi32>
      %add3A_187 = arith.addi %mul3A_95, %add3A_186 : vector<125x1xi32>
      %lt3A_188 = vector.broadcast %min3A_183 : i32 to vector<125x1xi32>
      %lt3A_189 = arith.cmpi slt, %add3A_187, %lt3A_188 : vector<125x1xi32>
      %and3A_190 = arith.andi %gt3A_184, %lt3A_189 : vector<125x1xi1>
      %jit3A_191 = arith.constant 0xFF800000 : f32
      %broadcast_in_dim3A_192 = vector.shape_cast %and3A_190 : vector<125x1xi1> to vector<125x1xi1>
      %broadcast_in_dim3A_193 = vector.broadcast %broadcast_in_dim3A_192 : vector<125x1xi1> to vector<125x16xi1>
      %broadcast_in_dim3A_194 = vector.broadcast %jit3A_191 : f32 to vector<125x16xf32>
      %select_n3A_195 = arith.select %broadcast_in_dim3A_193, %reduce_max3A_84, %broadcast_in_dim3A_194 : vector<125x16xi1>, vector<125x16xf32>
      %reduce_max3A_196 = arith.constant dense<0xFF800000> : vector<16xf32>
      %reduce_max3A_197 = vector.multi_reduction <maximumf>, %select_n3A_195, %reduce_max3A_196 [0] : vector<125x16xf32> to vector<16xf32>
      %broadcast_in_dim3A_198 = vector.shape_cast %reduce_max3A_197 : vector<16xf32> to vector<1x16xf32>
      %add3A_199 = arith.constant 1 : i32
      %add3A_200 = arith.addi %min3A, %add3A_199 : i32
      %jit3A_201 = arith.constant 10 : i32
      %div3A_202 = arith.divsi %add3A_200, %jit3A_201 : i32
      %sign3A_203 = arith.constant 0 : i32
      %sign3A_204 = arith.cmpi sgt, %add3A_200, %sign3A_203 : i32
      %sign3A_205 = arith.extui %sign3A_204 : i1 to i32
      %sign3A_206 = arith.constant 0 : i32
      %sign3A_207 = arith.cmpi slt, %add3A_200, %sign3A_206 : i32
      %sign3A_208 = arith.extui %sign3A_207 : i1 to i32
      %sign3A_209 = arith.subi %sign3A_205, %sign3A_208 : i32
      %sign3A_210 = arith.constant 0 : i32
      %sign3A_211 = arith.cmpi sgt, %jit3A_201, %sign3A_210 : i32
      %sign3A_212 = arith.extui %sign3A_211 : i1 to i32
      %sign3A_213 = arith.constant 0 : i32
      %sign3A_214 = arith.cmpi slt, %jit3A_201, %sign3A_213 : i32
      %sign3A_215 = arith.extui %sign3A_214 : i1 to i32
      %sign3A_216 = arith.subi %sign3A_212, %sign3A_215 : i32
      %ne3A_217 = arith.cmpi ne, %sign3A_209, %sign3A_216 : i32
      %rem3A_218 = arith.remsi %add3A_200, %jit3A_201 : i32
      %ne3A_219 = arith.constant 0 : i32
      %ne3A_220 = arith.cmpi ne, %rem3A_218, %ne3A_219 : i32
      %and3A_221 = arith.andi %ne3A_217, %ne3A_220 : i1
      %sub3A_222 = arith.constant 1 : i32
      %sub3A_223 = arith.subi %div3A_202, %sub3A_222 : i32
      %select_n3A_224 = arith.select %and3A_221, %sub3A_223, %div3A_202 : i32
      %jit3A_225 = arith.constant 0 : i32
      %jit3A_226 = arith.constant 124 : i32
      %max3A_227 = arith.maxsi %jit3A_225, %select_n3A_224 : i32
      %min3A_228 = arith.minsi %jit3A_226, %max3A_227 : i32
      %sub3A_229 = arith.constant 1 : i32
      %sub3A_230 = arith.subi %min3A_183, %sub3A_229 : i32
      %jit3A_231 = arith.constant 10 : i32
      %div3A_232 = arith.divsi %sub3A_230, %jit3A_231 : i32
      %sign3A_233 = arith.constant 0 : i32
      %sign3A_234 = arith.cmpi sgt, %sub3A_230, %sign3A_233 : i32
      %sign3A_235 = arith.extui %sign3A_234 : i1 to i32
      %sign3A_236 = arith.constant 0 : i32
      %sign3A_237 = arith.cmpi slt, %sub3A_230, %sign3A_236 : i32
      %sign3A_238 = arith.extui %sign3A_237 : i1 to i32
      %sign3A_239 = arith.subi %sign3A_235, %sign3A_238 : i32
      %sign3A_240 = arith.constant 0 : i32
      %sign3A_241 = arith.cmpi sgt, %jit3A_231, %sign3A_240 : i32
      %sign3A_242 = arith.extui %sign3A_241 : i1 to i32
      %sign3A_243 = arith.constant 0 : i32
      %sign3A_244 = arith.cmpi slt, %jit3A_231, %sign3A_243 : i32
      %sign3A_245 = arith.extui %sign3A_244 : i1 to i32
      %sign3A_246 = arith.subi %sign3A_242, %sign3A_245 : i32
      %ne3A_247 = arith.cmpi ne, %sign3A_239, %sign3A_246 : i32
      %rem3A_248 = arith.remsi %sub3A_230, %jit3A_231 : i32
      %ne3A_249 = arith.constant 0 : i32
      %ne3A_250 = arith.cmpi ne, %rem3A_248, %ne3A_249 : i32
      %and3A_251 = arith.andi %ne3A_247, %ne3A_250 : i1
      %sub3A_252 = arith.constant 1 : i32
      %sub3A_253 = arith.subi %div3A_232, %sub3A_252 : i32
      %select_n3A_254 = arith.select %and3A_251, %sub3A_253, %div3A_232 : i32
      %jit3A_255 = arith.constant 0 : i32
      %jit3A_256 = arith.constant 124 : i32
      %max3A_257 = arith.maxsi %jit3A_255, %select_n3A_254 : i32
      %min3A_258 = arith.minsi %jit3A_256, %max3A_257 : i32
      %mul3A_259 = arith.constant 10 : i32
      %mul3A_260 = arith.muli %min3A_228, %mul3A_259 : i32
      %get3A_261 = arith.index_cast %mul3A_260 : i32 to index
      %get3A_262 = arith.constant 0 : index
      %get3A_263 = vector.load %arg15[%get3A_261, %get3A_262] : memref<1250x16xf32, #tpu.memory_space<vmem>>, vector<10x16xf32>
      %mul3A_264 = arith.constant 10 : i32
      %mul3A_265 = arith.muli %min3A_228, %mul3A_264 : i32
      %add3A_266 = vector.broadcast %mul3A_265 : i32 to vector<10x1xi32>
      %add3A_267 = arith.addi %add3A_266, %iota3A_96 : vector<10x1xi32>
      %gt3A_268 = vector.broadcast %min3A : i32 to vector<10x1xi32>
      %gt3A_269 = arith.cmpi sgt, %add3A_267, %gt3A_268 : vector<10x1xi32>
      %lt3A_270 = vector.broadcast %min3A_183 : i32 to vector<10x1xi32>
      %lt3A_271 = arith.cmpi slt, %add3A_267, %lt3A_270 : vector<10x1xi32>
      %and3A_272 = arith.andi %gt3A_269, %lt3A_271 : vector<10x1xi1>
      %jit3A_273 = arith.constant 0xFF800000 : f32
      %broadcast_in_dim3A_274 = vector.shape_cast %and3A_272 : vector<10x1xi1> to vector<10x1xi1>
      %broadcast_in_dim3A_275 = vector.broadcast %broadcast_in_dim3A_274 : vector<10x1xi1> to vector<10x16xi1>
      %broadcast_in_dim3A_276 = vector.broadcast %jit3A_273 : f32 to vector<10x16xf32>
      %select_n3A_277 = arith.select %broadcast_in_dim3A_275, %get3A_263, %broadcast_in_dim3A_276 : vector<10x16xi1>, vector<10x16xf32>
      %reduce_max3A_278 = arith.constant dense<0xFF800000> : vector<16xf32>
      %reduce_max3A_279 = vector.multi_reduction <maximumf>, %select_n3A_277, %reduce_max3A_278 [0] : vector<10x16xf32> to vector<16xf32>
      %broadcast_in_dim3A_280 = vector.shape_cast %reduce_max3A_279 : vector<16xf32> to vector<1x16xf32>
      %max3A_281 = arith.maximumf %broadcast_in_dim3A_198, %broadcast_in_dim3A_280 : vector<1x16xf32>
      %mul3A_282 = arith.constant 10 : i32
      %mul3A_283 = arith.muli %min3A_258, %mul3A_282 : i32
      %get3A_284 = arith.index_cast %mul3A_283 : i32 to index
      %get3A_285 = arith.constant 0 : index
      %get3A_286 = vector.load %arg15[%get3A_284, %get3A_285] : memref<1250x16xf32, #tpu.memory_space<vmem>>, vector<10x16xf32>
      %mul3A_287 = arith.constant 10 : i32
      %mul3A_288 = arith.muli %min3A_258, %mul3A_287 : i32
      %add3A_289 = vector.broadcast %mul3A_288 : i32 to vector<10x1xi32>
      %add3A_290 = arith.addi %add3A_289, %iota3A_96 : vector<10x1xi32>
      %gt3A_291 = vector.broadcast %min3A : i32 to vector<10x1xi32>
      %gt3A_292 = arith.cmpi sgt, %add3A_290, %gt3A_291 : vector<10x1xi32>
      %lt3A_293 = vector.broadcast %min3A_183 : i32 to vector<10x1xi32>
      %lt3A_294 = arith.cmpi slt, %add3A_290, %lt3A_293 : vector<10x1xi32>
      %and3A_295 = arith.andi %gt3A_292, %lt3A_294 : vector<10x1xi1>
      %jit3A_296 = arith.constant 0xFF800000 : f32
      %broadcast_in_dim3A_297 = vector.shape_cast %and3A_295 : vector<10x1xi1> to vector<10x1xi1>
      %broadcast_in_dim3A_298 = vector.broadcast %broadcast_in_dim3A_297 : vector<10x1xi1> to vector<10x16xi1>
      %broadcast_in_dim3A_299 = vector.broadcast %jit3A_296 : f32 to vector<10x16xf32>
      %select_n3A_300 = arith.select %broadcast_in_dim3A_298, %get3A_286, %broadcast_in_dim3A_299 : vector<10x16xi1>, vector<10x16xf32>
      %reduce_max3A_301 = arith.constant dense<0xFF800000> : vector<16xf32>
      %reduce_max3A_302 = vector.multi_reduction <maximumf>, %select_n3A_300, %reduce_max3A_301 [0] : vector<10x16xf32> to vector<16xf32>
      %broadcast_in_dim3A_303 = vector.shape_cast %reduce_max3A_302 : vector<16xf32> to vector<1x16xf32>
      %max3A_304 = arith.maximumf %max3A_281, %broadcast_in_dim3A_303 : vector<1x16xf32>
      %mul3A_305 = arith.constant 8 : i32
      %mul3A_306 = arith.muli %min3A, %mul3A_305 : i32
      %get3A_307 = arith.index_cast %mul3A_306 : i32 to index
      %get3A_308 = arith.constant 0 : index
      %get3A_309 = vector.load %arg14[%get3A_307, %get3A_308] : memref<10000x16xf32, #tpu.memory_space<vmem>>, vector<8x16xf32>
      %mul3A_310 = arith.constant 8 : i32
      %mul3A_311 = arith.muli %min3A, %mul3A_310 : i32
      %get3A_312 = arith.index_cast %mul3A_311 : i32 to index
      %get3A_313 = arith.constant 0 : index
      %get3A_314 = vector.load %arg8[%get3A_312, %get3A_313] : memref<10000x1xi32, #tpu.memory_space<vmem>>, vector<8x1xi32>
      %eq3A_315 = vector.broadcast %scan3A_111 : i32 to vector<8x1xi32>
      %eq3A_316 = arith.cmpi eq, %get3A_314, %eq3A_315 : vector<8x1xi32>
      %jit3A_317 = arith.constant 0xFF800000 : f32
      %broadcast_in_dim3A_318 = vector.shape_cast %eq3A_316 : vector<8x1xi1> to vector<8x1xi1>
      %broadcast_in_dim3A_319 = vector.broadcast %broadcast_in_dim3A_318 : vector<8x1xi1> to vector<8x16xi1>
      %broadcast_in_dim3A_320 = vector.broadcast %jit3A_317 : f32 to vector<8x16xf32>
      %select_n3A_321 = arith.select %broadcast_in_dim3A_319, %get3A_309, %broadcast_in_dim3A_320 : vector<8x16xi1>, vector<8x16xf32>
      %reduce_max3A_322 = arith.constant dense<0xFF800000> : vector<16xf32>
      %reduce_max3A_323 = vector.multi_reduction <maximumf>, %select_n3A_321, %reduce_max3A_322 [0] : vector<8x16xf32> to vector<16xf32>
      %broadcast_in_dim3A_324 = vector.shape_cast %reduce_max3A_323 : vector<16xf32> to vector<1x16xf32>
      %max3A_325 = arith.maximumf %max3A_304, %broadcast_in_dim3A_324 : vector<1x16xf32>
      %mul3A_326 = arith.constant 8 : i32
      %mul3A_327 = arith.muli %min3A_183, %mul3A_326 : i32
      %get3A_328 = arith.index_cast %mul3A_327 : i32 to index
      %get3A_329 = arith.constant 0 : index
      %get3A_330 = vector.load %arg14[%get3A_328, %get3A_329] : memref<10000x16xf32, #tpu.memory_space<vmem>>, vector<8x16xf32>
      %mul3A_331 = arith.constant 8 : i32
      %mul3A_332 = arith.muli %min3A_183, %mul3A_331 : i32
      %get3A_333 = arith.index_cast %mul3A_332 : i32 to index
      %get3A_334 = arith.constant 0 : index
      %get3A_335 = vector.load %arg8[%get3A_333, %get3A_334] : memref<10000x1xi32, #tpu.memory_space<vmem>>, vector<8x1xi32>
      %eq3A_336 = vector.broadcast %scan3A_111 : i32 to vector<8x1xi32>
      %eq3A_337 = arith.cmpi eq, %get3A_335, %eq3A_336 : vector<8x1xi32>
      %jit3A_338 = arith.constant 0xFF800000 : f32
      %broadcast_in_dim3A_339 = vector.shape_cast %eq3A_337 : vector<8x1xi1> to vector<8x1xi1>
      %broadcast_in_dim3A_340 = vector.broadcast %broadcast_in_dim3A_339 : vector<8x1xi1> to vector<8x16xi1>
      %broadcast_in_dim3A_341 = vector.broadcast %jit3A_338 : f32 to vector<8x16xf32>
      %select_n3A_342 = arith.select %broadcast_in_dim3A_340, %get3A_330, %broadcast_in_dim3A_341 : vector<8x16xi1>, vector<8x16xf32>
      %reduce_max3A_343 = arith.constant dense<0xFF800000> : vector<16xf32>
      %reduce_max3A_344 = vector.multi_reduction <maximumf>, %select_n3A_342, %reduce_max3A_343 [0] : vector<8x16xf32> to vector<16xf32>
      %broadcast_in_dim3A_345 = vector.shape_cast %reduce_max3A_344 : vector<16xf32> to vector<1x16xf32>
      %max3A_346 = arith.maximumf %max3A_325, %broadcast_in_dim3A_345 : vector<1x16xf32>
      %swap3A_347 = arith.index_cast %scan3A_111 : i32 to index
      %swap3A_348 = arith.constant 0 : index
      %swap3A_349 = vector.load %arg13[%swap3A_347, %swap3A_348] : memref<64x16xf32, #tpu.memory_space<vmem>>, vector<1x16xf32>
      tpu.vector_store %arg13[%swap3A_347, %swap3A_348], %max3A_346 {strides = array<i32>} : memref<64x16xf32, #tpu.memory_space<vmem>>, vector<1x16xf32>,
    }
    %scan3A_100 = arith.constant 64 : i32
    %get3A_101 = arith.constant 0 : index
    %get3A_102 = arith.constant 0 : index
    %get3A_103 = vector.load %arg13[%get3A_101, %get3A_102] : memref<64x16xf32, #tpu.memory_space<vmem>>, vector<64x16xf32>
    %get3A_104 = arith.constant 0 : index
    %get3A_105 = arith.constant 0 : index
    %get3A_106 = vector.load %arg9[%get3A_104, %get3A_105] : memref<64x16xf32, #tpu.memory_space<vmem>>, vector<64x16xf32>
    %add3A_107 = arith.addf %get3A_103, %get3A_106 : vector<64x16xf32>
    %swap3A_108 = arith.constant 0 : index
    %swap3A_109 = arith.constant 0 : index
    %swap3A_110 = vector.load %arg13[%swap3A_108, %swap3A_109] : memref<64x16xf32, #tpu.memory_space<vmem>>, vector<64x16xf32>
    tpu.vector_store %arg13[%swap3A_108, %swap3A_109], %add3A_107 {strides = array<i32>} : memref<64x16xf32, #tpu.memory_space<vmem>>, vector<64x16xf32>,
    return
  }
}

module attributes {stable_mosaic.version = 14 : i64} {
  func.func @_stage2_body(%arg0: memref<10000x64xf32, #tpu.memory_space<vmem>>, %arg1: memref<20480x128xf32, #tpu.memory_space<vmem>>, %arg2: memref<64x64xf32, #tpu.memory_space<vmem>>, %arg3: memref<1x64xf32, #tpu.memory_space<vmem>>, %arg4: memref<1x64xf32, #tpu.memory_space<vmem>>, %arg5: memref<1x64xf32, #tpu.memory_space<vmem>>, %arg6: memref<64x16xf32, #tpu.memory_space<vmem>>, %arg7: memref<1x16xf32, #tpu.memory_space<vmem>>, %arg8: memref<10000x1xi32, #tpu.memory_space<vmem>>, %arg9: memref<64x16xf32, #tpu.memory_space<vmem>>, %arg10: memref<64x16xf32, #tpu.memory_space<vmem>>, %arg11: memref<10000x16xf32, #tpu.memory_space<vmem>>, %arg12: memref<1250x16xf32, #tpu.memory_space<vmem>>) attributes {dimension_semantics = [], scalar_prefetch = 0 : i64, scratch_operands = 2 : i64, tpu.core_type = #tpu.core_type<tc>} {
    %get3A = arith.constant 0 : index
    %get3A_0 = arith.constant 0 : index
    %get3A_1 = vector.load %arg1[%get3A, %get3A_0] : memref<20480x128xf32, #tpu.memory_space<vmem>>, vector<10000x64xf32>
    %get3A_2 = arith.constant 10240 : index
    %get3A_3 = arith.constant 0 : index
    %get3A_4 = vector.load %arg1[%get3A_2, %get3A_3] : memref<20480x128xf32, #tpu.memory_space<vmem>>, vector<10000x64xf32>
    %add3A = arith.addf %get3A_1, %get3A_4 : vector<10000x64xf32>
    %get3A_5 = arith.constant 0 : index
    %get3A_6 = arith.constant 0 : index
    %get3A_7 = vector.load %arg0[%get3A_5, %get3A_6] : memref<10000x64xf32, #tpu.memory_space<vmem>>, vector<10000x64xf32>
    %add3A_8 = arith.addf %get3A_7, %add3A : vector<10000x64xf32>
    %get3A_9 = arith.constant 0 : index
    %get3A_10 = arith.constant 0 : index
    %get3A_11 = vector.load %arg2[%get3A_9, %get3A_10] : memref<64x64xf32, #tpu.memory_space<vmem>>, vector<64x64xf32>
    %dot_general3A = arith.constant dense<0.000000e+00> : vector<10000x64xf32>
    %dot_general3A_12 = tpu.matmul %add3A_8, %get3A_11, %dot_general3A {dimension_numbers = #tpu.dot_dimension_numbers<[1], [0], [0], [1], [0, 0, 1, 1], [], []>, transpose_lhs_hint = false} : vector<10000x64xf32>, vector<64x64xf32>, vector<10000x64xf32> -> vector<10000x64xf32>
    %get3A_13 = arith.constant 0 : index
    %get3A_14 = arith.constant 0 : index
    %get3A_15 = vector.load %arg3[%get3A_13, %get3A_14] : memref<1x64xf32, #tpu.memory_space<vmem>>, vector<1x64xf32>
    %add3A_16 = vector.broadcast %get3A_15 : vector<1x64xf32> to vector<10000x64xf32>
    %add3A_17 = arith.addf %dot_general3A_12, %add3A_16 : vector<10000x64xf32>
    %get3A_18 = arith.constant 0 : index
    %get3A_19 = arith.constant 0 : index
    %get3A_20 = vector.load %arg4[%get3A_18, %get3A_19] : memref<1x64xf32, #tpu.memory_space<vmem>>, vector<1x64xf32>
    %get3A_21 = arith.constant 0 : index
    %get3A_22 = arith.constant 0 : index
    %get3A_23 = vector.load %arg5[%get3A_21, %get3A_22] : memref<1x64xf32, #tpu.memory_space<vmem>>, vector<1x64xf32>
    %reduce_sum3A = arith.constant dense<0.000000e+00> : vector<64xf32>
    %reduce_sum3A_24 = vector.multi_reduction <add>, %add3A_17, %reduce_sum3A [0] : vector<10000x64xf32> to vector<64xf32>
    %broadcast_in_dim3A = vector.shape_cast %reduce_sum3A_24 : vector<64xf32> to vector<1x64xf32>
    %div3A = arith.constant 1.000000e+04 : f32
    %div3A_25 = vector.broadcast %div3A : f32 to vector<1x64xf32>
    %div3A_26 = arith.divf %broadcast_in_dim3A, %div3A_25 : vector<1x64xf32>
    %sub3A = vector.broadcast %div3A_26 : vector<1x64xf32> to vector<10000x64xf32>
    %sub3A_27 = arith.subf %add3A_17, %sub3A : vector<10000x64xf32>
    %integer_pow3A = arith.mulf %sub3A_27, %sub3A_27 : vector<10000x64xf32>
    %reduce_sum3A_28 = arith.constant dense<0.000000e+00> : vector<64xf32>
    %reduce_sum3A_29 = vector.multi_reduction <add>, %integer_pow3A, %reduce_sum3A_28 [0] : vector<10000x64xf32> to vector<64xf32>
    %broadcast_in_dim3A_30 = vector.shape_cast %reduce_sum3A_29 : vector<64xf32> to vector<1x64xf32>
    %div3A_31 = arith.constant 1.000000e+04 : f32
    %div3A_32 = vector.broadcast %div3A_31 : f32 to vector<1x64xf32>
    %div3A_33 = arith.divf %broadcast_in_dim3A_30, %div3A_32 : vector<1x64xf32>
    %sub3A_34 = vector.broadcast %div3A_26 : vector<1x64xf32> to vector<10000x64xf32>
    %sub3A_35 = arith.subf %add3A_17, %sub3A_34 : vector<10000x64xf32>
    %mul3A = vector.broadcast %get3A_20 : vector<1x64xf32> to vector<10000x64xf32>
    %mul3A_36 = arith.mulf %mul3A, %sub3A_35 : vector<10000x64xf32>
    %add3A_37 = arith.constant 9.99999974E-6 : f32
    %add3A_38 = vector.broadcast %add3A_37 : f32 to vector<1x64xf32>
    %add3A_39 = arith.addf %div3A_33, %add3A_38 : vector<1x64xf32>
    %rsqrt3A = math.rsqrt %add3A_39 : vector<1x64xf32>
    %mul3A_40 = vector.broadcast %rsqrt3A : vector<1x64xf32> to vector<10000x64xf32>
    %mul3A_41 = arith.mulf %mul3A_36, %mul3A_40 : vector<10000x64xf32>
    %add3A_42 = vector.broadcast %get3A_23 : vector<1x64xf32> to vector<10000x64xf32>
    %add3A_43 = arith.addf %mul3A_41, %add3A_42 : vector<10000x64xf32>
    %max3A = arith.constant 0.000000e+00 : f32
    %max3A_44 = vector.broadcast %max3A : f32 to vector<10000x64xf32>
    %max3A_45 = arith.maximumf %add3A_43, %max3A_44 : vector<10000x64xf32>
    %get3A_46 = arith.constant 0 : index
    %get3A_47 = arith.constant 0 : index
    %get3A_48 = vector.load %arg6[%get3A_46, %get3A_47] : memref<64x16xf32, #tpu.memory_space<vmem>>, vector<64x16xf32>
    %dot_general3A_49 = arith.constant dense<0.000000e+00> : vector<10000x16xf32>
    %dot_general3A_50 = tpu.matmul %max3A_45, %get3A_48, %dot_general3A_49 {dimension_numbers = #tpu.dot_dimension_numbers<[1], [0], [0], [1], [0, 0, 1, 1], [], []>, transpose_lhs_hint = false} : vector<10000x64xf32>, vector<64x16xf32>, vector<10000x16xf32> -> vector<10000x16xf32>
    %get3A_51 = arith.constant 0 : index
    %get3A_52 = arith.constant 0 : index
    %get3A_53 = vector.load %arg7[%get3A_51, %get3A_52] : memref<1x16xf32, #tpu.memory_space<vmem>>, vector<1x16xf32>
    %add3A_54 = vector.broadcast %get3A_53 : vector<1x16xf32> to vector<10000x16xf32>
    %add3A_55 = arith.addf %dot_general3A_50, %add3A_54 : vector<10000x16xf32>
    %get3A_56 = arith.constant 0 : index
    %get3A_57 = arith.constant 0 : index
    %get3A_58 = vector.load %arg8[%get3A_56, %get3A_57] : memref<10000x1xi32, #tpu.memory_space<vmem>>, vector<10000x1xi32>
    %swap3A = arith.constant 0 : index
    %swap3A_59 = arith.constant 0 : index
    %swap3A_60 = vector.load %arg11[%swap3A, %swap3A_59] : memref<10000x16xf32, #tpu.memory_space<vmem>>, vector<10000x16xf32>
    tpu.vector_store %arg11[%swap3A, %swap3A_59], %add3A_55 {strides = array<i32>} : memref<10000x16xf32, #tpu.memory_space<vmem>>, vector<10000x16xf32>,
    %reshape3A = vector.shape_cast %add3A_55 : vector<10000x16xf32> to vector<1250x8x16xf32>
    %reduce_max3A = arith.constant dense<0xFF800000> : vector<1250x16xf32>
    %reduce_max3A_61 = vector.multi_reduction <maximumf>, %reshape3A, %reduce_max3A [1] : vector<1250x8x16xf32> to vector<1250x16xf32>
    %swap3A_62 = arith.constant 0 : index
    %swap3A_63 = arith.constant 0 : index
    %swap3A_64 = vector.load %arg12[%swap3A_62, %swap3A_63] : memref<1250x16xf32, #tpu.memory_space<vmem>>, vector<1250x16xf32>
    tpu.vector_store %arg12[%swap3A_62, %swap3A_63], %reduce_max3A_61 {strides = array<i32>} : memref<1250x16xf32, #tpu.memory_space<vmem>>, vector<1250x16xf32>,
    %reshape3A_65 = vector.shape_cast %reduce_max3A_61 : vector<1250x16xf32> to vector<125x10x16xf32>
    %reduce_max3A_66 = arith.constant dense<0xFF800000> : vector<125x16xf32>
    %reduce_max3A_67 = vector.multi_reduction <maximumf>, %reshape3A_65, %reduce_max3A_66 [1] : vector<125x10x16xf32> to vector<125x16xf32>
    %iota3A = tpu.iota {dimensions = array<i32: 1>} : vector<1x128xi32>
    %lt3A = vector.broadcast %get3A_58 : vector<10000x1xi32> to vector<10000x128xi32>
    %lt3A_68 = vector.broadcast %iota3A : vector<1x128xi32> to vector<10000x128xi32>
    %lt3A_69 = arith.cmpi slt, %lt3A, %lt3A_68 : vector<10000x128xi32>
    %convert_element_type3A = arith.extui %lt3A_69 : vector<10000x128xi1> to vector<10000x128xi32>
    %convert_element_type3A_70 = arith.sitofp %convert_element_type3A : vector<10000x128xi32> to vector<10000x128xf32>
    %reduce_sum3A_71 = arith.constant dense<0.000000e+00> : vector<128xf32>
    %reduce_sum3A_72 = vector.multi_reduction <add>, %convert_element_type3A_70, %reduce_sum3A_71 [0] : vector<10000x128xf32> to vector<128xf32>
    %broadcast_in_dim3A_73 = vector.shape_cast %reduce_sum3A_72 : vector<128xf32> to vector<1x128xf32>
    %convert_element_type3A_74 = arith.fptosi %broadcast_in_dim3A_73 : vector<1x128xf32> to vector<1x128xi32>
    %iota3A_75 = tpu.iota {dimensions = array<i32: 0>} : vector<125x1xi32>
    %mul3A_76 = arith.constant 10 : i32
    %mul3A_77 = vector.broadcast %mul3A_76 : i32 to vector<125x1xi32>
    %mul3A_78 = arith.muli %iota3A_75, %mul3A_77 : vector<125x1xi32>
    %iota3A_79 = tpu.iota {dimensions = array<i32: 0>} : vector<10x1xi32>
    %scan3A = arith.constant 0 : i32
    %scan3A_80 = arith.constant 64 : i32
    %scan3A_81 = arith.addi %scan3A, %scan3A_80 : i32
    %scan3A_82 = arith.constant 1 : i32
    scf.for %scan3A_94 = %scan3A to %scan3A_81 step %scan3A_82  : i32 {
      %eq3A = vector.broadcast %scan3A_94 : i32 to vector<1x128xi32>
      %eq3A_95 = arith.cmpi eq, %iota3A, %eq3A : vector<1x128xi32>
      %jit3A = arith.constant 0 : i32
      %broadcast_in_dim3A_96 = vector.broadcast %jit3A : i32 to vector<1x128xi32>
      %select_n3A = arith.select %eq3A_95, %convert_element_type3A_74, %broadcast_in_dim3A_96 : vector<1x128xi1>, vector<1x128xi32>
      %reduce_sum3A_97 = vector.shape_cast %select_n3A : vector<1x128xi32> to vector<1x1x128xi32>
      %reduce_sum3A_98 = arith.constant dense<0> : vector<1xi32>
      %reduce_sum3A_99 = vector.multi_reduction <add>, %reduce_sum3A_97, %reduce_sum3A_98 [1, 2] : vector<1x1x128xi32> to vector<1xi32>
      %reduce_sum3A_100 = vector.shape_cast %reduce_sum3A_99 : vector<1xi32> to vector<1x1x1xi32>
      %reduce_sum3A_101 = vector.extract %reduce_sum3A_100[0, 0, 0] : i32 from vector<1x1x1xi32>
      %add3A_102 = arith.constant 1 : i32
      %add3A_103 = arith.addi %scan3A_94, %add3A_102 : i32
      %eq3A_104 = vector.broadcast %add3A_103 : i32 to vector<1x128xi32>
      %eq3A_105 = arith.cmpi eq, %iota3A, %eq3A_104 : vector<1x128xi32>
      %jit3A_106 = arith.constant 0 : i32
      %broadcast_in_dim3A_107 = vector.broadcast %jit3A_106 : i32 to vector<1x128xi32>
      %select_n3A_108 = arith.select %eq3A_105, %convert_element_type3A_74, %broadcast_in_dim3A_107 : vector<1x128xi1>, vector<1x128xi32>
      %reduce_sum3A_109 = vector.shape_cast %select_n3A_108 : vector<1x128xi32> to vector<1x1x128xi32>
      %reduce_sum3A_110 = arith.constant dense<0> : vector<1xi32>
      %reduce_sum3A_111 = vector.multi_reduction <add>, %reduce_sum3A_109, %reduce_sum3A_110 [1, 2] : vector<1x1x128xi32> to vector<1xi32>
      %reduce_sum3A_112 = vector.shape_cast %reduce_sum3A_111 : vector<1xi32> to vector<1x1x1xi32>
      %reduce_sum3A_113 = vector.extract %reduce_sum3A_112[0, 0, 0] : i32 from vector<1x1x1xi32>
      %jit3A_114 = arith.constant 8 : i32
      %div3A_115 = arith.divsi %reduce_sum3A_101, %jit3A_114 : i32
      %sign3A = arith.constant 0 : i32
      %sign3A_116 = arith.cmpi sgt, %reduce_sum3A_101, %sign3A : i32
      %sign3A_117 = arith.extui %sign3A_116 : i1 to i32
      %sign3A_118 = arith.constant 0 : i32
      %sign3A_119 = arith.cmpi slt, %reduce_sum3A_101, %sign3A_118 : i32
      %sign3A_120 = arith.extui %sign3A_119 : i1 to i32
      %sign3A_121 = arith.subi %sign3A_117, %sign3A_120 : i32
      %sign3A_122 = arith.constant 0 : i32
      %sign3A_123 = arith.cmpi sgt, %jit3A_114, %sign3A_122 : i32
      %sign3A_124 = arith.extui %sign3A_123 : i1 to i32
      %sign3A_125 = arith.constant 0 : i32
      %sign3A_126 = arith.cmpi slt, %jit3A_114, %sign3A_125 : i32
      %sign3A_127 = arith.extui %sign3A_126 : i1 to i32
      %sign3A_128 = arith.subi %sign3A_124, %sign3A_127 : i32
      %ne3A = arith.cmpi ne, %sign3A_121, %sign3A_128 : i32
      %rem3A = arith.remsi %reduce_sum3A_101, %jit3A_114 : i32
      %ne3A_129 = arith.constant 0 : i32
      %ne3A_130 = arith.cmpi ne, %rem3A, %ne3A_129 : i32
      %and3A = arith.andi %ne3A, %ne3A_130 : i1
      %sub3A_131 = arith.constant 1 : i32
      %sub3A_132 = arith.subi %div3A_115, %sub3A_131 : i32
      %select_n3A_133 = arith.select %and3A, %sub3A_132, %div3A_115 : i32
      %jit3A_134 = arith.constant 0 : i32
      %jit3A_135 = arith.constant 1249 : i32
      %max3A_136 = arith.maxsi %jit3A_134, %select_n3A_133 : i32
      %min3A = arith.minsi %jit3A_135, %max3A_136 : i32
      %sub3A_137 = arith.constant 1 : i32
      %sub3A_138 = arith.subi %reduce_sum3A_113, %sub3A_137 : i32
      %jit3A_139 = arith.constant 8 : i32
      %div3A_140 = arith.divsi %sub3A_138, %jit3A_139 : i32
      %sign3A_141 = arith.constant 0 : i32
      %sign3A_142 = arith.cmpi sgt, %sub3A_138, %sign3A_141 : i32
      %sign3A_143 = arith.extui %sign3A_142 : i1 to i32
      %sign3A_144 = arith.constant 0 : i32
      %sign3A_145 = arith.cmpi slt, %sub3A_138, %sign3A_144 : i32
      %sign3A_146 = arith.extui %sign3A_145 : i1 to i32
      %sign3A_147 = arith.subi %sign3A_143, %sign3A_146 : i32
      %sign3A_148 = arith.constant 0 : i32
      %sign3A_149 = arith.cmpi sgt, %jit3A_139, %sign3A_148 : i32
      %sign3A_150 = arith.extui %sign3A_149 : i1 to i32
      %sign3A_151 = arith.constant 0 : i32
      %sign3A_152 = arith.cmpi slt, %jit3A_139, %sign3A_151 : i32
      %sign3A_153 = arith.extui %sign3A_152 : i1 to i32
      %sign3A_154 = arith.subi %sign3A_150, %sign3A_153 : i32
      %ne3A_155 = arith.cmpi ne, %sign3A_147, %sign3A_154 : i32
      %rem3A_156 = arith.remsi %sub3A_138, %jit3A_139 : i32
      %ne3A_157 = arith.constant 0 : i32
      %ne3A_158 = arith.cmpi ne, %rem3A_156, %ne3A_157 : i32
      %and3A_159 = arith.andi %ne3A_155, %ne3A_158 : i1
      %sub3A_160 = arith.constant 1 : i32
      %sub3A_161 = arith.subi %div3A_140, %sub3A_160 : i32
      %select_n3A_162 = arith.select %and3A_159, %sub3A_161, %div3A_140 : i32
      %jit3A_163 = arith.constant 0 : i32
      %jit3A_164 = arith.constant 1249 : i32
      %max3A_165 = arith.maxsi %jit3A_163, %select_n3A_162 : i32
      %min3A_166 = arith.minsi %jit3A_164, %max3A_165 : i32
      %gt3A = vector.broadcast %min3A : i32 to vector<125x1xi32>
      %gt3A_167 = arith.cmpi sgt, %mul3A_78, %gt3A : vector<125x1xi32>
      %add3A_168 = arith.constant 9 : i32
      %add3A_169 = vector.broadcast %add3A_168 : i32 to vector<125x1xi32>
      %add3A_170 = arith.addi %mul3A_78, %add3A_169 : vector<125x1xi32>
      %lt3A_171 = vector.broadcast %min3A_166 : i32 to vector<125x1xi32>
      %lt3A_172 = arith.cmpi slt, %add3A_170, %lt3A_171 : vector<125x1xi32>
      %and3A_173 = arith.andi %gt3A_167, %lt3A_172 : vector<125x1xi1>
      %jit3A_174 = arith.constant 0xFF800000 : f32
      %broadcast_in_dim3A_175 = vector.shape_cast %and3A_173 : vector<125x1xi1> to vector<125x1xi1>
      %broadcast_in_dim3A_176 = vector.broadcast %broadcast_in_dim3A_175 : vector<125x1xi1> to vector<125x16xi1>
      %broadcast_in_dim3A_177 = vector.broadcast %jit3A_174 : f32 to vector<125x16xf32>
      %select_n3A_178 = arith.select %broadcast_in_dim3A_176, %reduce_max3A_67, %broadcast_in_dim3A_177 : vector<125x16xi1>, vector<125x16xf32>
      %reduce_max3A_179 = arith.constant dense<0xFF800000> : vector<16xf32>
      %reduce_max3A_180 = vector.multi_reduction <maximumf>, %select_n3A_178, %reduce_max3A_179 [0] : vector<125x16xf32> to vector<16xf32>
      %broadcast_in_dim3A_181 = vector.shape_cast %reduce_max3A_180 : vector<16xf32> to vector<1x16xf32>
      %add3A_182 = arith.constant 1 : i32
      %add3A_183 = arith.addi %min3A, %add3A_182 : i32
      %jit3A_184 = arith.constant 10 : i32
      %div3A_185 = arith.divsi %add3A_183, %jit3A_184 : i32
      %sign3A_186 = arith.constant 0 : i32
      %sign3A_187 = arith.cmpi sgt, %add3A_183, %sign3A_186 : i32
      %sign3A_188 = arith.extui %sign3A_187 : i1 to i32
      %sign3A_189 = arith.constant 0 : i32
      %sign3A_190 = arith.cmpi slt, %add3A_183, %sign3A_189 : i32
      %sign3A_191 = arith.extui %sign3A_190 : i1 to i32
      %sign3A_192 = arith.subi %sign3A_188, %sign3A_191 : i32
      %sign3A_193 = arith.constant 0 : i32
      %sign3A_194 = arith.cmpi sgt, %jit3A_184, %sign3A_193 : i32
      %sign3A_195 = arith.extui %sign3A_194 : i1 to i32
      %sign3A_196 = arith.constant 0 : i32
      %sign3A_197 = arith.cmpi slt, %jit3A_184, %sign3A_196 : i32
      %sign3A_198 = arith.extui %sign3A_197 : i1 to i32
      %sign3A_199 = arith.subi %sign3A_195, %sign3A_198 : i32
      %ne3A_200 = arith.cmpi ne, %sign3A_192, %sign3A_199 : i32
      %rem3A_201 = arith.remsi %add3A_183, %jit3A_184 : i32
      %ne3A_202 = arith.constant 0 : i32
      %ne3A_203 = arith.cmpi ne, %rem3A_201, %ne3A_202 : i32
      %and3A_204 = arith.andi %ne3A_200, %ne3A_203 : i1
      %sub3A_205 = arith.constant 1 : i32
      %sub3A_206 = arith.subi %div3A_185, %sub3A_205 : i32
      %select_n3A_207 = arith.select %and3A_204, %sub3A_206, %div3A_185 : i32
      %jit3A_208 = arith.constant 0 : i32
      %jit3A_209 = arith.constant 124 : i32
      %max3A_210 = arith.maxsi %jit3A_208, %select_n3A_207 : i32
      %min3A_211 = arith.minsi %jit3A_209, %max3A_210 : i32
      %sub3A_212 = arith.constant 1 : i32
      %sub3A_213 = arith.subi %min3A_166, %sub3A_212 : i32
      %jit3A_214 = arith.constant 10 : i32
      %div3A_215 = arith.divsi %sub3A_213, %jit3A_214 : i32
      %sign3A_216 = arith.constant 0 : i32
      %sign3A_217 = arith.cmpi sgt, %sub3A_213, %sign3A_216 : i32
      %sign3A_218 = arith.extui %sign3A_217 : i1 to i32
      %sign3A_219 = arith.constant 0 : i32
      %sign3A_220 = arith.cmpi slt, %sub3A_213, %sign3A_219 : i32
      %sign3A_221 = arith.extui %sign3A_220 : i1 to i32
      %sign3A_222 = arith.subi %sign3A_218, %sign3A_221 : i32
      %sign3A_223 = arith.constant 0 : i32
      %sign3A_224 = arith.cmpi sgt, %jit3A_214, %sign3A_223 : i32
      %sign3A_225 = arith.extui %sign3A_224 : i1 to i32
      %sign3A_226 = arith.constant 0 : i32
      %sign3A_227 = arith.cmpi slt, %jit3A_214, %sign3A_226 : i32
      %sign3A_228 = arith.extui %sign3A_227 : i1 to i32
      %sign3A_229 = arith.subi %sign3A_225, %sign3A_228 : i32
      %ne3A_230 = arith.cmpi ne, %sign3A_222, %sign3A_229 : i32
      %rem3A_231 = arith.remsi %sub3A_213, %jit3A_214 : i32
      %ne3A_232 = arith.constant 0 : i32
      %ne3A_233 = arith.cmpi ne, %rem3A_231, %ne3A_232 : i32
      %and3A_234 = arith.andi %ne3A_230, %ne3A_233 : i1
      %sub3A_235 = arith.constant 1 : i32
      %sub3A_236 = arith.subi %div3A_215, %sub3A_235 : i32
      %select_n3A_237 = arith.select %and3A_234, %sub3A_236, %div3A_215 : i32
      %jit3A_238 = arith.constant 0 : i32
      %jit3A_239 = arith.constant 124 : i32
      %max3A_240 = arith.maxsi %jit3A_238, %select_n3A_237 : i32
      %min3A_241 = arith.minsi %jit3A_239, %max3A_240 : i32
      %mul3A_242 = arith.constant 10 : i32
      %mul3A_243 = arith.muli %min3A_211, %mul3A_242 : i32
      %get3A_244 = arith.index_cast %mul3A_243 : i32 to index
      %get3A_245 = arith.constant 0 : index
      %get3A_246 = vector.load %arg12[%get3A_244, %get3A_245] : memref<1250x16xf32, #tpu.memory_space<vmem>>, vector<10x16xf32>
      %mul3A_247 = arith.constant 10 : i32
      %mul3A_248 = arith.muli %min3A_211, %mul3A_247 : i32
      %add3A_249 = vector.broadcast %mul3A_248 : i32 to vector<10x1xi32>
      %add3A_250 = arith.addi %add3A_249, %iota3A_79 : vector<10x1xi32>
      %gt3A_251 = vector.broadcast %min3A : i32 to vector<10x1xi32>
      %gt3A_252 = arith.cmpi sgt, %add3A_250, %gt3A_251 : vector<10x1xi32>
      %lt3A_253 = vector.broadcast %min3A_166 : i32 to vector<10x1xi32>
      %lt3A_254 = arith.cmpi slt, %add3A_250, %lt3A_253 : vector<10x1xi32>
      %and3A_255 = arith.andi %gt3A_252, %lt3A_254 : vector<10x1xi1>
      %jit3A_256 = arith.constant 0xFF800000 : f32
      %broadcast_in_dim3A_257 = vector.shape_cast %and3A_255 : vector<10x1xi1> to vector<10x1xi1>
      %broadcast_in_dim3A_258 = vector.broadcast %broadcast_in_dim3A_257 : vector<10x1xi1> to vector<10x16xi1>
      %broadcast_in_dim3A_259 = vector.broadcast %jit3A_256 : f32 to vector<10x16xf32>
      %select_n3A_260 = arith.select %broadcast_in_dim3A_258, %get3A_246, %broadcast_in_dim3A_259 : vector<10x16xi1>, vector<10x16xf32>
      %reduce_max3A_261 = arith.constant dense<0xFF800000> : vector<16xf32>
      %reduce_max3A_262 = vector.multi_reduction <maximumf>, %select_n3A_260, %reduce_max3A_261 [0] : vector<10x16xf32> to vector<16xf32>
      %broadcast_in_dim3A_263 = vector.shape_cast %reduce_max3A_262 : vector<16xf32> to vector<1x16xf32>
      %max3A_264 = arith.maximumf %broadcast_in_dim3A_181, %broadcast_in_dim3A_263 : vector<1x16xf32>
      %mul3A_265 = arith.constant 10 : i32
      %mul3A_266 = arith.muli %min3A_241, %mul3A_265 : i32
      %get3A_267 = arith.index_cast %mul3A_266 : i32 to index
      %get3A_268 = arith.constant 0 : index
      %get3A_269 = vector.load %arg12[%get3A_267, %get3A_268] : memref<1250x16xf32, #tpu.memory_space<vmem>>, vector<10x16xf32>
      %mul3A_270 = arith.constant 10 : i32
      %mul3A_271 = arith.muli %min3A_241, %mul3A_270 : i32
      %add3A_272 = vector.broadcast %mul3A_271 : i32 to vector<10x1xi32>
      %add3A_273 = arith.addi %add3A_272, %iota3A_79 : vector<10x1xi32>
      %gt3A_274 = vector.broadcast %min3A : i32 to vector<10x1xi32>
      %gt3A_275 = arith.cmpi sgt, %add3A_273, %gt3A_274 : vector<10x1xi32>
      %lt3A_276 = vector.broadcast %min3A_166 : i32 to vector<10x1xi32>
      %lt3A_277 = arith.cmpi slt, %add3A_273, %lt3A_276 : vector<10x1xi32>
      %and3A_278 = arith.andi %gt3A_275, %lt3A_277 : vector<10x1xi1>
      %jit3A_279 = arith.constant 0xFF800000 : f32
      %broadcast_in_dim3A_280 = vector.shape_cast %and3A_278 : vector<10x1xi1> to vector<10x1xi1>
      %broadcast_in_dim3A_281 = vector.broadcast %broadcast_in_dim3A_280 : vector<10x1xi1> to vector<10x16xi1>
      %broadcast_in_dim3A_282 = vector.broadcast %jit3A_279 : f32 to vector<10x16xf32>
      %select_n3A_283 = arith.select %broadcast_in_dim3A_281, %get3A_269, %broadcast_in_dim3A_282 : vector<10x16xi1>, vector<10x16xf32>
      %reduce_max3A_284 = arith.constant dense<0xFF800000> : vector<16xf32>
      %reduce_max3A_285 = vector.multi_reduction <maximumf>, %select_n3A_283, %reduce_max3A_284 [0] : vector<10x16xf32> to vector<16xf32>
      %broadcast_in_dim3A_286 = vector.shape_cast %reduce_max3A_285 : vector<16xf32> to vector<1x16xf32>
      %max3A_287 = arith.maximumf %max3A_264, %broadcast_in_dim3A_286 : vector<1x16xf32>
      %mul3A_288 = arith.constant 8 : i32
      %mul3A_289 = arith.muli %min3A, %mul3A_288 : i32
      %get3A_290 = arith.index_cast %mul3A_289 : i32 to index
      %get3A_291 = arith.constant 0 : index
      %get3A_292 = vector.load %arg11[%get3A_290, %get3A_291] : memref<10000x16xf32, #tpu.memory_space<vmem>>, vector<8x16xf32>
      %mul3A_293 = arith.constant 8 : i32
      %mul3A_294 = arith.muli %min3A, %mul3A_293 : i32
      %get3A_295 = arith.index_cast %mul3A_294 : i32 to index
      %get3A_296 = arith.constant 0 : index
      %get3A_297 = vector.load %arg8[%get3A_295, %get3A_296] : memref<10000x1xi32, #tpu.memory_space<vmem>>, vector<8x1xi32>
      %eq3A_298 = vector.broadcast %scan3A_94 : i32 to vector<8x1xi32>
      %eq3A_299 = arith.cmpi eq, %get3A_297, %eq3A_298 : vector<8x1xi32>
      %jit3A_300 = arith.constant 0xFF800000 : f32
      %broadcast_in_dim3A_301 = vector.shape_cast %eq3A_299 : vector<8x1xi1> to vector<8x1xi1>
      %broadcast_in_dim3A_302 = vector.broadcast %broadcast_in_dim3A_301 : vector<8x1xi1> to vector<8x16xi1>
      %broadcast_in_dim3A_303 = vector.broadcast %jit3A_300 : f32 to vector<8x16xf32>
      %select_n3A_304 = arith.select %broadcast_in_dim3A_302, %get3A_292, %broadcast_in_dim3A_303 : vector<8x16xi1>, vector<8x16xf32>
      %reduce_max3A_305 = arith.constant dense<0xFF800000> : vector<16xf32>
      %reduce_max3A_306 = vector.multi_reduction <maximumf>, %select_n3A_304, %reduce_max3A_305 [0] : vector<8x16xf32> to vector<16xf32>
      %broadcast_in_dim3A_307 = vector.shape_cast %reduce_max3A_306 : vector<16xf32> to vector<1x16xf32>
      %max3A_308 = arith.maximumf %max3A_287, %broadcast_in_dim3A_307 : vector<1x16xf32>
      %mul3A_309 = arith.constant 8 : i32
      %mul3A_310 = arith.muli %min3A_166, %mul3A_309 : i32
      %get3A_311 = arith.index_cast %mul3A_310 : i32 to index
      %get3A_312 = arith.constant 0 : index
      %get3A_313 = vector.load %arg11[%get3A_311, %get3A_312] : memref<10000x16xf32, #tpu.memory_space<vmem>>, vector<8x16xf32>
      %mul3A_314 = arith.constant 8 : i32
      %mul3A_315 = arith.muli %min3A_166, %mul3A_314 : i32
      %get3A_316 = arith.index_cast %mul3A_315 : i32 to index
      %get3A_317 = arith.constant 0 : index
      %get3A_318 = vector.load %arg8[%get3A_316, %get3A_317] : memref<10000x1xi32, #tpu.memory_space<vmem>>, vector<8x1xi32>
      %eq3A_319 = vector.broadcast %scan3A_94 : i32 to vector<8x1xi32>
      %eq3A_320 = arith.cmpi eq, %get3A_318, %eq3A_319 : vector<8x1xi32>
      %jit3A_321 = arith.constant 0xFF800000 : f32
      %broadcast_in_dim3A_322 = vector.shape_cast %eq3A_320 : vector<8x1xi1> to vector<8x1xi1>
      %broadcast_in_dim3A_323 = vector.broadcast %broadcast_in_dim3A_322 : vector<8x1xi1> to vector<8x16xi1>
      %broadcast_in_dim3A_324 = vector.broadcast %jit3A_321 : f32 to vector<8x16xf32>
      %select_n3A_325 = arith.select %broadcast_in_dim3A_323, %get3A_313, %broadcast_in_dim3A_324 : vector<8x16xi1>, vector<8x16xf32>
      %reduce_max3A_326 = arith.constant dense<0xFF800000> : vector<16xf32>
      %reduce_max3A_327 = vector.multi_reduction <maximumf>, %select_n3A_325, %reduce_max3A_326 [0] : vector<8x16xf32> to vector<16xf32>
      %broadcast_in_dim3A_328 = vector.shape_cast %reduce_max3A_327 : vector<16xf32> to vector<1x16xf32>
      %max3A_329 = arith.maximumf %max3A_308, %broadcast_in_dim3A_328 : vector<1x16xf32>
      %swap3A_330 = arith.index_cast %scan3A_94 : i32 to index
      %swap3A_331 = arith.constant 0 : index
      %swap3A_332 = vector.load %arg10[%swap3A_330, %swap3A_331] : memref<64x16xf32, #tpu.memory_space<vmem>>, vector<1x16xf32>
      tpu.vector_store %arg10[%swap3A_330, %swap3A_331], %max3A_329 {strides = array<i32>} : memref<64x16xf32, #tpu.memory_space<vmem>>, vector<1x16xf32>,
    }
    %scan3A_83 = arith.constant 64 : i32
    %get3A_84 = arith.constant 0 : index
    %get3A_85 = arith.constant 0 : index
    %get3A_86 = vector.load %arg10[%get3A_84, %get3A_85] : memref<64x16xf32, #tpu.memory_space<vmem>>, vector<64x16xf32>
    %get3A_87 = arith.constant 0 : index
    %get3A_88 = arith.constant 0 : index
    %get3A_89 = vector.load %arg9[%get3A_87, %get3A_88] : memref<64x16xf32, #tpu.memory_space<vmem>>, vector<64x16xf32>
    %add3A_90 = arith.addf %get3A_86, %get3A_89 : vector<64x16xf32>
    %swap3A_91 = arith.constant 0 : index
    %swap3A_92 = arith.constant 0 : index
    %swap3A_93 = vector.load %arg10[%swap3A_91, %swap3A_92] : memref<64x16xf32, #tpu.memory_space<vmem>>, vector<64x16xf32>
    tpu.vector_store %arg10[%swap3A_91, %swap3A_92], %add3A_90 {strides = array<i32>} : memref<64x16xf32, #tpu.memory_space<vmem>>, vector<64x16xf32>,
    return
  }
}

</mosaic_0001>

<sc_bundles>
// kernel: kernel.10.cloned.1.call-start
scs
__scs_entry_jumppad:
0x0: {  	(pc) =	sbr.rel $0x88, $3  }
0x1: {  	(tag) =	ssettag $0x0;
	lr =	simm.s32 $0x1  }
0x2: {  	[smem:$0x3F89] =	sst lr;
	_ =	strace $0xD0000000  }
0x3: {  	_ = 	snop  }
0x4: {  	_ = 	snop  }
0x5: {  	_ = 	snop  }
0x6: {  	_ = 	snop  }
0x7: {  	_ = 	snop  }
__scs_overlays_trampoline_lowered:
0x8: {  	[smem:$0x3F98] =	sst s0  }
0x9: {  	[smem:$0x3F99] =	sst s1  }
0xa: {  	[smem:$0x3F9A] =	sst s2  }
0xb: {  	[smem:$0x3F9B] =	sst s3  }
0xc: {  	[smem:$0x3F9C] =	sst s4  }
0xd: {  	[smem:$0x3F9D] =	sst s5  }
0xe: {  	[smem:$0x3F9E] =	sst s6  }
0xf: {  	[smem:$0x3F9F] =	sst s7  }
0x10: {  	[smem:$0x3FA0] =	sst s8  }
0x11: {  	[smem:$0x3FA1] =	sst s9;
	s0 =	simm.s32 @!p0 $0x0  }
0x12: {  	s1 =	sld [smem:$0x3F87];
	s0 =	simm.s32 @p0 $0x1  }
0x13: {  	[smem:$0x3FA2] =	sst s0;
	s0 =	simm.s32 @!p1 $0x0  }
0x14: {  	s2 =	sld [smem:$0x3F86];
	s0 =	simm.s32 @p1 $0x1  }
0x15: {  	[smem:$0x3FA3] =	sst s0;
	s0 =	simm.s32 @!p2 $0x0  }
0x16: {  	s3 =	sld [smem:$0x3FDB];
	s0 =	simm.s32 @p2 $0x1  }
0x17: {  	s4 =	simm.s32 $0x1BF5;
	[smem:$0x3FA5] =	sst s0  }
0x18: {  	s0 =	sld [smem:$0x3F88];
	_ =	swait.ge [sflag:s4], $0x0  }
0x19: {  	s7 =	sld [smem:$0x3F89]  }
0x1a: {  	s8 =	sadd.s32 $0xFFFFE003, lr  }
0x1b: {  	s9 =	sadd.s32 $0xFFFFFEF7, lr;
	s5 =	simm.s32 $0xFFFFFFFF;
	p2 =	slt.u32 s8, $0xFFFFF086  }
0x1c: {  	p1 =	slt.u32 s9, $0xF7A;
	s5 =	simm.s32 @!p2 $0x0  }
0x1d: {  	s5 =	simm.s32 @p1 $0x1;
	p0 =	seq.s32 s7, s2  }
0x1e: {  	s7 =	smul.u32 @!p0 $0xF7A, s2;
	p2 =	seq.s32 @!p0 s5, $0x0  }
0x1f: {  	s9 =	smul.u32 $0xF7A, s1;
	s8 =	simm.s32 @!p0 $0x1BF5;
	p2 =	por !p2, p0  }
0x20: {  	[sflag:s8] =	ssyncset.s32 @!p0 $0xFFFFF086;
	s6 =	sadd.s32 @!p0 s3, s7;
	s7 =	simm.s32 @!p0 $0x108  }
0x21: {  	s3 =	sadd.s32 s3, s9;
	s6 =	sadd.s32 @!p0 $0x88, s6;
	s7 =	simm.s32 @p2 $0x1082  }
0x22: {  	[simem:s7], [sflag:s8] =	dma.local @!p0 [hbm:s6], $0xF7A  }
0x23: {  	s9 =	sor.u32 $0xD0000000, s2;
	s6 =	simm.s32 $0x108;
	_ =	swait.ge @!p0 [sflag:s8], $0x0  }
0x24: {  	s3 =	sadd.s32 $0x88, s3;
	s6 =	simm.s32 @!p1 $0x1082;
	[sflag:s4] =	ssyncset.s32 $0xFFFFF086  }
0x25: {  	[simem:s6], [sflag:s4] =	dma.local [hbm:s3], $0xF7A  }
0x26: {  	[smem:$0x3F89] =	sst s1;
	(tag) =	ssettag s2;
	_ =	strace s9  }
0x27: {  	s1 =	sld [smem:$0x3F99]  }
0x28: {  	s2 =	sld [smem:$0x3F9A]  }
0x29: {  	s4 =	sld [smem:$0x3F9C]  }
0x2a: {  	p0 =	seq.s32 s5, $0x0;
	s5 =	sld [smem:$0x3F9D]  }
0x2b: {  	s6 =	sld [smem:$0x3F9E]  }
0x2c: {  	s7 =	sld [smem:$0x3F9F]  }
0x2d: {  	s3 =	simm.s32 $0x108;
	s8 =	sld [smem:$0x3FA0]  }
0x2e: {  	s3 =	simm.s32 @!p0 $0x1082;
	s9 =	sld [smem:$0x3FA1]  }
0x2f: {  	lr =	sadd.s32 s0, s3;
	s0 =	sld [smem:$0x3F98]  }
0x30: {  	s3 =	sld [smem:$0x3F9B]  }
0x31: {  	[smem:$0x3FA4] =	sst s10  }
0x32: {  	s10 =	sld [smem:$0x3FA2];
	_ =	sdelay $0x3  }
0x33: {  	p0 =	seq.s32 s10, $0x1;
	s10 =	sld [smem:$0x3FA4];
	_ =	sdelay $0x3  }
0x34: {  	[smem:$0x3FA4] =	sst s10  }
0x35: {  	s10 =	sld [smem:$0x3FA3];
	_ =	sdelay $0x3  }
0x36: {  	p1 =	seq.s32 s10, $0x1;
	s10 =	sld [smem:$0x3FA4];
	_ =	sdelay $0x3  }
0x37: {  	[smem:$0x3FA4] =	sst s10  }
0x38: {  	s10 =	sld [smem:$0x3FA5]  }
0x39: {  	_ = 	snop;
	(pc) =	sbr.ind lr, $3  }
0x3a: {  	_ = 	snop  }
0x3b: {  	_ = 	snop  }
0x3c: {  	p2 =	seq.s32 s10, $0x1;
	s10 =	sld [smem:$0x3FA4]  }
0x3d: {  	_ =	shalt  }
0x3e: {  	_ =	shalt  }
0x3f: {  	_ =	shalt  }
0x40: {  	_ =	shalt  }
0x41: {  	_ =	shalt  }
0x42: {  	_ =	shalt  }
0x43: {  	_ =	shalt  }
0x44: {  	_ =	shalt  }
0x45: {  	_ =	shalt  }
0x46: {  	_ =	shalt  }
0x47: {  	_ =	shalt  }
0x48: {  	_ =	shalt  }
0x49: {  	_ =	shalt  }
0x4a: {  	_ =	shalt  }
0x4b: {  	_ =	shalt  }
0x4c: {  	_ =	shalt  }
0x4d: {  	_ =	shalt  }
0x4e: {  	_ =	shalt  }
0x4f: {  	_ =	shalt  }
0x50: {  	_ =	shalt  }
0x51: {  	_ =	shalt  }
0x52: {  	_ =	shalt  }
0x53: {  	_ =	shalt  }
0x54: {  	_ =	shalt  }
0x55: {  	_ =	shalt  }
0x56: {  	_ =	shalt  }
0x57: {  	_ =	shalt  }
0x58: {  	_ =	shalt  }
0x59: {  	_ =	shalt  }
0x5a: {  	_ =	shalt  }
0x5b: {  	_ =	shalt  }
0x5c: {  	_ =	shalt  }
0x5d: {  	_ =	shalt  }
0x5e: {  	_ =	shalt  }
0x5f: {  	_ =	shalt  }
0x60: {  	_ =	shalt  }
0x61: {  	_ =	shalt  }
0x62: {  	_ =	shalt  }
0x63: {  	_ =	shalt  }
0x64: {  	_ =	shalt  }
0x65: {  	_ =	shalt  }
0x66: {  	_ =	shalt  }
0x67: {  	_ =	shalt  }
0x68: {  	_ =	shalt  }
0x69: {  	_ =	shalt  }
0x6a: {  	_ =	shalt  }
0x6b: {  	_ =	shalt  }
0x6c: {  	_ =	shalt  }
0x6d: {  	_ =	shalt  }
0x6e: {  	_ =	shalt  }
0x6f: {  	_ =	shalt  }
0x70: {  	_ =	shalt  }
0x71: {  	_ =	shalt  }
0x72: {  	_ =	shalt  }
0x73: {  	_ =	shalt  }
0x74: {  	_ =	shalt  }
0x75: {  	_ =	shalt  }
0x76: {  	_ =	shalt  }
0x77: {  	_ =	shalt  }
0x78: {  	_ =	shalt  }
0x79: {  	_ =	shalt  }
0x7a: {  	_ =	shalt  }
0x7b: {  	_ =	shalt  }
0x7c: {  	_ =	shalt  }
0x7d: {  	_ =	shalt  }
0x7e: {  	_ =	shalt  }
0x7f: {  	_ =	shalt  }
0x80: {  	_ =	shalt  }
0x81: {  	_ =	shalt  }
0x82: {  	_ =	shalt  }
0x83: {  	_ =	shalt  }
0x84: {  	_ =	shalt  }
0x85: {  	_ =	shalt  }
0x86: {  	_ =	shalt  }
0x87: {  	_ =	shalt  }
.Lfunc_end0:
.L_simem_size_0:
called_computation.1_lowered:
.L_overlay_start_0:
0x88: {  	s2 =	sld [smem:$0x3FD9]  }
0x89: {  	s3 =	sld [smem:$0x3FFE];
	_ =	sdelay $0x1  }
0x8a: {  	s1 =	srdreg.scid  }
0x8b: {  	s0 =	sand.u32 $0x1, s1  }
0x8c: {  	s16 =	sshll.u32 s0, $0xA;
	s2 =	sadd.s32 s3, s2  }
0x8d: {  	s2 =	sadd.s32 s2, s16  }
0x8e: {  	[smem:$0x3FB0] =	sst s2  }
0x8f: {  	_ = 	snop  }
0x90: {  	(tm) =	ssettm $0x1  }
0x91: {  	s17 =	sld [smem:$0x3FFB];
	_ =	sdelay $0x3  }
0x92: {  	_ =	strace s17  }
0x93: {  	s2 =	sld [smem:$0x3FFC];
	_ =	sdelay $0x3  }
0x94: {  	_ =	strace s2  }
0x95: {  	s2 =	sld [smem:$0x3FFD];
	_ =	sdelay $0x3  }
0x96: {  	_ =	strace s2  }
0x97: {  	_ =	strace $0x8FFFFFFF  }
0x98: {  	s18 =	sld [smem:$0x3FDB];
	_ =	sdelay $0x1  }
0x99: {  	s19 =	simm.s32 $_scs_section_size  }
0x9a: {  	s4 =	simm.s32 $_size__tile_overlayer_lowered;
	s5 =	simm.s32 $_tile_overlayer_lowered  }
0x9b: {  	s22 =	simm.s32 $0x1BFF;
	s21 =	sshll.u32 s5, $0x1;
	s2 =	sadd.s32 s19, s18  }
0x9c: {  	s6 =	simm.s32 $0x0;
	s20 =	sshll.u32 s4, $0x1;
	s4 =	sadd.s32 s21, s2  }
0x9d: {  	[timem:s6], [sflag:s22] =	dma.local [hbm:s4], s20  }
0x9e: {  	_ =	swait.ge [sflag:s22], s20  }
0x9f: {  	s3 =	ssub.s32 $0x0, s20;
	[sflag:s22] =	ssyncset.done $0x0  }
0xa0: {  	[sflag:s22] =	ssyncadd.s32 s3;
	_ =	sdelay $0x1  }
0xa1: {  	s23 =	simm.s32 $0x1B8B  }
0xa2: {  	_ =	swait.ge [sflag:s23], $0x1  }
0xa3: {  	[sflag:s23] =	ssyncset.done $0x0  }
0xa4: {  	s25 =	simm.s32 $0x1B8E;
	s24 =	sld [smem:$0x3FFE];
	[sflag:s23] =	ssyncadd.s32 $0xFFFFFFFF  }
0xa5: {  	s26 =	simm.s32 $execute0_lowered;
	[smem:$0x3FD2] =	sst s25  }
0xa6: {  	s4 =	sshll.u32 s26, $0x1;
	_ =	strace $0x80000049;
	[dreg:$0x1] =	wrdreg $0xFFFFFFFF  }
0xa7: {  	s28 =	simm.s32 $_size_execute0_lowered;
	s2 =	sadd.s32 s2, s4;
	[dreg:$0x0] =	wrdreg $0x0  }
0xa8: {  	s4 =	sshll.u32 s28, $0x1;
	[dreg:$0x2] =	wrdreg s2  }
0xa9: {  	[dreg:$0x3] =	wrdreg s4  }
0xaa: {  	[dreg:$0x4] =	wrdreg $0xC0  }
0xab: {  	_ =	task [dreg:s6], $0x5FFFF  }
0xac: {  	[dreg:$0x1] =	wrdreg $0xFFFFFFFF  }
0xad: {  	[dreg:$0x0] =	wrdreg $0x60  }
0xae: {  	[dreg:$0x2] =	wrdreg s24  }
0xaf: {  	[dreg:$0x3] =	wrdreg $0x150000  }
0xb0: {  	[dreg:$0x4] =	wrdreg $0x9  }
0xb1: {  	_ =	task.clear_ibuf [dreg:s6], $0x5FFFF;
	_ =	strace $0x90000049  }
0xb2: {  	s29 =	simm.s32 $0x9;
	_ =	strace $0x8000004B  }
0xb3: {  	_ =	swait.ge [sflag:s29], $0x1  }
0xb4: {  	[sflag:s29] =	ssyncadd.s32 $0xFFFFFFFF  }
0xb5: {  	_ =	strace $0x9000004B  }
0xb6: {  	_ =	sfence  }
0xb7: {  	s30 =	sld [smem:$0x0];
	_ =	sdelay $0x2  }
0xb8: {  	s31 =	sshll.u32 s1, $0xD;
	s1 =	sshrl.u32 s1, $0x2  }
0xb9: {  	s3 =	sand.u32 $0x4000, s31;
	s1 =	sadd.s32 s1, s30  }
0xba: {  	s0 =	sor.u32 s3, s0;
	s1 =	sshll.u32 s1, $0x11  }
0xbb: {  	s0 =	sor.u32 s1, s0  }
0xbc: {  	s0 =	sadd.s32 $0x8F2B, s0  }
0xbd: {  	[sflag:s0] =	ssyncadd.remote.s32 $0x1  }
0xbe: {  	_ =	sfence.sel $0xFFFF  }
0xbf: {  	[dreg:$0x0] =	wrdreg $0xFFFFFFFF;
	(pc) =	sbr.abs _section_cstart, $3  }
0xc0: {  	[dreg:$0x1] =	wrdreg $0xFFFFFFFF  }
0xc1: {  	_ =	task.clear_ibuf [dreg:s6], $0x2FFFF;
	_ =	strace $0x9FFFFFFF  }
0xc2: {  	(tm) =	ssettm $0x7FFFFFFF  }
0xc3: {  	_ =	shalt  }
tec
execute0_lowered:
.L_overlay_start_1:
0x0: {  	(tag) =	ssettag $0x1  }
0x1: {  	s0 =	srdreg.scid  }
0x2: {  	s8 =	stileid.u32;
	s5 =	rddreg [dreg:$0x0]  }
0x3: {  	s2 =	rddreg [dreg:$0x1];
	s3 =	simm.s32 $0x0;
	s29 =	simm.s32 $0xB000  }
0x4: {  	s31 =	simm.s32 $0xD000;
	s30 =	simm.s32 $0x13000;
	s28 =	simm.s32 $0x3  }
0x5: {  	s0 =	sand.u32 $0x1, s0;
	s1 =	sshll.u32 s8, $0x1;
	s6 =	smul.u32 $0x280, s8  }
0x6: {  	[smem:$0x7FF] =	sst s3;
	s4 =	sadd.s32 $0x3800, s5;
	s19 =	smul.u32 $0x28000, s8  }
0x7: {  	s20 =	sadd.s32 $0x3F200, s5;
	s1 =	sor.u32 s0, s1;
	s7 =	smul.u32 $0x2800, s0  }
0x8: {  	_ =	strace $0x8000004A;
	s0 =	ssub.s32 $0x2, s0;
	[dreg:$0x3] =	wrdreg s20  }
0x9: {  	s20 =	simm.s32 $0x5000;
	s1 =	smul.u32 $0x500, s1;
	s21 =	sshrl.u32 s0, $0x1  }
0xa: {  	s22 =	sshrl.u32 s19, $0x2;
	s19 =	simm.s32 $0x2;
	s6 =	sadd.s32 s6, s7  }
0xb: {  	s0 =	ssub.s32 s0, s21;
	s8 =	sadd.s32 s22, s2;
	s21 =	simm.s32 $0x6  }
0xc: {  	s22 =	simm.s32 $0x5;
	s7 =	simm.s32 $0x0;
	s1 =	sadd.s32 s1, s5  }
0xd: {  	s6 =	sshll.u32 s6, $0x4;
	s9 =	sadd.s32 $0x2000, s8;
	s10 =	sadd.s32 $0x4000, s8  }
0xe: {  	s11 =	sadd.s32 $0x6000, s8;
	s12 =	sadd.s32 $0x8000, s8;
	s18 =	smax.u32 s0, $0x1  }
0xf: {  	s0 =	simm.s32 $0xF000;
	s5 =	sadd.s32 s6, s5;
	s23 =	sadd.s32 $0x2B200, s1  }
0x10: {  	s1 =	sadd.s32 $0x35200, s1;
	s6 =	simm.s32 $0x40;
	[dreg:$0x4] =	wrdreg s23  }
0x11: {  	[dreg:$0x5] =	wrdreg s1;
	s24 =	sadd.s32 $0x3F600, s5;
	s25 =	sadd.s32 $0x3FE00, s5  }
0x12: {  	s26 =	sadd.s32 $0x40600, s5;
	s16 =	sadd.s32 $0x40E00, s5;
	[dreg:$0x6] =	wrdreg s24  }
0x13: {  	s17 =	sadd.s32 $0x41600, s5;
	s23 =	simm.s32 $0x80;
	[dreg:$0x7] =	wrdreg s25  }
0x14: {  	s1 =	simm.s32 $0x1;
	s5 =	simm.s32 $0x4;
	[dreg:$0x8] =	wrdreg s26  }
0x15: {  	s24 =	simm.s32 $0x7000;
	s26 =	simm.s32 $0x9000;
	s25 =	simm.s32 $0x11000  }
.LBB2_1:
0x16: {  	s13 =	rddreg [dreg:$0x4]  }
0x17: {  	[tilespmem:s3], [sflag:$0x5] =	stream.linear.gather [hbm4b:s13+s3], $0x2800, $0x38;
	[tilespmem:$0x1F000] =	vst v63  }
0x18: {  	s15 =	rddreg [dreg:$0x5];
	s14 =	simm.s32 $0x2800  }
0x19: {  	[tilespmem:s14], [sflag:$0x5] =	stream.linear.gather [hbm4b:s15+s3], $0x2800, $0x38;
	[tilespmem:$0x1F000] =	vst v63  }
0x1a: {  	s14 =	rddreg [dreg:$0x3]  }
0x1b: {  	[tilespmem:s20], [sflag:$0x6] =	stream.linear.gather [hbm4b:s14+s3], $0x2000, $0x38;
	[tilespmem:$0x1F000] =	vst v63  }
0x1c: {  	_ =	swait.ge [sflag:s21], $0x2000  }
0x1d: {  	[sflag:s21] =	ssyncset.done $0x0  }
0x1e: {  	[sflag:s21] =	ssyncadd.s32 $0xFFFFE000  }
0x1f: {  	[spmem:s8] =	stream.linear.scatter [tilespmem:s20], [sflag:$0x6], $0x2000, $0x38;
	[tilespmem:$0x1F000] =	vst v63  }
0x20: {  	_ =	swait.ge [sflag:s21], $0x2000  }
0x21: {  	[sflag:s21] =	ssyncset.done $0x0  }
0x22: {  	[sflag:s21] =	ssyncadd.s32 $0xFFFFE000  }
0x23: {  	[spmem:s9] =	stream.linear.scatter [tilespmem:s20], [sflag:$0x6], $0x2000, $0x38;
	[tilespmem:$0x1F000] =	vst v63  }
0x24: {  	_ =	swait.ge [sflag:s21], $0x2000  }
0x25: {  	[sflag:s21] =	ssyncset.done $0x0  }
0x26: {  	[sflag:s21] =	ssyncadd.s32 $0xFFFFE000  }
0x27: {  	[spmem:s10] =	stream.linear.scatter [tilespmem:s20], [sflag:$0x6], $0x2000, $0x38;
	[tilespmem:$0x1F000] =	vst v63  }
0x28: {  	_ =	swait.ge [sflag:s21], $0x2000  }
0x29: {  	[sflag:s21] =	ssyncset.done $0x0  }
0x2a: {  	[sflag:s21] =	ssyncadd.s32 $0xFFFFE000  }
0x2b: {  	[spmem:s11] =	stream.linear.scatter [tilespmem:s20], [sflag:$0x6], $0x2000, $0x38;
	[tilespmem:$0x1F000] =	vst v63  }
0x2c: {  	_ =	swait.ge [sflag:s21], $0x2000  }
0x2d: {  	[sflag:s21] =	ssyncset.done $0x0  }
0x2e: {  	[sflag:s21] =	ssyncadd.s32 $0xFFFFE000  }
0x2f: {  	[spmem:s12] =	stream.linear.scatter [tilespmem:s20], [sflag:$0x6], $0x2000, $0x38;
	[tilespmem:$0x1F000] =	vst v63  }
0x30: {  	_ =	swait.ge [sflag:s21], $0x2000  }
0x31: {  	[sflag:s21] =	ssyncset.done $0x0  }
0x32: {  	[sflag:s21] =	ssyncadd.s32 $0xFFFFE000  }
0x33: {  	_ =	swait.ge [sflag:s22], $0x2800  }
0x34: {  	[sflag:s22] =	ssyncset.done $0x0  }
0x35: {  	[sflag:s22] =	ssyncadd.s32 $0xFFFFD800  }
0x36: {  	_ =	swait.ge [sflag:s22], $0x2800  }
0x37: {  	[sflag:s22] =	ssyncset.done $0x0  }
0x38: {  	[sflag:s22] =	ssyncadd.s32 $0xFFFFD800  }
0x39: {  	[bflag:$0x0] =	sbarrier.arrive $0xFFFF  }
0x3a: {  	[tilespmem:s20], [sflag:$0x1] =	stream.indirect.gather [hbm4b:s4+s23], $0x40, s3, s23, $0xb8;
	[tilespmem:$0x1F000] =	vst v63  }
0x3b: {  	_ = 	snop  }
0x3c: {  	[tilespmem:s24], [sflag:$0x1] =	stream.indirect.gather [hbm4b:s4+s23], $0x40, s23, s23, $0xb8;
	[tilespmem:$0x1F000] =	vst v63  }
0x3d: {  	s15 =	simm.s32 $0x100  }
0x3e: {  	[tilespmem:s26], [sflag:$0x1] =	stream.indirect.gather [hbm4b:s4+s23], $0x40, s15, s23, $0xb8;
	[tilespmem:$0x1F000] =	vst v63  }
0x3f: {  	s14 =	simm.s32 $0x180  }
0x40: {  	[tilespmem:s29], [sflag:$0x1] =	stream.indirect.gather [hbm4b:s4+s23], $0x40, s14, s23, $0xb8;
	[tilespmem:$0x1F000] =	vst v63  }
0x41: {  	s15 =	simm.s32 $0x200  }
0x42: {  	[tilespmem:s31], [sflag:$0x2] =	stream.indirect.gather [hbm4b:s4+s23], $0x40, s15, s23, $0xb8;
	[tilespmem:$0x1F000] =	vst v63  }
0x43: {  	s14 =	simm.s32 $0x280  }
0x44: {  	[tilespmem:s0], [sflag:$0x2] =	stream.indirect.gather [hbm4b:s4+s23], $0x40, s14, s23, $0xb8;
	[tilespmem:$0x1F000] =	vst v63  }
0x45: {  	s15 =	simm.s32 $0x300  }
0x46: {  	[tilespmem:s25], [sflag:$0x2] =	stream.indirect.gather [hbm4b:s4+s23], $0x40, s15, s23, $0xb8;
	[tilespmem:$0x1F000] =	vst v63  }
0x47: {  	s14 =	simm.s32 $0x380  }
0x48: {  	[tilespmem:s30], [sflag:$0x2] =	stream.indirect.gather [hbm4b:s4+s23], $0x40, s14, s23, $0xb8;
	[tilespmem:$0x1F000] =	vst v63  }
0x49: {  	_ =	swait.ge [sflag:s1], $0x2000  }
0x4a: {  	[sflag:s1] =	ssyncset.done $0x0  }
0x4b: {  	[sflag:s1] =	ssyncadd.s32 $0xFFFFE000  }
0x4c: {  	_ =	swait.ge [sflag:s1], $0x2000  }
0x4d: {  	[sflag:s1] =	ssyncset.done $0x0  }
0x4e: {  	[sflag:s1] =	ssyncadd.s32 $0xFFFFE000  }
0x4f: {  	_ =	swait.ge [sflag:s1], $0x2000  }
0x50: {  	[sflag:s1] =	ssyncset.done $0x0  }
0x51: {  	[sflag:s1] =	ssyncadd.s32 $0xFFFFE000  }
0x52: {  	_ =	swait.ge [sflag:s1], $0x2000  }
0x53: {  	[sflag:s1] =	ssyncset.done $0x0  }
0x54: {  	s15 =	simm.s32 $0x2800;
	[sflag:s1] =	ssyncadd.s32 $0xFFFFE000  }
0x55: {  	[spmem:s2] =	stream.indirect.scatter.add.f32 [tilespmem:s20], [sflag:$0x3], $0x40, s15, s23, $0xb8;
	[tilespmem:$0x1F000] =	vst v63  }
0x56: {  	s14 =	simm.s32 $0x2880  }
0x57: {  	[spmem:s2] =	stream.indirect.scatter.add.f32 [tilespmem:s24], [sflag:$0x3], $0x40, s14, s23, $0xb8;
	[tilespmem:$0x1F000] =	vst v63  }
0x58: {  	s15 =	simm.s32 $0x2900  }
0x59: {  	[spmem:s2] =	stream.indirect.scatter.add.f32 [tilespmem:s26], [sflag:$0x3], $0x40, s15, s23, $0xb8;
	[tilespmem:$0x1F000] =	vst v63  }
0x5a: {  	s14 =	simm.s32 $0x2980  }
0x5b: {  	[spmem:s2] =	stream.indirect.scatter.add.f32 [tilespmem:s29], [sflag:$0x3], $0x40, s14, s23, $0xb8;
	[tilespmem:$0x1F000] =	vst v63  }
0x5c: {  	_ =	swait.ge [sflag:s19], $0x2000  }
0x5d: {  	[sflag:s19] =	ssyncset.done $0x0  }
0x5e: {  	[sflag:s19] =	ssyncadd.s32 $0xFFFFE000  }
0x5f: {  	_ =	swait.ge [sflag:s19], $0x2000  }
0x60: {  	[sflag:s19] =	ssyncset.done $0x0  }
0x61: {  	[sflag:s19] =	ssyncadd.s32 $0xFFFFE000  }
0x62: {  	_ =	swait.ge [sflag:s19], $0x2000  }
0x63: {  	[sflag:s19] =	ssyncset.done $0x0  }
0x64: {  	[sflag:s19] =	ssyncadd.s32 $0xFFFFE000  }
0x65: {  	_ =	swait.ge [sflag:s19], $0x2000  }
0x66: {  	[sflag:s19] =	ssyncset.done $0x0  }
0x67: {  	s15 =	simm.s32 $0x2A00;
	[sflag:s19] =	ssyncadd.s32 $0xFFFFE000  }
0x68: {  	[spmem:s2] =	stream.indirect.scatter.add.f32 [tilespmem:s31], [sflag:$0x4], $0x40, s15, s23, $0xb8;
	[tilespmem:$0x1F000] =	vst v63  }
0x69: {  	s14 =	simm.s32 $0x2A80  }
0x6a: {  	[spmem:s2] =	stream.indirect.scatter.add.f32 [tilespmem:s0], [sflag:$0x4], $0x40, s14, s23, $0xb8;
	[tilespmem:$0x1F000] =	vst v63  }
0x6b: {  	s15 =	simm.s32 $0x2B00  }
0x6c: {  	[spmem:s2] =	stream.indirect.scatter.add.f32 [tilespmem:s25], [sflag:$0x4], $0x40, s15, s23, $0xb8;
	[tilespmem:$0x1F000] =	vst v63  }
0x6d: {  	s14 =	simm.s32 $0x2B80  }
0x6e: {  	[spmem:s2] =	stream.indirect.scatter.add.f32 [tilespmem:s30], [sflag:$0x4], $0x40, s14, s23, $0xb8;
	[tilespmem:$0x1F000] =	vst v63  }
0x6f: {  	_ =	swait.ge [sflag:s28], $0x2000  }
0x70: {  	[sflag:s28] =	ssyncset.done $0x0  }
0x71: {  	[sflag:s28] =	ssyncadd.s32 $0xFFFFE000  }
0x72: {  	_ =	swait.ge [sflag:s28], $0x2000  }
0x73: {  	[sflag:s28] =	ssyncset.done $0x0  }
0x74: {  	[sflag:s28] =	ssyncadd.s32 $0xFFFFE000  }
0x75: {  	_ =	swait.ge [sflag:s28], $0x2000  }
0x76: {  	[sflag:s28] =	ssyncset.done $0x0  }
0x77: {  	[sflag:s28] =	ssyncadd.s32 $0xFFFFE000  }
0x78: {  	_ =	swait.ge [sflag:s28], $0x2000  }
0x79: {  	[sflag:s28] =	ssyncset.done $0x0  }
0x7a: {  	s15 =	simm.s32 $0x400;
	[sflag:s28] =	ssyncadd.s32 $0xFFFFE000  }
0x7b: {  	[tilespmem:s20], [sflag:$0x1] =	stream.indirect.gather [hbm4b:s4+s23], $0x40, s15, s23, $0xb8;
	[tilespmem:$0x1F000] =	vst v63  }
0x7c: {  	s14 =	simm.s32 $0x480  }
0x7d: {  	[tilespmem:s24], [sflag:$0x1] =	stream.indirect.gather [hbm4b:s4+s23], $0x40, s14, s23, $0xb8;
	[tilespmem:$0x1F000] =	vst v63  }
0x7e: {  	s15 =	simm.s32 $0x500  }
0x7f: {  	[tilespmem:s26], [sflag:$0x1] =	stream.indirect.gather [hbm4b:s4+s23], $0x40, s15, s23, $0xb8;
	[tilespmem:$0x1F000] =	vst v63  }
0x80: {  	s14 =	simm.s32 $0x580  }
0x81: {  	[tilespmem:s29], [sflag:$0x1] =	stream.indirect.gather [hbm4b:s4+s23], $0x40, s14, s23, $0xb8;
	[tilespmem:$0x1F000] =	vst v63  }
0x82: {  	_ =	swait.ge [sflag:s5], $0x2000  }
0x83: {  	[sflag:s5] =	ssyncset.done $0x0  }
0x84: {  	[sflag:s5] =	ssyncadd.s32 $0xFFFFE000  }
0x85: {  	_ =	swait.ge [sflag:s5], $0x2000  }
0x86: {  	[sflag:s5] =	ssyncset.done $0x0  }
0x87: {  	[sflag:s5] =	ssyncadd.s32 $0xFFFFE000  }
0x88: {  	_ =	swait.ge [sflag:s5], $0x2000  }
0x89: {  	[sflag:s5] =	ssyncset.done $0x0  }
0x8a: {  	[sflag:s5] =	ssyncadd.s32 $0xFFFFE000  }
0x8b: {  	_ =	swait.ge [sflag:s5], $0x2000  }
0x8c: {  	[sflag:s5] =	ssyncset.done $0x0  }
0x8d: {  	s15 =	simm.s32 $0x600;
	[sflag:s5] =	ssyncadd.s32 $0xFFFFE000  }
0x8e: {  	[tilespmem:s31], [sflag:$0x2] =	stream.indirect.gather [hbm4b:s4+s23], $0x40, s15, s23, $0xb8;
	[tilespmem:$0x1F000] =	vst v63  }
0x8f: {  	s14 =	simm.s32 $0x680  }
0x90: {  	[tilespmem:s0], [sflag:$0x2] =	stream.indirect.gather [hbm4b:s4+s23], $0x40, s14, s23, $0xb8;
	[tilespmem:$0x1F000] =	vst v63  }
0x91: {  	s13 =	simm.s32 $0x1000;
	s15 =	simm.s32 $0x700;
	s14 =	simm.s32 $0x780  }
0x92: {  	[tilespmem:s25], [sflag:$0x2] =	stream.indirect.gather [hbm4b:s4+s23], $0x40, s15, s23, $0xb8;
	[tilespmem:$0x1F000] =	vst v63  }
.LBB2_2:
0x93: {  	[tilespmem:s30], [sflag:$0x2] =	stream.indirect.gather [hbm4b:s4+s23], $0x40, s14, s23, $0xb8;
	[tilespmem:$0x1F000] =	vst v63  }
0x94: {  	s14 =	smov.u32 s13  }
0x95: {  	p0 =	sne.s32 s13, $0x8000;
	s13 =	sadd.s32 $0x1000, s13;
	_ =	swait.ge [sflag:s1], $0x2000  }
0x96: {  	[sflag:s1] =	ssyncset.done $0x0  }
0x97: {  	[sflag:s1] =	ssyncadd.s32 $0xFFFFE000  }
0x98: {  	_ =	swait.ge [sflag:s1], $0x2000  }
0x99: {  	[sflag:s1] =	ssyncset.done $0x0  }
0x9a: {  	[sflag:s1] =	ssyncadd.s32 $0xFFFFE000  }
0x9b: {  	_ =	swait.ge [sflag:s1], $0x2000  }
0x9c: {  	[sflag:s1] =	ssyncset.done $0x0  }
0x9d: {  	[sflag:s1] =	ssyncadd.s32 $0xFFFFE000  }
0x9e: {  	_ =	swait.ge [sflag:s1], $0x2000  }
0x9f: {  	s14 =	sshra.s32 s14, $0x2;
	[sflag:s1] =	ssyncset.done $0x0  }
0xa0: {  	s15 =	sadd.s32 $0x2800, s14;
	[sflag:s1] =	ssyncadd.s32 $0xFFFFE000  }
0xa1: {  	[spmem:s2] =	stream.indirect.scatter.add.f32 [tilespmem:s20], [sflag:$0x3], $0x40, s15, s23, $0xb8;
	[tilespmem:$0x1F000] =	vst v63  }
0xa2: {  	s15 =	sadd.s32 $0x2880, s14  }
0xa3: {  	[spmem:s2] =	stream.indirect.scatter.add.f32 [tilespmem:s24], [sflag:$0x3], $0x40, s15, s23, $0xb8;
	[tilespmem:$0x1F000] =	vst v63  }
0xa4: {  	s15 =	sadd.s32 $0x2900, s14  }
0xa5: {  	[spmem:s2] =	stream.indirect.scatter.add.f32 [tilespmem:s26], [sflag:$0x3], $0x40, s15, s23, $0xb8;
	[tilespmem:$0x1F000] =	vst v63  }
0xa6: {  	s15 =	sadd.s32 $0x2980, s14  }
0xa7: {  	[spmem:s2] =	stream.indirect.scatter.add.f32 [tilespmem:s29], [sflag:$0x3], $0x40, s15, s23, $0xb8;
	[tilespmem:$0x1F000] =	vst v63  }
0xa8: {  	_ =	swait.ge [sflag:s19], $0x2000  }
0xa9: {  	[sflag:s19] =	ssyncset.done $0x0  }
0xaa: {  	[sflag:s19] =	ssyncadd.s32 $0xFFFFE000  }
0xab: {  	_ =	swait.ge [sflag:s19], $0x2000  }
0xac: {  	[sflag:s19] =	ssyncset.done $0x0  }
0xad: {  	[sflag:s19] =	ssyncadd.s32 $0xFFFFE000  }
0xae: {  	_ =	swait.ge [sflag:s19], $0x2000  }
0xaf: {  	[sflag:s19] =	ssyncset.done $0x0  }
0xb0: {  	[sflag:s19] =	ssyncadd.s32 $0xFFFFE000  }
0xb1: {  	_ =	swait.ge [sflag:s19], $0x2000  }
0xb2: {  	[sflag:s19] =	ssyncset.done $0x0  }
0xb3: {  	s15 =	sadd.s32 $0x2A00, s14;
	[sflag:s19] =	ssyncadd.s32 $0xFFFFE000  }
0xb4: {  	[spmem:s2] =	stream.indirect.scatter.add.f32 [tilespmem:s31], [sflag:$0x4], $0x40, s15, s23, $0xb8;
	[tilespmem:$0x1F000] =	vst v63  }
0xb5: {  	s15 =	sadd.s32 $0x2A80, s14  }
0xb6: {  	[spmem:s2] =	stream.indirect.scatter.add.f32 [tilespmem:s0], [sflag:$0x4], $0x40, s15, s23, $0xb8;
	[tilespmem:$0x1F000] =	vst v63  }
0xb7: {  	s15 =	sadd.s32 $0x2B00, s14  }
0xb8: {  	[spmem:s2] =	stream.indirect.scatter.add.f32 [tilespmem:s25], [sflag:$0x4], $0x40, s15, s23, $0xb8;
	[tilespmem:$0x1F000] =	vst v63  }
0xb9: {  	s15 =	sadd.s32 $0x2B80, s14  }
0xba: {  	[spmem:s2] =	stream.indirect.scatter.add.f32 [tilespmem:s30], [sflag:$0x4], $0x40, s15, s23, $0xb8;
	[tilespmem:$0x1F000] =	vst v63  }
0xbb: {  	_ =	swait.ge [sflag:s28], $0x2000  }
0xbc: {  	[sflag:s28] =	ssyncset.done $0x0  }
0xbd: {  	[sflag:s28] =	ssyncadd.s32 $0xFFFFE000  }
0xbe: {  	_ =	swait.ge [sflag:s28], $0x2000  }
0xbf: {  	[sflag:s28] =	ssyncset.done $0x0  }
0xc0: {  	[sflag:s28] =	ssyncadd.s32 $0xFFFFE000  }
0xc1: {  	_ =	swait.ge [sflag:s28], $0x2000  }
0xc2: {  	[sflag:s28] =	ssyncset.done $0x0  }
0xc3: {  	[sflag:s28] =	ssyncadd.s32 $0xFFFFE000  }
0xc4: {  	_ =	swait.ge [sflag:s28], $0x2000  }
0xc5: {  	[sflag:s28] =	ssyncset.done $0x0  }
0xc6: {  	s15 =	sadd.s32 $0x400, s14;
	[sflag:s28] =	ssyncadd.s32 $0xFFFFE000  }
0xc7: {  	[tilespmem:s20], [sflag:$0x1] =	stream.indirect.gather [hbm4b:s4+s23], $0x40, s15, s23, $0xb8;
	[tilespmem:$0x1F000] =	vst v63  }
0xc8: {  	s15 =	sadd.s32 $0x480, s14  }
0xc9: {  	[tilespmem:s24], [sflag:$0x1] =	stream.indirect.gather [hbm4b:s4+s23], $0x40, s15, s23, $0xb8;
	[tilespmem:$0x1F000] =	vst v63  }
0xca: {  	s15 =	sadd.s32 $0x500, s14  }
0xcb: {  	[tilespmem:s26], [sflag:$0x1] =	stream.indirect.gather [hbm4b:s4+s23], $0x40, s15, s23, $0xb8;
	[tilespmem:$0x1F000] =	vst v63  }
0xcc: {  	s15 =	sadd.s32 $0x580, s14  }
0xcd: {  	[tilespmem:s29], [sflag:$0x1] =	stream.indirect.gather [hbm4b:s4+s23], $0x40, s15, s23, $0xb8;
	[tilespmem:$0x1F000] =	vst v63  }
0xce: {  	_ =	swait.ge [sflag:s5], $0x2000  }
0xcf: {  	[sflag:s5] =	ssyncset.done $0x0  }
0xd0: {  	[sflag:s5] =	ssyncadd.s32 $0xFFFFE000  }
0xd1: {  	_ =	swait.ge [sflag:s5], $0x2000  }
0xd2: {  	[sflag:s5] =	ssyncset.done $0x0  }
0xd3: {  	[sflag:s5] =	ssyncadd.s32 $0xFFFFE000  }
0xd4: {  	_ =	swait.ge [sflag:s5], $0x2000  }
0xd5: {  	[sflag:s5] =	ssyncset.done $0x0  }
0xd6: {  	[sflag:s5] =	ssyncadd.s32 $0xFFFFE000  }
0xd7: {  	_ =	swait.ge [sflag:s5], $0x2000  }
0xd8: {  	[sflag:s5] =	ssyncset.done $0x0  }
0xd9: {  	s15 =	sadd.s32 $0x600, s14;
	[sflag:s5] =	ssyncadd.s32 $0xFFFFE000  }
0xda: {  	[tilespmem:s31], [sflag:$0x2] =	stream.indirect.gather [hbm4b:s4+s23], $0x40, s15, s23, $0xb8;
	[tilespmem:$0x1F000] =	vst v63  }
.Ltmp0:
0xdb: {  	s15 =	sadd.s32 $0x680, s14;
	(pc) =	sbr.rel @p0 .LBB2_2-.Ltmp0, $4  }
0xdc: {  	[tilespmem:s0], [sflag:$0x2] =	stream.indirect.gather [hbm4b:s4+s23], $0x40, s15, s23, $0xb8;
	[tilespmem:$0x1F000] =	vst v63  }
0xdd: {  	s15 =	sadd.s32 $0x700, s14  }
0xde: {  	[tilespmem:s25], [sflag:$0x2] =	stream.indirect.gather [hbm4b:s4+s23], $0x40, s15, s23, $0xb8;
	[tilespmem:$0x1F000] =	vst v63  }
0xdf: {  	s14 =	sadd.s32 $0x780, s14  }
0xe0: {  	[tilespmem:s30], [sflag:$0x2] =	stream.indirect.gather [hbm4b:s4+s23], $0x40, s14, s23, $0xb8;
	[tilespmem:$0x1F000] =	vst v63  }
0xe1: {  	_ =	swait.ge [sflag:s1], $0x2000  }
0xe2: {  	[sflag:s1] =	ssyncset.done $0x0  }
0xe3: {  	[sflag:s1] =	ssyncadd.s32 $0xFFFFE000  }
0xe4: {  	_ =	swait.ge [sflag:s1], $0x2000  }
0xe5: {  	[sflag:s1] =	ssyncset.done $0x0  }
0xe6: {  	[sflag:s1] =	ssyncadd.s32 $0xFFFFE000  }
0xe7: {  	_ =	swait.ge [sflag:s1], $0x2000  }
0xe8: {  	[sflag:s1] =	ssyncset.done $0x0  }
0xe9: {  	[sflag:s1] =	ssyncadd.s32 $0xFFFFE000  }
0xea: {  	_ =	swait.ge [sflag:s1], $0x2000  }
0xeb: {  	[sflag:s1] =	ssyncset.done $0x0  }
0xec: {  	s13 =	simm.s32 $0x4C00;
	[sflag:s1] =	ssyncadd.s32 $0xFFFFE000  }
0xed: {  	[spmem:s2] =	stream.indirect.scatter.add.f32 [tilespmem:s20], [sflag:$0x3], $0x40, s13, s23, $0xb8;
	[tilespmem:$0x1F000] =	vst v63  }
0xee: {  	s14 =	simm.s32 $0x4C80  }
0xef: {  	[spmem:s2] =	stream.indirect.scatter.add.f32 [tilespmem:s24], [sflag:$0x3], $0x40, s14, s23, $0xb8;
	[tilespmem:$0x1F000] =	vst v63  }
0xf0: {  	s15 =	simm.s32 $0x4D00  }
0xf1: {  	[spmem:s2] =	stream.indirect.scatter.add.f32 [tilespmem:s26], [sflag:$0x3], $0x40, s15, s23, $0xb8;
	[tilespmem:$0x1F000] =	vst v63  }
0xf2: {  	s14 =	simm.s32 $0x4D80  }
0xf3: {  	[spmem:s2] =	stream.indirect.scatter.add.f32 [tilespmem:s29], [sflag:$0x3], $0x40, s14, s23, $0xb8;
	[tilespmem:$0x1F000] =	vst v63  }
0xf4: {  	_ =	swait.ge [sflag:s19], $0x2000  }
0xf5: {  	[sflag:s19] =	ssyncset.done $0x0  }
0xf6: {  	[sflag:s19] =	ssyncadd.s32 $0xFFFFE000  }
0xf7: {  	_ =	swait.ge [sflag:s19], $0x2000  }
0xf8: {  	[sflag:s19] =	ssyncset.done $0x0  }
0xf9: {  	[sflag:s19] =	ssyncadd.s32 $0xFFFFE000  }
0xfa: {  	_ =	swait.ge [sflag:s19], $0x2000  }
0xfb: {  	[sflag:s19] =	ssyncset.done $0x0  }
0xfc: {  	[sflag:s19] =	ssyncadd.s32 $0xFFFFE000  }
0xfd: {  	_ =	swait.ge [sflag:s19], $0x2000  }
0xfe: {  	[sflag:s19] =	ssyncset.done $0x0  }
0xff: {  	s15 =	simm.s32 $0x4E00;
	[sflag:s19] =	ssyncadd.s32 $0xFFFFE000  }
0x100: {  	[spmem:s2] =	stream.indirect.scatter.add.f32 [tilespmem:s31], [sflag:$0x4], $0x40, s15, s23, $0xb8;
	[tilespmem:$0x1F000] =	vst v63  }
0x101: {  	s14 =	simm.s32 $0x4E80  }
0x102: {  	[spmem:s2] =	stream.indirect.scatter.add.f32 [tilespmem:s0], [sflag:$0x4], $0x40, s14, s23, $0xb8;
	[tilespmem:$0x1F000] =	vst v63  }
0x103: {  	s15 =	simm.s32 $0x4F00  }
0x104: {  	[spmem:s2] =	stream.indirect.scatter.add.f32 [tilespmem:s25], [sflag:$0x4], $0x40, s15, s23, $0xb8;
	[tilespmem:$0x1F000] =	vst v63  }
0x105: {  	s14 =	simm.s32 $0x4F80  }
0x106: {  	[spmem:s2] =	stream.indirect.scatter.add.f32 [tilespmem:s30], [sflag:$0x4], $0x40, s14, s23, $0xb8;
	[tilespmem:$0x1F000] =	vst v63  }
0x107: {  	_ =	swait.ge [sflag:s28], $0x2000  }
0x108: {  	[sflag:s28] =	ssyncset.done $0x0  }
0x109: {  	[sflag:s28] =	ssyncadd.s32 $0xFFFFE000  }
0x10a: {  	_ =	swait.ge [sflag:s28], $0x2000  }
0x10b: {  	[sflag:s28] =	ssyncset.done $0x0  }
0x10c: {  	[sflag:s28] =	ssyncadd.s32 $0xFFFFE000  }
0x10d: {  	_ =	swait.ge [sflag:s28], $0x2000  }
0x10e: {  	[sflag:s28] =	ssyncset.done $0x0  }
0x10f: {  	[sflag:s28] =	ssyncadd.s32 $0xFFFFE000  }
0x110: {  	_ =	swait.ge [sflag:s28], $0x2000  }
0x111: {  	[sflag:s28] =	ssyncset.done $0x0  }
0x112: {  	[sflag:s28] =	ssyncadd.s32 $0xFFFFE000  }
0x113: {  	_ =	swait.ge [sflag:s5], $0x2000  }
0x114: {  	[sflag:s5] =	ssyncset.done $0x0  }
0x115: {  	[sflag:s5] =	ssyncadd.s32 $0xFFFFE000  }
0x116: {  	_ =	swait.ge [sflag:s5], $0x2000  }
0x117: {  	[sflag:s5] =	ssyncset.done $0x0  }
0x118: {  	[sflag:s5] =	ssyncadd.s32 $0xFFFFE000  }
0x119: {  	_ =	swait.ge [sflag:s5], $0x2000  }
0x11a: {  	[sflag:s5] =	ssyncset.done $0x0  }
0x11b: {  	[sflag:s5] =	ssyncadd.s32 $0xFFFFE000  }
0x11c: {  	_ =	swait.ge [sflag:s5], $0x2000  }
0x11d: {  	[sflag:s5] =	ssyncset.done $0x0  }
0x11e: {  	[sflag:s5] =	ssyncadd.s32 $0xFFFFE000  }
0x11f: {  	[bflag:$0x0] =	sbarrier.arrive $0xFFFF  }
0x120: {  	[tilespmem:s20], [sflag:$0x1] =	stream.linear.gather [spmem:s8], $0x2000, $0x38;
	[tilespmem:$0x1F000] =	vst v63  }
0x121: {  	_ = 	snop  }
0x122: {  	[tilespmem:s24], [sflag:$0x1] =	stream.linear.gather [spmem:s9], $0x2000, $0x38;
	[tilespmem:$0x1F000] =	vst v63  }
0x123: {  	_ = 	snop  }
0x124: {  	[tilespmem:s26], [sflag:$0x1] =	stream.linear.gather [spmem:s10], $0x2000, $0x38;
	[tilespmem:$0x1F000] =	vst v63  }
0x125: {  	_ = 	snop  }
0x126: {  	[tilespmem:s29], [sflag:$0x1] =	stream.linear.gather [spmem:s11], $0x2000, $0x38;
	[tilespmem:$0x1F000] =	vst v63  }
0x127: {  	_ = 	snop  }
0x128: {  	[tilespmem:s31], [sflag:$0x1] =	stream.linear.gather [spmem:s12], $0x2000, $0x38;
	[tilespmem:$0x1F000] =	vst v63  }
0x129: {  	_ =	swait.ge [sflag:s1], $0x2000  }
0x12a: {  	[sflag:s1] =	ssyncset.done $0x0  }
0x12b: {  	s15 =	rddreg [dreg:$0x6];
	[sflag:s1] =	ssyncadd.s32 $0xFFFFE000  }
0x12c: {  	[hbm4b:s15+s6] =	stream.strided.scatter [tilespmem:s20], [sflag:$0x3], $0x2000, s23, s6, $0x38;
	[tilespmem:$0x1F000] =	vst v63  }
0x12d: {  	_ =	swait.ge [sflag:s1], $0x2000  }
0x12e: {  	[sflag:s1] =	ssyncset.done $0x0  }
0x12f: {  	s14 =	rddreg [dreg:$0x7];
	[sflag:s1] =	ssyncadd.s32 $0xFFFFE000  }
0x130: {  	[hbm4b:s14+s6] =	stream.strided.scatter [tilespmem:s24], [sflag:$0x3], $0x2000, s23, s6, $0x38;
	[tilespmem:$0x1F000] =	vst v63  }
0x131: {  	_ =	swait.ge [sflag:s1], $0x2000  }
0x132: {  	[sflag:s1] =	ssyncset.done $0x0  }
0x133: {  	s15 =	rddreg [dreg:$0x8];
	[sflag:s1] =	ssyncadd.s32 $0xFFFFE000  }
0x134: {  	[hbm4b:s15+s6] =	stream.strided.scatter [tilespmem:s26], [sflag:$0x3], $0x2000, s23, s6, $0x38;
	[tilespmem:$0x1F000] =	vst v63  }
0x135: {  	_ =	swait.ge [sflag:s1], $0x2000  }
0x136: {  	[sflag:s1] =	ssyncset.done $0x0  }
0x137: {  	[sflag:s1] =	ssyncadd.s32 $0xFFFFE000  }
0x138: {  	[hbm4b:s16+s6] =	stream.strided.scatter [tilespmem:s29], [sflag:$0x3], $0x2000, s23, s6, $0x38;
	[tilespmem:$0x1F000] =	vst v63  }
0x139: {  	_ =	swait.ge [sflag:s1], $0x2000  }
0x13a: {  	[sflag:s1] =	ssyncset.done $0x0  }
0x13b: {  	[sflag:s1] =	ssyncadd.s32 $0xFFFFE000  }
0x13c: {  	[hbm4b:s17+s6] =	stream.strided.scatter [tilespmem:s31], [sflag:$0x3], $0x2000, s23, s6, $0x38;
	[tilespmem:$0x1F000] =	vst v63  }
0x13d: {  	_ =	swait.ge [sflag:s28], $0x2000  }
0x13e: {  	[sflag:s28] =	ssyncset.done $0x0  }
0x13f: {  	[sflag:s28] =	ssyncadd.s32 $0xFFFFE000  }
0x140: {  	_ =	swait.ge [sflag:s28], $0x2000  }
0x141: {  	[sflag:s28] =	ssyncset.done $0x0  }
0x142: {  	[sflag:s28] =	ssyncadd.s32 $0xFFFFE000  }
0x143: {  	_ =	swait.ge [sflag:s28], $0x2000  }
0x144: {  	[sflag:s28] =	ssyncset.done $0x0  }
0x145: {  	s7 =	sadd.s32 $0x1, s7;
	[sflag:s28] =	ssyncadd.s32 $0xFFFFE000  }
0x146: {  	p0 =	sne.s32 s7, s18;
	_ =	swait.ge [sflag:s28], $0x2000  }
.Ltmp1:
0x147: {  	[sflag:s28] =	ssyncset.done $0x0;
	(pc) =	sbr.rel @p0 .LBB2_1-.Ltmp1, $4  }
0x148: {  	[sflag:s28] =	ssyncadd.s32 $0xFFFFE000  }
0x149: {  	_ =	swait.ge [sflag:s28], $0x2000  }
0x14a: {  	[sflag:s28] =	ssyncset.done $0x0  }
0x14b: {  	[sflag:s28] =	ssyncadd.s32 $0xFFFFE000  }
0x14c: {  	_ =	sfence.sel $0x180000  }
0x14d: {  	[bflag:$0x0] =	sbarrier.arrive $0xFFFF  }
0x14e: {  	_ =	strace $0x9000004A  }
0x14f: {  	s0 =	stileid.u32;
	[bflag:$0x2] =	sbarrier.arrive $0xFFFF  }
0x150: {  	p0 =	sne.s32 s0, $0x0;
	s0 =	rddreg [dreg:$0x2]  }
0x151: {  	s0 =	sadd.s32 @!p0 $0x100000, s0  }
0x152: {  	[sflag:s0] =	ssyncadd.tile.s32 @!p0 $0x1;
	_ =	shalt  }
.Lfunc_end2:
_tile_overlayer_lowered:
.L_overlay_start_2:
0x153: {  	(tag) =	ssettag $0x2  }
0x154: {  	s0 =	rddreg [dreg:$0x0];
	s2 =	stileid.u32  }
0x155: {  	s1 =	rddreg [dreg:$0x1];
	p0 =	sne.s32 s2, $0x0  }
0x156: {  	s3 =	rddreg [dreg:$0x2];
	[bflag:$0x3] =	sbarrier.arrive $0xFFFF;
	s2 =	simm.s32 @!p0 $0x1C06  }
0x157: {  	[timem:s3], [sflag:s2] =	dma.local @!p0 [hbm:s0], s1  }
0x158: {  	s0 =	simm.s32 @!p0 $0x6  }
0x159: {  	_ =	swait.ge @!p0 [sflag:s0], s1  }
0x15a: {  	s1 =	ssub.s32 @!p0 $0x0, s1;
	[sflag:s0] =	ssyncset.done @!p0 $0x0  }
0x15b: {  	[sflag:s0] =	ssyncadd.s32 @!p0 s1  }
0x15c: {  	[bflag:$0x3] =	sbarrier.arrive $0xFFFF  }
0x15d: {  	_ =	shalt  }

// kernel: kernel.7.cloned.1.call-start
scs
__scs_entry_jumppad:
0x0: {  	(pc) =	sbr.rel $0x88, $3  }
0x1: {  	(tag) =	ssettag $0x0;
	lr =	simm.s32 $0x1  }
0x2: {  	[smem:$0x3F89] =	sst lr;
	_ =	strace $0xD0000000  }
0x3: {  	_ = 	snop  }
0x4: {  	_ = 	snop  }
0x5: {  	_ = 	snop  }
0x6: {  	_ = 	snop  }
0x7: {  	_ = 	snop  }
__scs_overlays_trampoline_lowered:
0x8: {  	[smem:$0x3F98] =	sst s0  }
0x9: {  	[smem:$0x3F99] =	sst s1  }
0xa: {  	[smem:$0x3F9A] =	sst s2  }
0xb: {  	[smem:$0x3F9B] =	sst s3  }
0xc: {  	[smem:$0x3F9C] =	sst s4  }
0xd: {  	[smem:$0x3F9D] =	sst s5  }
0xe: {  	[smem:$0x3F9E] =	sst s6  }
0xf: {  	[smem:$0x3F9F] =	sst s7  }
0x10: {  	[smem:$0x3FA0] =	sst s8  }
0x11: {  	[smem:$0x3FA1] =	sst s9;
	s0 =	simm.s32 @!p0 $0x0  }
0x12: {  	s1 =	sld [smem:$0x3F87];
	s0 =	simm.s32 @p0 $0x1  }
0x13: {  	[smem:$0x3FA2] =	sst s0;
	s0 =	simm.s32 @!p1 $0x0  }
0x14: {  	s2 =	sld [smem:$0x3F86];
	s0 =	simm.s32 @p1 $0x1  }
0x15: {  	[smem:$0x3FA3] =	sst s0;
	s0 =	simm.s32 @!p2 $0x0  }
0x16: {  	s3 =	sld [smem:$0x3FDB];
	s0 =	simm.s32 @p2 $0x1  }
0x17: {  	s4 =	simm.s32 $0x1BF5;
	[smem:$0x3FA5] =	sst s0  }
0x18: {  	s0 =	sld [smem:$0x3F88];
	_ =	swait.ge [sflag:s4], $0x0  }
0x19: {  	s7 =	sld [smem:$0x3F89]  }
0x1a: {  	s8 =	sadd.s32 $0xFFFFE003, lr  }
0x1b: {  	s9 =	sadd.s32 $0xFFFFFEF7, lr;
	s5 =	simm.s32 $0xFFFFFFFF;
	p2 =	slt.u32 s8, $0xFFFFF086  }
0x1c: {  	p1 =	slt.u32 s9, $0xF7A;
	s5 =	simm.s32 @!p2 $0x0  }
0x1d: {  	s5 =	simm.s32 @p1 $0x1;
	p0 =	seq.s32 s7, s2  }
0x1e: {  	s7 =	smul.u32 @!p0 $0xF7A, s2;
	p2 =	seq.s32 @!p0 s5, $0x0  }
0x1f: {  	s9 =	smul.u32 $0xF7A, s1;
	s8 =	simm.s32 @!p0 $0x1BF5;
	p2 =	por !p2, p0  }
0x20: {  	[sflag:s8] =	ssyncset.s32 @!p0 $0xFFFFF086;
	s6 =	sadd.s32 @!p0 s3, s7;
	s7 =	simm.s32 @!p0 $0x108  }
0x21: {  	s3 =	sadd.s32 s3, s9;
	s6 =	sadd.s32 @!p0 $0x88, s6;
	s7 =	simm.s32 @p2 $0x1082  }
0x22: {  	[simem:s7], [sflag:s8] =	dma.local @!p0 [hbm:s6], $0xF7A  }
0x23: {  	s9 =	sor.u32 $0xD0000000, s2;
	s6 =	simm.s32 $0x108;
	_ =	swait.ge @!p0 [sflag:s8], $0x0  }
0x24: {  	s3 =	sadd.s32 $0x88, s3;
	s6 =	simm.s32 @!p1 $0x1082;
	[sflag:s4] =	ssyncset.s32 $0xFFFFF086  }
0x25: {  	[simem:s6], [sflag:s4] =	dma.local [hbm:s3], $0xF7A  }
0x26: {  	[smem:$0x3F89] =	sst s1;
	(tag) =	ssettag s2;
	_ =	strace s9  }
0x27: {  	s1 =	sld [smem:$0x3F99]  }
0x28: {  	s2 =	sld [smem:$0x3F9A]  }
0x29: {  	s4 =	sld [smem:$0x3F9C]  }
0x2a: {  	p0 =	seq.s32 s5, $0x0;
	s5 =	sld [smem:$0x3F9D]  }
0x2b: {  	s6 =	sld [smem:$0x3F9E]  }
0x2c: {  	s7 =	sld [smem:$0x3F9F]  }
0x2d: {  	s3 =	simm.s32 $0x108;
	s8 =	sld [smem:$0x3FA0]  }
0x2e: {  	s3 =	simm.s32 @!p0 $0x1082;
	s9 =	sld [smem:$0x3FA1]  }
0x2f: {  	lr =	sadd.s32 s0, s3;
	s0 =	sld [smem:$0x3F98]  }
0x30: {  	s3 =	sld [smem:$0x3F9B]  }
0x31: {  	[smem:$0x3FA4] =	sst s10  }
0x32: {  	s10 =	sld [smem:$0x3FA2];
	_ =	sdelay $0x3  }
0x33: {  	p0 =	seq.s32 s10, $0x1;
	s10 =	sld [smem:$0x3FA4];
	_ =	sdelay $0x3  }
0x34: {  	[smem:$0x3FA4] =	sst s10  }
0x35: {  	s10 =	sld [smem:$0x3FA3];
	_ =	sdelay $0x3  }
0x36: {  	p1 =	seq.s32 s10, $0x1;
	s10 =	sld [smem:$0x3FA4];
	_ =	sdelay $0x3  }
0x37: {  	[smem:$0x3FA4] =	sst s10  }
0x38: {  	s10 =	sld [smem:$0x3FA5]  }
0x39: {  	_ = 	snop;
	(pc) =	sbr.ind lr, $3  }
0x3a: {  	_ = 	snop  }
0x3b: {  	_ = 	snop  }
0x3c: {  	p2 =	seq.s32 s10, $0x1;
	s10 =	sld [smem:$0x3FA4]  }
0x3d: {  	_ =	shalt  }
0x3e: {  	_ =	shalt  }
0x3f: {  	_ =	shalt  }
0x40: {  	_ =	shalt  }
0x41: {  	_ =	shalt  }
0x42: {  	_ =	shalt  }
0x43: {  	_ =	shalt  }
0x44: {  	_ =	shalt  }
0x45: {  	_ =	shalt  }
0x46: {  	_ =	shalt  }
0x47: {  	_ =	shalt  }
0x48: {  	_ =	shalt  }
0x49: {  	_ =	shalt  }
0x4a: {  	_ =	shalt  }
0x4b: {  	_ =	shalt  }
0x4c: {  	_ =	shalt  }
0x4d: {  	_ =	shalt  }
0x4e: {  	_ =	shalt  }
0x4f: {  	_ =	shalt  }
0x50: {  	_ =	shalt  }
0x51: {  	_ =	shalt  }
0x52: {  	_ =	shalt  }
0x53: {  	_ =	shalt  }
0x54: {  	_ =	shalt  }
0x55: {  	_ =	shalt  }
0x56: {  	_ =	shalt  }
0x57: {  	_ =	shalt  }
0x58: {  	_ =	shalt  }
0x59: {  	_ =	shalt  }
0x5a: {  	_ =	shalt  }
0x5b: {  	_ =	shalt  }
0x5c: {  	_ =	shalt  }
0x5d: {  	_ =	shalt  }
0x5e: {  	_ =	shalt  }
0x5f: {  	_ =	shalt  }
0x60: {  	_ =	shalt  }
0x61: {  	_ =	shalt  }
0x62: {  	_ =	shalt  }
0x63: {  	_ =	shalt  }
0x64: {  	_ =	shalt  }
0x65: {  	_ =	shalt  }
0x66: {  	_ =	shalt  }
0x67: {  	_ =	shalt  }
0x68: {  	_ =	shalt  }
0x69: {  	_ =	shalt  }
0x6a: {  	_ =	shalt  }
0x6b: {  	_ =	shalt  }
0x6c: {  	_ =	shalt  }
0x6d: {  	_ =	shalt  }
0x6e: {  	_ =	shalt  }
0x6f: {  	_ =	shalt  }
0x70: {  	_ =	shalt  }
0x71: {  	_ =	shalt  }
0x72: {  	_ =	shalt  }
0x73: {  	_ =	shalt  }
0x74: {  	_ =	shalt  }
0x75: {  	_ =	shalt  }
0x76: {  	_ =	shalt  }
0x77: {  	_ =	shalt  }
0x78: {  	_ =	shalt  }
0x79: {  	_ =	shalt  }
0x7a: {  	_ =	shalt  }
0x7b: {  	_ =	shalt  }
0x7c: {  	_ =	shalt  }
0x7d: {  	_ =	shalt  }
0x7e: {  	_ =	shalt  }
0x7f: {  	_ =	shalt  }
0x80: {  	_ =	shalt  }
0x81: {  	_ =	shalt  }
0x82: {  	_ =	shalt  }
0x83: {  	_ =	shalt  }
0x84: {  	_ =	shalt  }
0x85: {  	_ =	shalt  }
0x86: {  	_ =	shalt  }
0x87: {  	_ =	shalt  }
.Lfunc_end0:
.L_simem_size_0:
called_computation_lowered:
.L_overlay_start_0:
0x88: {  	s2 =	sld [smem:$0x3FD9]  }
0x89: {  	s3 =	sld [smem:$0x3FFE];
	_ =	sdelay $0x1  }
0x8a: {  	s1 =	srdreg.scid  }
0x8b: {  	s0 =	sand.u32 $0x1, s1  }
0x8c: {  	s16 =	sshll.u32 s0, $0xA;
	s2 =	sadd.s32 s3, s2  }
0x8d: {  	s2 =	sadd.s32 s2, s16  }
0x8e: {  	[smem:$0x3FB0] =	sst s2  }
0x8f: {  	_ = 	snop  }
0x90: {  	(tm) =	ssettm $0x1  }
0x91: {  	s17 =	sld [smem:$0x3FFB];
	_ =	sdelay $0x3  }
0x92: {  	_ =	strace s17  }
0x93: {  	s2 =	sld [smem:$0x3FFC];
	_ =	sdelay $0x3  }
0x94: {  	_ =	strace s2  }
0x95: {  	s2 =	sld [smem:$0x3FFD];
	_ =	sdelay $0x3  }
0x96: {  	_ =	strace s2  }
0x97: {  	_ =	strace $0x8FFFFFFF  }
0x98: {  	s18 =	sld [smem:$0x3FDB];
	_ =	sdelay $0x1  }
0x99: {  	s19 =	simm.s32 $_scs_section_size  }
0x9a: {  	s4 =	simm.s32 $_size__tile_overlayer_lowered;
	s5 =	simm.s32 $_tile_overlayer_lowered  }
0x9b: {  	s22 =	simm.s32 $0x1BFF;
	s21 =	sshll.u32 s5, $0x1;
	s2 =	sadd.s32 s19, s18  }
0x9c: {  	s6 =	simm.s32 $0x0;
	s20 =	sshll.u32 s4, $0x1;
	s4 =	sadd.s32 s21, s2  }
0x9d: {  	[timem:s6], [sflag:s22] =	dma.local [hbm:s4], s20  }
0x9e: {  	_ =	swait.ge [sflag:s22], s20  }
0x9f: {  	s3 =	ssub.s32 $0x0, s20;
	[sflag:s22] =	ssyncset.done $0x0  }
0xa0: {  	[sflag:s22] =	ssyncadd.s32 s3;
	_ =	sdelay $0x1  }
0xa1: {  	s23 =	simm.s32 $0x1B8B  }
0xa2: {  	_ =	swait.ge [sflag:s23], $0x1  }
0xa3: {  	[sflag:s23] =	ssyncset.done $0x0  }
0xa4: {  	s25 =	simm.s32 $0x1B8E;
	s24 =	sld [smem:$0x3FFE];
	[sflag:s23] =	ssyncadd.s32 $0xFFFFFFFF  }
0xa5: {  	s26 =	simm.s32 $execute0_lowered;
	[smem:$0x3FD2] =	sst s25  }
0xa6: {  	s4 =	sshll.u32 s26, $0x1;
	_ =	strace $0x80000046;
	[dreg:$0x1] =	wrdreg $0xFFFFFFFF  }
0xa7: {  	s28 =	simm.s32 $_size_execute0_lowered;
	s2 =	sadd.s32 s2, s4;
	[dreg:$0x0] =	wrdreg $0x0  }
0xa8: {  	s4 =	sshll.u32 s28, $0x1;
	[dreg:$0x2] =	wrdreg s2  }
0xa9: {  	[dreg:$0x3] =	wrdreg s4  }
0xaa: {  	[dreg:$0x4] =	wrdreg $0xC0  }
0xab: {  	_ =	task [dreg:s6], $0x5FFFF  }
0xac: {  	[dreg:$0x1] =	wrdreg $0xFFFFFFFF  }
0xad: {  	[dreg:$0x0] =	wrdreg $0x60  }
0xae: {  	[dreg:$0x2] =	wrdreg s24  }
0xaf: {  	[dreg:$0x3] =	wrdreg $0x150000  }
0xb0: {  	[dreg:$0x4] =	wrdreg $0x9  }
0xb1: {  	_ =	task.clear_ibuf [dreg:s6], $0x5FFFF;
	_ =	strace $0x90000046  }
0xb2: {  	s29 =	simm.s32 $0x9;
	_ =	strace $0x80000048  }
0xb3: {  	_ =	swait.ge [sflag:s29], $0x1  }
0xb4: {  	[sflag:s29] =	ssyncadd.s32 $0xFFFFFFFF  }
0xb5: {  	_ =	strace $0x90000048  }
0xb6: {  	_ =	sfence  }
0xb7: {  	s30 =	sld [smem:$0x0];
	_ =	sdelay $0x2  }
0xb8: {  	s31 =	sshll.u32 s1, $0xD;
	s1 =	sshrl.u32 s1, $0x2  }
0xb9: {  	s3 =	sand.u32 $0x4000, s31;
	s1 =	sadd.s32 s1, s30  }
0xba: {  	s0 =	sor.u32 s3, s0;
	s1 =	sshll.u32 s1, $0x11  }
0xbb: {  	s0 =	sor.u32 s1, s0  }
0xbc: {  	s0 =	sadd.s32 $0x8F2B, s0  }
0xbd: {  	[sflag:s0] =	ssyncadd.remote.s32 $0x1  }
0xbe: {  	_ =	sfence.sel $0xFFFF  }
0xbf: {  	[dreg:$0x0] =	wrdreg $0xFFFFFFFF;
	(pc) =	sbr.abs _section_cstart, $3  }
0xc0: {  	[dreg:$0x1] =	wrdreg $0xFFFFFFFF  }
0xc1: {  	_ =	task.clear_ibuf [dreg:s6], $0x2FFFF;
	_ =	strace $0x9FFFFFFF  }
0xc2: {  	(tm) =	ssettm $0x7FFFFFFF  }
0xc3: {  	_ =	shalt  }
tec
execute0_lowered:
.L_overlay_start_1:
0x0: {  	(tag) =	ssettag $0x1  }
0x1: {  	s0 =	srdreg.scid  }
0x2: {  	s8 =	stileid.u32;
	s5 =	rddreg [dreg:$0x0]  }
0x3: {  	s2 =	rddreg [dreg:$0x1];
	s3 =	simm.s32 $0x0;
	s29 =	simm.s32 $0xB000  }
0x4: {  	s31 =	simm.s32 $0xD000;
	s30 =	simm.s32 $0x13000;
	s28 =	simm.s32 $0x3  }
0x5: {  	s0 =	sand.u32 $0x1, s0;
	s1 =	sshll.u32 s8, $0x1;
	s6 =	smul.u32 $0x280, s8  }
0x6: {  	[smem:$0x7FF] =	sst s3;
	s4 =	sadd.s32 $0x3800, s5;
	s19 =	smul.u32 $0x28000, s8  }
0x7: {  	s20 =	sadd.s32 $0x3F200, s5;
	s1 =	sor.u32 s0, s1;
	s7 =	smul.u32 $0x2800, s0  }
0x8: {  	_ =	strace $0x80000047;
	s0 =	ssub.s32 $0x2, s0;
	[dreg:$0x3] =	wrdreg s20  }
0x9: {  	s20 =	simm.s32 $0x5000;
	s1 =	smul.u32 $0x500, s1;
	s21 =	sshrl.u32 s0, $0x1  }
0xa: {  	s22 =	sshrl.u32 s19, $0x2;
	s19 =	simm.s32 $0x2;
	s6 =	sadd.s32 s6, s7  }
0xb: {  	s0 =	ssub.s32 s0, s21;
	s8 =	sadd.s32 s22, s2;
	s21 =	simm.s32 $0x6  }
0xc: {  	s22 =	simm.s32 $0x5;
	s7 =	simm.s32 $0x0;
	s1 =	sadd.s32 s1, s5  }
0xd: {  	s6 =	sshll.u32 s6, $0x4;
	s9 =	sadd.s32 $0x2000, s8;
	s10 =	sadd.s32 $0x4000, s8  }
0xe: {  	s11 =	sadd.s32 $0x6000, s8;
	s12 =	sadd.s32 $0x8000, s8;
	s18 =	smax.u32 s0, $0x1  }
0xf: {  	s0 =	simm.s32 $0xF000;
	s5 =	sadd.s32 s6, s5;
	s23 =	sadd.s32 $0x17200, s1  }
0x10: {  	s1 =	sadd.s32 $0x21200, s1;
	s6 =	simm.s32 $0x40;
	[dreg:$0x4] =	wrdreg s23  }
0x11: {  	[dreg:$0x5] =	wrdreg s1;
	s24 =	sadd.s32 $0x3F600, s5;
	s25 =	sadd.s32 $0x3FE00, s5  }
0x12: {  	s26 =	sadd.s32 $0x40600, s5;
	s16 =	sadd.s32 $0x40E00, s5;
	[dreg:$0x6] =	wrdreg s24  }
0x13: {  	s17 =	sadd.s32 $0x41600, s5;
	s23 =	simm.s32 $0x80;
	[dreg:$0x7] =	wrdreg s25  }
0x14: {  	s1 =	simm.s32 $0x1;
	s5 =	simm.s32 $0x4;
	[dreg:$0x8] =	wrdreg s26  }
0x15: {  	s24 =	simm.s32 $0x7000;
	s26 =	simm.s32 $0x9000;
	s25 =	simm.s32 $0x11000  }
.LBB2_1:
0x16: {  	s13 =	rddreg [dreg:$0x4]  }
0x17: {  	[tilespmem:s3], [sflag:$0x5] =	stream.linear.gather [hbm4b:s13+s3], $0x2800, $0x38;
	[tilespmem:$0x1F000] =	vst v63  }
0x18: {  	s15 =	rddreg [dreg:$0x5];
	s14 =	simm.s32 $0x2800  }
0x19: {  	[tilespmem:s14], [sflag:$0x5] =	stream.linear.gather [hbm4b:s15+s3], $0x2800, $0x38;
	[tilespmem:$0x1F000] =	vst v63  }
0x1a: {  	s14 =	rddreg [dreg:$0x3]  }
0x1b: {  	[tilespmem:s20], [sflag:$0x6] =	stream.linear.gather [hbm4b:s14+s3], $0x2000, $0x38;
	[tilespmem:$0x1F000] =	vst v63  }
0x1c: {  	_ =	swait.ge [sflag:s21], $0x2000  }
0x1d: {  	[sflag:s21] =	ssyncset.done $0x0  }
0x1e: {  	[sflag:s21] =	ssyncadd.s32 $0xFFFFE000  }
0x1f: {  	[spmem:s8] =	stream.linear.scatter [tilespmem:s20], [sflag:$0x6], $0x2000, $0x38;
	[tilespmem:$0x1F000] =	vst v63  }
0x20: {  	_ =	swait.ge [sflag:s21], $0x2000  }
0x21: {  	[sflag:s21] =	ssyncset.done $0x0  }
0x22: {  	[sflag:s21] =	ssyncadd.s32 $0xFFFFE000  }
0x23: {  	[spmem:s9] =	stream.linear.scatter [tilespmem:s20], [sflag:$0x6], $0x2000, $0x38;
	[tilespmem:$0x1F000] =	vst v63  }
0x24: {  	_ =	swait.ge [sflag:s21], $0x2000  }
0x25: {  	[sflag:s21] =	ssyncset.done $0x0  }
0x26: {  	[sflag:s21] =	ssyncadd.s32 $0xFFFFE000  }
0x27: {  	[spmem:s10] =	stream.linear.scatter [tilespmem:s20], [sflag:$0x6], $0x2000, $0x38;
	[tilespmem:$0x1F000] =	vst v63  }
0x28: {  	_ =	swait.ge [sflag:s21], $0x2000  }
0x29: {  	[sflag:s21] =	ssyncset.done $0x0  }
0x2a: {  	[sflag:s21] =	ssyncadd.s32 $0xFFFFE000  }
0x2b: {  	[spmem:s11] =	stream.linear.scatter [tilespmem:s20], [sflag:$0x6], $0x2000, $0x38;
	[tilespmem:$0x1F000] =	vst v63  }
0x2c: {  	_ =	swait.ge [sflag:s21], $0x2000  }
0x2d: {  	[sflag:s21] =	ssyncset.done $0x0  }
0x2e: {  	[sflag:s21] =	ssyncadd.s32 $0xFFFFE000  }
0x2f: {  	[spmem:s12] =	stream.linear.scatter [tilespmem:s20], [sflag:$0x6], $0x2000, $0x38;
	[tilespmem:$0x1F000] =	vst v63  }
0x30: {  	_ =	swait.ge [sflag:s21], $0x2000  }
0x31: {  	[sflag:s21] =	ssyncset.done $0x0  }
0x32: {  	[sflag:s21] =	ssyncadd.s32 $0xFFFFE000  }
0x33: {  	_ =	swait.ge [sflag:s22], $0x2800  }
0x34: {  	[sflag:s22] =	ssyncset.done $0x0  }
0x35: {  	[sflag:s22] =	ssyncadd.s32 $0xFFFFD800  }
0x36: {  	_ =	swait.ge [sflag:s22], $0x2800  }
0x37: {  	[sflag:s22] =	ssyncset.done $0x0  }
0x38: {  	[sflag:s22] =	ssyncadd.s32 $0xFFFFD800  }
0x39: {  	[bflag:$0x0] =	sbarrier.arrive $0xFFFF  }
0x3a: {  	[tilespmem:s20], [sflag:$0x1] =	stream.indirect.gather [hbm4b:s4+s23], $0x40, s3, s23, $0xb8;
	[tilespmem:$0x1F000] =	vst v63  }
0x3b: {  	_ = 	snop  }
0x3c: {  	[tilespmem:s24], [sflag:$0x1] =	stream.indirect.gather [hbm4b:s4+s23], $0x40, s23, s23, $0xb8;
	[tilespmem:$0x1F000] =	vst v63  }
0x3d: {  	s15 =	simm.s32 $0x100  }
0x3e: {  	[tilespmem:s26], [sflag:$0x1] =	stream.indirect.gather [hbm4b:s4+s23], $0x40, s15, s23, $0xb8;
	[tilespmem:$0x1F000] =	vst v63  }
0x3f: {  	s14 =	simm.s32 $0x180  }
0x40: {  	[tilespmem:s29], [sflag:$0x1] =	stream.indirect.gather [hbm4b:s4+s23], $0x40, s14, s23, $0xb8;
	[tilespmem:$0x1F000] =	vst v63  }
0x41: {  	s15 =	simm.s32 $0x200  }
0x42: {  	[tilespmem:s31], [sflag:$0x2] =	stream.indirect.gather [hbm4b:s4+s23], $0x40, s15, s23, $0xb8;
	[tilespmem:$0x1F000] =	vst v63  }
0x43: {  	s14 =	simm.s32 $0x280  }
0x44: {  	[tilespmem:s0], [sflag:$0x2] =	stream.indirect.gather [hbm4b:s4+s23], $0x40, s14, s23, $0xb8;
	[tilespmem:$0x1F000] =	vst v63  }
0x45: {  	s15 =	simm.s32 $0x300  }
0x46: {  	[tilespmem:s25], [sflag:$0x2] =	stream.indirect.gather [hbm4b:s4+s23], $0x40, s15, s23, $0xb8;
	[tilespmem:$0x1F000] =	vst v63  }
0x47: {  	s14 =	simm.s32 $0x380  }
0x48: {  	[tilespmem:s30], [sflag:$0x2] =	stream.indirect.gather [hbm4b:s4+s23], $0x40, s14, s23, $0xb8;
	[tilespmem:$0x1F000] =	vst v63  }
0x49: {  	_ =	swait.ge [sflag:s1], $0x2000  }
0x4a: {  	[sflag:s1] =	ssyncset.done $0x0  }
0x4b: {  	[sflag:s1] =	ssyncadd.s32 $0xFFFFE000  }
0x4c: {  	_ =	swait.ge [sflag:s1], $0x2000  }
0x4d: {  	[sflag:s1] =	ssyncset.done $0x0  }
0x4e: {  	[sflag:s1] =	ssyncadd.s32 $0xFFFFE000  }
0x4f: {  	_ =	swait.ge [sflag:s1], $0x2000  }
0x50: {  	[sflag:s1] =	ssyncset.done $0x0  }
0x51: {  	[sflag:s1] =	ssyncadd.s32 $0xFFFFE000  }
0x52: {  	_ =	swait.ge [sflag:s1], $0x2000  }
0x53: {  	[sflag:s1] =	ssyncset.done $0x0  }
0x54: {  	s15 =	simm.s32 $0x2800;
	[sflag:s1] =	ssyncadd.s32 $0xFFFFE000  }
0x55: {  	[spmem:s2] =	stream.indirect.scatter.add.f32 [tilespmem:s20], [sflag:$0x3], $0x40, s15, s23, $0xb8;
	[tilespmem:$0x1F000] =	vst v63  }
0x56: {  	s14 =	simm.s32 $0x2880  }
0x57: {  	[spmem:s2] =	stream.indirect.scatter.add.f32 [tilespmem:s24], [sflag:$0x3], $0x40, s14, s23, $0xb8;
	[tilespmem:$0x1F000] =	vst v63  }
0x58: {  	s15 =	simm.s32 $0x2900  }
0x59: {  	[spmem:s2] =	stream.indirect.scatter.add.f32 [tilespmem:s26], [sflag:$0x3], $0x40, s15, s23, $0xb8;
	[tilespmem:$0x1F000] =	vst v63  }
0x5a: {  	s14 =	simm.s32 $0x2980  }
0x5b: {  	[spmem:s2] =	stream.indirect.scatter.add.f32 [tilespmem:s29], [sflag:$0x3], $0x40, s14, s23, $0xb8;
	[tilespmem:$0x1F000] =	vst v63  }
0x5c: {  	_ =	swait.ge [sflag:s19], $0x2000  }
0x5d: {  	[sflag:s19] =	ssyncset.done $0x0  }
0x5e: {  	[sflag:s19] =	ssyncadd.s32 $0xFFFFE000  }
0x5f: {  	_ =	swait.ge [sflag:s19], $0x2000  }
0x60: {  	[sflag:s19] =	ssyncset.done $0x0  }
0x61: {  	[sflag:s19] =	ssyncadd.s32 $0xFFFFE000  }
0x62: {  	_ =	swait.ge [sflag:s19], $0x2000  }
0x63: {  	[sflag:s19] =	ssyncset.done $0x0  }
0x64: {  	[sflag:s19] =	ssyncadd.s32 $0xFFFFE000  }
0x65: {  	_ =	swait.ge [sflag:s19], $0x2000  }
0x66: {  	[sflag:s19] =	ssyncset.done $0x0  }
0x67: {  	s15 =	simm.s32 $0x2A00;
	[sflag:s19] =	ssyncadd.s32 $0xFFFFE000  }
0x68: {  	[spmem:s2] =	stream.indirect.scatter.add.f32 [tilespmem:s31], [sflag:$0x4], $0x40, s15, s23, $0xb8;
	[tilespmem:$0x1F000] =	vst v63  }
0x69: {  	s14 =	simm.s32 $0x2A80  }
0x6a: {  	[spmem:s2] =	stream.indirect.scatter.add.f32 [tilespmem:s0], [sflag:$0x4], $0x40, s14, s23, $0xb8;
	[tilespmem:$0x1F000] =	vst v63  }
0x6b: {  	s15 =	simm.s32 $0x2B00  }
0x6c: {  	[spmem:s2] =	stream.indirect.scatter.add.f32 [tilespmem:s25], [sflag:$0x4], $0x40, s15, s23, $0xb8;
	[tilespmem:$0x1F000] =	vst v63  }
0x6d: {  	s14 =	simm.s32 $0x2B80  }
0x6e: {  	[spmem:s2] =	stream.indirect.scatter.add.f32 [tilespmem:s30], [sflag:$0x4], $0x40, s14, s23, $0xb8;
	[tilespmem:$0x1F000] =	vst v63  }
0x6f: {  	_ =	swait.ge [sflag:s28], $0x2000  }
0x70: {  	[sflag:s28] =	ssyncset.done $0x0  }
0x71: {  	[sflag:s28] =	ssyncadd.s32 $0xFFFFE000  }
0x72: {  	_ =	swait.ge [sflag:s28], $0x2000  }
0x73: {  	[sflag:s28] =	ssyncset.done $0x0  }
0x74: {  	[sflag:s28] =	ssyncadd.s32 $0xFFFFE000  }
0x75: {  	_ =	swait.ge [sflag:s28], $0x2000  }
0x76: {  	[sflag:s28] =	ssyncset.done $0x0  }
0x77: {  	[sflag:s28] =	ssyncadd.s32 $0xFFFFE000  }
0x78: {  	_ =	swait.ge [sflag:s28], $0x2000  }
0x79: {  	[sflag:s28] =	ssyncset.done $0x0  }
0x7a: {  	s15 =	simm.s32 $0x400;
	[sflag:s28] =	ssyncadd.s32 $0xFFFFE000  }
0x7b: {  	[tilespmem:s20], [sflag:$0x1] =	stream.indirect.gather [hbm4b:s4+s23], $0x40, s15, s23, $0xb8;
	[tilespmem:$0x1F000] =	vst v63  }
0x7c: {  	s14 =	simm.s32 $0x480  }
0x7d: {  	[tilespmem:s24], [sflag:$0x1] =	stream.indirect.gather [hbm4b:s4+s23], $0x40, s14, s23, $0xb8;
	[tilespmem:$0x1F000] =	vst v63  }
0x7e: {  	s15 =	simm.s32 $0x500  }
0x7f: {  	[tilespmem:s26], [sflag:$0x1] =	stream.indirect.gather [hbm4b:s4+s23], $0x40, s15, s23, $0xb8;
	[tilespmem:$0x1F000] =	vst v63  }
0x80: {  	s14 =	simm.s32 $0x580  }
0x81: {  	[tilespmem:s29], [sflag:$0x1] =	stream.indirect.gather [hbm4b:s4+s23], $0x40, s14, s23, $0xb8;
	[tilespmem:$0x1F000] =	vst v63  }
0x82: {  	_ =	swait.ge [sflag:s5], $0x2000  }
0x83: {  	[sflag:s5] =	ssyncset.done $0x0  }
0x84: {  	[sflag:s5] =	ssyncadd.s32 $0xFFFFE000  }
0x85: {  	_ =	swait.ge [sflag:s5], $0x2000  }
0x86: {  	[sflag:s5] =	ssyncset.done $0x0  }
0x87: {  	[sflag:s5] =	ssyncadd.s32 $0xFFFFE000  }
0x88: {  	_ =	swait.ge [sflag:s5], $0x2000  }
0x89: {  	[sflag:s5] =	ssyncset.done $0x0  }
0x8a: {  	[sflag:s5] =	ssyncadd.s32 $0xFFFFE000  }
0x8b: {  	_ =	swait.ge [sflag:s5], $0x2000  }
0x8c: {  	[sflag:s5] =	ssyncset.done $0x0  }
0x8d: {  	s15 =	simm.s32 $0x600;
	[sflag:s5] =	ssyncadd.s32 $0xFFFFE000  }
0x8e: {  	[tilespmem:s31], [sflag:$0x2] =	stream.indirect.gather [hbm4b:s4+s23], $0x40, s15, s23, $0xb8;
	[tilespmem:$0x1F000] =	vst v63  }
0x8f: {  	s14 =	simm.s32 $0x680  }
0x90: {  	[tilespmem:s0], [sflag:$0x2] =	stream.indirect.gather [hbm4b:s4+s23], $0x40, s14, s23, $0xb8;
	[tilespmem:$0x1F000] =	vst v63  }
0x91: {  	s13 =	simm.s32 $0x1000;
	s15 =	simm.s32 $0x700;
	s14 =	simm.s32 $0x780  }
0x92: {  	[tilespmem:s25], [sflag:$0x2] =	stream.indirect.gather [hbm4b:s4+s23], $0x40, s15, s23, $0xb8;
	[tilespmem:$0x1F000] =	vst v63  }
.LBB2_2:
0x93: {  	[tilespmem:s30], [sflag:$0x2] =	stream.indirect.gather [hbm4b:s4+s23], $0x40, s14, s23, $0xb8;
	[tilespmem:$0x1F000] =	vst v63  }
0x94: {  	s14 =	smov.u32 s13  }
0x95: {  	p0 =	sne.s32 s13, $0x8000;
	s13 =	sadd.s32 $0x1000, s13;
	_ =	swait.ge [sflag:s1], $0x2000  }
0x96: {  	[sflag:s1] =	ssyncset.done $0x0  }
0x97: {  	[sflag:s1] =	ssyncadd.s32 $0xFFFFE000  }
0x98: {  	_ =	swait.ge [sflag:s1], $0x2000  }
0x99: {  	[sflag:s1] =	ssyncset.done $0x0  }
0x9a: {  	[sflag:s1] =	ssyncadd.s32 $0xFFFFE000  }
0x9b: {  	_ =	swait.ge [sflag:s1], $0x2000  }
0x9c: {  	[sflag:s1] =	ssyncset.done $0x0  }
0x9d: {  	[sflag:s1] =	ssyncadd.s32 $0xFFFFE000  }
0x9e: {  	_ =	swait.ge [sflag:s1], $0x2000  }
0x9f: {  	s14 =	sshra.s32 s14, $0x2;
	[sflag:s1] =	ssyncset.done $0x0  }
0xa0: {  	s15 =	sadd.s32 $0x2800, s14;
	[sflag:s1] =	ssyncadd.s32 $0xFFFFE000  }
0xa1: {  	[spmem:s2] =	stream.indirect.scatter.add.f32 [tilespmem:s20], [sflag:$0x3], $0x40, s15, s23, $0xb8;
	[tilespmem:$0x1F000] =	vst v63  }
0xa2: {  	s15 =	sadd.s32 $0x2880, s14  }
0xa3: {  	[spmem:s2] =	stream.indirect.scatter.add.f32 [tilespmem:s24], [sflag:$0x3], $0x40, s15, s23, $0xb8;
	[tilespmem:$0x1F000] =	vst v63  }
0xa4: {  	s15 =	sadd.s32 $0x2900, s14  }
0xa5: {  	[spmem:s2] =	stream.indirect.scatter.add.f32 [tilespmem:s26], [sflag:$0x3], $0x40, s15, s23, $0xb8;
	[tilespmem:$0x1F000] =	vst v63  }
0xa6: {  	s15 =	sadd.s32 $0x2980, s14  }
0xa7: {  	[spmem:s2] =	stream.indirect.scatter.add.f32 [tilespmem:s29], [sflag:$0x3], $0x40, s15, s23, $0xb8;
	[tilespmem:$0x1F000] =	vst v63  }
0xa8: {  	_ =	swait.ge [sflag:s19], $0x2000  }
0xa9: {  	[sflag:s19] =	ssyncset.done $0x0  }
0xaa: {  	[sflag:s19] =	ssyncadd.s32 $0xFFFFE000  }
0xab: {  	_ =	swait.ge [sflag:s19], $0x2000  }
0xac: {  	[sflag:s19] =	ssyncset.done $0x0  }
0xad: {  	[sflag:s19] =	ssyncadd.s32 $0xFFFFE000  }
0xae: {  	_ =	swait.ge [sflag:s19], $0x2000  }
0xaf: {  	[sflag:s19] =	ssyncset.done $0x0  }
0xb0: {  	[sflag:s19] =	ssyncadd.s32 $0xFFFFE000  }
0xb1: {  	_ =	swait.ge [sflag:s19], $0x2000  }
0xb2: {  	[sflag:s19] =	ssyncset.done $0x0  }
0xb3: {  	s15 =	sadd.s32 $0x2A00, s14;
	[sflag:s19] =	ssyncadd.s32 $0xFFFFE000  }
0xb4: {  	[spmem:s2] =	stream.indirect.scatter.add.f32 [tilespmem:s31], [sflag:$0x4], $0x40, s15, s23, $0xb8;
	[tilespmem:$0x1F000] =	vst v63  }
0xb5: {  	s15 =	sadd.s32 $0x2A80, s14  }
0xb6: {  	[spmem:s2] =	stream.indirect.scatter.add.f32 [tilespmem:s0], [sflag:$0x4], $0x40, s15, s23, $0xb8;
	[tilespmem:$0x1F000] =	vst v63  }
0xb7: {  	s15 =	sadd.s32 $0x2B00, s14  }
0xb8: {  	[spmem:s2] =	stream.indirect.scatter.add.f32 [tilespmem:s25], [sflag:$0x4], $0x40, s15, s23, $0xb8;
	[tilespmem:$0x1F000] =	vst v63  }
0xb9: {  	s15 =	sadd.s32 $0x2B80, s14  }
0xba: {  	[spmem:s2] =	stream.indirect.scatter.add.f32 [tilespmem:s30], [sflag:$0x4], $0x40, s15, s23, $0xb8;
	[tilespmem:$0x1F000] =	vst v63  }
0xbb: {  	_ =	swait.ge [sflag:s28], $0x2000  }
0xbc: {  	[sflag:s28] =	ssyncset.done $0x0  }
0xbd: {  	[sflag:s28] =	ssyncadd.s32 $0xFFFFE000  }
0xbe: {  	_ =	swait.ge [sflag:s28], $0x2000  }
0xbf: {  	[sflag:s28] =	ssyncset.done $0x0  }
0xc0: {  	[sflag:s28] =	ssyncadd.s32 $0xFFFFE000  }
0xc1: {  	_ =	swait.ge [sflag:s28], $0x2000  }
0xc2: {  	[sflag:s28] =	ssyncset.done $0x0  }
0xc3: {  	[sflag:s28] =	ssyncadd.s32 $0xFFFFE000  }
0xc4: {  	_ =	swait.ge [sflag:s28], $0x2000  }
0xc5: {  	[sflag:s28] =	ssyncset.done $0x0  }
0xc6: {  	s15 =	sadd.s32 $0x400, s14;
	[sflag:s28] =	ssyncadd.s32 $0xFFFFE000  }
0xc7: {  	[tilespmem:s20], [sflag:$0x1] =	stream.indirect.gather [hbm4b:s4+s23], $0x40, s15, s23, $0xb8;
	[tilespmem:$0x1F000] =	vst v63  }
0xc8: {  	s15 =	sadd.s32 $0x480, s14  }
0xc9: {  	[tilespmem:s24], [sflag:$0x1] =	stream.indirect.gather [hbm4b:s4+s23], $0x40, s15, s23, $0xb8;
	[tilespmem:$0x1F000] =	vst v63  }
0xca: {  	s15 =	sadd.s32 $0x500, s14  }
0xcb: {  	[tilespmem:s26], [sflag:$0x1] =	stream.indirect.gather [hbm4b:s4+s23], $0x40, s15, s23, $0xb8;
	[tilespmem:$0x1F000] =	vst v63  }
0xcc: {  	s15 =	sadd.s32 $0x580, s14  }
0xcd: {  	[tilespmem:s29], [sflag:$0x1] =	stream.indirect.gather [hbm4b:s4+s23], $0x40, s15, s23, $0xb8;
	[tilespmem:$0x1F000] =	vst v63  }
0xce: {  	_ =	swait.ge [sflag:s5], $0x2000  }
0xcf: {  	[sflag:s5] =	ssyncset.done $0x0  }
0xd0: {  	[sflag:s5] =	ssyncadd.s32 $0xFFFFE000  }
0xd1: {  	_ =	swait.ge [sflag:s5], $0x2000  }
0xd2: {  	[sflag:s5] =	ssyncset.done $0x0  }
0xd3: {  	[sflag:s5] =	ssyncadd.s32 $0xFFFFE000  }
0xd4: {  	_ =	swait.ge [sflag:s5], $0x2000  }
0xd5: {  	[sflag:s5] =	ssyncset.done $0x0  }
0xd6: {  	[sflag:s5] =	ssyncadd.s32 $0xFFFFE000  }
0xd7: {  	_ =	swait.ge [sflag:s5], $0x2000  }
0xd8: {  	[sflag:s5] =	ssyncset.done $0x0  }
0xd9: {  	s15 =	sadd.s32 $0x600, s14;
	[sflag:s5] =	ssyncadd.s32 $0xFFFFE000  }
0xda: {  	[tilespmem:s31], [sflag:$0x2] =	stream.indirect.gather [hbm4b:s4+s23], $0x40, s15, s23, $0xb8;
	[tilespmem:$0x1F000] =	vst v63  }
.Ltmp0:
0xdb: {  	s15 =	sadd.s32 $0x680, s14;
	(pc) =	sbr.rel @p0 .LBB2_2-.Ltmp0, $4  }
0xdc: {  	[tilespmem:s0], [sflag:$0x2] =	stream.indirect.gather [hbm4b:s4+s23], $0x40, s15, s23, $0xb8;
	[tilespmem:$0x1F000] =	vst v63  }
0xdd: {  	s15 =	sadd.s32 $0x700, s14  }
0xde: {  	[tilespmem:s25], [sflag:$0x2] =	stream.indirect.gather [hbm4b:s4+s23], $0x40, s15, s23, $0xb8;
	[tilespmem:$0x1F000] =	vst v63  }
0xdf: {  	s14 =	sadd.s32 $0x780, s14  }
0xe0: {  	[tilespmem:s30], [sflag:$0x2] =	stream.indirect.gather [hbm4b:s4+s23], $0x40, s14, s23, $0xb8;
	[tilespmem:$0x1F000] =	vst v63  }
0xe1: {  	_ =	swait.ge [sflag:s1], $0x2000  }
0xe2: {  	[sflag:s1] =	ssyncset.done $0x0  }
0xe3: {  	[sflag:s1] =	ssyncadd.s32 $0xFFFFE000  }
0xe4: {  	_ =	swait.ge [sflag:s1], $0x2000  }
0xe5: {  	[sflag:s1] =	ssyncset.done $0x0  }
0xe6: {  	[sflag:s1] =	ssyncadd.s32 $0xFFFFE000  }
0xe7: {  	_ =	swait.ge [sflag:s1], $0x2000  }
0xe8: {  	[sflag:s1] =	ssyncset.done $0x0  }
0xe9: {  	[sflag:s1] =	ssyncadd.s32 $0xFFFFE000  }
0xea: {  	_ =	swait.ge [sflag:s1], $0x2000  }
0xeb: {  	[sflag:s1] =	ssyncset.done $0x0  }
0xec: {  	s13 =	simm.s32 $0x4C00;
	[sflag:s1] =	ssyncadd.s32 $0xFFFFE000  }
0xed: {  	[spmem:s2] =	stream.indirect.scatter.add.f32 [tilespmem:s20], [sflag:$0x3], $0x40, s13, s23, $0xb8;
	[tilespmem:$0x1F000] =	vst v63  }
0xee: {  	s14 =	simm.s32 $0x4C80  }
0xef: {  	[spmem:s2] =	stream.indirect.scatter.add.f32 [tilespmem:s24], [sflag:$0x3], $0x40, s14, s23, $0xb8;
	[tilespmem:$0x1F000] =	vst v63  }
0xf0: {  	s15 =	simm.s32 $0x4D00  }
0xf1: {  	[spmem:s2] =	stream.indirect.scatter.add.f32 [tilespmem:s26], [sflag:$0x3], $0x40, s15, s23, $0xb8;
	[tilespmem:$0x1F000] =	vst v63  }
0xf2: {  	s14 =	simm.s32 $0x4D80  }
0xf3: {  	[spmem:s2] =	stream.indirect.scatter.add.f32 [tilespmem:s29], [sflag:$0x3], $0x40, s14, s23, $0xb8;
	[tilespmem:$0x1F000] =	vst v63  }
0xf4: {  	_ =	swait.ge [sflag:s19], $0x2000  }
0xf5: {  	[sflag:s19] =	ssyncset.done $0x0  }
0xf6: {  	[sflag:s19] =	ssyncadd.s32 $0xFFFFE000  }
0xf7: {  	_ =	swait.ge [sflag:s19], $0x2000  }
0xf8: {  	[sflag:s19] =	ssyncset.done $0x0  }
0xf9: {  	[sflag:s19] =	ssyncadd.s32 $0xFFFFE000  }
0xfa: {  	_ =	swait.ge [sflag:s19], $0x2000  }
0xfb: {  	[sflag:s19] =	ssyncset.done $0x0  }
0xfc: {  	[sflag:s19] =	ssyncadd.s32 $0xFFFFE000  }
0xfd: {  	_ =	swait.ge [sflag:s19], $0x2000  }
0xfe: {  	[sflag:s19] =	ssyncset.done $0x0  }
0xff: {  	s15 =	simm.s32 $0x4E00;
	[sflag:s19] =	ssyncadd.s32 $0xFFFFE000  }
0x100: {  	[spmem:s2] =	stream.indirect.scatter.add.f32 [tilespmem:s31], [sflag:$0x4], $0x40, s15, s23, $0xb8;
	[tilespmem:$0x1F000] =	vst v63  }
0x101: {  	s14 =	simm.s32 $0x4E80  }
0x102: {  	[spmem:s2] =	stream.indirect.scatter.add.f32 [tilespmem:s0], [sflag:$0x4], $0x40, s14, s23, $0xb8;
	[tilespmem:$0x1F000] =	vst v63  }
0x103: {  	s15 =	simm.s32 $0x4F00  }
0x104: {  	[spmem:s2] =	stream.indirect.scatter.add.f32 [tilespmem:s25], [sflag:$0x4], $0x40, s15, s23, $0xb8;
	[tilespmem:$0x1F000] =	vst v63  }
0x105: {  	s14 =	simm.s32 $0x4F80  }
0x106: {  	[spmem:s2] =	stream.indirect.scatter.add.f32 [tilespmem:s30], [sflag:$0x4], $0x40, s14, s23, $0xb8;
	[tilespmem:$0x1F000] =	vst v63  }
0x107: {  	_ =	swait.ge [sflag:s28], $0x2000  }
0x108: {  	[sflag:s28] =	ssyncset.done $0x0  }
0x109: {  	[sflag:s28] =	ssyncadd.s32 $0xFFFFE000  }
0x10a: {  	_ =	swait.ge [sflag:s28], $0x2000  }
0x10b: {  	[sflag:s28] =	ssyncset.done $0x0  }
0x10c: {  	[sflag:s28] =	ssyncadd.s32 $0xFFFFE000  }
0x10d: {  	_ =	swait.ge [sflag:s28], $0x2000  }
0x10e: {  	[sflag:s28] =	ssyncset.done $0x0  }
0x10f: {  	[sflag:s28] =	ssyncadd.s32 $0xFFFFE000  }
0x110: {  	_ =	swait.ge [sflag:s28], $0x2000  }
0x111: {  	[sflag:s28] =	ssyncset.done $0x0  }
0x112: {  	[sflag:s28] =	ssyncadd.s32 $0xFFFFE000  }
0x113: {  	_ =	swait.ge [sflag:s5], $0x2000  }
0x114: {  	[sflag:s5] =	ssyncset.done $0x0  }
0x115: {  	[sflag:s5] =	ssyncadd.s32 $0xFFFFE000  }
0x116: {  	_ =	swait.ge [sflag:s5], $0x2000  }
0x117: {  	[sflag:s5] =	ssyncset.done $0x0  }
0x118: {  	[sflag:s5] =	ssyncadd.s32 $0xFFFFE000  }
0x119: {  	_ =	swait.ge [sflag:s5], $0x2000  }
0x11a: {  	[sflag:s5] =	ssyncset.done $0x0  }
0x11b: {  	[sflag:s5] =	ssyncadd.s32 $0xFFFFE000  }
0x11c: {  	_ =	swait.ge [sflag:s5], $0x2000  }
0x11d: {  	[sflag:s5] =	ssyncset.done $0x0  }
0x11e: {  	[sflag:s5] =	ssyncadd.s32 $0xFFFFE000  }
0x11f: {  	[bflag:$0x0] =	sbarrier.arrive $0xFFFF  }
0x120: {  	[tilespmem:s20], [sflag:$0x1] =	stream.linear.gather [spmem:s8], $0x2000, $0x38;
	[tilespmem:$0x1F000] =	vst v63  }
0x121: {  	_ = 	snop  }
0x122: {  	[tilespmem:s24], [sflag:$0x1] =	stream.linear.gather [spmem:s9], $0x2000, $0x38;
	[tilespmem:$0x1F000] =	vst v63  }
0x123: {  	_ = 	snop  }
0x124: {  	[tilespmem:s26], [sflag:$0x1] =	stream.linear.gather [spmem:s10], $0x2000, $0x38;
	[tilespmem:$0x1F000] =	vst v63  }
0x125: {  	_ = 	snop  }
0x126: {  	[tilespmem:s29], [sflag:$0x1] =	stream.linear.gather [spmem:s11], $0x2000, $0x38;
	[tilespmem:$0x1F000] =	vst v63  }
0x127: {  	_ = 	snop  }
0x128: {  	[tilespmem:s31], [sflag:$0x1] =	stream.linear.gather [spmem:s12], $0x2000, $0x38;
	[tilespmem:$0x1F000] =	vst v63  }
0x129: {  	_ =	swait.ge [sflag:s1], $0x2000  }
0x12a: {  	[sflag:s1] =	ssyncset.done $0x0  }
0x12b: {  	s15 =	rddreg [dreg:$0x6];
	[sflag:s1] =	ssyncadd.s32 $0xFFFFE000  }
0x12c: {  	[hbm4b:s15+s6] =	stream.strided.scatter [tilespmem:s20], [sflag:$0x3], $0x2000, s23, s6, $0x38;
	[tilespmem:$0x1F000] =	vst v63  }
0x12d: {  	_ =	swait.ge [sflag:s1], $0x2000  }
0x12e: {  	[sflag:s1] =	ssyncset.done $0x0  }
0x12f: {  	s14 =	rddreg [dreg:$0x7];
	[sflag:s1] =	ssyncadd.s32 $0xFFFFE000  }
0x130: {  	[hbm4b:s14+s6] =	stream.strided.scatter [tilespmem:s24], [sflag:$0x3], $0x2000, s23, s6, $0x38;
	[tilespmem:$0x1F000] =	vst v63  }
0x131: {  	_ =	swait.ge [sflag:s1], $0x2000  }
0x132: {  	[sflag:s1] =	ssyncset.done $0x0  }
0x133: {  	s15 =	rddreg [dreg:$0x8];
	[sflag:s1] =	ssyncadd.s32 $0xFFFFE000  }
0x134: {  	[hbm4b:s15+s6] =	stream.strided.scatter [tilespmem:s26], [sflag:$0x3], $0x2000, s23, s6, $0x38;
	[tilespmem:$0x1F000] =	vst v63  }
0x135: {  	_ =	swait.ge [sflag:s1], $0x2000  }
0x136: {  	[sflag:s1] =	ssyncset.done $0x0  }
0x137: {  	[sflag:s1] =	ssyncadd.s32 $0xFFFFE000  }
0x138: {  	[hbm4b:s16+s6] =	stream.strided.scatter [tilespmem:s29], [sflag:$0x3], $0x2000, s23, s6, $0x38;
	[tilespmem:$0x1F000] =	vst v63  }
0x139: {  	_ =	swait.ge [sflag:s1], $0x2000  }
0x13a: {  	[sflag:s1] =	ssyncset.done $0x0  }
0x13b: {  	[sflag:s1] =	ssyncadd.s32 $0xFFFFE000  }
0x13c: {  	[hbm4b:s17+s6] =	stream.strided.scatter [tilespmem:s31], [sflag:$0x3], $0x2000, s23, s6, $0x38;
	[tilespmem:$0x1F000] =	vst v63  }
0x13d: {  	_ =	swait.ge [sflag:s28], $0x2000  }
0x13e: {  	[sflag:s28] =	ssyncset.done $0x0  }
0x13f: {  	[sflag:s28] =	ssyncadd.s32 $0xFFFFE000  }
0x140: {  	_ =	swait.ge [sflag:s28], $0x2000  }
0x141: {  	[sflag:s28] =	ssyncset.done $0x0  }
0x142: {  	[sflag:s28] =	ssyncadd.s32 $0xFFFFE000  }
0x143: {  	_ =	swait.ge [sflag:s28], $0x2000  }
0x144: {  	[sflag:s28] =	ssyncset.done $0x0  }
0x145: {  	s7 =	sadd.s32 $0x1, s7;
	[sflag:s28] =	ssyncadd.s32 $0xFFFFE000  }
0x146: {  	p0 =	sne.s32 s7, s18;
	_ =	swait.ge [sflag:s28], $0x2000  }
.Ltmp1:
0x147: {  	[sflag:s28] =	ssyncset.done $0x0;
	(pc) =	sbr.rel @p0 .LBB2_1-.Ltmp1, $4  }
0x148: {  	[sflag:s28] =	ssyncadd.s32 $0xFFFFE000  }
0x149: {  	_ =	swait.ge [sflag:s28], $0x2000  }
0x14a: {  	[sflag:s28] =	ssyncset.done $0x0  }
0x14b: {  	[sflag:s28] =	ssyncadd.s32 $0xFFFFE000  }
0x14c: {  	_ =	sfence.sel $0x180000  }
0x14d: {  	[bflag:$0x0] =	sbarrier.arrive $0xFFFF  }
0x14e: {  	_ =	strace $0x90000047  }
0x14f: {  	s0 =	stileid.u32;
	[bflag:$0x2] =	sbarrier.arrive $0xFFFF  }
0x150: {  	p0 =	sne.s32 s0, $0x0;
	s0 =	rddreg [dreg:$0x2]  }
0x151: {  	s0 =	sadd.s32 @!p0 $0x100000, s0  }
0x152: {  	[sflag:s0] =	ssyncadd.tile.s32 @!p0 $0x1;
	_ =	shalt  }
.Lfunc_end2:
_tile_overlayer_lowered:
.L_overlay_start_2:
0x153: {  	(tag) =	ssettag $0x2  }
0x154: {  	s0 =	rddreg [dreg:$0x0];
	s2 =	stileid.u32  }
0x155: {  	s1 =	rddreg [dreg:$0x1];
	p0 =	sne.s32 s2, $0x0  }
0x156: {  	s3 =	rddreg [dreg:$0x2];
	[bflag:$0x3] =	sbarrier.arrive $0xFFFF;
	s2 =	simm.s32 @!p0 $0x1C06  }
0x157: {  	[timem:s3], [sflag:s2] =	dma.local @!p0 [hbm:s0], s1  }
0x158: {  	s0 =	simm.s32 @!p0 $0x6  }
0x159: {  	_ =	swait.ge @!p0 [sflag:s0], s1  }
0x15a: {  	s1 =	ssub.s32 @!p0 $0x0, s1;
	[sflag:s0] =	ssyncset.done @!p0 $0x0  }
0x15b: {  	[sflag:s0] =	ssyncadd.s32 @!p0 s1  }
0x15c: {  	[bflag:$0x3] =	sbarrier.arrive $0xFFFF  }
0x15d: {  	_ =	shalt  }

</sc_bundles>
